<compile_context>
chip_gen: v7x
topology: tpu7x:2x2x1
jax: 0.10.2.dev20260603
libtpu: 0.0.44.dev20260713+nightly
codegen_flags: <defaults>
</compile_context>

<pallas_src>
import functools

import jax
import jax.numpy as jnp
from jax import lax
from jax.experimental import pallas as pl
from jax.experimental.pallas import tpu as pltpu
from jax.experimental.pallas import tpu_sc as plsc

VOCAB = 100000
DIM = 64
BATCH = 4096
HIST = 50

NW = 32
BBLK = BATCH // NW
L = 16

_mesh = plsc.VectorSubcoreMesh(core_axis_name="c", subcore_axis_name="s")


@functools.partial(
    pl.kernel,
    mesh=_mesh,
    out_type=jax.ShapeDtypeStruct((HIST, DIM // 8, NW, 8 * BBLK), jnp.float32),
    compiler_params=pltpu.CompilerParams(
        use_tc_tiling_on_sc=False, needs_layout_passes=False
    ),
    scratch_types=[
        pltpu.VMEM((HIST, BBLK), jnp.int32),
        pltpu.VMEM((2, BBLK, DIM), jnp.float32),
        pltpu.VMEM((2, DIM // 8, 8 * BBLK), jnp.float32),
        pltpu.SemaphoreType.DMA,
        pltpu.SemaphoreType.DMA,
        pltpu.SemaphoreType.DMA,
        pltpu.SemaphoreType.DMA,
    ],
)
def _gather(table_hbm, xt_hbm, out_hbm, idx_v, rows_v, tbuf_v, g0, g1, w0, w1):
    w = lax.axis_index("s") * 2 + lax.axis_index("c")
    gsem = (g0, g1)
    wsem = (w0, w1)

    pltpu.sync_copy(xt_hbm.at[:, pl.ds(w * BBLK, BBLK)], idx_v)

    iota = lax.iota(jnp.int32, L)
    iotas = [iota + gb * L for gb in range(BBLK // L)]

    def gdescs(b, u):
        return [
            pltpu.make_async_copy(
                table_hbm.at[idx_v.at[u]], rows_v.at[b], gsem[b]
            )
        ]

    def wdescs(b, u):
        return [
            pltpu.make_async_copy(
                tbuf_v.at[b], out_hbm.at[u, :, w], wsem[b]
            )
        ]

    def transpose(b):
        rb = rows_v.at[b]
        tb = tbuf_v.at[b]

        @plsc.parallel_loop(0, L, unroll=8)
        def _(jj):
            c = (jj + iota) & (L - 1)
            dhv = c >> 3
            innerb = ((c & 7) << 7) + iota
            for jb in range(DIM // L):
                colv = c + jb * L
                dh_jb = dhv + 2 * jb
                for gb in range(BBLK // L):
                    v = plsc.load_gather(rb, [iotas[gb], colv])
                    plsc.store_scatter(tb, [dh_jb, innerb + gb * L], v)

    for b in range(2):
        for d in gdescs(b, b):
            d.start()

    def body(g, carry):
        for b in range(2):
            u = 2 * g + b
            for d in gdescs(b, u):
                d.wait()

            @pl.when(g > 0)
            def _():
                for d in wdescs(b, u - 2):
                    d.wait()

            transpose(b)
            for d in wdescs(b, u):
                d.start()

            @pl.when(g < HIST // 2 - 1)
            def _():
                for d in gdescs(b, u + 2):
                    d.start()
        return carry

    lax.fori_loop(0, HIST // 2, body, 0)

    for b in range(2):
        for d in wdescs(b, HIST - 2 + b):
            d.wait()


def kernel(x, table):
    xt = jnp.swapaxes(x, 0, 1)
    out5 = _gather(table, xt)
    out = out5.reshape(HIST, DIM // 8, NW, 8, BBLK)
    out = out.transpose(2, 4, 0, 1, 3)
    return out.reshape(BATCH, HIST, DIM)

# --- scband reference (transcript-rebuilt; emitter-appended) ---
"""Pipeline reference for scband-word2-vec-25125558682286 (READ-ONLY COPY).

The authoritative reference and input builder live on the scoring server;
editing this copy changes nothing except your own understanding.
"""

import jax, jax.numpy as jnp
import numpy as np

VOCAB = 100000
DIM = 64
BATCH = 4096
HIST = 50

def setup_inputs(seed: int = 0) -> dict:
    key = jax.random.key(seed)
    k1, k2 = jax.random.split(key)
    x = jax.random.randint(k1, (BATCH, HIST), 0, VOCAB, dtype=jnp.int64 if jax.config.jax_enable_x64 else jnp.int32)
    table = jax.random.normal(k2, (VOCAB, DIM), dtype=jnp.float32)
    return {"x": x, "table": table}

def reference(x, table):
    # Word2Vec.forward: embedding lookup
    output = jnp.take(table, x, axis=0)
    return output

if __name__ == "__main__":
    import jax
    _d = setup_inputs()
    print(jax.jit(kernel)(*tuple(_d.values())))

</pallas_src>

<mosaic_0001>
#map = affine_map<(d0, d1) -> (0, 0)>
#map1 = affine_map<(d0, d1) -> (0, 0, 0, 0)>
module attributes {stable_mosaic.version = 14 : i64} {
  func.func @_gather(%arg0: i32, %arg1: i32, %arg2: memref<100000x64xf32, #tpu.memory_space<hbm>>, %arg3: memref<50x4096xi32, #tpu.memory_space<hbm>>, %arg4: memref<50x8x32x1024xf32, #tpu.memory_space<hbm>>, %arg5: memref<50x128xi32, #tpu.memory_space<vmem>>, %arg6: memref<2x128x64xf32, #tpu.memory_space<vmem>>, %arg7: memref<2x8x1024xf32, #tpu.memory_space<vmem>>, %arg8: memref<!tpu.dma_semaphore, #tpu.memory_space<semaphore_mem>>, %arg9: memref<!tpu.dma_semaphore, #tpu.memory_space<semaphore_mem>>, %arg10: memref<!tpu.dma_semaphore, #tpu.memory_space<semaphore_mem>>, %arg11: memref<!tpu.dma_semaphore, #tpu.memory_space<semaphore_mem>>) attributes {dimension_semantics = [#tpu.dimension_semantics<core_parallel>, #tpu.dimension_semantics<subcore_parallel>], iteration_bounds = array<i64: 2, 16>, scalar_prefetch = 0 : i64, scratch_operands = 7 : i64, tpu.core_type = #tpu.core_type<sc_vector_subcore>, window_params = [{transform_indices = #map}, {transform_indices = #map}, {transform_indices = #map1}]} {
    %mul3A = arith.constant 2 : i32
    %mul3A_0 = arith.muli %arg1, %mul3A : i32
    %add3A = arith.addi %mul3A_0, %arg0 : i32
    %mul3A_1 = arith.constant 128 : i32
    %mul3A_2 = arith.muli %add3A, %mul3A_1 : i32
    "tpu.region"() ({
      %run_scoped3A = tpu.sem_alloc : memref<!tpu.dma_semaphore, #tpu.memory_space<semaphore_mem>>
      %dma_start3A_90 = arith.constant 0 : i32
      %dma_start3A_91 = tpu.memref_slice %arg3[%dma_start3A_90, %mul3A_2] : memref<50x4096xi32, #tpu.memory_space<hbm>> -> memref<50x128xi32, #tpu.memory_space<hbm>>
      %dma_start3A_92 = arith.constant 0 : i32
      %dma_start3A_93 = tpu.memref_slice %arg3[%dma_start3A_92, %mul3A_2] : memref<50x4096xi32, #tpu.memory_space<hbm>> -> memref<50x128xi32, #tpu.memory_space<hbm>>
      tpu.enqueue_dma source(%dma_start3A_93 : memref<50x128xi32, #tpu.memory_space<hbm>>) target(%arg5 : memref<50x128xi32, #tpu.memory_space<vmem>>) target_semaphore(%run_scoped3A : memref<!tpu.dma_semaphore, #tpu.memory_space<semaphore_mem>>)
      %dma_wait3A_94 = arith.constant 0 : i32
      %dma_wait3A_95 = tpu.memref_slice %arg3[%dma_wait3A_94, %mul3A_2] : memref<50x4096xi32, #tpu.memory_space<hbm>> -> memref<50x128xi32, #tpu.memory_space<hbm>>
      %dma_wait3A_96 = arith.constant 0 : i32
      %dma_wait3A_97 = tpu.memref_slice %arg3[%dma_wait3A_96, %mul3A_2] : memref<50x4096xi32, #tpu.memory_space<hbm>> -> memref<50x128xi32, #tpu.memory_space<hbm>>
      tpu.wait_dma2 semaphore(%run_scoped3A : memref<!tpu.dma_semaphore, #tpu.memory_space<semaphore_mem>>) src(%dma_wait3A_97 : memref<50x128xi32, #tpu.memory_space<hbm>>) dst(%arg5 : memref<50x128xi32, #tpu.memory_space<vmem>>)
      tpu.yield
    }) : () -> ()
    %iota3A = tpu.iota {dimensions = array<i32: 0>} : vector<16xi32>
    %add3A_3 = arith.constant 0 : i32
    %add3A_4 = vector.broadcast %add3A_3 : i32 to vector<16xi32>
    %add3A_5 = arith.addi %iota3A, %add3A_4 : vector<16xi32>
    %add3A_6 = arith.constant 16 : i32
    %add3A_7 = vector.broadcast %add3A_6 : i32 to vector<16xi32>
    %add3A_8 = arith.addi %iota3A, %add3A_7 : vector<16xi32>
    %add3A_9 = arith.constant 32 : i32
    %add3A_10 = vector.broadcast %add3A_9 : i32 to vector<16xi32>
    %add3A_11 = arith.addi %iota3A, %add3A_10 : vector<16xi32>
    %add3A_12 = arith.constant 48 : i32
    %add3A_13 = vector.broadcast %add3A_12 : i32 to vector<16xi32>
    %add3A_14 = arith.addi %iota3A, %add3A_13 : vector<16xi32>
    %add3A_15 = arith.constant 64 : i32
    %add3A_16 = vector.broadcast %add3A_15 : i32 to vector<16xi32>
    %add3A_17 = arith.addi %iota3A, %add3A_16 : vector<16xi32>
    %add3A_18 = arith.constant 80 : i32
    %add3A_19 = vector.broadcast %add3A_18 : i32 to vector<16xi32>
    %add3A_20 = arith.addi %iota3A, %add3A_19 : vector<16xi32>
    %add3A_21 = arith.constant 96 : i32
    %add3A_22 = vector.broadcast %add3A_21 : i32 to vector<16xi32>
    %add3A_23 = arith.addi %iota3A, %add3A_22 : vector<16xi32>
    %add3A_24 = arith.constant 112 : i32
    %add3A_25 = vector.broadcast %add3A_24 : i32 to vector<16xi32>
    %add3A_26 = arith.addi %iota3A, %add3A_25 : vector<16xi32>
    %dma_start3A = arith.constant 0 : i32
    %dma_start3A_27 = arith.constant 0 : i32
    %dma_start3A_28 = arith.constant 0 : i32
    %dma_start3A_29 = arith.constant 0 : i32
    %dma_start3A_30 = tpu.memref_slice %arg6[%dma_start3A_27, %dma_start3A_28, %dma_start3A_29] : memref<2x128x64xf32, #tpu.memory_space<vmem>> -> memref<1x128x64xf32, #tpu.memory_space<vmem>>
    %dma_start3A_31 = tpu.memref_squeeze %dma_start3A_30 : memref<1x128x64xf32, #tpu.memory_space<vmem>> -> memref<128x64xf32, #tpu.memory_space<vmem>>
    %dma_start3A_32 = arith.constant 0 : i32
    %dma_start3A_33 = tpu.memref_slice %arg5[%dma_start3A, %dma_start3A_32] : memref<50x128xi32, #tpu.memory_space<vmem>> -> memref<1x128xi32, #tpu.memory_space<vmem>>
    %dma_start3A_34 = tpu.memref_squeeze %dma_start3A_33 : memref<1x128xi32, #tpu.memory_space<vmem>> -> memref<128xi32, #tpu.memory_space<vmem>>
    %dma_start3A_35 = arith.constant 0 : i32
    %dma_start3A_36 = arith.constant 0 : i32
    %dma_start3A_37 = tpu.memref_slice %arg2[%dma_start3A_35, %dma_start3A_36] : memref<100000x64xf32, #tpu.memory_space<hbm>> -> memref<100000x64xf32, #tpu.memory_space<hbm>>
    tpu.enqueue_indirect_dma source(%dma_start3A_37 : memref<100000x64xf32, #tpu.memory_space<hbm>>) target(%dma_start3A_31 : memref<128x64xf32, #tpu.memory_space<vmem>>) offsets(%dma_start3A_34 : memref<128xi32, #tpu.memory_space<vmem>>) semaphore(%arg8 : memref<!tpu.dma_semaphore, #tpu.memory_space<semaphore_mem>>)
    %dma_start3A_38 = arith.constant 1 : i32
    %dma_start3A_39 = arith.constant 1 : i32
    %dma_start3A_40 = arith.constant 0 : i32
    %dma_start3A_41 = arith.constant 0 : i32
    %dma_start3A_42 = tpu.memref_slice %arg6[%dma_start3A_39, %dma_start3A_40, %dma_start3A_41] : memref<2x128x64xf32, #tpu.memory_space<vmem>> -> memref<1x128x64xf32, #tpu.memory_space<vmem>>
    %dma_start3A_43 = tpu.memref_squeeze %dma_start3A_42 : memref<1x128x64xf32, #tpu.memory_space<vmem>> -> memref<128x64xf32, #tpu.memory_space<vmem>>
    %dma_start3A_44 = arith.constant 0 : i32
    %dma_start3A_45 = tpu.memref_slice %arg5[%dma_start3A_38, %dma_start3A_44] : memref<50x128xi32, #tpu.memory_space<vmem>> -> memref<1x128xi32, #tpu.memory_space<vmem>>
    %dma_start3A_46 = tpu.memref_squeeze %dma_start3A_45 : memref<1x128xi32, #tpu.memory_space<vmem>> -> memref<128xi32, #tpu.memory_space<vmem>>
    %dma_start3A_47 = arith.constant 0 : i32
    %dma_start3A_48 = arith.constant 0 : i32
    %dma_start3A_49 = tpu.memref_slice %arg2[%dma_start3A_47, %dma_start3A_48] : memref<100000x64xf32, #tpu.memory_space<hbm>> -> memref<100000x64xf32, #tpu.memory_space<hbm>>
    tpu.enqueue_indirect_dma source(%dma_start3A_49 : memref<100000x64xf32, #tpu.memory_space<hbm>>) target(%dma_start3A_43 : memref<128x64xf32, #tpu.memory_space<vmem>>) offsets(%dma_start3A_46 : memref<128xi32, #tpu.memory_space<vmem>>) semaphore(%arg9 : memref<!tpu.dma_semaphore, #tpu.memory_space<semaphore_mem>>)
    %scan3A = arith.constant 0 : i32
    %scan3A_50 = arith.constant 0 : i32
    %scan3A_51 = arith.constant 25 : i32
    %scan3A_52 = arith.addi %scan3A_50, %scan3A_51 : i32
    %scan3A_53 = arith.constant 1 : i32
    scf.for %scan3A_90 = %scan3A_50 to %scan3A_52 step %scan3A_53  : i32 {
      %mul3A_91 = arith.constant 2 : i32
      %mul3A_92 = arith.muli %mul3A_91, %scan3A_90 : i32
      %add3A_93 = arith.constant 0 : i32
      %add3A_94 = arith.addi %mul3A_92, %add3A_93 : i32
      %dma_wait3A_95 = arith.constant 0 : i32
      %dma_wait3A_96 = arith.constant 0 : i32
      %dma_wait3A_97 = arith.constant 0 : i32
      %dma_wait3A_98 = tpu.memref_slice %arg6[%dma_wait3A_95, %dma_wait3A_96, %dma_wait3A_97] : memref<2x128x64xf32, #tpu.memory_space<vmem>> -> memref<1x128x64xf32, #tpu.memory_space<vmem>>
      %dma_wait3A_99 = tpu.memref_squeeze %dma_wait3A_98 : memref<1x128x64xf32, #tpu.memory_space<vmem>> -> memref<128x64xf32, #tpu.memory_space<vmem>>
      %dma_wait3A_100 = arith.constant 0 : i32
      %dma_wait3A_101 = tpu.memref_slice %arg5[%add3A_94, %dma_wait3A_100] : memref<50x128xi32, #tpu.memory_space<vmem>> -> memref<1x128xi32, #tpu.memory_space<vmem>>
      %dma_wait3A_102 = tpu.memref_squeeze %dma_wait3A_101 : memref<1x128xi32, #tpu.memory_space<vmem>> -> memref<128xi32, #tpu.memory_space<vmem>>
      %dma_wait3A_103 = arith.constant 0 : i32
      %dma_wait3A_104 = arith.constant 0 : i32
      %dma_wait3A_105 = tpu.memref_slice %arg2[%dma_wait3A_103, %dma_wait3A_104] : memref<100000x64xf32, #tpu.memory_space<hbm>> -> memref<100000x64xf32, #tpu.memory_space<hbm>>
      tpu.wait_indirect_dma semaphore(%arg8 : memref<!tpu.dma_semaphore, #tpu.memory_space<semaphore_mem>>) src(%dma_wait3A_105 : memref<100000x64xf32, #tpu.memory_space<hbm>>) dst(%dma_wait3A_99 : memref<128x64xf32, #tpu.memory_space<vmem>>)
      %gt3A = arith.constant 0 : i32
      %gt3A_106 = arith.cmpi sgt, %scan3A_90, %gt3A : i32
      %convert_element_type3A = arith.extui %gt3A_106 : i1 to i32
      %cond3A = arith.constant 0 : i32
      %cond3A_107 = arith.cmpi ne, %convert_element_type3A, %cond3A : i32
      scf.if %cond3A_107 {
        %sub3A = arith.constant 2 : i32
        %sub3A_180 = arith.subi %add3A_94, %sub3A : i32
        %dma_wait3A_181 = arith.constant 0 : i32
        %dma_wait3A_182 = arith.constant 0 : i32
        %dma_wait3A_183 = arith.constant 0 : i32
        %dma_wait3A_184 = tpu.memref_slice %arg7[%dma_wait3A_181, %dma_wait3A_182, %dma_wait3A_183] : memref<2x8x1024xf32, #tpu.memory_space<vmem>> -> memref<1x8x1024xf32, #tpu.memory_space<vmem>>
        %dma_wait3A_185 = tpu.memref_squeeze %dma_wait3A_184 : memref<1x8x1024xf32, #tpu.memory_space<vmem>> -> memref<8x1024xf32, #tpu.memory_space<vmem>>
        %dma_wait3A_186 = arith.constant 0 : i32
        %dma_wait3A_187 = arith.constant 0 : i32
        %dma_wait3A_188 = tpu.memref_slice %arg4[%sub3A_180, %dma_wait3A_186, %add3A, %dma_wait3A_187] : memref<50x8x32x1024xf32, #tpu.memory_space<hbm>> -> memref<1x8x1x1024xf32, #tpu.memory_space<hbm>>
        %dma_wait3A_189 = tpu.memref_squeeze %dma_wait3A_188 : memref<1x8x1x1024xf32, #tpu.memory_space<hbm>> -> memref<8x1024xf32, #tpu.memory_space<hbm>>
        %dma_wait3A_190 = arith.constant 0 : i32
        %dma_wait3A_191 = arith.constant 0 : i32
        %dma_wait3A_192 = tpu.memref_slice %arg4[%sub3A_180, %dma_wait3A_190, %add3A, %dma_wait3A_191] : memref<50x8x32x1024xf32, #tpu.memory_space<hbm>> -> memref<1x8x1x1024xf32, #tpu.memory_space<hbm>>
        %dma_wait3A_193 = tpu.memref_squeeze %dma_wait3A_192 : memref<1x8x1x1024xf32, #tpu.memory_space<hbm>> -> memref<8x1024xf32, #tpu.memory_space<hbm>>
        %dma_wait3A_194 = arith.constant 0 : i32
        %dma_wait3A_195 = arith.constant 0 : i32
        %dma_wait3A_196 = tpu.memref_slice %arg7[%dma_wait3A_181, %dma_wait3A_194, %dma_wait3A_195] : memref<2x8x1024xf32, #tpu.memory_space<vmem>> -> memref<1x8x1024xf32, #tpu.memory_space<vmem>>
        %dma_wait3A_197 = tpu.memref_squeeze %dma_wait3A_196 : memref<1x8x1024xf32, #tpu.memory_space<vmem>> -> memref<8x1024xf32, #tpu.memory_space<vmem>>
        tpu.wait_dma2 semaphore(%arg10 : memref<!tpu.dma_semaphore, #tpu.memory_space<semaphore_mem>>) src(%dma_wait3A_197 : memref<8x1024xf32, #tpu.memory_space<vmem>>) dst(%dma_wait3A_193 : memref<8x1024xf32, #tpu.memory_space<hbm>>)
      } else {
      }
      %parallel_loop3A = arith.constant 0 : i32
      %parallel_loop3A_108 = arith.constant 16 : i32
      %parallel_loop3A_109 = arith.constant 1 : i32
      %parallel_loop3A_110 = arith.constant 0 : i32
      %parallel_loop3A_111 = arith.constant 0 : i32
      scf.for %parallel_loop3A_180 = %parallel_loop3A to %parallel_loop3A_108 step %parallel_loop3A_109  : i32 {
        %parallel_loop3A_181 = vector.broadcast %parallel_loop3A_180 : i32 to vector<16xi32>
        %parallel_loop3A_182 = arith.addi %parallel_loop3A_181, %iota3A : vector<16xi32>
        %parallel_loop3A_183 = arith.constant 15 : i32
        %parallel_loop3A_184 = vector.broadcast %parallel_loop3A_183 : i32 to vector<16xi32>
        %parallel_loop3A_185 = arith.andi %parallel_loop3A_182, %parallel_loop3A_184 : vector<16xi32>
        %parallel_loop3A_186 = arith.constant 3 : i32
        %parallel_loop3A_187 = vector.broadcast %parallel_loop3A_186 : i32 to vector<16xi32>
        %parallel_loop3A_188 = arith.shrsi %parallel_loop3A_185, %parallel_loop3A_187 : vector<16xi32>
        %parallel_loop3A_189 = arith.constant 7 : i32
        %parallel_loop3A_190 = vector.broadcast %parallel_loop3A_189 : i32 to vector<16xi32>
        %parallel_loop3A_191 = arith.andi %parallel_loop3A_185, %parallel_loop3A_190 : vector<16xi32>
        %parallel_loop3A_192 = arith.constant 7 : i32
        %parallel_loop3A_193 = vector.broadcast %parallel_loop3A_192 : i32 to vector<16xi32>
        %parallel_loop3A_194 = arith.shli %parallel_loop3A_191, %parallel_loop3A_193 : vector<16xi32>
        %parallel_loop3A_195 = arith.addi %parallel_loop3A_194, %iota3A : vector<16xi32>
        %parallel_loop3A_196 = arith.constant 0 : i32
        %parallel_loop3A_197 = vector.broadcast %parallel_loop3A_196 : i32 to vector<16xi32>
        %parallel_loop3A_198 = arith.addi %parallel_loop3A_185, %parallel_loop3A_197 : vector<16xi32>
        %parallel_loop3A_199 = arith.constant 0 : i32
        %parallel_loop3A_200 = vector.broadcast %parallel_loop3A_199 : i32 to vector<16xi32>
        %parallel_loop3A_201 = arith.addi %parallel_loop3A_188, %parallel_loop3A_200 : vector<16xi32>
        %parallel_loop3A_202 = arith.constant 0 : i32
        %parallel_loop3A_203 = arith.constant 0 : i32
        %parallel_loop3A_204 = tpu.memref_slice %arg6[%parallel_loop3A_110, %parallel_loop3A_202, %parallel_loop3A_203] : memref<2x128x64xf32, #tpu.memory_space<vmem>> -> memref<1x128x64xf32, #tpu.memory_space<vmem>>
        %parallel_loop3A_205 = tpu.memref_squeeze %parallel_loop3A_204 : memref<1x128x64xf32, #tpu.memory_space<vmem>> -> memref<128x64xf32, #tpu.memory_space<vmem>>
        %parallel_loop3A_206 = tpu.vector_load_idx %parallel_loop3A_205[%add3A_5, %parallel_loop3A_198] : memref<128x64xf32, #tpu.memory_space<vmem>>[vector<16xi32>, vector<16xi32>], vector<16xf32>,
        %parallel_loop3A_207 = arith.constant 0 : i32
        %parallel_loop3A_208 = vector.broadcast %parallel_loop3A_207 : i32 to vector<16xi32>
        %parallel_loop3A_209 = arith.addi %parallel_loop3A_195, %parallel_loop3A_208 : vector<16xi32>
        %parallel_loop3A_210 = arith.constant 0 : i32
        %parallel_loop3A_211 = arith.constant 0 : i32
        %parallel_loop3A_212 = tpu.memref_slice %arg7[%parallel_loop3A_111, %parallel_loop3A_210, %parallel_loop3A_211] : memref<2x8x1024xf32, #tpu.memory_space<vmem>> -> memref<1x8x1024xf32, #tpu.memory_space<vmem>>
        %parallel_loop3A_213 = tpu.memref_squeeze %parallel_loop3A_212 : memref<1x8x1024xf32, #tpu.memory_space<vmem>> -> memref<8x1024xf32, #tpu.memory_space<vmem>>
        tpu.vector_store_idx %parallel_loop3A_213[%parallel_loop3A_201, %parallel_loop3A_209], %parallel_loop3A_206 : memref<8x1024xf32, #tpu.memory_space<vmem>>[vector<16xi32>, vector<16xi32>], vector<16xf32>,
        %parallel_loop3A_214 = arith.constant 0 : i32
        %parallel_loop3A_215 = arith.constant 0 : i32
        %parallel_loop3A_216 = tpu.memref_slice %arg6[%parallel_loop3A_110, %parallel_loop3A_214, %parallel_loop3A_215] : memref<2x128x64xf32, #tpu.memory_space<vmem>> -> memref<1x128x64xf32, #tpu.memory_space<vmem>>
        %parallel_loop3A_217 = tpu.memref_squeeze %parallel_loop3A_216 : memref<1x128x64xf32, #tpu.memory_space<vmem>> -> memref<128x64xf32, #tpu.memory_space<vmem>>
        %parallel_loop3A_218 = tpu.vector_load_idx %parallel_loop3A_217[%add3A_8, %parallel_loop3A_198] : memref<128x64xf32, #tpu.memory_space<vmem>>[vector<16xi32>, vector<16xi32>], vector<16xf32>,
        %parallel_loop3A_219 = arith.constant 16 : i32
        %parallel_loop3A_220 = vector.broadcast %parallel_loop3A_219 : i32 to vector<16xi32>
        %parallel_loop3A_221 = arith.addi %parallel_loop3A_195, %parallel_loop3A_220 : vector<16xi32>
        %parallel_loop3A_222 = arith.constant 0 : i32
        %parallel_loop3A_223 = arith.constant 0 : i32
        %parallel_loop3A_224 = tpu.memref_slice %arg7[%parallel_loop3A_111, %parallel_loop3A_222, %parallel_loop3A_223] : memref<2x8x1024xf32, #tpu.memory_space<vmem>> -> memref<1x8x1024xf32, #tpu.memory_space<vmem>>
        %parallel_loop3A_225 = tpu.memref_squeeze %parallel_loop3A_224 : memref<1x8x1024xf32, #tpu.memory_space<vmem>> -> memref<8x1024xf32, #tpu.memory_space<vmem>>
        tpu.vector_store_idx %parallel_loop3A_225[%parallel_loop3A_201, %parallel_loop3A_221], %parallel_loop3A_218 : memref<8x1024xf32, #tpu.memory_space<vmem>>[vector<16xi32>, vector<16xi32>], vector<16xf32>,
        %parallel_loop3A_226 = arith.constant 0 : i32
        %parallel_loop3A_227 = arith.constant 0 : i32
        %parallel_loop3A_228 = tpu.memref_slice %arg6[%parallel_loop3A_110, %parallel_loop3A_226, %parallel_loop3A_227] : memref<2x128x64xf32, #tpu.memory_space<vmem>> -> memref<1x128x64xf32, #tpu.memory_space<vmem>>
        %parallel_loop3A_229 = tpu.memref_squeeze %parallel_loop3A_228 : memref<1x128x64xf32, #tpu.memory_space<vmem>> -> memref<128x64xf32, #tpu.memory_space<vmem>>
        %parallel_loop3A_230 = tpu.vector_load_idx %parallel_loop3A_229[%add3A_11, %parallel_loop3A_198] : memref<128x64xf32, #tpu.memory_space<vmem>>[vector<16xi32>, vector<16xi32>], vector<16xf32>,
        %parallel_loop3A_231 = arith.constant 32 : i32
        %parallel_loop3A_232 = vector.broadcast %parallel_loop3A_231 : i32 to vector<16xi32>
        %parallel_loop3A_233 = arith.addi %parallel_loop3A_195, %parallel_loop3A_232 : vector<16xi32>
        %parallel_loop3A_234 = arith.constant 0 : i32
        %parallel_loop3A_235 = arith.constant 0 : i32
        %parallel_loop3A_236 = tpu.memref_slice %arg7[%parallel_loop3A_111, %parallel_loop3A_234, %parallel_loop3A_235] : memref<2x8x1024xf32, #tpu.memory_space<vmem>> -> memref<1x8x1024xf32, #tpu.memory_space<vmem>>
        %parallel_loop3A_237 = tpu.memref_squeeze %parallel_loop3A_236 : memref<1x8x1024xf32, #tpu.memory_space<vmem>> -> memref<8x1024xf32, #tpu.memory_space<vmem>>
        tpu.vector_store_idx %parallel_loop3A_237[%parallel_loop3A_201, %parallel_loop3A_233], %parallel_loop3A_230 : memref<8x1024xf32, #tpu.memory_space<vmem>>[vector<16xi32>, vector<16xi32>], vector<16xf32>,
        %parallel_loop3A_238 = arith.constant 0 : i32
        %parallel_loop3A_239 = arith.constant 0 : i32
        %parallel_loop3A_240 = tpu.memref_slice %arg6[%parallel_loop3A_110, %parallel_loop3A_238, %parallel_loop3A_239] : memref<2x128x64xf32, #tpu.memory_space<vmem>> -> memref<1x128x64xf32, #tpu.memory_space<vmem>>
        %parallel_loop3A_241 = tpu.memref_squeeze %parallel_loop3A_240 : memref<1x128x64xf32, #tpu.memory_space<vmem>> -> memref<128x64xf32, #tpu.memory_space<vmem>>
        %parallel_loop3A_242 = tpu.vector_load_idx %parallel_loop3A_241[%add3A_14, %parallel_loop3A_198] : memref<128x64xf32, #tpu.memory_space<vmem>>[vector<16xi32>, vector<16xi32>], vector<16xf32>,
        %parallel_loop3A_243 = arith.constant 48 : i32
        %parallel_loop3A_244 = vector.broadcast %parallel_loop3A_243 : i32 to vector<16xi32>
        %parallel_loop3A_245 = arith.addi %parallel_loop3A_195, %parallel_loop3A_244 : vector<16xi32>
        %parallel_loop3A_246 = arith.constant 0 : i32
        %parallel_loop3A_247 = arith.constant 0 : i32
        %parallel_loop3A_248 = tpu.memref_slice %arg7[%parallel_loop3A_111, %parallel_loop3A_246, %parallel_loop3A_247] : memref<2x8x1024xf32, #tpu.memory_space<vmem>> -> memref<1x8x1024xf32, #tpu.memory_space<vmem>>
        %parallel_loop3A_249 = tpu.memref_squeeze %parallel_loop3A_248 : memref<1x8x1024xf32, #tpu.memory_space<vmem>> -> memref<8x1024xf32, #tpu.memory_space<vmem>>
        tpu.vector_store_idx %parallel_loop3A_249[%parallel_loop3A_201, %parallel_loop3A_245], %parallel_loop3A_242 : memref<8x1024xf32, #tpu.memory_space<vmem>>[vector<16xi32>, vector<16xi32>], vector<16xf32>,
        %parallel_loop3A_250 = arith.constant 0 : i32
        %parallel_loop3A_251 = arith.constant 0 : i32
        %parallel_loop3A_252 = tpu.memref_slice %arg6[%parallel_loop3A_110, %parallel_loop3A_250, %parallel_loop3A_251] : memref<2x128x64xf32, #tpu.memory_space<vmem>> -> memref<1x128x64xf32, #tpu.memory_space<vmem>>
        %parallel_loop3A_253 = tpu.memref_squeeze %parallel_loop3A_252 : memref<1x128x64xf32, #tpu.memory_space<vmem>> -> memref<128x64xf32, #tpu.memory_space<vmem>>
        %parallel_loop3A_254 = tpu.vector_load_idx %parallel_loop3A_253[%add3A_17, %parallel_loop3A_198] : memref<128x64xf32, #tpu.memory_space<vmem>>[vector<16xi32>, vector<16xi32>], vector<16xf32>,
        %parallel_loop3A_255 = arith.constant 64 : i32
        %parallel_loop3A_256 = vector.broadcast %parallel_loop3A_255 : i32 to vector<16xi32>
        %parallel_loop3A_257 = arith.addi %parallel_loop3A_195, %parallel_loop3A_256 : vector<16xi32>
        %parallel_loop3A_258 = arith.constant 0 : i32
        %parallel_loop3A_259 = arith.constant 0 : i32
        %parallel_loop3A_260 = tpu.memref_slice %arg7[%parallel_loop3A_111, %parallel_loop3A_258, %parallel_loop3A_259] : memref<2x8x1024xf32, #tpu.memory_space<vmem>> -> memref<1x8x1024xf32, #tpu.memory_space<vmem>>
        %parallel_loop3A_261 = tpu.memref_squeeze %parallel_loop3A_260 : memref<1x8x1024xf32, #tpu.memory_space<vmem>> -> memref<8x1024xf32, #tpu.memory_space<vmem>>
        tpu.vector_store_idx %parallel_loop3A_261[%parallel_loop3A_201, %parallel_loop3A_257], %parallel_loop3A_254 : memref<8x1024xf32, #tpu.memory_space<vmem>>[vector<16xi32>, vector<16xi32>], vector<16xf32>,
        %parallel_loop3A_262 = arith.constant 0 : i32
        %parallel_loop3A_263 = arith.constant 0 : i32
        %parallel_loop3A_264 = tpu.memref_slice %arg6[%parallel_loop3A_110, %parallel_loop3A_262, %parallel_loop3A_263] : memref<2x128x64xf32, #tpu.memory_space<vmem>> -> memref<1x128x64xf32, #tpu.memory_space<vmem>>
        %parallel_loop3A_265 = tpu.memref_squeeze %parallel_loop3A_264 : memref<1x128x64xf32, #tpu.memory_space<vmem>> -> memref<128x64xf32, #tpu.memory_space<vmem>>
        %parallel_loop3A_266 = tpu.vector_load_idx %parallel_loop3A_265[%add3A_20, %parallel_loop3A_198] : memref<128x64xf32, #tpu.memory_space<vmem>>[vector<16xi32>, vector<16xi32>], vector<16xf32>,
        %parallel_loop3A_267 = arith.constant 80 : i32
        %parallel_loop3A_268 = vector.broadcast %parallel_loop3A_267 : i32 to vector<16xi32>
        %parallel_loop3A_269 = arith.addi %parallel_loop3A_195, %parallel_loop3A_268 : vector<16xi32>
        %parallel_loop3A_270 = arith.constant 0 : i32
        %parallel_loop3A_271 = arith.constant 0 : i32
        %parallel_loop3A_272 = tpu.memref_slice %arg7[%parallel_loop3A_111, %parallel_loop3A_270, %parallel_loop3A_271] : memref<2x8x1024xf32, #tpu.memory_space<vmem>> -> memref<1x8x1024xf32, #tpu.memory_space<vmem>>
        %parallel_loop3A_273 = tpu.memref_squeeze %parallel_loop3A_272 : memref<1x8x1024xf32, #tpu.memory_space<vmem>> -> memref<8x1024xf32, #tpu.memory_space<vmem>>
        tpu.vector_store_idx %parallel_loop3A_273[%parallel_loop3A_201, %parallel_loop3A_269], %parallel_loop3A_266 : memref<8x1024xf32, #tpu.memory_space<vmem>>[vector<16xi32>, vector<16xi32>], vector<16xf32>,
        %parallel_loop3A_274 = arith.constant 0 : i32
        %parallel_loop3A_275 = arith.constant 0 : i32
        %parallel_loop3A_276 = tpu.memref_slice %arg6[%parallel_loop3A_110, %parallel_loop3A_274, %parallel_loop3A_275] : memref<2x128x64xf32, #tpu.memory_space<vmem>> -> memref<1x128x64xf32, #tpu.memory_space<vmem>>
        %parallel_loop3A_277 = tpu.memref_squeeze %parallel_loop3A_276 : memref<1x128x64xf32, #tpu.memory_space<vmem>> -> memref<128x64xf32, #tpu.memory_space<vmem>>
        %parallel_loop3A_278 = tpu.vector_load_idx %parallel_loop3A_277[%add3A_23, %parallel_loop3A_198] : memref<128x64xf32, #tpu.memory_space<vmem>>[vector<16xi32>, vector<16xi32>], vector<16xf32>,
        %parallel_loop3A_279 = arith.constant 96 : i32
        %parallel_loop3A_280 = vector.broadcast %parallel_loop3A_279 : i32 to vector<16xi32>
        %parallel_loop3A_281 = arith.addi %parallel_loop3A_195, %parallel_loop3A_280 : vector<16xi32>
        %parallel_loop3A_282 = arith.constant 0 : i32
        %parallel_loop3A_283 = arith.constant 0 : i32
        %parallel_loop3A_284 = tpu.memref_slice %arg7[%parallel_loop3A_111, %parallel_loop3A_282, %parallel_loop3A_283] : memref<2x8x1024xf32, #tpu.memory_space<vmem>> -> memref<1x8x1024xf32, #tpu.memory_space<vmem>>
        %parallel_loop3A_285 = tpu.memref_squeeze %parallel_loop3A_284 : memref<1x8x1024xf32, #tpu.memory_space<vmem>> -> memref<8x1024xf32, #tpu.memory_space<vmem>>
        tpu.vector_store_idx %parallel_loop3A_285[%parallel_loop3A_201, %parallel_loop3A_281], %parallel_loop3A_278 : memref<8x1024xf32, #tpu.memory_space<vmem>>[vector<16xi32>, vector<16xi32>], vector<16xf32>,
        %parallel_loop3A_286 = arith.constant 0 : i32
        %parallel_loop3A_287 = arith.constant 0 : i32
        %parallel_loop3A_288 = tpu.memref_slice %arg6[%parallel_loop3A_110, %parallel_loop3A_286, %parallel_loop3A_287] : memref<2x128x64xf32, #tpu.memory_space<vmem>> -> memref<1x128x64xf32, #tpu.memory_space<vmem>>
        %parallel_loop3A_289 = tpu.memref_squeeze %parallel_loop3A_288 : memref<1x128x64xf32, #tpu.memory_space<vmem>> -> memref<128x64xf32, #tpu.memory_space<vmem>>
        %parallel_loop3A_290 = tpu.vector_load_idx %parallel_loop3A_289[%add3A_26, %parallel_loop3A_198] : memref<128x64xf32, #tpu.memory_space<vmem>>[vector<16xi32>, vector<16xi32>], vector<16xf32>,
        %parallel_loop3A_291 = arith.constant 112 : i32
        %parallel_loop3A_292 = vector.broadcast %parallel_loop3A_291 : i32 to vector<16xi32>
        %parallel_loop3A_293 = arith.addi %parallel_loop3A_195, %parallel_loop3A_292 : vector<16xi32>
        %parallel_loop3A_294 = arith.constant 0 : i32
        %parallel_loop3A_295 = arith.constant 0 : i32
        %parallel_loop3A_296 = tpu.memref_slice %arg7[%parallel_loop3A_111, %parallel_loop3A_294, %parallel_loop3A_295] : memref<2x8x1024xf32, #tpu.memory_space<vmem>> -> memref<1x8x1024xf32, #tpu.memory_space<vmem>>
        %parallel_loop3A_297 = tpu.memref_squeeze %parallel_loop3A_296 : memref<1x8x1024xf32, #tpu.memory_space<vmem>> -> memref<8x1024xf32, #tpu.memory_space<vmem>>
        tpu.vector_store_idx %parallel_loop3A_297[%parallel_loop3A_201, %parallel_loop3A_293], %parallel_loop3A_290 : memref<8x1024xf32, #tpu.memory_space<vmem>>[vector<16xi32>, vector<16xi32>], vector<16xf32>,
        %parallel_loop3A_298 = arith.constant 16 : i32
        %parallel_loop3A_299 = vector.broadcast %parallel_loop3A_298 : i32 to vector<16xi32>
        %parallel_loop3A_300 = arith.addi %parallel_loop3A_185, %parallel_loop3A_299 : vector<16xi32>
        %parallel_loop3A_301 = arith.constant 2 : i32
        %parallel_loop3A_302 = vector.broadcast %parallel_loop3A_301 : i32 to vector<16xi32>
        %parallel_loop3A_303 = arith.addi %parallel_loop3A_188, %parallel_loop3A_302 : vector<16xi32>
        %parallel_loop3A_304 = arith.constant 0 : i32
        %parallel_loop3A_305 = arith.constant 0 : i32
        %parallel_loop3A_306 = tpu.memref_slice %arg6[%parallel_loop3A_110, %parallel_loop3A_304, %parallel_loop3A_305] : memref<2x128x64xf32, #tpu.memory_space<vmem>> -> memref<1x128x64xf32, #tpu.memory_space<vmem>>
        %parallel_loop3A_307 = tpu.memref_squeeze %parallel_loop3A_306 : memref<1x128x64xf32, #tpu.memory_space<vmem>> -> memref<128x64xf32, #tpu.memory_space<vmem>>
        %parallel_loop3A_308 = tpu.vector_load_idx %parallel_loop3A_307[%add3A_5, %parallel_loop3A_300] : memref<128x64xf32, #tpu.memory_space<vmem>>[vector<16xi32>, vector<16xi32>], vector<16xf32>,
        %parallel_loop3A_309 = arith.constant 0 : i32
        %parallel_loop3A_310 = vector.broadcast %parallel_loop3A_309 : i32 to vector<16xi32>
        %parallel_loop3A_311 = arith.addi %parallel_loop3A_195, %parallel_loop3A_310 : vector<16xi32>
        %parallel_loop3A_312 = arith.constant 0 : i32
        %parallel_loop3A_313 = arith.constant 0 : i32
        %parallel_loop3A_314 = tpu.memref_slice %arg7[%parallel_loop3A_111, %parallel_loop3A_312, %parallel_loop3A_313] : memref<2x8x1024xf32, #tpu.memory_space<vmem>> -> memref<1x8x1024xf32, #tpu.memory_space<vmem>>
        %parallel_loop3A_315 = tpu.memref_squeeze %parallel_loop3A_314 : memref<1x8x1024xf32, #tpu.memory_space<vmem>> -> memref<8x1024xf32, #tpu.memory_space<vmem>>
        tpu.vector_store_idx %parallel_loop3A_315[%parallel_loop3A_303, %parallel_loop3A_311], %parallel_loop3A_308 : memref<8x1024xf32, #tpu.memory_space<vmem>>[vector<16xi32>, vector<16xi32>], vector<16xf32>,
        %parallel_loop3A_316 = arith.constant 0 : i32
        %parallel_loop3A_317 = arith.constant 0 : i32
        %parallel_loop3A_318 = tpu.memref_slice %arg6[%parallel_loop3A_110, %parallel_loop3A_316, %parallel_loop3A_317] : memref<2x128x64xf32, #tpu.memory_space<vmem>> -> memref<1x128x64xf32, #tpu.memory_space<vmem>>
        %parallel_loop3A_319 = tpu.memref_squeeze %parallel_loop3A_318 : memref<1x128x64xf32, #tpu.memory_space<vmem>> -> memref<128x64xf32, #tpu.memory_space<vmem>>
        %parallel_loop3A_320 = tpu.vector_load_idx %parallel_loop3A_319[%add3A_8, %parallel_loop3A_300] : memref<128x64xf32, #tpu.memory_space<vmem>>[vector<16xi32>, vector<16xi32>], vector<16xf32>,
        %parallel_loop3A_321 = arith.constant 16 : i32
        %parallel_loop3A_322 = vector.broadcast %parallel_loop3A_321 : i32 to vector<16xi32>
        %parallel_loop3A_323 = arith.addi %parallel_loop3A_195, %parallel_loop3A_322 : vector<16xi32>
        %parallel_loop3A_324 = arith.constant 0 : i32
        %parallel_loop3A_325 = arith.constant 0 : i32
        %parallel_loop3A_326 = tpu.memref_slice %arg7[%parallel_loop3A_111, %parallel_loop3A_324, %parallel_loop3A_325] : memref<2x8x1024xf32, #tpu.memory_space<vmem>> -> memref<1x8x1024xf32, #tpu.memory_space<vmem>>
        %parallel_loop3A_327 = tpu.memref_squeeze %parallel_loop3A_326 : memref<1x8x1024xf32, #tpu.memory_space<vmem>> -> memref<8x1024xf32, #tpu.memory_space<vmem>>
        tpu.vector_store_idx %parallel_loop3A_327[%parallel_loop3A_303, %parallel_loop3A_323], %parallel_loop3A_320 : memref<8x1024xf32, #tpu.memory_space<vmem>>[vector<16xi32>, vector<16xi32>], vector<16xf32>,
        %parallel_loop3A_328 = arith.constant 0 : i32
        %parallel_loop3A_329 = arith.constant 0 : i32
        %parallel_loop3A_330 = tpu.memref_slice %arg6[%parallel_loop3A_110, %parallel_loop3A_328, %parallel_loop3A_329] : memref<2x128x64xf32, #tpu.memory_space<vmem>> -> memref<1x128x64xf32, #tpu.memory_space<vmem>>
        %parallel_loop3A_331 = tpu.memref_squeeze %parallel_loop3A_330 : memref<1x128x64xf32, #tpu.memory_space<vmem>> -> memref<128x64xf32, #tpu.memory_space<vmem>>
        %parallel_loop3A_332 = tpu.vector_load_idx %parallel_loop3A_331[%add3A_11, %parallel_loop3A_300] : memref<128x64xf32, #tpu.memory_space<vmem>>[vector<16xi32>, vector<16xi32>], vector<16xf32>,
        %parallel_loop3A_333 = arith.constant 32 : i32
        %parallel_loop3A_334 = vector.broadcast %parallel_loop3A_333 : i32 to vector<16xi32>
        %parallel_loop3A_335 = arith.addi %parallel_loop3A_195, %parallel_loop3A_334 : vector<16xi32>
        %parallel_loop3A_336 = arith.constant 0 : i32
        %parallel_loop3A_337 = arith.constant 0 : i32
        %parallel_loop3A_338 = tpu.memref_slice %arg7[%parallel_loop3A_111, %parallel_loop3A_336, %parallel_loop3A_337] : memref<2x8x1024xf32, #tpu.memory_space<vmem>> -> memref<1x8x1024xf32, #tpu.memory_space<vmem>>
        %parallel_loop3A_339 = tpu.memref_squeeze %parallel_loop3A_338 : memref<1x8x1024xf32, #tpu.memory_space<vmem>> -> memref<8x1024xf32, #tpu.memory_space<vmem>>
        tpu.vector_store_idx %parallel_loop3A_339[%parallel_loop3A_303, %parallel_loop3A_335], %parallel_loop3A_332 : memref<8x1024xf32, #tpu.memory_space<vmem>>[vector<16xi32>, vector<16xi32>], vector<16xf32>,
        %parallel_loop3A_340 = arith.constant 0 : i32
        %parallel_loop3A_341 = arith.constant 0 : i32
        %parallel_loop3A_342 = tpu.memref_slice %arg6[%parallel_loop3A_110, %parallel_loop3A_340, %parallel_loop3A_341] : memref<2x128x64xf32, #tpu.memory_space<vmem>> -> memref<1x128x64xf32, #tpu.memory_space<vmem>>
        %parallel_loop3A_343 = tpu.memref_squeeze %parallel_loop3A_342 : memref<1x128x64xf32, #tpu.memory_space<vmem>> -> memref<128x64xf32, #tpu.memory_space<vmem>>
        %parallel_loop3A_344 = tpu.vector_load_idx %parallel_loop3A_343[%add3A_14, %parallel_loop3A_300] : memref<128x64xf32, #tpu.memory_space<vmem>>[vector<16xi32>, vector<16xi32>], vector<16xf32>,
        %parallel_loop3A_345 = arith.constant 48 : i32
        %parallel_loop3A_346 = vector.broadcast %parallel_loop3A_345 : i32 to vector<16xi32>
        %parallel_loop3A_347 = arith.addi %parallel_loop3A_195, %parallel_loop3A_346 : vector<16xi32>
        %parallel_loop3A_348 = arith.constant 0 : i32
        %parallel_loop3A_349 = arith.constant 0 : i32
        %parallel_loop3A_350 = tpu.memref_slice %arg7[%parallel_loop3A_111, %parallel_loop3A_348, %parallel_loop3A_349] : memref<2x8x1024xf32, #tpu.memory_space<vmem>> -> memref<1x8x1024xf32, #tpu.memory_space<vmem>>
        %parallel_loop3A_351 = tpu.memref_squeeze %parallel_loop3A_350 : memref<1x8x1024xf32, #tpu.memory_space<vmem>> -> memref<8x1024xf32, #tpu.memory_space<vmem>>
        tpu.vector_store_idx %parallel_loop3A_351[%parallel_loop3A_303, %parallel_loop3A_347], %parallel_loop3A_344 : memref<8x1024xf32, #tpu.memory_space<vmem>>[vector<16xi32>, vector<16xi32>], vector<16xf32>,
        %parallel_loop3A_352 = arith.constant 0 : i32
        %parallel_loop3A_353 = arith.constant 0 : i32
        %parallel_loop3A_354 = tpu.memref_slice %arg6[%parallel_loop3A_110, %parallel_loop3A_352, %parallel_loop3A_353] : memref<2x128x64xf32, #tpu.memory_space<vmem>> -> memref<1x128x64xf32, #tpu.memory_space<vmem>>
        %parallel_loop3A_355 = tpu.memref_squeeze %parallel_loop3A_354 : memref<1x128x64xf32, #tpu.memory_space<vmem>> -> memref<128x64xf32, #tpu.memory_space<vmem>>
        %parallel_loop3A_356 = tpu.vector_load_idx %parallel_loop3A_355[%add3A_17, %parallel_loop3A_300] : memref<128x64xf32, #tpu.memory_space<vmem>>[vector<16xi32>, vector<16xi32>], vector<16xf32>,
        %parallel_loop3A_357 = arith.constant 64 : i32
        %parallel_loop3A_358 = vector.broadcast %parallel_loop3A_357 : i32 to vector<16xi32>
        %parallel_loop3A_359 = arith.addi %parallel_loop3A_195, %parallel_loop3A_358 : vector<16xi32>
        %parallel_loop3A_360 = arith.constant 0 : i32
        %parallel_loop3A_361 = arith.constant 0 : i32
        %parallel_loop3A_362 = tpu.memref_slice %arg7[%parallel_loop3A_111, %parallel_loop3A_360, %parallel_loop3A_361] : memref<2x8x1024xf32, #tpu.memory_space<vmem>> -> memref<1x8x1024xf32, #tpu.memory_space<vmem>>
        %parallel_loop3A_363 = tpu.memref_squeeze %parallel_loop3A_362 : memref<1x8x1024xf32, #tpu.memory_space<vmem>> -> memref<8x1024xf32, #tpu.memory_space<vmem>>
        tpu.vector_store_idx %parallel_loop3A_363[%parallel_loop3A_303, %parallel_loop3A_359], %parallel_loop3A_356 : memref<8x1024xf32, #tpu.memory_space<vmem>>[vector<16xi32>, vector<16xi32>], vector<16xf32>,
        %parallel_loop3A_364 = arith.constant 0 : i32
        %parallel_loop3A_365 = arith.constant 0 : i32
        %parallel_loop3A_366 = tpu.memref_slice %arg6[%parallel_loop3A_110, %parallel_loop3A_364, %parallel_loop3A_365] : memref<2x128x64xf32, #tpu.memory_space<vmem>> -> memref<1x128x64xf32, #tpu.memory_space<vmem>>
        %parallel_loop3A_367 = tpu.memref_squeeze %parallel_loop3A_366 : memref<1x128x64xf32, #tpu.memory_space<vmem>> -> memref<128x64xf32, #tpu.memory_space<vmem>>
        %parallel_loop3A_368 = tpu.vector_load_idx %parallel_loop3A_367[%add3A_20, %parallel_loop3A_300] : memref<128x64xf32, #tpu.memory_space<vmem>>[vector<16xi32>, vector<16xi32>], vector<16xf32>,
        %parallel_loop3A_369 = arith.constant 80 : i32
        %parallel_loop3A_370 = vector.broadcast %parallel_loop3A_369 : i32 to vector<16xi32>
        %parallel_loop3A_371 = arith.addi %parallel_loop3A_195, %parallel_loop3A_370 : vector<16xi32>
        %parallel_loop3A_372 = arith.constant 0 : i32
        %parallel_loop3A_373 = arith.constant 0 : i32
        %parallel_loop3A_374 = tpu.memref_slice %arg7[%parallel_loop3A_111, %parallel_loop3A_372, %parallel_loop3A_373] : memref<2x8x1024xf32, #tpu.memory_space<vmem>> -> memref<1x8x1024xf32, #tpu.memory_space<vmem>>
        %parallel_loop3A_375 = tpu.memref_squeeze %parallel_loop3A_374 : memref<1x8x1024xf32, #tpu.memory_space<vmem>> -> memref<8x1024xf32, #tpu.memory_space<vmem>>
        tpu.vector_store_idx %parallel_loop3A_375[%parallel_loop3A_303, %parallel_loop3A_371], %parallel_loop3A_368 : memref<8x1024xf32, #tpu.memory_space<vmem>>[vector<16xi32>, vector<16xi32>], vector<16xf32>,
        %parallel_loop3A_376 = arith.constant 0 : i32
        %parallel_loop3A_377 = arith.constant 0 : i32
        %parallel_loop3A_378 = tpu.memref_slice %arg6[%parallel_loop3A_110, %parallel_loop3A_376, %parallel_loop3A_377] : memref<2x128x64xf32, #tpu.memory_space<vmem>> -> memref<1x128x64xf32, #tpu.memory_space<vmem>>
        %parallel_loop3A_379 = tpu.memref_squeeze %parallel_loop3A_378 : memref<1x128x64xf32, #tpu.memory_space<vmem>> -> memref<128x64xf32, #tpu.memory_space<vmem>>
        %parallel_loop3A_380 = tpu.vector_load_idx %parallel_loop3A_379[%add3A_23, %parallel_loop3A_300] : memref<128x64xf32, #tpu.memory_space<vmem>>[vector<16xi32>, vector<16xi32>], vector<16xf32>,
        %parallel_loop3A_381 = arith.constant 96 : i32
        %parallel_loop3A_382 = vector.broadcast %parallel_loop3A_381 : i32 to vector<16xi32>
        %parallel_loop3A_383 = arith.addi %parallel_loop3A_195, %parallel_loop3A_382 : vector<16xi32>
        %parallel_loop3A_384 = arith.constant 0 : i32
        %parallel_loop3A_385 = arith.constant 0 : i32
        %parallel_loop3A_386 = tpu.memref_slice %arg7[%parallel_loop3A_111, %parallel_loop3A_384, %parallel_loop3A_385] : memref<2x8x1024xf32, #tpu.memory_space<vmem>> -> memref<1x8x1024xf32, #tpu.memory_space<vmem>>
        %parallel_loop3A_387 = tpu.memref_squeeze %parallel_loop3A_386 : memref<1x8x1024xf32, #tpu.memory_space<vmem>> -> memref<8x1024xf32, #tpu.memory_space<vmem>>
        tpu.vector_store_idx %parallel_loop3A_387[%parallel_loop3A_303, %parallel_loop3A_383], %parallel_loop3A_380 : memref<8x1024xf32, #tpu.memory_space<vmem>>[vector<16xi32>, vector<16xi32>], vector<16xf32>,
        %parallel_loop3A_388 = arith.constant 0 : i32
        %parallel_loop3A_389 = arith.constant 0 : i32
        %parallel_loop3A_390 = tpu.memref_slice %arg6[%parallel_loop3A_110, %parallel_loop3A_388, %parallel_loop3A_389] : memref<2x128x64xf32, #tpu.memory_space<vmem>> -> memref<1x128x64xf32, #tpu.memory_space<vmem>>
        %parallel_loop3A_391 = tpu.memref_squeeze %parallel_loop3A_390 : memref<1x128x64xf32, #tpu.memory_space<vmem>> -> memref<128x64xf32, #tpu.memory_space<vmem>>
        %parallel_loop3A_392 = tpu.vector_load_idx %parallel_loop3A_391[%add3A_26, %parallel_loop3A_300] : memref<128x64xf32, #tpu.memory_space<vmem>>[vector<16xi32>, vector<16xi32>], vector<16xf32>,
        %parallel_loop3A_393 = arith.constant 112 : i32
        %parallel_loop3A_394 = vector.broadcast %parallel_loop3A_393 : i32 to vector<16xi32>
        %parallel_loop3A_395 = arith.addi %parallel_loop3A_195, %parallel_loop3A_394 : vector<16xi32>
        %parallel_loop3A_396 = arith.constant 0 : i32
        %parallel_loop3A_397 = arith.constant 0 : i32
        %parallel_loop3A_398 = tpu.memref_slice %arg7[%parallel_loop3A_111, %parallel_loop3A_396, %parallel_loop3A_397] : memref<2x8x1024xf32, #tpu.memory_space<vmem>> -> memref<1x8x1024xf32, #tpu.memory_space<vmem>>
        %parallel_loop3A_399 = tpu.memref_squeeze %parallel_loop3A_398 : memref<1x8x1024xf32, #tpu.memory_space<vmem>> -> memref<8x1024xf32, #tpu.memory_space<vmem>>
        tpu.vector_store_idx %parallel_loop3A_399[%parallel_loop3A_303, %parallel_loop3A_395], %parallel_loop3A_392 : memref<8x1024xf32, #tpu.memory_space<vmem>>[vector<16xi32>, vector<16xi32>], vector<16xf32>,
        %parallel_loop3A_400 = arith.constant 32 : i32
        %parallel_loop3A_401 = vector.broadcast %parallel_loop3A_400 : i32 to vector<16xi32>
        %parallel_loop3A_402 = arith.addi %parallel_loop3A_185, %parallel_loop3A_401 : vector<16xi32>
        %parallel_loop3A_403 = arith.constant 4 : i32
        %parallel_loop3A_404 = vector.broadcast %parallel_loop3A_403 : i32 to vector<16xi32>
        %parallel_loop3A_405 = arith.addi %parallel_loop3A_188, %parallel_loop3A_404 : vector<16xi32>
        %parallel_loop3A_406 = arith.constant 0 : i32
        %parallel_loop3A_407 = arith.constant 0 : i32
        %parallel_loop3A_408 = tpu.memref_slice %arg6[%parallel_loop3A_110, %parallel_loop3A_406, %parallel_loop3A_407] : memref<2x128x64xf32, #tpu.memory_space<vmem>> -> memref<1x128x64xf32, #tpu.memory_space<vmem>>
        %parallel_loop3A_409 = tpu.memref_squeeze %parallel_loop3A_408 : memref<1x128x64xf32, #tpu.memory_space<vmem>> -> memref<128x64xf32, #tpu.memory_space<vmem>>
        %parallel_loop3A_410 = tpu.vector_load_idx %parallel_loop3A_409[%add3A_5, %parallel_loop3A_402] : memref<128x64xf32, #tpu.memory_space<vmem>>[vector<16xi32>, vector<16xi32>], vector<16xf32>,
        %parallel_loop3A_411 = arith.constant 0 : i32
        %parallel_loop3A_412 = vector.broadcast %parallel_loop3A_411 : i32 to vector<16xi32>
        %parallel_loop3A_413 = arith.addi %parallel_loop3A_195, %parallel_loop3A_412 : vector<16xi32>
        %parallel_loop3A_414 = arith.constant 0 : i32
        %parallel_loop3A_415 = arith.constant 0 : i32
        %parallel_loop3A_416 = tpu.memref_slice %arg7[%parallel_loop3A_111, %parallel_loop3A_414, %parallel_loop3A_415] : memref<2x8x1024xf32, #tpu.memory_space<vmem>> -> memref<1x8x1024xf32, #tpu.memory_space<vmem>>
        %parallel_loop3A_417 = tpu.memref_squeeze %parallel_loop3A_416 : memref<1x8x1024xf32, #tpu.memory_space<vmem>> -> memref<8x1024xf32, #tpu.memory_space<vmem>>
        tpu.vector_store_idx %parallel_loop3A_417[%parallel_loop3A_405, %parallel_loop3A_413], %parallel_loop3A_410 : memref<8x1024xf32, #tpu.memory_space<vmem>>[vector<16xi32>, vector<16xi32>], vector<16xf32>,
        %parallel_loop3A_418 = arith.constant 0 : i32
        %parallel_loop3A_419 = arith.constant 0 : i32
        %parallel_loop3A_420 = tpu.memref_slice %arg6[%parallel_loop3A_110, %parallel_loop3A_418, %parallel_loop3A_419] : memref<2x128x64xf32, #tpu.memory_space<vmem>> -> memref<1x128x64xf32, #tpu.memory_space<vmem>>
        %parallel_loop3A_421 = tpu.memref_squeeze %parallel_loop3A_420 : memref<1x128x64xf32, #tpu.memory_space<vmem>> -> memref<128x64xf32, #tpu.memory_space<vmem>>
        %parallel_loop3A_422 = tpu.vector_load_idx %parallel_loop3A_421[%add3A_8, %parallel_loop3A_402] : memref<128x64xf32, #tpu.memory_space<vmem>>[vector<16xi32>, vector<16xi32>], vector<16xf32>,
        %parallel_loop3A_423 = arith.constant 16 : i32
        %parallel_loop3A_424 = vector.broadcast %parallel_loop3A_423 : i32 to vector<16xi32>
        %parallel_loop3A_425 = arith.addi %parallel_loop3A_195, %parallel_loop3A_424 : vector<16xi32>
        %parallel_loop3A_426 = arith.constant 0 : i32
        %parallel_loop3A_427 = arith.constant 0 : i32
        %parallel_loop3A_428 = tpu.memref_slice %arg7[%parallel_loop3A_111, %parallel_loop3A_426, %parallel_loop3A_427] : memref<2x8x1024xf32, #tpu.memory_space<vmem>> -> memref<1x8x1024xf32, #tpu.memory_space<vmem>>
        %parallel_loop3A_429 = tpu.memref_squeeze %parallel_loop3A_428 : memref<1x8x1024xf32, #tpu.memory_space<vmem>> -> memref<8x1024xf32, #tpu.memory_space<vmem>>
        tpu.vector_store_idx %parallel_loop3A_429[%parallel_loop3A_405, %parallel_loop3A_425], %parallel_loop3A_422 : memref<8x1024xf32, #tpu.memory_space<vmem>>[vector<16xi32>, vector<16xi32>], vector<16xf32>,
        %parallel_loop3A_430 = arith.constant 0 : i32
        %parallel_loop3A_431 = arith.constant 0 : i32
        %parallel_loop3A_432 = tpu.memref_slice %arg6[%parallel_loop3A_110, %parallel_loop3A_430, %parallel_loop3A_431] : memref<2x128x64xf32, #tpu.memory_space<vmem>> -> memref<1x128x64xf32, #tpu.memory_space<vmem>>
        %parallel_loop3A_433 = tpu.memref_squeeze %parallel_loop3A_432 : memref<1x128x64xf32, #tpu.memory_space<vmem>> -> memref<128x64xf32, #tpu.memory_space<vmem>>
        %parallel_loop3A_434 = tpu.vector_load_idx %parallel_loop3A_433[%add3A_11, %parallel_loop3A_402] : memref<128x64xf32, #tpu.memory_space<vmem>>[vector<16xi32>, vector<16xi32>], vector<16xf32>,
        %parallel_loop3A_435 = arith.constant 32 : i32
        %parallel_loop3A_436 = vector.broadcast %parallel_loop3A_435 : i32 to vector<16xi32>
        %parallel_loop3A_437 = arith.addi %parallel_loop3A_195, %parallel_loop3A_436 : vector<16xi32>
        %parallel_loop3A_438 = arith.constant 0 : i32
        %parallel_loop3A_439 = arith.constant 0 : i32
        %parallel_loop3A_440 = tpu.memref_slice %arg7[%parallel_loop3A_111, %parallel_loop3A_438, %parallel_loop3A_439] : memref<2x8x1024xf32, #tpu.memory_space<vmem>> -> memref<1x8x1024xf32, #tpu.memory_space<vmem>>
        %parallel_loop3A_441 = tpu.memref_squeeze %parallel_loop3A_440 : memref<1x8x1024xf32, #tpu.memory_space<vmem>> -> memref<8x1024xf32, #tpu.memory_space<vmem>>
        tpu.vector_store_idx %parallel_loop3A_441[%parallel_loop3A_405, %parallel_loop3A_437], %parallel_loop3A_434 : memref<8x1024xf32, #tpu.memory_space<vmem>>[vector<16xi32>, vector<16xi32>], vector<16xf32>,
        %parallel_loop3A_442 = arith.constant 0 : i32
        %parallel_loop3A_443 = arith.constant 0 : i32
        %parallel_loop3A_444 = tpu.memref_slice %arg6[%parallel_loop3A_110, %parallel_loop3A_442, %parallel_loop3A_443] : memref<2x128x64xf32, #tpu.memory_space<vmem>> -> memref<1x128x64xf32, #tpu.memory_space<vmem>>
        %parallel_loop3A_445 = tpu.memref_squeeze %parallel_loop3A_444 : memref<1x128x64xf32, #tpu.memory_space<vmem>> -> memref<128x64xf32, #tpu.memory_space<vmem>>
        %parallel_loop3A_446 = tpu.vector_load_idx %parallel_loop3A_445[%add3A_14, %parallel_loop3A_402] : memref<128x64xf32, #tpu.memory_space<vmem>>[vector<16xi32>, vector<16xi32>], vector<16xf32>,
        %parallel_loop3A_447 = arith.constant 48 : i32
        %parallel_loop3A_448 = vector.broadcast %parallel_loop3A_447 : i32 to vector<16xi32>
        %parallel_loop3A_449 = arith.addi %parallel_loop3A_195, %parallel_loop3A_448 : vector<16xi32>
        %parallel_loop3A_450 = arith.constant 0 : i32
        %parallel_loop3A_451 = arith.constant 0 : i32
        %parallel_loop3A_452 = tpu.memref_slice %arg7[%parallel_loop3A_111, %parallel_loop3A_450, %parallel_loop3A_451] : memref<2x8x1024xf32, #tpu.memory_space<vmem>> -> memref<1x8x1024xf32, #tpu.memory_space<vmem>>
        %parallel_loop3A_453 = tpu.memref_squeeze %parallel_loop3A_452 : memref<1x8x1024xf32, #tpu.memory_space<vmem>> -> memref<8x1024xf32, #tpu.memory_space<vmem>>
        tpu.vector_store_idx %parallel_loop3A_453[%parallel_loop3A_405, %parallel_loop3A_449], %parallel_loop3A_446 : memref<8x1024xf32, #tpu.memory_space<vmem>>[vector<16xi32>, vector<16xi32>], vector<16xf32>,
        %parallel_loop3A_454 = arith.constant 0 : i32
        %parallel_loop3A_455 = arith.constant 0 : i32
        %parallel_loop3A_456 = tpu.memref_slice %arg6[%parallel_loop3A_110, %parallel_loop3A_454, %parallel_loop3A_455] : memref<2x128x64xf32, #tpu.memory_space<vmem>> -> memref<1x128x64xf32, #tpu.memory_space<vmem>>
        %parallel_loop3A_457 = tpu.memref_squeeze %parallel_loop3A_456 : memref<1x128x64xf32, #tpu.memory_space<vmem>> -> memref<128x64xf32, #tpu.memory_space<vmem>>
        %parallel_loop3A_458 = tpu.vector_load_idx %parallel_loop3A_457[%add3A_17, %parallel_loop3A_402] : memref<128x64xf32, #tpu.memory_space<vmem>>[vector<16xi32>, vector<16xi32>], vector<16xf32>,
        %parallel_loop3A_459 = arith.constant 64 : i32
        %parallel_loop3A_460 = vector.broadcast %parallel_loop3A_459 : i32 to vector<16xi32>
        %parallel_loop3A_461 = arith.addi %parallel_loop3A_195, %parallel_loop3A_460 : vector<16xi32>
        %parallel_loop3A_462 = arith.constant 0 : i32
        %parallel_loop3A_463 = arith.constant 0 : i32
        %parallel_loop3A_464 = tpu.memref_slice %arg7[%parallel_loop3A_111, %parallel_loop3A_462, %parallel_loop3A_463] : memref<2x8x1024xf32, #tpu.memory_space<vmem>> -> memref<1x8x1024xf32, #tpu.memory_space<vmem>>
        %parallel_loop3A_465 = tpu.memref_squeeze %parallel_loop3A_464 : memref<1x8x1024xf32, #tpu.memory_space<vmem>> -> memref<8x1024xf32, #tpu.memory_space<vmem>>
        tpu.vector_store_idx %parallel_loop3A_465[%parallel_loop3A_405, %parallel_loop3A_461], %parallel_loop3A_458 : memref<8x1024xf32, #tpu.memory_space<vmem>>[vector<16xi32>, vector<16xi32>], vector<16xf32>,
        %parallel_loop3A_466 = arith.constant 0 : i32
        %parallel_loop3A_467 = arith.constant 0 : i32
        %parallel_loop3A_468 = tpu.memref_slice %arg6[%parallel_loop3A_110, %parallel_loop3A_466, %parallel_loop3A_467] : memref<2x128x64xf32, #tpu.memory_space<vmem>> -> memref<1x128x64xf32, #tpu.memory_space<vmem>>
        %parallel_loop3A_469 = tpu.memref_squeeze %parallel_loop3A_468 : memref<1x128x64xf32, #tpu.memory_space<vmem>> -> memref<128x64xf32, #tpu.memory_space<vmem>>
        %parallel_loop3A_470 = tpu.vector_load_idx %parallel_loop3A_469[%add3A_20, %parallel_loop3A_402] : memref<128x64xf32, #tpu.memory_space<vmem>>[vector<16xi32>, vector<16xi32>], vector<16xf32>,
        %parallel_loop3A_471 = arith.constant 80 : i32
        %parallel_loop3A_472 = vector.broadcast %parallel_loop3A_471 : i32 to vector<16xi32>
        %parallel_loop3A_473 = arith.addi %parallel_loop3A_195, %parallel_loop3A_472 : vector<16xi32>
        %parallel_loop3A_474 = arith.constant 0 : i32
        %parallel_loop3A_475 = arith.constant 0 : i32
        %parallel_loop3A_476 = tpu.memref_slice %arg7[%parallel_loop3A_111, %parallel_loop3A_474, %parallel_loop3A_475] : memref<2x8x1024xf32, #tpu.memory_space<vmem>> -> memref<1x8x1024xf32, #tpu.memory_space<vmem>>
        %parallel_loop3A_477 = tpu.memref_squeeze %parallel_loop3A_476 : memref<1x8x1024xf32, #tpu.memory_space<vmem>> -> memref<8x1024xf32, #tpu.memory_space<vmem>>
        tpu.vector_store_idx %parallel_loop3A_477[%parallel_loop3A_405, %parallel_loop3A_473], %parallel_loop3A_470 : memref<8x1024xf32, #tpu.memory_space<vmem>>[vector<16xi32>, vector<16xi32>], vector<16xf32>,
        %parallel_loop3A_478 = arith.constant 0 : i32
        %parallel_loop3A_479 = arith.constant 0 : i32
        %parallel_loop3A_480 = tpu.memref_slice %arg6[%parallel_loop3A_110, %parallel_loop3A_478, %parallel_loop3A_479] : memref<2x128x64xf32, #tpu.memory_space<vmem>> -> memref<1x128x64xf32, #tpu.memory_space<vmem>>
        %parallel_loop3A_481 = tpu.memref_squeeze %parallel_loop3A_480 : memref<1x128x64xf32, #tpu.memory_space<vmem>> -> memref<128x64xf32, #tpu.memory_space<vmem>>
        %parallel_loop3A_482 = tpu.vector_load_idx %parallel_loop3A_481[%add3A_23, %parallel_loop3A_402] : memref<128x64xf32, #tpu.memory_space<vmem>>[vector<16xi32>, vector<16xi32>], vector<16xf32>,
        %parallel_loop3A_483 = arith.constant 96 : i32
        %parallel_loop3A_484 = vector.broadcast %parallel_loop3A_483 : i32 to vector<16xi32>
        %parallel_loop3A_485 = arith.addi %parallel_loop3A_195, %parallel_loop3A_484 : vector<16xi32>
        %parallel_loop3A_486 = arith.constant 0 : i32
        %parallel_loop3A_487 = arith.constant 0 : i32
        %parallel_loop3A_488 = tpu.memref_slice %arg7[%parallel_loop3A_111, %parallel_loop3A_486, %parallel_loop3A_487] : memref<2x8x1024xf32, #tpu.memory_space<vmem>> -> memref<1x8x1024xf32, #tpu.memory_space<vmem>>
        %parallel_loop3A_489 = tpu.memref_squeeze %parallel_loop3A_488 : memref<1x8x1024xf32, #tpu.memory_space<vmem>> -> memref<8x1024xf32, #tpu.memory_space<vmem>>
        tpu.vector_store_idx %parallel_loop3A_489[%parallel_loop3A_405, %parallel_loop3A_485], %parallel_loop3A_482 : memref<8x1024xf32, #tpu.memory_space<vmem>>[vector<16xi32>, vector<16xi32>], vector<16xf32>,
        %parallel_loop3A_490 = arith.constant 0 : i32
        %parallel_loop3A_491 = arith.constant 0 : i32
        %parallel_loop3A_492 = tpu.memref_slice %arg6[%parallel_loop3A_110, %parallel_loop3A_490, %parallel_loop3A_491] : memref<2x128x64xf32, #tpu.memory_space<vmem>> -> memref<1x128x64xf32, #tpu.memory_space<vmem>>
        %parallel_loop3A_493 = tpu.memref_squeeze %parallel_loop3A_492 : memref<1x128x64xf32, #tpu.memory_space<vmem>> -> memref<128x64xf32, #tpu.memory_space<vmem>>
        %parallel_loop3A_494 = tpu.vector_load_idx %parallel_loop3A_493[%add3A_26, %parallel_loop3A_402] : memref<128x64xf32, #tpu.memory_space<vmem>>[vector<16xi32>, vector<16xi32>], vector<16xf32>,
        %parallel_loop3A_495 = arith.constant 112 : i32
        %parallel_loop3A_496 = vector.broadcast %parallel_loop3A_495 : i32 to vector<16xi32>
        %parallel_loop3A_497 = arith.addi %parallel_loop3A_195, %parallel_loop3A_496 : vector<16xi32>
        %parallel_loop3A_498 = arith.constant 0 : i32
        %parallel_loop3A_499 = arith.constant 0 : i32
        %parallel_loop3A_500 = tpu.memref_slice %arg7[%parallel_loop3A_111, %parallel_loop3A_498, %parallel_loop3A_499] : memref<2x8x1024xf32, #tpu.memory_space<vmem>> -> memref<1x8x1024xf32, #tpu.memory_space<vmem>>
        %parallel_loop3A_501 = tpu.memref_squeeze %parallel_loop3A_500 : memref<1x8x1024xf32, #tpu.memory_space<vmem>> -> memref<8x1024xf32, #tpu.memory_space<vmem>>
        tpu.vector_store_idx %parallel_loop3A_501[%parallel_loop3A_405, %parallel_loop3A_497], %parallel_loop3A_494 : memref<8x1024xf32, #tpu.memory_space<vmem>>[vector<16xi32>, vector<16xi32>], vector<16xf32>,
        %parallel_loop3A_502 = arith.constant 48 : i32
        %parallel_loop3A_503 = vector.broadcast %parallel_loop3A_502 : i32 to vector<16xi32>
        %parallel_loop3A_504 = arith.addi %parallel_loop3A_185, %parallel_loop3A_503 : vector<16xi32>
        %parallel_loop3A_505 = arith.constant 6 : i32
        %parallel_loop3A_506 = vector.broadcast %parallel_loop3A_505 : i32 to vector<16xi32>
        %parallel_loop3A_507 = arith.addi %parallel_loop3A_188, %parallel_loop3A_506 : vector<16xi32>
        %parallel_loop3A_508 = arith.constant 0 : i32
        %parallel_loop3A_509 = arith.constant 0 : i32
        %parallel_loop3A_510 = tpu.memref_slice %arg6[%parallel_loop3A_110, %parallel_loop3A_508, %parallel_loop3A_509] : memref<2x128x64xf32, #tpu.memory_space<vmem>> -> memref<1x128x64xf32, #tpu.memory_space<vmem>>
        %parallel_loop3A_511 = tpu.memref_squeeze %parallel_loop3A_510 : memref<1x128x64xf32, #tpu.memory_space<vmem>> -> memref<128x64xf32, #tpu.memory_space<vmem>>
        %parallel_loop3A_512 = tpu.vector_load_idx %parallel_loop3A_511[%add3A_5, %parallel_loop3A_504] : memref<128x64xf32, #tpu.memory_space<vmem>>[vector<16xi32>, vector<16xi32>], vector<16xf32>,
        %parallel_loop3A_513 = arith.constant 0 : i32
        %parallel_loop3A_514 = vector.broadcast %parallel_loop3A_513 : i32 to vector<16xi32>
        %parallel_loop3A_515 = arith.addi %parallel_loop3A_195, %parallel_loop3A_514 : vector<16xi32>
        %parallel_loop3A_516 = arith.constant 0 : i32
        %parallel_loop3A_517 = arith.constant 0 : i32
        %parallel_loop3A_518 = tpu.memref_slice %arg7[%parallel_loop3A_111, %parallel_loop3A_516, %parallel_loop3A_517] : memref<2x8x1024xf32, #tpu.memory_space<vmem>> -> memref<1x8x1024xf32, #tpu.memory_space<vmem>>
        %parallel_loop3A_519 = tpu.memref_squeeze %parallel_loop3A_518 : memref<1x8x1024xf32, #tpu.memory_space<vmem>> -> memref<8x1024xf32, #tpu.memory_space<vmem>>
        tpu.vector_store_idx %parallel_loop3A_519[%parallel_loop3A_507, %parallel_loop3A_515], %parallel_loop3A_512 : memref<8x1024xf32, #tpu.memory_space<vmem>>[vector<16xi32>, vector<16xi32>], vector<16xf32>,
        %parallel_loop3A_520 = arith.constant 0 : i32
        %parallel_loop3A_521 = arith.constant 0 : i32
        %parallel_loop3A_522 = tpu.memref_slice %arg6[%parallel_loop3A_110, %parallel_loop3A_520, %parallel_loop3A_521] : memref<2x128x64xf32, #tpu.memory_space<vmem>> -> memref<1x128x64xf32, #tpu.memory_space<vmem>>
        %parallel_loop3A_523 = tpu.memref_squeeze %parallel_loop3A_522 : memref<1x128x64xf32, #tpu.memory_space<vmem>> -> memref<128x64xf32, #tpu.memory_space<vmem>>
        %parallel_loop3A_524 = tpu.vector_load_idx %parallel_loop3A_523[%add3A_8, %parallel_loop3A_504] : memref<128x64xf32, #tpu.memory_space<vmem>>[vector<16xi32>, vector<16xi32>], vector<16xf32>,
        %parallel_loop3A_525 = arith.constant 16 : i32
        %parallel_loop3A_526 = vector.broadcast %parallel_loop3A_525 : i32 to vector<16xi32>
        %parallel_loop3A_527 = arith.addi %parallel_loop3A_195, %parallel_loop3A_526 : vector<16xi32>
        %parallel_loop3A_528 = arith.constant 0 : i32
        %parallel_loop3A_529 = arith.constant 0 : i32
        %parallel_loop3A_530 = tpu.memref_slice %arg7[%parallel_loop3A_111, %parallel_loop3A_528, %parallel_loop3A_529] : memref<2x8x1024xf32, #tpu.memory_space<vmem>> -> memref<1x8x1024xf32, #tpu.memory_space<vmem>>
        %parallel_loop3A_531 = tpu.memref_squeeze %parallel_loop3A_530 : memref<1x8x1024xf32, #tpu.memory_space<vmem>> -> memref<8x1024xf32, #tpu.memory_space<vmem>>
        tpu.vector_store_idx %parallel_loop3A_531[%parallel_loop3A_507, %parallel_loop3A_527], %parallel_loop3A_524 : memref<8x1024xf32, #tpu.memory_space<vmem>>[vector<16xi32>, vector<16xi32>], vector<16xf32>,
        %parallel_loop3A_532 = arith.constant 0 : i32
        %parallel_loop3A_533 = arith.constant 0 : i32
        %parallel_loop3A_534 = tpu.memref_slice %arg6[%parallel_loop3A_110, %parallel_loop3A_532, %parallel_loop3A_533] : memref<2x128x64xf32, #tpu.memory_space<vmem>> -> memref<1x128x64xf32, #tpu.memory_space<vmem>>
        %parallel_loop3A_535 = tpu.memref_squeeze %parallel_loop3A_534 : memref<1x128x64xf32, #tpu.memory_space<vmem>> -> memref<128x64xf32, #tpu.memory_space<vmem>>
        %parallel_loop3A_536 = tpu.vector_load_idx %parallel_loop3A_535[%add3A_11, %parallel_loop3A_504] : memref<128x64xf32, #tpu.memory_space<vmem>>[vector<16xi32>, vector<16xi32>], vector<16xf32>,
        %parallel_loop3A_537 = arith.constant 32 : i32
        %parallel_loop3A_538 = vector.broadcast %parallel_loop3A_537 : i32 to vector<16xi32>
        %parallel_loop3A_539 = arith.addi %parallel_loop3A_195, %parallel_loop3A_538 : vector<16xi32>
        %parallel_loop3A_540 = arith.constant 0 : i32
        %parallel_loop3A_541 = arith.constant 0 : i32
        %parallel_loop3A_542 = tpu.memref_slice %arg7[%parallel_loop3A_111, %parallel_loop3A_540, %parallel_loop3A_541] : memref<2x8x1024xf32, #tpu.memory_space<vmem>> -> memref<1x8x1024xf32, #tpu.memory_space<vmem>>
        %parallel_loop3A_543 = tpu.memref_squeeze %parallel_loop3A_542 : memref<1x8x1024xf32, #tpu.memory_space<vmem>> -> memref<8x1024xf32, #tpu.memory_space<vmem>>
        tpu.vector_store_idx %parallel_loop3A_543[%parallel_loop3A_507, %parallel_loop3A_539], %parallel_loop3A_536 : memref<8x1024xf32, #tpu.memory_space<vmem>>[vector<16xi32>, vector<16xi32>], vector<16xf32>,
        %parallel_loop3A_544 = arith.constant 0 : i32
        %parallel_loop3A_545 = arith.constant 0 : i32
        %parallel_loop3A_546 = tpu.memref_slice %arg6[%parallel_loop3A_110, %parallel_loop3A_544, %parallel_loop3A_545] : memref<2x128x64xf32, #tpu.memory_space<vmem>> -> memref<1x128x64xf32, #tpu.memory_space<vmem>>
        %parallel_loop3A_547 = tpu.memref_squeeze %parallel_loop3A_546 : memref<1x128x64xf32, #tpu.memory_space<vmem>> -> memref<128x64xf32, #tpu.memory_space<vmem>>
        %parallel_loop3A_548 = tpu.vector_load_idx %parallel_loop3A_547[%add3A_14, %parallel_loop3A_504] : memref<128x64xf32, #tpu.memory_space<vmem>>[vector<16xi32>, vector<16xi32>], vector<16xf32>,
        %parallel_loop3A_549 = arith.constant 48 : i32
        %parallel_loop3A_550 = vector.broadcast %parallel_loop3A_549 : i32 to vector<16xi32>
        %parallel_loop3A_551 = arith.addi %parallel_loop3A_195, %parallel_loop3A_550 : vector<16xi32>
        %parallel_loop3A_552 = arith.constant 0 : i32
        %parallel_loop3A_553 = arith.constant 0 : i32
        %parallel_loop3A_554 = tpu.memref_slice %arg7[%parallel_loop3A_111, %parallel_loop3A_552, %parallel_loop3A_553] : memref<2x8x1024xf32, #tpu.memory_space<vmem>> -> memref<1x8x1024xf32, #tpu.memory_space<vmem>>
        %parallel_loop3A_555 = tpu.memref_squeeze %parallel_loop3A_554 : memref<1x8x1024xf32, #tpu.memory_space<vmem>> -> memref<8x1024xf32, #tpu.memory_space<vmem>>
        tpu.vector_store_idx %parallel_loop3A_555[%parallel_loop3A_507, %parallel_loop3A_551], %parallel_loop3A_548 : memref<8x1024xf32, #tpu.memory_space<vmem>>[vector<16xi32>, vector<16xi32>], vector<16xf32>,
        %parallel_loop3A_556 = arith.constant 0 : i32
        %parallel_loop3A_557 = arith.constant 0 : i32
        %parallel_loop3A_558 = tpu.memref_slice %arg6[%parallel_loop3A_110, %parallel_loop3A_556, %parallel_loop3A_557] : memref<2x128x64xf32, #tpu.memory_space<vmem>> -> memref<1x128x64xf32, #tpu.memory_space<vmem>>
        %parallel_loop3A_559 = tpu.memref_squeeze %parallel_loop3A_558 : memref<1x128x64xf32, #tpu.memory_space<vmem>> -> memref<128x64xf32, #tpu.memory_space<vmem>>
        %parallel_loop3A_560 = tpu.vector_load_idx %parallel_loop3A_559[%add3A_17, %parallel_loop3A_504] : memref<128x64xf32, #tpu.memory_space<vmem>>[vector<16xi32>, vector<16xi32>], vector<16xf32>,
        %parallel_loop3A_561 = arith.constant 64 : i32
        %parallel_loop3A_562 = vector.broadcast %parallel_loop3A_561 : i32 to vector<16xi32>
        %parallel_loop3A_563 = arith.addi %parallel_loop3A_195, %parallel_loop3A_562 : vector<16xi32>
        %parallel_loop3A_564 = arith.constant 0 : i32
        %parallel_loop3A_565 = arith.constant 0 : i32
        %parallel_loop3A_566 = tpu.memref_slice %arg7[%parallel_loop3A_111, %parallel_loop3A_564, %parallel_loop3A_565] : memref<2x8x1024xf32, #tpu.memory_space<vmem>> -> memref<1x8x1024xf32, #tpu.memory_space<vmem>>
        %parallel_loop3A_567 = tpu.memref_squeeze %parallel_loop3A_566 : memref<1x8x1024xf32, #tpu.memory_space<vmem>> -> memref<8x1024xf32, #tpu.memory_space<vmem>>
        tpu.vector_store_idx %parallel_loop3A_567[%parallel_loop3A_507, %parallel_loop3A_563], %parallel_loop3A_560 : memref<8x1024xf32, #tpu.memory_space<vmem>>[vector<16xi32>, vector<16xi32>], vector<16xf32>,
        %parallel_loop3A_568 = arith.constant 0 : i32
        %parallel_loop3A_569 = arith.constant 0 : i32
        %parallel_loop3A_570 = tpu.memref_slice %arg6[%parallel_loop3A_110, %parallel_loop3A_568, %parallel_loop3A_569] : memref<2x128x64xf32, #tpu.memory_space<vmem>> -> memref<1x128x64xf32, #tpu.memory_space<vmem>>
        %parallel_loop3A_571 = tpu.memref_squeeze %parallel_loop3A_570 : memref<1x128x64xf32, #tpu.memory_space<vmem>> -> memref<128x64xf32, #tpu.memory_space<vmem>>
        %parallel_loop3A_572 = tpu.vector_load_idx %parallel_loop3A_571[%add3A_20, %parallel_loop3A_504] : memref<128x64xf32, #tpu.memory_space<vmem>>[vector<16xi32>, vector<16xi32>], vector<16xf32>,
        %parallel_loop3A_573 = arith.constant 80 : i32
        %parallel_loop3A_574 = vector.broadcast %parallel_loop3A_573 : i32 to vector<16xi32>
        %parallel_loop3A_575 = arith.addi %parallel_loop3A_195, %parallel_loop3A_574 : vector<16xi32>
        %parallel_loop3A_576 = arith.constant 0 : i32
        %parallel_loop3A_577 = arith.constant 0 : i32
        %parallel_loop3A_578 = tpu.memref_slice %arg7[%parallel_loop3A_111, %parallel_loop3A_576, %parallel_loop3A_577] : memref<2x8x1024xf32, #tpu.memory_space<vmem>> -> memref<1x8x1024xf32, #tpu.memory_space<vmem>>
        %parallel_loop3A_579 = tpu.memref_squeeze %parallel_loop3A_578 : memref<1x8x1024xf32, #tpu.memory_space<vmem>> -> memref<8x1024xf32, #tpu.memory_space<vmem>>
        tpu.vector_store_idx %parallel_loop3A_579[%parallel_loop3A_507, %parallel_loop3A_575], %parallel_loop3A_572 : memref<8x1024xf32, #tpu.memory_space<vmem>>[vector<16xi32>, vector<16xi32>], vector<16xf32>,
        %parallel_loop3A_580 = arith.constant 0 : i32
        %parallel_loop3A_581 = arith.constant 0 : i32
        %parallel_loop3A_582 = tpu.memref_slice %arg6[%parallel_loop3A_110, %parallel_loop3A_580, %parallel_loop3A_581] : memref<2x128x64xf32, #tpu.memory_space<vmem>> -> memref<1x128x64xf32, #tpu.memory_space<vmem>>
        %parallel_loop3A_583 = tpu.memref_squeeze %parallel_loop3A_582 : memref<1x128x64xf32, #tpu.memory_space<vmem>> -> memref<128x64xf32, #tpu.memory_space<vmem>>
        %parallel_loop3A_584 = tpu.vector_load_idx %parallel_loop3A_583[%add3A_23, %parallel_loop3A_504] : memref<128x64xf32, #tpu.memory_space<vmem>>[vector<16xi32>, vector<16xi32>], vector<16xf32>,
        %parallel_loop3A_585 = arith.constant 96 : i32
        %parallel_loop3A_586 = vector.broadcast %parallel_loop3A_585 : i32 to vector<16xi32>
        %parallel_loop3A_587 = arith.addi %parallel_loop3A_195, %parallel_loop3A_586 : vector<16xi32>
        %parallel_loop3A_588 = arith.constant 0 : i32
        %parallel_loop3A_589 = arith.constant 0 : i32
        %parallel_loop3A_590 = tpu.memref_slice %arg7[%parallel_loop3A_111, %parallel_loop3A_588, %parallel_loop3A_589] : memref<2x8x1024xf32, #tpu.memory_space<vmem>> -> memref<1x8x1024xf32, #tpu.memory_space<vmem>>
        %parallel_loop3A_591 = tpu.memref_squeeze %parallel_loop3A_590 : memref<1x8x1024xf32, #tpu.memory_space<vmem>> -> memref<8x1024xf32, #tpu.memory_space<vmem>>
        tpu.vector_store_idx %parallel_loop3A_591[%parallel_loop3A_507, %parallel_loop3A_587], %parallel_loop3A_584 : memref<8x1024xf32, #tpu.memory_space<vmem>>[vector<16xi32>, vector<16xi32>], vector<16xf32>,
        %parallel_loop3A_592 = arith.constant 0 : i32
        %parallel_loop3A_593 = arith.constant 0 : i32
        %parallel_loop3A_594 = tpu.memref_slice %arg6[%parallel_loop3A_110, %parallel_loop3A_592, %parallel_loop3A_593] : memref<2x128x64xf32, #tpu.memory_space<vmem>> -> memref<1x128x64xf32, #tpu.memory_space<vmem>>
        %parallel_loop3A_595 = tpu.memref_squeeze %parallel_loop3A_594 : memref<1x128x64xf32, #tpu.memory_space<vmem>> -> memref<128x64xf32, #tpu.memory_space<vmem>>
        %parallel_loop3A_596 = tpu.vector_load_idx %parallel_loop3A_595[%add3A_26, %parallel_loop3A_504] : memref<128x64xf32, #tpu.memory_space<vmem>>[vector<16xi32>, vector<16xi32>], vector<16xf32>,
        %parallel_loop3A_597 = arith.constant 112 : i32
        %parallel_loop3A_598 = vector.broadcast %parallel_loop3A_597 : i32 to vector<16xi32>
        %parallel_loop3A_599 = arith.addi %parallel_loop3A_195, %parallel_loop3A_598 : vector<16xi32>
        %parallel_loop3A_600 = arith.constant 0 : i32
        %parallel_loop3A_601 = arith.constant 0 : i32
        %parallel_loop3A_602 = tpu.memref_slice %arg7[%parallel_loop3A_111, %parallel_loop3A_600, %parallel_loop3A_601] : memref<2x8x1024xf32, #tpu.memory_space<vmem>> -> memref<1x8x1024xf32, #tpu.memory_space<vmem>>
        %parallel_loop3A_603 = tpu.memref_squeeze %parallel_loop3A_602 : memref<1x8x1024xf32, #tpu.memory_space<vmem>> -> memref<8x1024xf32, #tpu.memory_space<vmem>>
        tpu.vector_store_idx %parallel_loop3A_603[%parallel_loop3A_507, %parallel_loop3A_599], %parallel_loop3A_596 : memref<8x1024xf32, #tpu.memory_space<vmem>>[vector<16xi32>, vector<16xi32>], vector<16xf32>,
      } {sc.loop_unroll_factor = 8 : i64, sc.parallel_access}
      %dma_start3A_112 = arith.constant 0 : i32
      %dma_start3A_113 = arith.constant 0 : i32
      %dma_start3A_114 = arith.constant 0 : i32
      %dma_start3A_115 = tpu.memref_slice %arg7[%dma_start3A_112, %dma_start3A_113, %dma_start3A_114] : memref<2x8x1024xf32, #tpu.memory_space<vmem>> -> memref<1x8x1024xf32, #tpu.memory_space<vmem>>
      %dma_start3A_116 = tpu.memref_squeeze %dma_start3A_115 : memref<1x8x1024xf32, #tpu.memory_space<vmem>> -> memref<8x1024xf32, #tpu.memory_space<vmem>>
      %dma_start3A_117 = arith.constant 0 : i32
      %dma_start3A_118 = arith.constant 0 : i32
      %dma_start3A_119 = tpu.memref_slice %arg4[%add3A_94, %dma_start3A_117, %add3A, %dma_start3A_118] : memref<50x8x32x1024xf32, #tpu.memory_space<hbm>> -> memref<1x8x1x1024xf32, #tpu.memory_space<hbm>>
      %dma_start3A_120 = tpu.memref_squeeze %dma_start3A_119 : memref<1x8x1x1024xf32, #tpu.memory_space<hbm>> -> memref<8x1024xf32, #tpu.memory_space<hbm>>
      %dma_start3A_121 = arith.constant 0 : i32
      %dma_start3A_122 = arith.constant 0 : i32
      %dma_start3A_123 = tpu.memref_slice %arg4[%add3A_94, %dma_start3A_121, %add3A, %dma_start3A_122] : memref<50x8x32x1024xf32, #tpu.memory_space<hbm>> -> memref<1x8x1x1024xf32, #tpu.memory_space<hbm>>
      %dma_start3A_124 = tpu.memref_squeeze %dma_start3A_123 : memref<1x8x1x1024xf32, #tpu.memory_space<hbm>> -> memref<8x1024xf32, #tpu.memory_space<hbm>>
      %dma_start3A_125 = arith.constant 0 : i32
      %dma_start3A_126 = arith.constant 0 : i32
      %dma_start3A_127 = tpu.memref_slice %arg7[%dma_start3A_112, %dma_start3A_125, %dma_start3A_126] : memref<2x8x1024xf32, #tpu.memory_space<vmem>> -> memref<1x8x1024xf32, #tpu.memory_space<vmem>>
      %dma_start3A_128 = tpu.memref_squeeze %dma_start3A_127 : memref<1x8x1024xf32, #tpu.memory_space<vmem>> -> memref<8x1024xf32, #tpu.memory_space<vmem>>
      tpu.enqueue_dma source(%dma_start3A_128 : memref<8x1024xf32, #tpu.memory_space<vmem>>) target(%dma_start3A_124 : memref<8x1024xf32, #tpu.memory_space<hbm>>) target_semaphore(%arg10 : memref<!tpu.dma_semaphore, #tpu.memory_space<semaphore_mem>>)
      %lt3A = arith.constant 24 : i32
      %lt3A_129 = arith.cmpi slt, %scan3A_90, %lt3A : i32
      %convert_element_type3A_130 = arith.extui %lt3A_129 : i1 to i32
      %cond3A_131 = arith.constant 0 : i32
      %cond3A_132 = arith.cmpi ne, %convert_element_type3A_130, %cond3A_131 : i32
      scf.if %cond3A_132 {
        %add3A_180 = arith.constant 2 : i32
        %add3A_181 = arith.addi %add3A_94, %add3A_180 : i32
        %dma_start3A_182 = arith.constant 0 : i32
        %dma_start3A_183 = arith.constant 0 : i32
        %dma_start3A_184 = arith.constant 0 : i32
        %dma_start3A_185 = tpu.memref_slice %arg6[%dma_start3A_182, %dma_start3A_183, %dma_start3A_184] : memref<2x128x64xf32, #tpu.memory_space<vmem>> -> memref<1x128x64xf32, #tpu.memory_space<vmem>>
        %dma_start3A_186 = tpu.memref_squeeze %dma_start3A_185 : memref<1x128x64xf32, #tpu.memory_space<vmem>> -> memref<128x64xf32, #tpu.memory_space<vmem>>
        %dma_start3A_187 = arith.constant 0 : i32
        %dma_start3A_188 = tpu.memref_slice %arg5[%add3A_181, %dma_start3A_187] : memref<50x128xi32, #tpu.memory_space<vmem>> -> memref<1x128xi32, #tpu.memory_space<vmem>>
        %dma_start3A_189 = tpu.memref_squeeze %dma_start3A_188 : memref<1x128xi32, #tpu.memory_space<vmem>> -> memref<128xi32, #tpu.memory_space<vmem>>
        %dma_start3A_190 = arith.constant 0 : i32
        %dma_start3A_191 = arith.constant 0 : i32
        %dma_start3A_192 = tpu.memref_slice %arg2[%dma_start3A_190, %dma_start3A_191] : memref<100000x64xf32, #tpu.memory_space<hbm>> -> memref<100000x64xf32, #tpu.memory_space<hbm>>
        tpu.enqueue_indirect_dma source(%dma_start3A_192 : memref<100000x64xf32, #tpu.memory_space<hbm>>) target(%dma_start3A_186 : memref<128x64xf32, #tpu.memory_space<vmem>>) offsets(%dma_start3A_189 : memref<128xi32, #tpu.memory_space<vmem>>) semaphore(%arg8 : memref<!tpu.dma_semaphore, #tpu.memory_space<semaphore_mem>>)
      } else {
      }
      %mul3A_133 = arith.constant 2 : i32
      %mul3A_134 = arith.muli %mul3A_133, %scan3A_90 : i32
      %add3A_135 = arith.constant 1 : i32
      %add3A_136 = arith.addi %mul3A_134, %add3A_135 : i32
      %dma_wait3A_137 = arith.constant 1 : i32
      %dma_wait3A_138 = arith.constant 0 : i32
      %dma_wait3A_139 = arith.constant 0 : i32
      %dma_wait3A_140 = tpu.memref_slice %arg6[%dma_wait3A_137, %dma_wait3A_138, %dma_wait3A_139] : memref<2x128x64xf32, #tpu.memory_space<vmem>> -> memref<1x128x64xf32, #tpu.memory_space<vmem>>
      %dma_wait3A_141 = tpu.memref_squeeze %dma_wait3A_140 : memref<1x128x64xf32, #tpu.memory_space<vmem>> -> memref<128x64xf32, #tpu.memory_space<vmem>>
      %dma_wait3A_142 = arith.constant 0 : i32
      %dma_wait3A_143 = tpu.memref_slice %arg5[%add3A_136, %dma_wait3A_142] : memref<50x128xi32, #tpu.memory_space<vmem>> -> memref<1x128xi32, #tpu.memory_space<vmem>>
      %dma_wait3A_144 = tpu.memref_squeeze %dma_wait3A_143 : memref<1x128xi32, #tpu.memory_space<vmem>> -> memref<128xi32, #tpu.memory_space<vmem>>
      %dma_wait3A_145 = arith.constant 0 : i32
      %dma_wait3A_146 = arith.constant 0 : i32
      %dma_wait3A_147 = tpu.memref_slice %arg2[%dma_wait3A_145, %dma_wait3A_146] : memref<100000x64xf32, #tpu.memory_space<hbm>> -> memref<100000x64xf32, #tpu.memory_space<hbm>>
      tpu.wait_indirect_dma semaphore(%arg9 : memref<!tpu.dma_semaphore, #tpu.memory_space<semaphore_mem>>) src(%dma_wait3A_147 : memref<100000x64xf32, #tpu.memory_space<hbm>>) dst(%dma_wait3A_141 : memref<128x64xf32, #tpu.memory_space<vmem>>)
      %gt3A_148 = arith.constant 0 : i32
      %gt3A_149 = arith.cmpi sgt, %scan3A_90, %gt3A_148 : i32
      %convert_element_type3A_150 = arith.extui %gt3A_149 : i1 to i32
      %cond3A_151 = arith.constant 0 : i32
      %cond3A_152 = arith.cmpi ne, %convert_element_type3A_150, %cond3A_151 : i32
      scf.if %cond3A_152 {
        %sub3A = arith.constant 2 : i32
        %sub3A_180 = arith.subi %add3A_136, %sub3A : i32
        %dma_wait3A_181 = arith.constant 1 : i32
        %dma_wait3A_182 = arith.constant 0 : i32
        %dma_wait3A_183 = arith.constant 0 : i32
        %dma_wait3A_184 = tpu.memref_slice %arg7[%dma_wait3A_181, %dma_wait3A_182, %dma_wait3A_183] : memref<2x8x1024xf32, #tpu.memory_space<vmem>> -> memref<1x8x1024xf32, #tpu.memory_space<vmem>>
        %dma_wait3A_185 = tpu.memref_squeeze %dma_wait3A_184 : memref<1x8x1024xf32, #tpu.memory_space<vmem>> -> memref<8x1024xf32, #tpu.memory_space<vmem>>
        %dma_wait3A_186 = arith.constant 0 : i32
        %dma_wait3A_187 = arith.constant 0 : i32
        %dma_wait3A_188 = tpu.memref_slice %arg4[%sub3A_180, %dma_wait3A_186, %add3A, %dma_wait3A_187] : memref<50x8x32x1024xf32, #tpu.memory_space<hbm>> -> memref<1x8x1x1024xf32, #tpu.memory_space<hbm>>
        %dma_wait3A_189 = tpu.memref_squeeze %dma_wait3A_188 : memref<1x8x1x1024xf32, #tpu.memory_space<hbm>> -> memref<8x1024xf32, #tpu.memory_space<hbm>>
        %dma_wait3A_190 = arith.constant 0 : i32
        %dma_wait3A_191 = arith.constant 0 : i32
        %dma_wait3A_192 = tpu.memref_slice %arg4[%sub3A_180, %dma_wait3A_190, %add3A, %dma_wait3A_191] : memref<50x8x32x1024xf32, #tpu.memory_space<hbm>> -> memref<1x8x1x1024xf32, #tpu.memory_space<hbm>>
        %dma_wait3A_193 = tpu.memref_squeeze %dma_wait3A_192 : memref<1x8x1x1024xf32, #tpu.memory_space<hbm>> -> memref<8x1024xf32, #tpu.memory_space<hbm>>
        %dma_wait3A_194 = arith.constant 0 : i32
        %dma_wait3A_195 = arith.constant 0 : i32
        %dma_wait3A_196 = tpu.memref_slice %arg7[%dma_wait3A_181, %dma_wait3A_194, %dma_wait3A_195] : memref<2x8x1024xf32, #tpu.memory_space<vmem>> -> memref<1x8x1024xf32, #tpu.memory_space<vmem>>
        %dma_wait3A_197 = tpu.memref_squeeze %dma_wait3A_196 : memref<1x8x1024xf32, #tpu.memory_space<vmem>> -> memref<8x1024xf32, #tpu.memory_space<vmem>>
        tpu.wait_dma2 semaphore(%arg11 : memref<!tpu.dma_semaphore, #tpu.memory_space<semaphore_mem>>) src(%dma_wait3A_197 : memref<8x1024xf32, #tpu.memory_space<vmem>>) dst(%dma_wait3A_193 : memref<8x1024xf32, #tpu.memory_space<hbm>>)
      } else {
      }
      %parallel_loop3A_153 = arith.constant 0 : i32
      %parallel_loop3A_154 = arith.constant 16 : i32
      %parallel_loop3A_155 = arith.constant 1 : i32
      %parallel_loop3A_156 = arith.constant 1 : i32
      %parallel_loop3A_157 = arith.constant 1 : i32
      scf.for %parallel_loop3A_180 = %parallel_loop3A_153 to %parallel_loop3A_154 step %parallel_loop3A_155  : i32 {
        %parallel_loop3A_181 = vector.broadcast %parallel_loop3A_180 : i32 to vector<16xi32>
        %parallel_loop3A_182 = arith.addi %parallel_loop3A_181, %iota3A : vector<16xi32>
        %parallel_loop3A_183 = arith.constant 15 : i32
        %parallel_loop3A_184 = vector.broadcast %parallel_loop3A_183 : i32 to vector<16xi32>
        %parallel_loop3A_185 = arith.andi %parallel_loop3A_182, %parallel_loop3A_184 : vector<16xi32>
        %parallel_loop3A_186 = arith.constant 3 : i32
        %parallel_loop3A_187 = vector.broadcast %parallel_loop3A_186 : i32 to vector<16xi32>
        %parallel_loop3A_188 = arith.shrsi %parallel_loop3A_185, %parallel_loop3A_187 : vector<16xi32>
        %parallel_loop3A_189 = arith.constant 7 : i32
        %parallel_loop3A_190 = vector.broadcast %parallel_loop3A_189 : i32 to vector<16xi32>
        %parallel_loop3A_191 = arith.andi %parallel_loop3A_185, %parallel_loop3A_190 : vector<16xi32>
        %parallel_loop3A_192 = arith.constant 7 : i32
        %parallel_loop3A_193 = vector.broadcast %parallel_loop3A_192 : i32 to vector<16xi32>
        %parallel_loop3A_194 = arith.shli %parallel_loop3A_191, %parallel_loop3A_193 : vector<16xi32>
        %parallel_loop3A_195 = arith.addi %parallel_loop3A_194, %iota3A : vector<16xi32>
        %parallel_loop3A_196 = arith.constant 0 : i32
        %parallel_loop3A_197 = vector.broadcast %parallel_loop3A_196 : i32 to vector<16xi32>
        %parallel_loop3A_198 = arith.addi %parallel_loop3A_185, %parallel_loop3A_197 : vector<16xi32>
        %parallel_loop3A_199 = arith.constant 0 : i32
        %parallel_loop3A_200 = vector.broadcast %parallel_loop3A_199 : i32 to vector<16xi32>
        %parallel_loop3A_201 = arith.addi %parallel_loop3A_188, %parallel_loop3A_200 : vector<16xi32>
        %parallel_loop3A_202 = arith.constant 0 : i32
        %parallel_loop3A_203 = arith.constant 0 : i32
        %parallel_loop3A_204 = tpu.memref_slice %arg6[%parallel_loop3A_156, %parallel_loop3A_202, %parallel_loop3A_203] : memref<2x128x64xf32, #tpu.memory_space<vmem>> -> memref<1x128x64xf32, #tpu.memory_space<vmem>>
        %parallel_loop3A_205 = tpu.memref_squeeze %parallel_loop3A_204 : memref<1x128x64xf32, #tpu.memory_space<vmem>> -> memref<128x64xf32, #tpu.memory_space<vmem>>
        %parallel_loop3A_206 = tpu.vector_load_idx %parallel_loop3A_205[%add3A_5, %parallel_loop3A_198] : memref<128x64xf32, #tpu.memory_space<vmem>>[vector<16xi32>, vector<16xi32>], vector<16xf32>,
        %parallel_loop3A_207 = arith.constant 0 : i32
        %parallel_loop3A_208 = vector.broadcast %parallel_loop3A_207 : i32 to vector<16xi32>
        %parallel_loop3A_209 = arith.addi %parallel_loop3A_195, %parallel_loop3A_208 : vector<16xi32>
        %parallel_loop3A_210 = arith.constant 0 : i32
        %parallel_loop3A_211 = arith.constant 0 : i32
        %parallel_loop3A_212 = tpu.memref_slice %arg7[%parallel_loop3A_157, %parallel_loop3A_210, %parallel_loop3A_211] : memref<2x8x1024xf32, #tpu.memory_space<vmem>> -> memref<1x8x1024xf32, #tpu.memory_space<vmem>>
        %parallel_loop3A_213 = tpu.memref_squeeze %parallel_loop3A_212 : memref<1x8x1024xf32, #tpu.memory_space<vmem>> -> memref<8x1024xf32, #tpu.memory_space<vmem>>
        tpu.vector_store_idx %parallel_loop3A_213[%parallel_loop3A_201, %parallel_loop3A_209], %parallel_loop3A_206 : memref<8x1024xf32, #tpu.memory_space<vmem>>[vector<16xi32>, vector<16xi32>], vector<16xf32>,
        %parallel_loop3A_214 = arith.constant 0 : i32
        %parallel_loop3A_215 = arith.constant 0 : i32
        %parallel_loop3A_216 = tpu.memref_slice %arg6[%parallel_loop3A_156, %parallel_loop3A_214, %parallel_loop3A_215] : memref<2x128x64xf32, #tpu.memory_space<vmem>> -> memref<1x128x64xf32, #tpu.memory_space<vmem>>
        %parallel_loop3A_217 = tpu.memref_squeeze %parallel_loop3A_216 : memref<1x128x64xf32, #tpu.memory_space<vmem>> -> memref<128x64xf32, #tpu.memory_space<vmem>>
        %parallel_loop3A_218 = tpu.vector_load_idx %parallel_loop3A_217[%add3A_8, %parallel_loop3A_198] : memref<128x64xf32, #tpu.memory_space<vmem>>[vector<16xi32>, vector<16xi32>], vector<16xf32>,
        %parallel_loop3A_219 = arith.constant 16 : i32
        %parallel_loop3A_220 = vector.broadcast %parallel_loop3A_219 : i32 to vector<16xi32>
        %parallel_loop3A_221 = arith.addi %parallel_loop3A_195, %parallel_loop3A_220 : vector<16xi32>
        %parallel_loop3A_222 = arith.constant 0 : i32
        %parallel_loop3A_223 = arith.constant 0 : i32
        %parallel_loop3A_224 = tpu.memref_slice %arg7[%parallel_loop3A_157, %parallel_loop3A_222, %parallel_loop3A_223] : memref<2x8x1024xf32, #tpu.memory_space<vmem>> -> memref<1x8x1024xf32, #tpu.memory_space<vmem>>
        %parallel_loop3A_225 = tpu.memref_squeeze %parallel_loop3A_224 : memref<1x8x1024xf32, #tpu.memory_space<vmem>> -> memref<8x1024xf32, #tpu.memory_space<vmem>>
        tpu.vector_store_idx %parallel_loop3A_225[%parallel_loop3A_201, %parallel_loop3A_221], %parallel_loop3A_218 : memref<8x1024xf32, #tpu.memory_space<vmem>>[vector<16xi32>, vector<16xi32>], vector<16xf32>,
        %parallel_loop3A_226 = arith.constant 0 : i32
        %parallel_loop3A_227 = arith.constant 0 : i32
        %parallel_loop3A_228 = tpu.memref_slice %arg6[%parallel_loop3A_156, %parallel_loop3A_226, %parallel_loop3A_227] : memref<2x128x64xf32, #tpu.memory_space<vmem>> -> memref<1x128x64xf32, #tpu.memory_space<vmem>>
        %parallel_loop3A_229 = tpu.memref_squeeze %parallel_loop3A_228 : memref<1x128x64xf32, #tpu.memory_space<vmem>> -> memref<128x64xf32, #tpu.memory_space<vmem>>
        %parallel_loop3A_230 = tpu.vector_load_idx %parallel_loop3A_229[%add3A_11, %parallel_loop3A_198] : memref<128x64xf32, #tpu.memory_space<vmem>>[vector<16xi32>, vector<16xi32>], vector<16xf32>,
        %parallel_loop3A_231 = arith.constant 32 : i32
        %parallel_loop3A_232 = vector.broadcast %parallel_loop3A_231 : i32 to vector<16xi32>
        %parallel_loop3A_233 = arith.addi %parallel_loop3A_195, %parallel_loop3A_232 : vector<16xi32>
        %parallel_loop3A_234 = arith.constant 0 : i32
        %parallel_loop3A_235 = arith.constant 0 : i32
        %parallel_loop3A_236 = tpu.memref_slice %arg7[%parallel_loop3A_157, %parallel_loop3A_234, %parallel_loop3A_235] : memref<2x8x1024xf32, #tpu.memory_space<vmem>> -> memref<1x8x1024xf32, #tpu.memory_space<vmem>>
        %parallel_loop3A_237 = tpu.memref_squeeze %parallel_loop3A_236 : memref<1x8x1024xf32, #tpu.memory_space<vmem>> -> memref<8x1024xf32, #tpu.memory_space<vmem>>
        tpu.vector_store_idx %parallel_loop3A_237[%parallel_loop3A_201, %parallel_loop3A_233], %parallel_loop3A_230 : memref<8x1024xf32, #tpu.memory_space<vmem>>[vector<16xi32>, vector<16xi32>], vector<16xf32>,
        %parallel_loop3A_238 = arith.constant 0 : i32
        %parallel_loop3A_239 = arith.constant 0 : i32
        %parallel_loop3A_240 = tpu.memref_slice %arg6[%parallel_loop3A_156, %parallel_loop3A_238, %parallel_loop3A_239] : memref<2x128x64xf32, #tpu.memory_space<vmem>> -> memref<1x128x64xf32, #tpu.memory_space<vmem>>
        %parallel_loop3A_241 = tpu.memref_squeeze %parallel_loop3A_240 : memref<1x128x64xf32, #tpu.memory_space<vmem>> -> memref<128x64xf32, #tpu.memory_space<vmem>>
        %parallel_loop3A_242 = tpu.vector_load_idx %parallel_loop3A_241[%add3A_14, %parallel_loop3A_198] : memref<128x64xf32, #tpu.memory_space<vmem>>[vector<16xi32>, vector<16xi32>], vector<16xf32>,
        %parallel_loop3A_243 = arith.constant 48 : i32
        %parallel_loop3A_244 = vector.broadcast %parallel_loop3A_243 : i32 to vector<16xi32>
        %parallel_loop3A_245 = arith.addi %parallel_loop3A_195, %parallel_loop3A_244 : vector<16xi32>
        %parallel_loop3A_246 = arith.constant 0 : i32
        %parallel_loop3A_247 = arith.constant 0 : i32
        %parallel_loop3A_248 = tpu.memref_slice %arg7[%parallel_loop3A_157, %parallel_loop3A_246, %parallel_loop3A_247] : memref<2x8x1024xf32, #tpu.memory_space<vmem>> -> memref<1x8x1024xf32, #tpu.memory_space<vmem>>
        %parallel_loop3A_249 = tpu.memref_squeeze %parallel_loop3A_248 : memref<1x8x1024xf32, #tpu.memory_space<vmem>> -> memref<8x1024xf32, #tpu.memory_space<vmem>>
        tpu.vector_store_idx %parallel_loop3A_249[%parallel_loop3A_201, %parallel_loop3A_245], %parallel_loop3A_242 : memref<8x1024xf32, #tpu.memory_space<vmem>>[vector<16xi32>, vector<16xi32>], vector<16xf32>,
        %parallel_loop3A_250 = arith.constant 0 : i32
        %parallel_loop3A_251 = arith.constant 0 : i32
        %parallel_loop3A_252 = tpu.memref_slice %arg6[%parallel_loop3A_156, %parallel_loop3A_250, %parallel_loop3A_251] : memref<2x128x64xf32, #tpu.memory_space<vmem>> -> memref<1x128x64xf32, #tpu.memory_space<vmem>>
        %parallel_loop3A_253 = tpu.memref_squeeze %parallel_loop3A_252 : memref<1x128x64xf32, #tpu.memory_space<vmem>> -> memref<128x64xf32, #tpu.memory_space<vmem>>
        %parallel_loop3A_254 = tpu.vector_load_idx %parallel_loop3A_253[%add3A_17, %parallel_loop3A_198] : memref<128x64xf32, #tpu.memory_space<vmem>>[vector<16xi32>, vector<16xi32>], vector<16xf32>,
        %parallel_loop3A_255 = arith.constant 64 : i32
        %parallel_loop3A_256 = vector.broadcast %parallel_loop3A_255 : i32 to vector<16xi32>
        %parallel_loop3A_257 = arith.addi %parallel_loop3A_195, %parallel_loop3A_256 : vector<16xi32>
        %parallel_loop3A_258 = arith.constant 0 : i32
        %parallel_loop3A_259 = arith.constant 0 : i32
        %parallel_loop3A_260 = tpu.memref_slice %arg7[%parallel_loop3A_157, %parallel_loop3A_258, %parallel_loop3A_259] : memref<2x8x1024xf32, #tpu.memory_space<vmem>> -> memref<1x8x1024xf32, #tpu.memory_space<vmem>>
        %parallel_loop3A_261 = tpu.memref_squeeze %parallel_loop3A_260 : memref<1x8x1024xf32, #tpu.memory_space<vmem>> -> memref<8x1024xf32, #tpu.memory_space<vmem>>
        tpu.vector_store_idx %parallel_loop3A_261[%parallel_loop3A_201, %parallel_loop3A_257], %parallel_loop3A_254 : memref<8x1024xf32, #tpu.memory_space<vmem>>[vector<16xi32>, vector<16xi32>], vector<16xf32>,
        %parallel_loop3A_262 = arith.constant 0 : i32
        %parallel_loop3A_263 = arith.constant 0 : i32
        %parallel_loop3A_264 = tpu.memref_slice %arg6[%parallel_loop3A_156, %parallel_loop3A_262, %parallel_loop3A_263] : memref<2x128x64xf32, #tpu.memory_space<vmem>> -> memref<1x128x64xf32, #tpu.memory_space<vmem>>
        %parallel_loop3A_265 = tpu.memref_squeeze %parallel_loop3A_264 : memref<1x128x64xf32, #tpu.memory_space<vmem>> -> memref<128x64xf32, #tpu.memory_space<vmem>>
        %parallel_loop3A_266 = tpu.vector_load_idx %parallel_loop3A_265[%add3A_20, %parallel_loop3A_198] : memref<128x64xf32, #tpu.memory_space<vmem>>[vector<16xi32>, vector<16xi32>], vector<16xf32>,
        %parallel_loop3A_267 = arith.constant 80 : i32
        %parallel_loop3A_268 = vector.broadcast %parallel_loop3A_267 : i32 to vector<16xi32>
        %parallel_loop3A_269 = arith.addi %parallel_loop3A_195, %parallel_loop3A_268 : vector<16xi32>
        %parallel_loop3A_270 = arith.constant 0 : i32
        %parallel_loop3A_271 = arith.constant 0 : i32
        %parallel_loop3A_272 = tpu.memref_slice %arg7[%parallel_loop3A_157, %parallel_loop3A_270, %parallel_loop3A_271] : memref<2x8x1024xf32, #tpu.memory_space<vmem>> -> memref<1x8x1024xf32, #tpu.memory_space<vmem>>
        %parallel_loop3A_273 = tpu.memref_squeeze %parallel_loop3A_272 : memref<1x8x1024xf32, #tpu.memory_space<vmem>> -> memref<8x1024xf32, #tpu.memory_space<vmem>>
        tpu.vector_store_idx %parallel_loop3A_273[%parallel_loop3A_201, %parallel_loop3A_269], %parallel_loop3A_266 : memref<8x1024xf32, #tpu.memory_space<vmem>>[vector<16xi32>, vector<16xi32>], vector<16xf32>,
        %parallel_loop3A_274 = arith.constant 0 : i32
        %parallel_loop3A_275 = arith.constant 0 : i32
        %parallel_loop3A_276 = tpu.memref_slice %arg6[%parallel_loop3A_156, %parallel_loop3A_274, %parallel_loop3A_275] : memref<2x128x64xf32, #tpu.memory_space<vmem>> -> memref<1x128x64xf32, #tpu.memory_space<vmem>>
        %parallel_loop3A_277 = tpu.memref_squeeze %parallel_loop3A_276 : memref<1x128x64xf32, #tpu.memory_space<vmem>> -> memref<128x64xf32, #tpu.memory_space<vmem>>
        %parallel_loop3A_278 = tpu.vector_load_idx %parallel_loop3A_277[%add3A_23, %parallel_loop3A_198] : memref<128x64xf32, #tpu.memory_space<vmem>>[vector<16xi32>, vector<16xi32>], vector<16xf32>,
        %parallel_loop3A_279 = arith.constant 96 : i32
        %parallel_loop3A_280 = vector.broadcast %parallel_loop3A_279 : i32 to vector<16xi32>
        %parallel_loop3A_281 = arith.addi %parallel_loop3A_195, %parallel_loop3A_280 : vector<16xi32>
        %parallel_loop3A_282 = arith.constant 0 : i32
        %parallel_loop3A_283 = arith.constant 0 : i32
        %parallel_loop3A_284 = tpu.memref_slice %arg7[%parallel_loop3A_157, %parallel_loop3A_282, %parallel_loop3A_283] : memref<2x8x1024xf32, #tpu.memory_space<vmem>> -> memref<1x8x1024xf32, #tpu.memory_space<vmem>>
        %parallel_loop3A_285 = tpu.memref_squeeze %parallel_loop3A_284 : memref<1x8x1024xf32, #tpu.memory_space<vmem>> -> memref<8x1024xf32, #tpu.memory_space<vmem>>
        tpu.vector_store_idx %parallel_loop3A_285[%parallel_loop3A_201, %parallel_loop3A_281], %parallel_loop3A_278 : memref<8x1024xf32, #tpu.memory_space<vmem>>[vector<16xi32>, vector<16xi32>], vector<16xf32>,
        %parallel_loop3A_286 = arith.constant 0 : i32
        %parallel_loop3A_287 = arith.constant 0 : i32
        %parallel_loop3A_288 = tpu.memref_slice %arg6[%parallel_loop3A_156, %parallel_loop3A_286, %parallel_loop3A_287] : memref<2x128x64xf32, #tpu.memory_space<vmem>> -> memref<1x128x64xf32, #tpu.memory_space<vmem>>
        %parallel_loop3A_289 = tpu.memref_squeeze %parallel_loop3A_288 : memref<1x128x64xf32, #tpu.memory_space<vmem>> -> memref<128x64xf32, #tpu.memory_space<vmem>>
        %parallel_loop3A_290 = tpu.vector_load_idx %parallel_loop3A_289[%add3A_26, %parallel_loop3A_198] : memref<128x64xf32, #tpu.memory_space<vmem>>[vector<16xi32>, vector<16xi32>], vector<16xf32>,
        %parallel_loop3A_291 = arith.constant 112 : i32
        %parallel_loop3A_292 = vector.broadcast %parallel_loop3A_291 : i32 to vector<16xi32>
        %parallel_loop3A_293 = arith.addi %parallel_loop3A_195, %parallel_loop3A_292 : vector<16xi32>
        %parallel_loop3A_294 = arith.constant 0 : i32
        %parallel_loop3A_295 = arith.constant 0 : i32
        %parallel_loop3A_296 = tpu.memref_slice %arg7[%parallel_loop3A_157, %parallel_loop3A_294, %parallel_loop3A_295] : memref<2x8x1024xf32, #tpu.memory_space<vmem>> -> memref<1x8x1024xf32, #tpu.memory_space<vmem>>
        %parallel_loop3A_297 = tpu.memref_squeeze %parallel_loop3A_296 : memref<1x8x1024xf32, #tpu.memory_space<vmem>> -> memref<8x1024xf32, #tpu.memory_space<vmem>>
        tpu.vector_store_idx %parallel_loop3A_297[%parallel_loop3A_201, %parallel_loop3A_293], %parallel_loop3A_290 : memref<8x1024xf32, #tpu.memory_space<vmem>>[vector<16xi32>, vector<16xi32>], vector<16xf32>,
        %parallel_loop3A_298 = arith.constant 16 : i32
        %parallel_loop3A_299 = vector.broadcast %parallel_loop3A_298 : i32 to vector<16xi32>
        %parallel_loop3A_300 = arith.addi %parallel_loop3A_185, %parallel_loop3A_299 : vector<16xi32>
        %parallel_loop3A_301 = arith.constant 2 : i32
        %parallel_loop3A_302 = vector.broadcast %parallel_loop3A_301 : i32 to vector<16xi32>
        %parallel_loop3A_303 = arith.addi %parallel_loop3A_188, %parallel_loop3A_302 : vector<16xi32>
        %parallel_loop3A_304 = arith.constant 0 : i32
        %parallel_loop3A_305 = arith.constant 0 : i32
        %parallel_loop3A_306 = tpu.memref_slice %arg6[%parallel_loop3A_156, %parallel_loop3A_304, %parallel_loop3A_305] : memref<2x128x64xf32, #tpu.memory_space<vmem>> -> memref<1x128x64xf32, #tpu.memory_space<vmem>>
        %parallel_loop3A_307 = tpu.memref_squeeze %parallel_loop3A_306 : memref<1x128x64xf32, #tpu.memory_space<vmem>> -> memref<128x64xf32, #tpu.memory_space<vmem>>
        %parallel_loop3A_308 = tpu.vector_load_idx %parallel_loop3A_307[%add3A_5, %parallel_loop3A_300] : memref<128x64xf32, #tpu.memory_space<vmem>>[vector<16xi32>, vector<16xi32>], vector<16xf32>,
        %parallel_loop3A_309 = arith.constant 0 : i32
        %parallel_loop3A_310 = vector.broadcast %parallel_loop3A_309 : i32 to vector<16xi32>
        %parallel_loop3A_311 = arith.addi %parallel_loop3A_195, %parallel_loop3A_310 : vector<16xi32>
        %parallel_loop3A_312 = arith.constant 0 : i32
        %parallel_loop3A_313 = arith.constant 0 : i32
        %parallel_loop3A_314 = tpu.memref_slice %arg7[%parallel_loop3A_157, %parallel_loop3A_312, %parallel_loop3A_313] : memref<2x8x1024xf32, #tpu.memory_space<vmem>> -> memref<1x8x1024xf32, #tpu.memory_space<vmem>>
        %parallel_loop3A_315 = tpu.memref_squeeze %parallel_loop3A_314 : memref<1x8x1024xf32, #tpu.memory_space<vmem>> -> memref<8x1024xf32, #tpu.memory_space<vmem>>
        tpu.vector_store_idx %parallel_loop3A_315[%parallel_loop3A_303, %parallel_loop3A_311], %parallel_loop3A_308 : memref<8x1024xf32, #tpu.memory_space<vmem>>[vector<16xi32>, vector<16xi32>], vector<16xf32>,
        %parallel_loop3A_316 = arith.constant 0 : i32
        %parallel_loop3A_317 = arith.constant 0 : i32
        %parallel_loop3A_318 = tpu.memref_slice %arg6[%parallel_loop3A_156, %parallel_loop3A_316, %parallel_loop3A_317] : memref<2x128x64xf32, #tpu.memory_space<vmem>> -> memref<1x128x64xf32, #tpu.memory_space<vmem>>
        %parallel_loop3A_319 = tpu.memref_squeeze %parallel_loop3A_318 : memref<1x128x64xf32, #tpu.memory_space<vmem>> -> memref<128x64xf32, #tpu.memory_space<vmem>>
        %parallel_loop3A_320 = tpu.vector_load_idx %parallel_loop3A_319[%add3A_8, %parallel_loop3A_300] : memref<128x64xf32, #tpu.memory_space<vmem>>[vector<16xi32>, vector<16xi32>], vector<16xf32>,
        %parallel_loop3A_321 = arith.constant 16 : i32
        %parallel_loop3A_322 = vector.broadcast %parallel_loop3A_321 : i32 to vector<16xi32>
        %parallel_loop3A_323 = arith.addi %parallel_loop3A_195, %parallel_loop3A_322 : vector<16xi32>
        %parallel_loop3A_324 = arith.constant 0 : i32
        %parallel_loop3A_325 = arith.constant 0 : i32
        %parallel_loop3A_326 = tpu.memref_slice %arg7[%parallel_loop3A_157, %parallel_loop3A_324, %parallel_loop3A_325] : memref<2x8x1024xf32, #tpu.memory_space<vmem>> -> memref<1x8x1024xf32, #tpu.memory_space<vmem>>
        %parallel_loop3A_327 = tpu.memref_squeeze %parallel_loop3A_326 : memref<1x8x1024xf32, #tpu.memory_space<vmem>> -> memref<8x1024xf32, #tpu.memory_space<vmem>>
        tpu.vector_store_idx %parallel_loop3A_327[%parallel_loop3A_303, %parallel_loop3A_323], %parallel_loop3A_320 : memref<8x1024xf32, #tpu.memory_space<vmem>>[vector<16xi32>, vector<16xi32>], vector<16xf32>,
        %parallel_loop3A_328 = arith.constant 0 : i32
        %parallel_loop3A_329 = arith.constant 0 : i32
        %parallel_loop3A_330 = tpu.memref_slice %arg6[%parallel_loop3A_156, %parallel_loop3A_328, %parallel_loop3A_329] : memref<2x128x64xf32, #tpu.memory_space<vmem>> -> memref<1x128x64xf32, #tpu.memory_space<vmem>>
        %parallel_loop3A_331 = tpu.memref_squeeze %parallel_loop3A_330 : memref<1x128x64xf32, #tpu.memory_space<vmem>> -> memref<128x64xf32, #tpu.memory_space<vmem>>
        %parallel_loop3A_332 = tpu.vector_load_idx %parallel_loop3A_331[%add3A_11, %parallel_loop3A_300] : memref<128x64xf32, #tpu.memory_space<vmem>>[vector<16xi32>, vector<16xi32>], vector<16xf32>,
        %parallel_loop3A_333 = arith.constant 32 : i32
        %parallel_loop3A_334 = vector.broadcast %parallel_loop3A_333 : i32 to vector<16xi32>
        %parallel_loop3A_335 = arith.addi %parallel_loop3A_195, %parallel_loop3A_334 : vector<16xi32>
        %parallel_loop3A_336 = arith.constant 0 : i32
        %parallel_loop3A_337 = arith.constant 0 : i32
        %parallel_loop3A_338 = tpu.memref_slice %arg7[%parallel_loop3A_157, %parallel_loop3A_336, %parallel_loop3A_337] : memref<2x8x1024xf32, #tpu.memory_space<vmem>> -> memref<1x8x1024xf32, #tpu.memory_space<vmem>>
        %parallel_loop3A_339 = tpu.memref_squeeze %parallel_loop3A_338 : memref<1x8x1024xf32, #tpu.memory_space<vmem>> -> memref<8x1024xf32, #tpu.memory_space<vmem>>
        tpu.vector_store_idx %parallel_loop3A_339[%parallel_loop3A_303, %parallel_loop3A_335], %parallel_loop3A_332 : memref<8x1024xf32, #tpu.memory_space<vmem>>[vector<16xi32>, vector<16xi32>], vector<16xf32>,
        %parallel_loop3A_340 = arith.constant 0 : i32
        %parallel_loop3A_341 = arith.constant 0 : i32
        %parallel_loop3A_342 = tpu.memref_slice %arg6[%parallel_loop3A_156, %parallel_loop3A_340, %parallel_loop3A_341] : memref<2x128x64xf32, #tpu.memory_space<vmem>> -> memref<1x128x64xf32, #tpu.memory_space<vmem>>
        %parallel_loop3A_343 = tpu.memref_squeeze %parallel_loop3A_342 : memref<1x128x64xf32, #tpu.memory_space<vmem>> -> memref<128x64xf32, #tpu.memory_space<vmem>>
        %parallel_loop3A_344 = tpu.vector_load_idx %parallel_loop3A_343[%add3A_14, %parallel_loop3A_300] : memref<128x64xf32, #tpu.memory_space<vmem>>[vector<16xi32>, vector<16xi32>], vector<16xf32>,
        %parallel_loop3A_345 = arith.constant 48 : i32
        %parallel_loop3A_346 = vector.broadcast %parallel_loop3A_345 : i32 to vector<16xi32>
        %parallel_loop3A_347 = arith.addi %parallel_loop3A_195, %parallel_loop3A_346 : vector<16xi32>
        %parallel_loop3A_348 = arith.constant 0 : i32
        %parallel_loop3A_349 = arith.constant 0 : i32
        %parallel_loop3A_350 = tpu.memref_slice %arg7[%parallel_loop3A_157, %parallel_loop3A_348, %parallel_loop3A_349] : memref<2x8x1024xf32, #tpu.memory_space<vmem>> -> memref<1x8x1024xf32, #tpu.memory_space<vmem>>
        %parallel_loop3A_351 = tpu.memref_squeeze %parallel_loop3A_350 : memref<1x8x1024xf32, #tpu.memory_space<vmem>> -> memref<8x1024xf32, #tpu.memory_space<vmem>>
        tpu.vector_store_idx %parallel_loop3A_351[%parallel_loop3A_303, %parallel_loop3A_347], %parallel_loop3A_344 : memref<8x1024xf32, #tpu.memory_space<vmem>>[vector<16xi32>, vector<16xi32>], vector<16xf32>,
        %parallel_loop3A_352 = arith.constant 0 : i32
        %parallel_loop3A_353 = arith.constant 0 : i32
        %parallel_loop3A_354 = tpu.memref_slice %arg6[%parallel_loop3A_156, %parallel_loop3A_352, %parallel_loop3A_353] : memref<2x128x64xf32, #tpu.memory_space<vmem>> -> memref<1x128x64xf32, #tpu.memory_space<vmem>>
        %parallel_loop3A_355 = tpu.memref_squeeze %parallel_loop3A_354 : memref<1x128x64xf32, #tpu.memory_space<vmem>> -> memref<128x64xf32, #tpu.memory_space<vmem>>
        %parallel_loop3A_356 = tpu.vector_load_idx %parallel_loop3A_355[%add3A_17, %parallel_loop3A_300] : memref<128x64xf32, #tpu.memory_space<vmem>>[vector<16xi32>, vector<16xi32>], vector<16xf32>,
        %parallel_loop3A_357 = arith.constant 64 : i32
        %parallel_loop3A_358 = vector.broadcast %parallel_loop3A_357 : i32 to vector<16xi32>
        %parallel_loop3A_359 = arith.addi %parallel_loop3A_195, %parallel_loop3A_358 : vector<16xi32>
        %parallel_loop3A_360 = arith.constant 0 : i32
        %parallel_loop3A_361 = arith.constant 0 : i32
        %parallel_loop3A_362 = tpu.memref_slice %arg7[%parallel_loop3A_157, %parallel_loop3A_360, %parallel_loop3A_361] : memref<2x8x1024xf32, #tpu.memory_space<vmem>> -> memref<1x8x1024xf32, #tpu.memory_space<vmem>>
        %parallel_loop3A_363 = tpu.memref_squeeze %parallel_loop3A_362 : memref<1x8x1024xf32, #tpu.memory_space<vmem>> -> memref<8x1024xf32, #tpu.memory_space<vmem>>
        tpu.vector_store_idx %parallel_loop3A_363[%parallel_loop3A_303, %parallel_loop3A_359], %parallel_loop3A_356 : memref<8x1024xf32, #tpu.memory_space<vmem>>[vector<16xi32>, vector<16xi32>], vector<16xf32>,
        %parallel_loop3A_364 = arith.constant 0 : i32
        %parallel_loop3A_365 = arith.constant 0 : i32
        %parallel_loop3A_366 = tpu.memref_slice %arg6[%parallel_loop3A_156, %parallel_loop3A_364, %parallel_loop3A_365] : memref<2x128x64xf32, #tpu.memory_space<vmem>> -> memref<1x128x64xf32, #tpu.memory_space<vmem>>
        %parallel_loop3A_367 = tpu.memref_squeeze %parallel_loop3A_366 : memref<1x128x64xf32, #tpu.memory_space<vmem>> -> memref<128x64xf32, #tpu.memory_space<vmem>>
        %parallel_loop3A_368 = tpu.vector_load_idx %parallel_loop3A_367[%add3A_20, %parallel_loop3A_300] : memref<128x64xf32, #tpu.memory_space<vmem>>[vector<16xi32>, vector<16xi32>], vector<16xf32>,
        %parallel_loop3A_369 = arith.constant 80 : i32
        %parallel_loop3A_370 = vector.broadcast %parallel_loop3A_369 : i32 to vector<16xi32>
        %parallel_loop3A_371 = arith.addi %parallel_loop3A_195, %parallel_loop3A_370 : vector<16xi32>
        %parallel_loop3A_372 = arith.constant 0 : i32
        %parallel_loop3A_373 = arith.constant 0 : i32
        %parallel_loop3A_374 = tpu.memref_slice %arg7[%parallel_loop3A_157, %parallel_loop3A_372, %parallel_loop3A_373] : memref<2x8x1024xf32, #tpu.memory_space<vmem>> -> memref<1x8x1024xf32, #tpu.memory_space<vmem>>
        %parallel_loop3A_375 = tpu.memref_squeeze %parallel_loop3A_374 : memref<1x8x1024xf32, #tpu.memory_space<vmem>> -> memref<8x1024xf32, #tpu.memory_space<vmem>>
        tpu.vector_store_idx %parallel_loop3A_375[%parallel_loop3A_303, %parallel_loop3A_371], %parallel_loop3A_368 : memref<8x1024xf32, #tpu.memory_space<vmem>>[vector<16xi32>, vector<16xi32>], vector<16xf32>,
        %parallel_loop3A_376 = arith.constant 0 : i32
        %parallel_loop3A_377 = arith.constant 0 : i32
        %parallel_loop3A_378 = tpu.memref_slice %arg6[%parallel_loop3A_156, %parallel_loop3A_376, %parallel_loop3A_377] : memref<2x128x64xf32, #tpu.memory_space<vmem>> -> memref<1x128x64xf32, #tpu.memory_space<vmem>>
        %parallel_loop3A_379 = tpu.memref_squeeze %parallel_loop3A_378 : memref<1x128x64xf32, #tpu.memory_space<vmem>> -> memref<128x64xf32, #tpu.memory_space<vmem>>
        %parallel_loop3A_380 = tpu.vector_load_idx %parallel_loop3A_379[%add3A_23, %parallel_loop3A_300] : memref<128x64xf32, #tpu.memory_space<vmem>>[vector<16xi32>, vector<16xi32>], vector<16xf32>,
        %parallel_loop3A_381 = arith.constant 96 : i32
        %parallel_loop3A_382 = vector.broadcast %parallel_loop3A_381 : i32 to vector<16xi32>
        %parallel_loop3A_383 = arith.addi %parallel_loop3A_195, %parallel_loop3A_382 : vector<16xi32>
        %parallel_loop3A_384 = arith.constant 0 : i32
        %parallel_loop3A_385 = arith.constant 0 : i32
        %parallel_loop3A_386 = tpu.memref_slice %arg7[%parallel_loop3A_157, %parallel_loop3A_384, %parallel_loop3A_385] : memref<2x8x1024xf32, #tpu.memory_space<vmem>> -> memref<1x8x1024xf32, #tpu.memory_space<vmem>>
        %parallel_loop3A_387 = tpu.memref_squeeze %parallel_loop3A_386 : memref<1x8x1024xf32, #tpu.memory_space<vmem>> -> memref<8x1024xf32, #tpu.memory_space<vmem>>
        tpu.vector_store_idx %parallel_loop3A_387[%parallel_loop3A_303, %parallel_loop3A_383], %parallel_loop3A_380 : memref<8x1024xf32, #tpu.memory_space<vmem>>[vector<16xi32>, vector<16xi32>], vector<16xf32>,
        %parallel_loop3A_388 = arith.constant 0 : i32
        %parallel_loop3A_389 = arith.constant 0 : i32
        %parallel_loop3A_390 = tpu.memref_slice %arg6[%parallel_loop3A_156, %parallel_loop3A_388, %parallel_loop3A_389] : memref<2x128x64xf32, #tpu.memory_space<vmem>> -> memref<1x128x64xf32, #tpu.memory_space<vmem>>
        %parallel_loop3A_391 = tpu.memref_squeeze %parallel_loop3A_390 : memref<1x128x64xf32, #tpu.memory_space<vmem>> -> memref<128x64xf32, #tpu.memory_space<vmem>>
        %parallel_loop3A_392 = tpu.vector_load_idx %parallel_loop3A_391[%add3A_26, %parallel_loop3A_300] : memref<128x64xf32, #tpu.memory_space<vmem>>[vector<16xi32>, vector<16xi32>], vector<16xf32>,
        %parallel_loop3A_393 = arith.constant 112 : i32
        %parallel_loop3A_394 = vector.broadcast %parallel_loop3A_393 : i32 to vector<16xi32>
        %parallel_loop3A_395 = arith.addi %parallel_loop3A_195, %parallel_loop3A_394 : vector<16xi32>
        %parallel_loop3A_396 = arith.constant 0 : i32
        %parallel_loop3A_397 = arith.constant 0 : i32
        %parallel_loop3A_398 = tpu.memref_slice %arg7[%parallel_loop3A_157, %parallel_loop3A_396, %parallel_loop3A_397] : memref<2x8x1024xf32, #tpu.memory_space<vmem>> -> memref<1x8x1024xf32, #tpu.memory_space<vmem>>
        %parallel_loop3A_399 = tpu.memref_squeeze %parallel_loop3A_398 : memref<1x8x1024xf32, #tpu.memory_space<vmem>> -> memref<8x1024xf32, #tpu.memory_space<vmem>>
        tpu.vector_store_idx %parallel_loop3A_399[%parallel_loop3A_303, %parallel_loop3A_395], %parallel_loop3A_392 : memref<8x1024xf32, #tpu.memory_space<vmem>>[vector<16xi32>, vector<16xi32>], vector<16xf32>,
        %parallel_loop3A_400 = arith.constant 32 : i32
        %parallel_loop3A_401 = vector.broadcast %parallel_loop3A_400 : i32 to vector<16xi32>
        %parallel_loop3A_402 = arith.addi %parallel_loop3A_185, %parallel_loop3A_401 : vector<16xi32>
        %parallel_loop3A_403 = arith.constant 4 : i32
        %parallel_loop3A_404 = vector.broadcast %parallel_loop3A_403 : i32 to vector<16xi32>
        %parallel_loop3A_405 = arith.addi %parallel_loop3A_188, %parallel_loop3A_404 : vector<16xi32>
        %parallel_loop3A_406 = arith.constant 0 : i32
        %parallel_loop3A_407 = arith.constant 0 : i32
        %parallel_loop3A_408 = tpu.memref_slice %arg6[%parallel_loop3A_156, %parallel_loop3A_406, %parallel_loop3A_407] : memref<2x128x64xf32, #tpu.memory_space<vmem>> -> memref<1x128x64xf32, #tpu.memory_space<vmem>>
        %parallel_loop3A_409 = tpu.memref_squeeze %parallel_loop3A_408 : memref<1x128x64xf32, #tpu.memory_space<vmem>> -> memref<128x64xf32, #tpu.memory_space<vmem>>
        %parallel_loop3A_410 = tpu.vector_load_idx %parallel_loop3A_409[%add3A_5, %parallel_loop3A_402] : memref<128x64xf32, #tpu.memory_space<vmem>>[vector<16xi32>, vector<16xi32>], vector<16xf32>,
        %parallel_loop3A_411 = arith.constant 0 : i32
        %parallel_loop3A_412 = vector.broadcast %parallel_loop3A_411 : i32 to vector<16xi32>
        %parallel_loop3A_413 = arith.addi %parallel_loop3A_195, %parallel_loop3A_412 : vector<16xi32>
        %parallel_loop3A_414 = arith.constant 0 : i32
        %parallel_loop3A_415 = arith.constant 0 : i32
        %parallel_loop3A_416 = tpu.memref_slice %arg7[%parallel_loop3A_157, %parallel_loop3A_414, %parallel_loop3A_415] : memref<2x8x1024xf32, #tpu.memory_space<vmem>> -> memref<1x8x1024xf32, #tpu.memory_space<vmem>>
        %parallel_loop3A_417 = tpu.memref_squeeze %parallel_loop3A_416 : memref<1x8x1024xf32, #tpu.memory_space<vmem>> -> memref<8x1024xf32, #tpu.memory_space<vmem>>
        tpu.vector_store_idx %parallel_loop3A_417[%parallel_loop3A_405, %parallel_loop3A_413], %parallel_loop3A_410 : memref<8x1024xf32, #tpu.memory_space<vmem>>[vector<16xi32>, vector<16xi32>], vector<16xf32>,
        %parallel_loop3A_418 = arith.constant 0 : i32
        %parallel_loop3A_419 = arith.constant 0 : i32
        %parallel_loop3A_420 = tpu.memref_slice %arg6[%parallel_loop3A_156, %parallel_loop3A_418, %parallel_loop3A_419] : memref<2x128x64xf32, #tpu.memory_space<vmem>> -> memref<1x128x64xf32, #tpu.memory_space<vmem>>
        %parallel_loop3A_421 = tpu.memref_squeeze %parallel_loop3A_420 : memref<1x128x64xf32, #tpu.memory_space<vmem>> -> memref<128x64xf32, #tpu.memory_space<vmem>>
        %parallel_loop3A_422 = tpu.vector_load_idx %parallel_loop3A_421[%add3A_8, %parallel_loop3A_402] : memref<128x64xf32, #tpu.memory_space<vmem>>[vector<16xi32>, vector<16xi32>], vector<16xf32>,
        %parallel_loop3A_423 = arith.constant 16 : i32
        %parallel_loop3A_424 = vector.broadcast %parallel_loop3A_423 : i32 to vector<16xi32>
        %parallel_loop3A_425 = arith.addi %parallel_loop3A_195, %parallel_loop3A_424 : vector<16xi32>
        %parallel_loop3A_426 = arith.constant 0 : i32
        %parallel_loop3A_427 = arith.constant 0 : i32
        %parallel_loop3A_428 = tpu.memref_slice %arg7[%parallel_loop3A_157, %parallel_loop3A_426, %parallel_loop3A_427] : memref<2x8x1024xf32, #tpu.memory_space<vmem>> -> memref<1x8x1024xf32, #tpu.memory_space<vmem>>
        %parallel_loop3A_429 = tpu.memref_squeeze %parallel_loop3A_428 : memref<1x8x1024xf32, #tpu.memory_space<vmem>> -> memref<8x1024xf32, #tpu.memory_space<vmem>>
        tpu.vector_store_idx %parallel_loop3A_429[%parallel_loop3A_405, %parallel_loop3A_425], %parallel_loop3A_422 : memref<8x1024xf32, #tpu.memory_space<vmem>>[vector<16xi32>, vector<16xi32>], vector<16xf32>,
        %parallel_loop3A_430 = arith.constant 0 : i32
        %parallel_loop3A_431 = arith.constant 0 : i32
        %parallel_loop3A_432 = tpu.memref_slice %arg6[%parallel_loop3A_156, %parallel_loop3A_430, %parallel_loop3A_431] : memref<2x128x64xf32, #tpu.memory_space<vmem>> -> memref<1x128x64xf32, #tpu.memory_space<vmem>>
        %parallel_loop3A_433 = tpu.memref_squeeze %parallel_loop3A_432 : memref<1x128x64xf32, #tpu.memory_space<vmem>> -> memref<128x64xf32, #tpu.memory_space<vmem>>
        %parallel_loop3A_434 = tpu.vector_load_idx %parallel_loop3A_433[%add3A_11, %parallel_loop3A_402] : memref<128x64xf32, #tpu.memory_space<vmem>>[vector<16xi32>, vector<16xi32>], vector<16xf32>,
        %parallel_loop3A_435 = arith.constant 32 : i32
        %parallel_loop3A_436 = vector.broadcast %parallel_loop3A_435 : i32 to vector<16xi32>
        %parallel_loop3A_437 = arith.addi %parallel_loop3A_195, %parallel_loop3A_436 : vector<16xi32>
        %parallel_loop3A_438 = arith.constant 0 : i32
        %parallel_loop3A_439 = arith.constant 0 : i32
        %parallel_loop3A_440 = tpu.memref_slice %arg7[%parallel_loop3A_157, %parallel_loop3A_438, %parallel_loop3A_439] : memref<2x8x1024xf32, #tpu.memory_space<vmem>> -> memref<1x8x1024xf32, #tpu.memory_space<vmem>>
        %parallel_loop3A_441 = tpu.memref_squeeze %parallel_loop3A_440 : memref<1x8x1024xf32, #tpu.memory_space<vmem>> -> memref<8x1024xf32, #tpu.memory_space<vmem>>
        tpu.vector_store_idx %parallel_loop3A_441[%parallel_loop3A_405, %parallel_loop3A_437], %parallel_loop3A_434 : memref<8x1024xf32, #tpu.memory_space<vmem>>[vector<16xi32>, vector<16xi32>], vector<16xf32>,
        %parallel_loop3A_442 = arith.constant 0 : i32
        %parallel_loop3A_443 = arith.constant 0 : i32
        %parallel_loop3A_444 = tpu.memref_slice %arg6[%parallel_loop3A_156, %parallel_loop3A_442, %parallel_loop3A_443] : memref<2x128x64xf32, #tpu.memory_space<vmem>> -> memref<1x128x64xf32, #tpu.memory_space<vmem>>
        %parallel_loop3A_445 = tpu.memref_squeeze %parallel_loop3A_444 : memref<1x128x64xf32, #tpu.memory_space<vmem>> -> memref<128x64xf32, #tpu.memory_space<vmem>>
        %parallel_loop3A_446 = tpu.vector_load_idx %parallel_loop3A_445[%add3A_14, %parallel_loop3A_402] : memref<128x64xf32, #tpu.memory_space<vmem>>[vector<16xi32>, vector<16xi32>], vector<16xf32>,
        %parallel_loop3A_447 = arith.constant 48 : i32
        %parallel_loop3A_448 = vector.broadcast %parallel_loop3A_447 : i32 to vector<16xi32>
        %parallel_loop3A_449 = arith.addi %parallel_loop3A_195, %parallel_loop3A_448 : vector<16xi32>
        %parallel_loop3A_450 = arith.constant 0 : i32
        %parallel_loop3A_451 = arith.constant 0 : i32
        %parallel_loop3A_452 = tpu.memref_slice %arg7[%parallel_loop3A_157, %parallel_loop3A_450, %parallel_loop3A_451] : memref<2x8x1024xf32, #tpu.memory_space<vmem>> -> memref<1x8x1024xf32, #tpu.memory_space<vmem>>
        %parallel_loop3A_453 = tpu.memref_squeeze %parallel_loop3A_452 : memref<1x8x1024xf32, #tpu.memory_space<vmem>> -> memref<8x1024xf32, #tpu.memory_space<vmem>>
        tpu.vector_store_idx %parallel_loop3A_453[%parallel_loop3A_405, %parallel_loop3A_449], %parallel_loop3A_446 : memref<8x1024xf32, #tpu.memory_space<vmem>>[vector<16xi32>, vector<16xi32>], vector<16xf32>,
        %parallel_loop3A_454 = arith.constant 0 : i32
        %parallel_loop3A_455 = arith.constant 0 : i32
        %parallel_loop3A_456 = tpu.memref_slice %arg6[%parallel_loop3A_156, %parallel_loop3A_454, %parallel_loop3A_455] : memref<2x128x64xf32, #tpu.memory_space<vmem>> -> memref<1x128x64xf32, #tpu.memory_space<vmem>>
        %parallel_loop3A_457 = tpu.memref_squeeze %parallel_loop3A_456 : memref<1x128x64xf32, #tpu.memory_space<vmem>> -> memref<128x64xf32, #tpu.memory_space<vmem>>
        %parallel_loop3A_458 = tpu.vector_load_idx %parallel_loop3A_457[%add3A_17, %parallel_loop3A_402] : memref<128x64xf32, #tpu.memory_space<vmem>>[vector<16xi32>, vector<16xi32>], vector<16xf32>,
        %parallel_loop3A_459 = arith.constant 64 : i32
        %parallel_loop3A_460 = vector.broadcast %parallel_loop3A_459 : i32 to vector<16xi32>
        %parallel_loop3A_461 = arith.addi %parallel_loop3A_195, %parallel_loop3A_460 : vector<16xi32>
        %parallel_loop3A_462 = arith.constant 0 : i32
        %parallel_loop3A_463 = arith.constant 0 : i32
        %parallel_loop3A_464 = tpu.memref_slice %arg7[%parallel_loop3A_157, %parallel_loop3A_462, %parallel_loop3A_463] : memref<2x8x1024xf32, #tpu.memory_space<vmem>> -> memref<1x8x1024xf32, #tpu.memory_space<vmem>>
        %parallel_loop3A_465 = tpu.memref_squeeze %parallel_loop3A_464 : memref<1x8x1024xf32, #tpu.memory_space<vmem>> -> memref<8x1024xf32, #tpu.memory_space<vmem>>
        tpu.vector_store_idx %parallel_loop3A_465[%parallel_loop3A_405, %parallel_loop3A_461], %parallel_loop3A_458 : memref<8x1024xf32, #tpu.memory_space<vmem>>[vector<16xi32>, vector<16xi32>], vector<16xf32>,
        %parallel_loop3A_466 = arith.constant 0 : i32
        %parallel_loop3A_467 = arith.constant 0 : i32
        %parallel_loop3A_468 = tpu.memref_slice %arg6[%parallel_loop3A_156, %parallel_loop3A_466, %parallel_loop3A_467] : memref<2x128x64xf32, #tpu.memory_space<vmem>> -> memref<1x128x64xf32, #tpu.memory_space<vmem>>
        %parallel_loop3A_469 = tpu.memref_squeeze %parallel_loop3A_468 : memref<1x128x64xf32, #tpu.memory_space<vmem>> -> memref<128x64xf32, #tpu.memory_space<vmem>>
        %parallel_loop3A_470 = tpu.vector_load_idx %parallel_loop3A_469[%add3A_20, %parallel_loop3A_402] : memref<128x64xf32, #tpu.memory_space<vmem>>[vector<16xi32>, vector<16xi32>], vector<16xf32>,
        %parallel_loop3A_471 = arith.constant 80 : i32
        %parallel_loop3A_472 = vector.broadcast %parallel_loop3A_471 : i32 to vector<16xi32>
        %parallel_loop3A_473 = arith.addi %parallel_loop3A_195, %parallel_loop3A_472 : vector<16xi32>
        %parallel_loop3A_474 = arith.constant 0 : i32
        %parallel_loop3A_475 = arith.constant 0 : i32
        %parallel_loop3A_476 = tpu.memref_slice %arg7[%parallel_loop3A_157, %parallel_loop3A_474, %parallel_loop3A_475] : memref<2x8x1024xf32, #tpu.memory_space<vmem>> -> memref<1x8x1024xf32, #tpu.memory_space<vmem>>
        %parallel_loop3A_477 = tpu.memref_squeeze %parallel_loop3A_476 : memref<1x8x1024xf32, #tpu.memory_space<vmem>> -> memref<8x1024xf32, #tpu.memory_space<vmem>>
        tpu.vector_store_idx %parallel_loop3A_477[%parallel_loop3A_405, %parallel_loop3A_473], %parallel_loop3A_470 : memref<8x1024xf32, #tpu.memory_space<vmem>>[vector<16xi32>, vector<16xi32>], vector<16xf32>,
        %parallel_loop3A_478 = arith.constant 0 : i32
        %parallel_loop3A_479 = arith.constant 0 : i32
        %parallel_loop3A_480 = tpu.memref_slice %arg6[%parallel_loop3A_156, %parallel_loop3A_478, %parallel_loop3A_479] : memref<2x128x64xf32, #tpu.memory_space<vmem>> -> memref<1x128x64xf32, #tpu.memory_space<vmem>>
        %parallel_loop3A_481 = tpu.memref_squeeze %parallel_loop3A_480 : memref<1x128x64xf32, #tpu.memory_space<vmem>> -> memref<128x64xf32, #tpu.memory_space<vmem>>
        %parallel_loop3A_482 = tpu.vector_load_idx %parallel_loop3A_481[%add3A_23, %parallel_loop3A_402] : memref<128x64xf32, #tpu.memory_space<vmem>>[vector<16xi32>, vector<16xi32>], vector<16xf32>,
        %parallel_loop3A_483 = arith.constant 96 : i32
        %parallel_loop3A_484 = vector.broadcast %parallel_loop3A_483 : i32 to vector<16xi32>
        %parallel_loop3A_485 = arith.addi %parallel_loop3A_195, %parallel_loop3A_484 : vector<16xi32>
        %parallel_loop3A_486 = arith.constant 0 : i32
        %parallel_loop3A_487 = arith.constant 0 : i32
        %parallel_loop3A_488 = tpu.memref_slice %arg7[%parallel_loop3A_157, %parallel_loop3A_486, %parallel_loop3A_487] : memref<2x8x1024xf32, #tpu.memory_space<vmem>> -> memref<1x8x1024xf32, #tpu.memory_space<vmem>>
        %parallel_loop3A_489 = tpu.memref_squeeze %parallel_loop3A_488 : memref<1x8x1024xf32, #tpu.memory_space<vmem>> -> memref<8x1024xf32, #tpu.memory_space<vmem>>
        tpu.vector_store_idx %parallel_loop3A_489[%parallel_loop3A_405, %parallel_loop3A_485], %parallel_loop3A_482 : memref<8x1024xf32, #tpu.memory_space<vmem>>[vector<16xi32>, vector<16xi32>], vector<16xf32>,
        %parallel_loop3A_490 = arith.constant 0 : i32
        %parallel_loop3A_491 = arith.constant 0 : i32
        %parallel_loop3A_492 = tpu.memref_slice %arg6[%parallel_loop3A_156, %parallel_loop3A_490, %parallel_loop3A_491] : memref<2x128x64xf32, #tpu.memory_space<vmem>> -> memref<1x128x64xf32, #tpu.memory_space<vmem>>
        %parallel_loop3A_493 = tpu.memref_squeeze %parallel_loop3A_492 : memref<1x128x64xf32, #tpu.memory_space<vmem>> -> memref<128x64xf32, #tpu.memory_space<vmem>>
        %parallel_loop3A_494 = tpu.vector_load_idx %parallel_loop3A_493[%add3A_26, %parallel_loop3A_402] : memref<128x64xf32, #tpu.memory_space<vmem>>[vector<16xi32>, vector<16xi32>], vector<16xf32>,
        %parallel_loop3A_495 = arith.constant 112 : i32
        %parallel_loop3A_496 = vector.broadcast %parallel_loop3A_495 : i32 to vector<16xi32>
        %parallel_loop3A_497 = arith.addi %parallel_loop3A_195, %parallel_loop3A_496 : vector<16xi32>
        %parallel_loop3A_498 = arith.constant 0 : i32
        %parallel_loop3A_499 = arith.constant 0 : i32
        %parallel_loop3A_500 = tpu.memref_slice %arg7[%parallel_loop3A_157, %parallel_loop3A_498, %parallel_loop3A_499] : memref<2x8x1024xf32, #tpu.memory_space<vmem>> -> memref<1x8x1024xf32, #tpu.memory_space<vmem>>
        %parallel_loop3A_501 = tpu.memref_squeeze %parallel_loop3A_500 : memref<1x8x1024xf32, #tpu.memory_space<vmem>> -> memref<8x1024xf32, #tpu.memory_space<vmem>>
        tpu.vector_store_idx %parallel_loop3A_501[%parallel_loop3A_405, %parallel_loop3A_497], %parallel_loop3A_494 : memref<8x1024xf32, #tpu.memory_space<vmem>>[vector<16xi32>, vector<16xi32>], vector<16xf32>,
        %parallel_loop3A_502 = arith.constant 48 : i32
        %parallel_loop3A_503 = vector.broadcast %parallel_loop3A_502 : i32 to vector<16xi32>
        %parallel_loop3A_504 = arith.addi %parallel_loop3A_185, %parallel_loop3A_503 : vector<16xi32>
        %parallel_loop3A_505 = arith.constant 6 : i32
        %parallel_loop3A_506 = vector.broadcast %parallel_loop3A_505 : i32 to vector<16xi32>
        %parallel_loop3A_507 = arith.addi %parallel_loop3A_188, %parallel_loop3A_506 : vector<16xi32>
        %parallel_loop3A_508 = arith.constant 0 : i32
        %parallel_loop3A_509 = arith.constant 0 : i32
        %parallel_loop3A_510 = tpu.memref_slice %arg6[%parallel_loop3A_156, %parallel_loop3A_508, %parallel_loop3A_509] : memref<2x128x64xf32, #tpu.memory_space<vmem>> -> memref<1x128x64xf32, #tpu.memory_space<vmem>>
        %parallel_loop3A_511 = tpu.memref_squeeze %parallel_loop3A_510 : memref<1x128x64xf32, #tpu.memory_space<vmem>> -> memref<128x64xf32, #tpu.memory_space<vmem>>
        %parallel_loop3A_512 = tpu.vector_load_idx %parallel_loop3A_511[%add3A_5, %parallel_loop3A_504] : memref<128x64xf32, #tpu.memory_space<vmem>>[vector<16xi32>, vector<16xi32>], vector<16xf32>,
        %parallel_loop3A_513 = arith.constant 0 : i32
        %parallel_loop3A_514 = vector.broadcast %parallel_loop3A_513 : i32 to vector<16xi32>
        %parallel_loop3A_515 = arith.addi %parallel_loop3A_195, %parallel_loop3A_514 : vector<16xi32>
        %parallel_loop3A_516 = arith.constant 0 : i32
        %parallel_loop3A_517 = arith.constant 0 : i32
        %parallel_loop3A_518 = tpu.memref_slice %arg7[%parallel_loop3A_157, %parallel_loop3A_516, %parallel_loop3A_517] : memref<2x8x1024xf32, #tpu.memory_space<vmem>> -> memref<1x8x1024xf32, #tpu.memory_space<vmem>>
        %parallel_loop3A_519 = tpu.memref_squeeze %parallel_loop3A_518 : memref<1x8x1024xf32, #tpu.memory_space<vmem>> -> memref<8x1024xf32, #tpu.memory_space<vmem>>
        tpu.vector_store_idx %parallel_loop3A_519[%parallel_loop3A_507, %parallel_loop3A_515], %parallel_loop3A_512 : memref<8x1024xf32, #tpu.memory_space<vmem>>[vector<16xi32>, vector<16xi32>], vector<16xf32>,
        %parallel_loop3A_520 = arith.constant 0 : i32
        %parallel_loop3A_521 = arith.constant 0 : i32
        %parallel_loop3A_522 = tpu.memref_slice %arg6[%parallel_loop3A_156, %parallel_loop3A_520, %parallel_loop3A_521] : memref<2x128x64xf32, #tpu.memory_space<vmem>> -> memref<1x128x64xf32, #tpu.memory_space<vmem>>
        %parallel_loop3A_523 = tpu.memref_squeeze %parallel_loop3A_522 : memref<1x128x64xf32, #tpu.memory_space<vmem>> -> memref<128x64xf32, #tpu.memory_space<vmem>>
        %parallel_loop3A_524 = tpu.vector_load_idx %parallel_loop3A_523[%add3A_8, %parallel_loop3A_504] : memref<128x64xf32, #tpu.memory_space<vmem>>[vector<16xi32>, vector<16xi32>], vector<16xf32>,
        %parallel_loop3A_525 = arith.constant 16 : i32
        %parallel_loop3A_526 = vector.broadcast %parallel_loop3A_525 : i32 to vector<16xi32>
        %parallel_loop3A_527 = arith.addi %parallel_loop3A_195, %parallel_loop3A_526 : vector<16xi32>
        %parallel_loop3A_528 = arith.constant 0 : i32
        %parallel_loop3A_529 = arith.constant 0 : i32
        %parallel_loop3A_530 = tpu.memref_slice %arg7[%parallel_loop3A_157, %parallel_loop3A_528, %parallel_loop3A_529] : memref<2x8x1024xf32, #tpu.memory_space<vmem>> -> memref<1x8x1024xf32, #tpu.memory_space<vmem>>
        %parallel_loop3A_531 = tpu.memref_squeeze %parallel_loop3A_530 : memref<1x8x1024xf32, #tpu.memory_space<vmem>> -> memref<8x1024xf32, #tpu.memory_space<vmem>>
        tpu.vector_store_idx %parallel_loop3A_531[%parallel_loop3A_507, %parallel_loop3A_527], %parallel_loop3A_524 : memref<8x1024xf32, #tpu.memory_space<vmem>>[vector<16xi32>, vector<16xi32>], vector<16xf32>,
        %parallel_loop3A_532 = arith.constant 0 : i32
        %parallel_loop3A_533 = arith.constant 0 : i32
        %parallel_loop3A_534 = tpu.memref_slice %arg6[%parallel_loop3A_156, %parallel_loop3A_532, %parallel_loop3A_533] : memref<2x128x64xf32, #tpu.memory_space<vmem>> -> memref<1x128x64xf32, #tpu.memory_space<vmem>>
        %parallel_loop3A_535 = tpu.memref_squeeze %parallel_loop3A_534 : memref<1x128x64xf32, #tpu.memory_space<vmem>> -> memref<128x64xf32, #tpu.memory_space<vmem>>
        %parallel_loop3A_536 = tpu.vector_load_idx %parallel_loop3A_535[%add3A_11, %parallel_loop3A_504] : memref<128x64xf32, #tpu.memory_space<vmem>>[vector<16xi32>, vector<16xi32>], vector<16xf32>,
        %parallel_loop3A_537 = arith.constant 32 : i32
        %parallel_loop3A_538 = vector.broadcast %parallel_loop3A_537 : i32 to vector<16xi32>
        %parallel_loop3A_539 = arith.addi %parallel_loop3A_195, %parallel_loop3A_538 : vector<16xi32>
        %parallel_loop3A_540 = arith.constant 0 : i32
        %parallel_loop3A_541 = arith.constant 0 : i32
        %parallel_loop3A_542 = tpu.memref_slice %arg7[%parallel_loop3A_157, %parallel_loop3A_540, %parallel_loop3A_541] : memref<2x8x1024xf32, #tpu.memory_space<vmem>> -> memref<1x8x1024xf32, #tpu.memory_space<vmem>>
        %parallel_loop3A_543 = tpu.memref_squeeze %parallel_loop3A_542 : memref<1x8x1024xf32, #tpu.memory_space<vmem>> -> memref<8x1024xf32, #tpu.memory_space<vmem>>
        tpu.vector_store_idx %parallel_loop3A_543[%parallel_loop3A_507, %parallel_loop3A_539], %parallel_loop3A_536 : memref<8x1024xf32, #tpu.memory_space<vmem>>[vector<16xi32>, vector<16xi32>], vector<16xf32>,
        %parallel_loop3A_544 = arith.constant 0 : i32
        %parallel_loop3A_545 = arith.constant 0 : i32
        %parallel_loop3A_546 = tpu.memref_slice %arg6[%parallel_loop3A_156, %parallel_loop3A_544, %parallel_loop3A_545] : memref<2x128x64xf32, #tpu.memory_space<vmem>> -> memref<1x128x64xf32, #tpu.memory_space<vmem>>
        %parallel_loop3A_547 = tpu.memref_squeeze %parallel_loop3A_546 : memref<1x128x64xf32, #tpu.memory_space<vmem>> -> memref<128x64xf32, #tpu.memory_space<vmem>>
        %parallel_loop3A_548 = tpu.vector_load_idx %parallel_loop3A_547[%add3A_14, %parallel_loop3A_504] : memref<128x64xf32, #tpu.memory_space<vmem>>[vector<16xi32>, vector<16xi32>], vector<16xf32>,
        %parallel_loop3A_549 = arith.constant 48 : i32
        %parallel_loop3A_550 = vector.broadcast %parallel_loop3A_549 : i32 to vector<16xi32>
        %parallel_loop3A_551 = arith.addi %parallel_loop3A_195, %parallel_loop3A_550 : vector<16xi32>
        %parallel_loop3A_552 = arith.constant 0 : i32
        %parallel_loop3A_553 = arith.constant 0 : i32
        %parallel_loop3A_554 = tpu.memref_slice %arg7[%parallel_loop3A_157, %parallel_loop3A_552, %parallel_loop3A_553] : memref<2x8x1024xf32, #tpu.memory_space<vmem>> -> memref<1x8x1024xf32, #tpu.memory_space<vmem>>
        %parallel_loop3A_555 = tpu.memref_squeeze %parallel_loop3A_554 : memref<1x8x1024xf32, #tpu.memory_space<vmem>> -> memref<8x1024xf32, #tpu.memory_space<vmem>>
        tpu.vector_store_idx %parallel_loop3A_555[%parallel_loop3A_507, %parallel_loop3A_551], %parallel_loop3A_548 : memref<8x1024xf32, #tpu.memory_space<vmem>>[vector<16xi32>, vector<16xi32>], vector<16xf32>,
        %parallel_loop3A_556 = arith.constant 0 : i32
        %parallel_loop3A_557 = arith.constant 0 : i32
        %parallel_loop3A_558 = tpu.memref_slice %arg6[%parallel_loop3A_156, %parallel_loop3A_556, %parallel_loop3A_557] : memref<2x128x64xf32, #tpu.memory_space<vmem>> -> memref<1x128x64xf32, #tpu.memory_space<vmem>>
        %parallel_loop3A_559 = tpu.memref_squeeze %parallel_loop3A_558 : memref<1x128x64xf32, #tpu.memory_space<vmem>> -> memref<128x64xf32, #tpu.memory_space<vmem>>
        %parallel_loop3A_560 = tpu.vector_load_idx %parallel_loop3A_559[%add3A_17, %parallel_loop3A_504] : memref<128x64xf32, #tpu.memory_space<vmem>>[vector<16xi32>, vector<16xi32>], vector<16xf32>,
        %parallel_loop3A_561 = arith.constant 64 : i32
        %parallel_loop3A_562 = vector.broadcast %parallel_loop3A_561 : i32 to vector<16xi32>
        %parallel_loop3A_563 = arith.addi %parallel_loop3A_195, %parallel_loop3A_562 : vector<16xi32>
        %parallel_loop3A_564 = arith.constant 0 : i32
        %parallel_loop3A_565 = arith.constant 0 : i32
        %parallel_loop3A_566 = tpu.memref_slice %arg7[%parallel_loop3A_157, %parallel_loop3A_564, %parallel_loop3A_565] : memref<2x8x1024xf32, #tpu.memory_space<vmem>> -> memref<1x8x1024xf32, #tpu.memory_space<vmem>>
        %parallel_loop3A_567 = tpu.memref_squeeze %parallel_loop3A_566 : memref<1x8x1024xf32, #tpu.memory_space<vmem>> -> memref<8x1024xf32, #tpu.memory_space<vmem>>
        tpu.vector_store_idx %parallel_loop3A_567[%parallel_loop3A_507, %parallel_loop3A_563], %parallel_loop3A_560 : memref<8x1024xf32, #tpu.memory_space<vmem>>[vector<16xi32>, vector<16xi32>], vector<16xf32>,
        %parallel_loop3A_568 = arith.constant 0 : i32
        %parallel_loop3A_569 = arith.constant 0 : i32
        %parallel_loop3A_570 = tpu.memref_slice %arg6[%parallel_loop3A_156, %parallel_loop3A_568, %parallel_loop3A_569] : memref<2x128x64xf32, #tpu.memory_space<vmem>> -> memref<1x128x64xf32, #tpu.memory_space<vmem>>
        %parallel_loop3A_571 = tpu.memref_squeeze %parallel_loop3A_570 : memref<1x128x64xf32, #tpu.memory_space<vmem>> -> memref<128x64xf32, #tpu.memory_space<vmem>>
        %parallel_loop3A_572 = tpu.vector_load_idx %parallel_loop3A_571[%add3A_20, %parallel_loop3A_504] : memref<128x64xf32, #tpu.memory_space<vmem>>[vector<16xi32>, vector<16xi32>], vector<16xf32>,
        %parallel_loop3A_573 = arith.constant 80 : i32
        %parallel_loop3A_574 = vector.broadcast %parallel_loop3A_573 : i32 to vector<16xi32>
        %parallel_loop3A_575 = arith.addi %parallel_loop3A_195, %parallel_loop3A_574 : vector<16xi32>
        %parallel_loop3A_576 = arith.constant 0 : i32
        %parallel_loop3A_577 = arith.constant 0 : i32
        %parallel_loop3A_578 = tpu.memref_slice %arg7[%parallel_loop3A_157, %parallel_loop3A_576, %parallel_loop3A_577] : memref<2x8x1024xf32, #tpu.memory_space<vmem>> -> memref<1x8x1024xf32, #tpu.memory_space<vmem>>
        %parallel_loop3A_579 = tpu.memref_squeeze %parallel_loop3A_578 : memref<1x8x1024xf32, #tpu.memory_space<vmem>> -> memref<8x1024xf32, #tpu.memory_space<vmem>>
        tpu.vector_store_idx %parallel_loop3A_579[%parallel_loop3A_507, %parallel_loop3A_575], %parallel_loop3A_572 : memref<8x1024xf32, #tpu.memory_space<vmem>>[vector<16xi32>, vector<16xi32>], vector<16xf32>,
        %parallel_loop3A_580 = arith.constant 0 : i32
        %parallel_loop3A_581 = arith.constant 0 : i32
        %parallel_loop3A_582 = tpu.memref_slice %arg6[%parallel_loop3A_156, %parallel_loop3A_580, %parallel_loop3A_581] : memref<2x128x64xf32, #tpu.memory_space<vmem>> -> memref<1x128x64xf32, #tpu.memory_space<vmem>>
        %parallel_loop3A_583 = tpu.memref_squeeze %parallel_loop3A_582 : memref<1x128x64xf32, #tpu.memory_space<vmem>> -> memref<128x64xf32, #tpu.memory_space<vmem>>
        %parallel_loop3A_584 = tpu.vector_load_idx %parallel_loop3A_583[%add3A_23, %parallel_loop3A_504] : memref<128x64xf32, #tpu.memory_space<vmem>>[vector<16xi32>, vector<16xi32>], vector<16xf32>,
        %parallel_loop3A_585 = arith.constant 96 : i32
        %parallel_loop3A_586 = vector.broadcast %parallel_loop3A_585 : i32 to vector<16xi32>
        %parallel_loop3A_587 = arith.addi %parallel_loop3A_195, %parallel_loop3A_586 : vector<16xi32>
        %parallel_loop3A_588 = arith.constant 0 : i32
        %parallel_loop3A_589 = arith.constant 0 : i32
        %parallel_loop3A_590 = tpu.memref_slice %arg7[%parallel_loop3A_157, %parallel_loop3A_588, %parallel_loop3A_589] : memref<2x8x1024xf32, #tpu.memory_space<vmem>> -> memref<1x8x1024xf32, #tpu.memory_space<vmem>>
        %parallel_loop3A_591 = tpu.memref_squeeze %parallel_loop3A_590 : memref<1x8x1024xf32, #tpu.memory_space<vmem>> -> memref<8x1024xf32, #tpu.memory_space<vmem>>
        tpu.vector_store_idx %parallel_loop3A_591[%parallel_loop3A_507, %parallel_loop3A_587], %parallel_loop3A_584 : memref<8x1024xf32, #tpu.memory_space<vmem>>[vector<16xi32>, vector<16xi32>], vector<16xf32>,
        %parallel_loop3A_592 = arith.constant 0 : i32
        %parallel_loop3A_593 = arith.constant 0 : i32
        %parallel_loop3A_594 = tpu.memref_slice %arg6[%parallel_loop3A_156, %parallel_loop3A_592, %parallel_loop3A_593] : memref<2x128x64xf32, #tpu.memory_space<vmem>> -> memref<1x128x64xf32, #tpu.memory_space<vmem>>
        %parallel_loop3A_595 = tpu.memref_squeeze %parallel_loop3A_594 : memref<1x128x64xf32, #tpu.memory_space<vmem>> -> memref<128x64xf32, #tpu.memory_space<vmem>>
        %parallel_loop3A_596 = tpu.vector_load_idx %parallel_loop3A_595[%add3A_26, %parallel_loop3A_504] : memref<128x64xf32, #tpu.memory_space<vmem>>[vector<16xi32>, vector<16xi32>], vector<16xf32>,
        %parallel_loop3A_597 = arith.constant 112 : i32
        %parallel_loop3A_598 = vector.broadcast %parallel_loop3A_597 : i32 to vector<16xi32>
        %parallel_loop3A_599 = arith.addi %parallel_loop3A_195, %parallel_loop3A_598 : vector<16xi32>
        %parallel_loop3A_600 = arith.constant 0 : i32
        %parallel_loop3A_601 = arith.constant 0 : i32
        %parallel_loop3A_602 = tpu.memref_slice %arg7[%parallel_loop3A_157, %parallel_loop3A_600, %parallel_loop3A_601] : memref<2x8x1024xf32, #tpu.memory_space<vmem>> -> memref<1x8x1024xf32, #tpu.memory_space<vmem>>
        %parallel_loop3A_603 = tpu.memref_squeeze %parallel_loop3A_602 : memref<1x8x1024xf32, #tpu.memory_space<vmem>> -> memref<8x1024xf32, #tpu.memory_space<vmem>>
        tpu.vector_store_idx %parallel_loop3A_603[%parallel_loop3A_507, %parallel_loop3A_599], %parallel_loop3A_596 : memref<8x1024xf32, #tpu.memory_space<vmem>>[vector<16xi32>, vector<16xi32>], vector<16xf32>,
      } {sc.loop_unroll_factor = 8 : i64, sc.parallel_access}
      %dma_start3A_158 = arith.constant 1 : i32
      %dma_start3A_159 = arith.constant 0 : i32
      %dma_start3A_160 = arith.constant 0 : i32
      %dma_start3A_161 = tpu.memref_slice %arg7[%dma_start3A_158, %dma_start3A_159, %dma_start3A_160] : memref<2x8x1024xf32, #tpu.memory_space<vmem>> -> memref<1x8x1024xf32, #tpu.memory_space<vmem>>
      %dma_start3A_162 = tpu.memref_squeeze %dma_start3A_161 : memref<1x8x1024xf32, #tpu.memory_space<vmem>> -> memref<8x1024xf32, #tpu.memory_space<vmem>>
      %dma_start3A_163 = arith.constant 0 : i32
      %dma_start3A_164 = arith.constant 0 : i32
      %dma_start3A_165 = tpu.memref_slice %arg4[%add3A_136, %dma_start3A_163, %add3A, %dma_start3A_164] : memref<50x8x32x1024xf32, #tpu.memory_space<hbm>> -> memref<1x8x1x1024xf32, #tpu.memory_space<hbm>>
      %dma_start3A_166 = tpu.memref_squeeze %dma_start3A_165 : memref<1x8x1x1024xf32, #tpu.memory_space<hbm>> -> memref<8x1024xf32, #tpu.memory_space<hbm>>
      %dma_start3A_167 = arith.constant 0 : i32
      %dma_start3A_168 = arith.constant 0 : i32
      %dma_start3A_169 = tpu.memref_slice %arg4[%add3A_136, %dma_start3A_167, %add3A, %dma_start3A_168] : memref<50x8x32x1024xf32, #tpu.memory_space<hbm>> -> memref<1x8x1x1024xf32, #tpu.memory_space<hbm>>
      %dma_start3A_170 = tpu.memref_squeeze %dma_start3A_169 : memref<1x8x1x1024xf32, #tpu.memory_space<hbm>> -> memref<8x1024xf32, #tpu.memory_space<hbm>>
      %dma_start3A_171 = arith.constant 0 : i32
      %dma_start3A_172 = arith.constant 0 : i32
      %dma_start3A_173 = tpu.memref_slice %arg7[%dma_start3A_158, %dma_start3A_171, %dma_start3A_172] : memref<2x8x1024xf32, #tpu.memory_space<vmem>> -> memref<1x8x1024xf32, #tpu.memory_space<vmem>>
      %dma_start3A_174 = tpu.memref_squeeze %dma_start3A_173 : memref<1x8x1024xf32, #tpu.memory_space<vmem>> -> memref<8x1024xf32, #tpu.memory_space<vmem>>
      tpu.enqueue_dma source(%dma_start3A_174 : memref<8x1024xf32, #tpu.memory_space<vmem>>) target(%dma_start3A_170 : memref<8x1024xf32, #tpu.memory_space<hbm>>) target_semaphore(%arg11 : memref<!tpu.dma_semaphore, #tpu.memory_space<semaphore_mem>>)
      %lt3A_175 = arith.constant 24 : i32
      %lt3A_176 = arith.cmpi slt, %scan3A_90, %lt3A_175 : i32
      %convert_element_type3A_177 = arith.extui %lt3A_176 : i1 to i32
      %cond3A_178 = arith.constant 0 : i32
      %cond3A_179 = arith.cmpi ne, %convert_element_type3A_177, %cond3A_178 : i32
      scf.if %cond3A_179 {
        %add3A_180 = arith.constant 2 : i32
        %add3A_181 = arith.addi %add3A_136, %add3A_180 : i32
        %dma_start3A_182 = arith.constant 1 : i32
        %dma_start3A_183 = arith.constant 0 : i32
        %dma_start3A_184 = arith.constant 0 : i32
        %dma_start3A_185 = tpu.memref_slice %arg6[%dma_start3A_182, %dma_start3A_183, %dma_start3A_184] : memref<2x128x64xf32, #tpu.memory_space<vmem>> -> memref<1x128x64xf32, #tpu.memory_space<vmem>>
        %dma_start3A_186 = tpu.memref_squeeze %dma_start3A_185 : memref<1x128x64xf32, #tpu.memory_space<vmem>> -> memref<128x64xf32, #tpu.memory_space<vmem>>
        %dma_start3A_187 = arith.constant 0 : i32
        %dma_start3A_188 = tpu.memref_slice %arg5[%add3A_181, %dma_start3A_187] : memref<50x128xi32, #tpu.memory_space<vmem>> -> memref<1x128xi32, #tpu.memory_space<vmem>>
        %dma_start3A_189 = tpu.memref_squeeze %dma_start3A_188 : memref<1x128xi32, #tpu.memory_space<vmem>> -> memref<128xi32, #tpu.memory_space<vmem>>
        %dma_start3A_190 = arith.constant 0 : i32
        %dma_start3A_191 = arith.constant 0 : i32
        %dma_start3A_192 = tpu.memref_slice %arg2[%dma_start3A_190, %dma_start3A_191] : memref<100000x64xf32, #tpu.memory_space<hbm>> -> memref<100000x64xf32, #tpu.memory_space<hbm>>
        tpu.enqueue_indirect_dma source(%dma_start3A_192 : memref<100000x64xf32, #tpu.memory_space<hbm>>) target(%dma_start3A_186 : memref<128x64xf32, #tpu.memory_space<vmem>>) offsets(%dma_start3A_189 : memref<128xi32, #tpu.memory_space<vmem>>) semaphore(%arg9 : memref<!tpu.dma_semaphore, #tpu.memory_space<semaphore_mem>>)
      } else {
      }
    }
    %scan3A_54 = arith.constant 25 : i32
    %dma_wait3A = arith.constant 0 : i32
    %dma_wait3A_55 = arith.constant 48 : i32
    %dma_wait3A_56 = arith.constant 0 : i32
    %dma_wait3A_57 = arith.constant 0 : i32
    %dma_wait3A_58 = tpu.memref_slice %arg7[%dma_wait3A, %dma_wait3A_56, %dma_wait3A_57] : memref<2x8x1024xf32, #tpu.memory_space<vmem>> -> memref<1x8x1024xf32, #tpu.memory_space<vmem>>
    %dma_wait3A_59 = tpu.memref_squeeze %dma_wait3A_58 : memref<1x8x1024xf32, #tpu.memory_space<vmem>> -> memref<8x1024xf32, #tpu.memory_space<vmem>>
    %dma_wait3A_60 = arith.constant 0 : i32
    %dma_wait3A_61 = arith.constant 0 : i32
    %dma_wait3A_62 = tpu.memref_slice %arg4[%dma_wait3A_55, %dma_wait3A_60, %add3A, %dma_wait3A_61] : memref<50x8x32x1024xf32, #tpu.memory_space<hbm>> -> memref<1x8x1x1024xf32, #tpu.memory_space<hbm>>
    %dma_wait3A_63 = tpu.memref_squeeze %dma_wait3A_62 : memref<1x8x1x1024xf32, #tpu.memory_space<hbm>> -> memref<8x1024xf32, #tpu.memory_space<hbm>>
    %dma_wait3A_64 = arith.constant 0 : i32
    %dma_wait3A_65 = arith.constant 0 : i32
    %dma_wait3A_66 = tpu.memref_slice %arg4[%dma_wait3A_55, %dma_wait3A_64, %add3A, %dma_wait3A_65] : memref<50x8x32x1024xf32, #tpu.memory_space<hbm>> -> memref<1x8x1x1024xf32, #tpu.memory_space<hbm>>
    %dma_wait3A_67 = tpu.memref_squeeze %dma_wait3A_66 : memref<1x8x1x1024xf32, #tpu.memory_space<hbm>> -> memref<8x1024xf32, #tpu.memory_space<hbm>>
    %dma_wait3A_68 = arith.constant 0 : i32
    %dma_wait3A_69 = arith.constant 0 : i32
    %dma_wait3A_70 = tpu.memref_slice %arg7[%dma_wait3A, %dma_wait3A_68, %dma_wait3A_69] : memref<2x8x1024xf32, #tpu.memory_space<vmem>> -> memref<1x8x1024xf32, #tpu.memory_space<vmem>>
    %dma_wait3A_71 = tpu.memref_squeeze %dma_wait3A_70 : memref<1x8x1024xf32, #tpu.memory_space<vmem>> -> memref<8x1024xf32, #tpu.memory_space<vmem>>
    tpu.wait_dma2 semaphore(%arg10 : memref<!tpu.dma_semaphore, #tpu.memory_space<semaphore_mem>>) src(%dma_wait3A_71 : memref<8x1024xf32, #tpu.memory_space<vmem>>) dst(%dma_wait3A_67 : memref<8x1024xf32, #tpu.memory_space<hbm>>)
    %dma_wait3A_72 = arith.constant 1 : i32
    %dma_wait3A_73 = arith.constant 49 : i32
    %dma_wait3A_74 = arith.constant 0 : i32
    %dma_wait3A_75 = arith.constant 0 : i32
    %dma_wait3A_76 = tpu.memref_slice %arg7[%dma_wait3A_72, %dma_wait3A_74, %dma_wait3A_75] : memref<2x8x1024xf32, #tpu.memory_space<vmem>> -> memref<1x8x1024xf32, #tpu.memory_space<vmem>>
    %dma_wait3A_77 = tpu.memref_squeeze %dma_wait3A_76 : memref<1x8x1024xf32, #tpu.memory_space<vmem>> -> memref<8x1024xf32, #tpu.memory_space<vmem>>
    %dma_wait3A_78 = arith.constant 0 : i32
    %dma_wait3A_79 = arith.constant 0 : i32
    %dma_wait3A_80 = tpu.memref_slice %arg4[%dma_wait3A_73, %dma_wait3A_78, %add3A, %dma_wait3A_79] : memref<50x8x32x1024xf32, #tpu.memory_space<hbm>> -> memref<1x8x1x1024xf32, #tpu.memory_space<hbm>>
    %dma_wait3A_81 = tpu.memref_squeeze %dma_wait3A_80 : memref<1x8x1x1024xf32, #tpu.memory_space<hbm>> -> memref<8x1024xf32, #tpu.memory_space<hbm>>
    %dma_wait3A_82 = arith.constant 0 : i32
    %dma_wait3A_83 = arith.constant 0 : i32
    %dma_wait3A_84 = tpu.memref_slice %arg4[%dma_wait3A_73, %dma_wait3A_82, %add3A, %dma_wait3A_83] : memref<50x8x32x1024xf32, #tpu.memory_space<hbm>> -> memref<1x8x1x1024xf32, #tpu.memory_space<hbm>>
    %dma_wait3A_85 = tpu.memref_squeeze %dma_wait3A_84 : memref<1x8x1x1024xf32, #tpu.memory_space<hbm>> -> memref<8x1024xf32, #tpu.memory_space<hbm>>
    %dma_wait3A_86 = arith.constant 0 : i32
    %dma_wait3A_87 = arith.constant 0 : i32
    %dma_wait3A_88 = tpu.memref_slice %arg7[%dma_wait3A_72, %dma_wait3A_86, %dma_wait3A_87] : memref<2x8x1024xf32, #tpu.memory_space<vmem>> -> memref<1x8x1024xf32, #tpu.memory_space<vmem>>
    %dma_wait3A_89 = tpu.memref_squeeze %dma_wait3A_88 : memref<1x8x1024xf32, #tpu.memory_space<vmem>> -> memref<8x1024xf32, #tpu.memory_space<vmem>>
    tpu.wait_dma2 semaphore(%arg11 : memref<!tpu.dma_semaphore, #tpu.memory_space<semaphore_mem>>) src(%dma_wait3A_89 : memref<8x1024xf32, #tpu.memory_space<vmem>>) dst(%dma_wait3A_85 : memref<8x1024xf32, #tpu.memory_space<hbm>>)
    return
  }
}

</mosaic_0001>

<sc_bundles>
// kernel: kernel.3.cloned.1.call-start
scs
__scs_entry_jumppad:
0x0: {  	(pc) =	sbr.rel $0x88, $3  }
0x1: {  	(tag) =	ssettag $0x0;
	lr =	simm.s32 $0x1  }
0x2: {  	[smem:$0x3F9F] =	sst lr;
	_ =	strace $0xD0000000  }
0x3: {  	_ = 	snop  }
0x4: {  	_ = 	snop  }
0x5: {  	_ = 	snop  }
0x6: {  	_ = 	snop  }
0x7: {  	_ = 	snop  }
__scs_overlays_trampoline_lowered:
0x8: {  	[smem:$0x3FAE] =	sst s0  }
0x9: {  	[smem:$0x3FAF] =	sst s1  }
0xa: {  	[smem:$0x3FB0] =	sst s2  }
0xb: {  	[smem:$0x3FB1] =	sst s3  }
0xc: {  	[smem:$0x3FB2] =	sst s4  }
0xd: {  	[smem:$0x3FB3] =	sst s5  }
0xe: {  	[smem:$0x3FB4] =	sst s6  }
0xf: {  	[smem:$0x3FB5] =	sst s7  }
0x10: {  	[smem:$0x3FB6] =	sst s8  }
0x11: {  	[smem:$0x3FB7] =	sst s9;
	s0 =	simm.s32 @!p0 $0x0  }
0x12: {  	s1 =	sld [smem:$0x3F9D];
	s0 =	simm.s32 @p0 $0x1  }
0x13: {  	[smem:$0x3FB8] =	sst s0;
	s0 =	simm.s32 @!p1 $0x0  }
0x14: {  	s2 =	sld [smem:$0x3F9C];
	s0 =	simm.s32 @p1 $0x1  }
0x15: {  	[smem:$0x3FB9] =	sst s0;
	s0 =	simm.s32 @!p2 $0x0  }
0x16: {  	s3 =	sld [smem:$0x3FDB];
	s0 =	simm.s32 @p2 $0x1  }
0x17: {  	s4 =	simm.s32 $0x1BF5;
	[smem:$0x3FBB] =	sst s0  }
0x18: {  	s0 =	sld [smem:$0x3F9E];
	_ =	swait.ge [sflag:s4], $0x0  }
0x19: {  	s7 =	sld [smem:$0x3F9F]  }
0x1a: {  	s8 =	sadd.s32 $0xFFFFE003, lr  }
0x1b: {  	s9 =	sadd.s32 $0xFFFFFEF7, lr;
	s5 =	simm.s32 $0xFFFFFFFF;
	p2 =	slt.u32 s8, $0xFFFFF086  }
0x1c: {  	p1 =	slt.u32 s9, $0xF7A;
	s5 =	simm.s32 @!p2 $0x0  }
0x1d: {  	s5 =	simm.s32 @p1 $0x1;
	p0 =	seq.s32 s7, s2  }
0x1e: {  	s7 =	smul.u32 @!p0 $0xF7A, s2;
	p2 =	seq.s32 @!p0 s5, $0x0  }
0x1f: {  	s9 =	smul.u32 $0xF7A, s1;
	s8 =	simm.s32 @!p0 $0x1BF5;
	p2 =	por !p2, p0  }
0x20: {  	[sflag:s8] =	ssyncset.s32 @!p0 $0xFFFFF086;
	s6 =	sadd.s32 @!p0 s3, s7;
	s7 =	simm.s32 @!p0 $0x108  }
0x21: {  	s3 =	sadd.s32 s3, s9;
	s6 =	sadd.s32 @!p0 $0x88, s6;
	s7 =	simm.s32 @p2 $0x1082  }
0x22: {  	[simem:s7], [sflag:s8] =	dma.local @!p0 [hbm:s6], $0xF7A  }
0x23: {  	s9 =	sor.u32 $0xD0000000, s2;
	s6 =	simm.s32 $0x108;
	_ =	swait.ge @!p0 [sflag:s8], $0x0  }
0x24: {  	s3 =	sadd.s32 $0x88, s3;
	s6 =	simm.s32 @!p1 $0x1082;
	[sflag:s4] =	ssyncset.s32 $0xFFFFF086  }
0x25: {  	[simem:s6], [sflag:s4] =	dma.local [hbm:s3], $0xF7A  }
0x26: {  	[smem:$0x3F9F] =	sst s1;
	(tag) =	ssettag s2;
	_ =	strace s9  }
0x27: {  	s1 =	sld [smem:$0x3FAF]  }
0x28: {  	s2 =	sld [smem:$0x3FB0]  }
0x29: {  	s4 =	sld [smem:$0x3FB2]  }
0x2a: {  	p0 =	seq.s32 s5, $0x0;
	s5 =	sld [smem:$0x3FB3]  }
0x2b: {  	s6 =	sld [smem:$0x3FB4]  }
0x2c: {  	s7 =	sld [smem:$0x3FB5]  }
0x2d: {  	s3 =	simm.s32 $0x108;
	s8 =	sld [smem:$0x3FB6]  }
0x2e: {  	s3 =	simm.s32 @!p0 $0x1082;
	s9 =	sld [smem:$0x3FB7]  }
0x2f: {  	lr =	sadd.s32 s0, s3;
	s0 =	sld [smem:$0x3FAE]  }
0x30: {  	s3 =	sld [smem:$0x3FB1]  }
0x31: {  	[smem:$0x3FBA] =	sst s10  }
0x32: {  	s10 =	sld [smem:$0x3FB8];
	_ =	sdelay $0x3  }
0x33: {  	p0 =	seq.s32 s10, $0x1;
	s10 =	sld [smem:$0x3FBA];
	_ =	sdelay $0x3  }
0x34: {  	[smem:$0x3FBA] =	sst s10  }
0x35: {  	s10 =	sld [smem:$0x3FB9];
	_ =	sdelay $0x3  }
0x36: {  	p1 =	seq.s32 s10, $0x1;
	s10 =	sld [smem:$0x3FBA];
	_ =	sdelay $0x3  }
0x37: {  	[smem:$0x3FBA] =	sst s10  }
0x38: {  	s10 =	sld [smem:$0x3FBB]  }
0x39: {  	_ = 	snop;
	(pc) =	sbr.ind lr, $3  }
0x3a: {  	_ = 	snop  }
0x3b: {  	_ = 	snop  }
0x3c: {  	p2 =	seq.s32 s10, $0x1;
	s10 =	sld [smem:$0x3FBA]  }
0x3d: {  	_ =	shalt  }
0x3e: {  	_ =	shalt  }
0x3f: {  	_ =	shalt  }
0x40: {  	_ =	shalt  }
0x41: {  	_ =	shalt  }
0x42: {  	_ =	shalt  }
0x43: {  	_ =	shalt  }
0x44: {  	_ =	shalt  }
0x45: {  	_ =	shalt  }
0x46: {  	_ =	shalt  }
0x47: {  	_ =	shalt  }
0x48: {  	_ =	shalt  }
0x49: {  	_ =	shalt  }
0x4a: {  	_ =	shalt  }
0x4b: {  	_ =	shalt  }
0x4c: {  	_ =	shalt  }
0x4d: {  	_ =	shalt  }
0x4e: {  	_ =	shalt  }
0x4f: {  	_ =	shalt  }
0x50: {  	_ =	shalt  }
0x51: {  	_ =	shalt  }
0x52: {  	_ =	shalt  }
0x53: {  	_ =	shalt  }
0x54: {  	_ =	shalt  }
0x55: {  	_ =	shalt  }
0x56: {  	_ =	shalt  }
0x57: {  	_ =	shalt  }
0x58: {  	_ =	shalt  }
0x59: {  	_ =	shalt  }
0x5a: {  	_ =	shalt  }
0x5b: {  	_ =	shalt  }
0x5c: {  	_ =	shalt  }
0x5d: {  	_ =	shalt  }
0x5e: {  	_ =	shalt  }
0x5f: {  	_ =	shalt  }
0x60: {  	_ =	shalt  }
0x61: {  	_ =	shalt  }
0x62: {  	_ =	shalt  }
0x63: {  	_ =	shalt  }
0x64: {  	_ =	shalt  }
0x65: {  	_ =	shalt  }
0x66: {  	_ =	shalt  }
0x67: {  	_ =	shalt  }
0x68: {  	_ =	shalt  }
0x69: {  	_ =	shalt  }
0x6a: {  	_ =	shalt  }
0x6b: {  	_ =	shalt  }
0x6c: {  	_ =	shalt  }
0x6d: {  	_ =	shalt  }
0x6e: {  	_ =	shalt  }
0x6f: {  	_ =	shalt  }
0x70: {  	_ =	shalt  }
0x71: {  	_ =	shalt  }
0x72: {  	_ =	shalt  }
0x73: {  	_ =	shalt  }
0x74: {  	_ =	shalt  }
0x75: {  	_ =	shalt  }
0x76: {  	_ =	shalt  }
0x77: {  	_ =	shalt  }
0x78: {  	_ =	shalt  }
0x79: {  	_ =	shalt  }
0x7a: {  	_ =	shalt  }
0x7b: {  	_ =	shalt  }
0x7c: {  	_ =	shalt  }
0x7d: {  	_ =	shalt  }
0x7e: {  	_ =	shalt  }
0x7f: {  	_ =	shalt  }
0x80: {  	_ =	shalt  }
0x81: {  	_ =	shalt  }
0x82: {  	_ =	shalt  }
0x83: {  	_ =	shalt  }
0x84: {  	_ =	shalt  }
0x85: {  	_ =	shalt  }
0x86: {  	_ =	shalt  }
0x87: {  	_ =	shalt  }
.Lfunc_end0:
.L_simem_size_0:
called_computation_lowered:
.L_overlay_start_0:
0x88: {  	s2 =	sld [smem:$0x3FD9]  }
0x89: {  	s3 =	sld [smem:$0x3FFE];
	_ =	sdelay $0x1  }
0x8a: {  	s1 =	srdreg.scid  }
0x8b: {  	s0 =	sand.u32 $0x1, s1  }
0x8c: {  	s17 =	sshll.u32 s0, $0xA;
	s2 =	sadd.s32 s3, s2  }
0x8d: {  	s2 =	sadd.s32 s2, s17  }
0x8e: {  	[smem:$0x3FC6] =	sst s2  }
0x8f: {  	_ = 	snop  }
0x90: {  	s2 =	sld [smem:$0x3FD0];
	(tm) =	ssettm $0x1  }
0x91: {  	s18 =	sld [smem:$0x3FFB];
	_ =	sdelay $0x3  }
0x92: {  	_ =	strace s18  }
0x93: {  	s3 =	sld [smem:$0x3FFC];
	_ =	sdelay $0x3  }
0x94: {  	_ =	strace s3  }
0x95: {  	s3 =	sld [smem:$0x3FFD];
	_ =	sdelay $0x3  }
0x96: {  	_ =	strace s3  }
0x97: {  	_ =	strace $0x8FFFFFFF  }
0x98: {  	s19 =	sld [smem:$0x3FDB];
	_ =	sdelay $0x1  }
0x99: {  	s4 =	simm.s32 $_scs_section_size  }
0x9a: {  	s5 =	simm.s32 $_size__tile_overlayer_lowered;
	s6 =	simm.s32 $_tile_overlayer_lowered  }
0x9b: {  	s22 =	simm.s32 $0x1BFF;
	s21 =	sshll.u32 s6, $0x1;
	s3 =	sadd.s32 s4, s19  }
0x9c: {  	s7 =	simm.s32 $0x0;
	s20 =	sshll.u32 s5, $0x1;
	s5 =	sadd.s32 s21, s3  }
0x9d: {  	[timem:s7], [sflag:s22] =	dma.local [hbm:s5], s20  }
0x9e: {  	_ =	swait.ge [sflag:s22], s20  }
0x9f: {  	s4 =	ssub.s32 $0x0, s20;
	[sflag:s22] =	ssyncset.done $0x0  }
0xa0: {  	[sflag:s22] =	ssyncadd.s32 s4;
	_ =	sdelay $0x1  }
0xa1: {  	s23 =	simm.s32 $0x1B8B  }
0xa2: {  	_ =	swait.ge [sflag:s23], $0x1  }
0xa3: {  	[sflag:s23] =	ssyncset.done $0x0  }
0xa4: {  	s25 =	simm.s32 $0x1B8E;
	s24 =	sld [smem:$0x3FFE];
	[sflag:s23] =	ssyncadd.s32 $0xFFFFFFFF  }
0xa5: {  	s26 =	simm.s32 $execute0_lowered;
	[smem:$0x3FD2] =	sst s25  }
0xa6: {  	s5 =	sshll.u32 s26, $0x1;
	_ =	strace $0x80000046;
	[dreg:$0x1] =	wrdreg $0xFFFFFFFF  }
0xa7: {  	s28 =	simm.s32 $_size_execute0_lowered;
	s3 =	sadd.s32 s3, s5;
	[dreg:$0x0] =	wrdreg $0x0  }
0xa8: {  	s5 =	sshll.u32 s28, $0x1;
	[dreg:$0x2] =	wrdreg s3  }
0xa9: {  	[dreg:$0x3] =	wrdreg s5  }
0xaa: {  	[dreg:$0x4] =	wrdreg $0xC0  }
0xab: {  	_ =	task [dreg:s7], $0x5FFFF  }
0xac: {  	[dreg:$0x1] =	wrdreg $0xFFFFFFFF  }
0xad: {  	[dreg:$0x0] =	wrdreg $0x60  }
0xae: {  	[dreg:$0x2] =	wrdreg s24  }
0xaf: {  	[dreg:$0x3] =	wrdreg s2  }
0xb0: {  	[dreg:$0x4] =	wrdreg $0x9  }
0xb1: {  	_ =	task.clear_ibuf [dreg:s7], $0x5FFFF;
	_ =	strace $0x90000046  }
0xb2: {  	s29 =	simm.s32 $0x9;
	_ =	strace $0x80000048  }
0xb3: {  	_ =	swait.ge [sflag:s29], $0x1  }
0xb4: {  	[sflag:s29] =	ssyncadd.s32 $0xFFFFFFFF  }
0xb5: {  	_ =	strace $0x90000048  }
0xb6: {  	_ =	sfence  }
0xb7: {  	s30 =	sld [smem:$0x0];
	_ =	sdelay $0x2  }
0xb8: {  	s31 =	sshll.u32 s1, $0xD;
	s1 =	sshrl.u32 s1, $0x2  }
0xb9: {  	s3 =	sand.u32 $0x4000, s31;
	s1 =	sadd.s32 s1, s30  }
0xba: {  	s0 =	sor.u32 s3, s0;
	s1 =	sshll.u32 s1, $0x11  }
0xbb: {  	s0 =	sor.u32 s1, s0  }
0xbc: {  	s0 =	sadd.s32 $0x8F2B, s0  }
0xbd: {  	[sflag:s0] =	ssyncadd.remote.s32 $0x1  }
0xbe: {  	_ =	sfence.sel $0xFFFF  }
0xbf: {  	[dreg:$0x0] =	wrdreg $0xFFFFFFFF;
	(pc) =	sbr.abs _section_cstart, $3  }
0xc0: {  	[dreg:$0x1] =	wrdreg $0xFFFFFFFF  }
0xc1: {  	_ =	task.clear_ibuf [dreg:s7], $0x2FFFF;
	_ =	strace $0x9FFFFFFF  }
0xc2: {  	(tm) =	ssettm $0x7FFFFFFF  }
0xc3: {  	_ =	shalt  }
tec
execute0_lowered:
.L_overlay_start_1:
0x0: {  	(tag) =	ssettag $0x1  }
0x1: {  	v0 =	vimm.s32 $0xC3824100  }
0x2: {  	vm15 =	vcmask $0xF00;
	vm10 =	vcmask $0x1310;
	vm9 =	vcmask $0x1714  }
0x3: {  	vm8 =	vcmask $0x1B18;
	vm7 =	vcmask $0x1F1C;
	vm6 =	vcmask $0x2320  }
0x4: {  	vm5 =	vcmask $0x2724;
	vm4 =	vcmask $0x2B28;
	vm3 =	vcmask $0x2F2C  }
0x5: {  	vm2 =	vcmask $0x3330;
	vm0 =	vcmask $0x3734;
	v1 =	vimm.s32 $0x38F  }
0x6: {  	vm14 =	vcmask $0x300;
	vm13 =	vcmask $0x704;
	vm1 =	vcmask $0x3B38  }
0x7: {  	vm11 =	vcmask $0xB08;
	v45 =	vimm.s32 $0x7C7;
	vm12 =	vcmask $0xF0C  }
0x8: {  	v2 =	vimm.s32 $0x39F;
	v48 =	vimm.s32 $0xBC7;
	v52 =	vimm.s32 $0x3AF  }
0x9: {  	v53 =	vimm.s32 $0xFC7;
	v56 =	vimm.s32 $0x3BF;
	v60 =	vimm.s32 $0x13C7  }
0xa: {  	v61 =	vimm.s32 $0x3CF;
	v21 =	vimm.s32 $0x17C7;
	v25 =	vimm.s32 $0x3DF  }
0xb: {  	v26 =	vimm.s32 $0x1BC7;
	v33 =	vimm.s32 $0x3EF;
	v37 =	vimm.s32 $0x1FC7  }
0xc: {  	v38 =	vimm.s32 $0x3FF;
	v41 =	vimm.s32 $0xD3925110;
	v3 =	vimm.s32 $0xB8F  }
0xd: {  	v0 =	vunpack.c.0.s8.s32 v0;
	v1 =	vsel vm14, $0x0, v1;
	v2 =	vsel vm14, $0x10, v2  }
0xe: {  	v50 =	vsel vm14, $0x800, v48;
	v58 =	vsel vm14, $0x30, v56;
	v23 =	vsel vm14, $0x1400, v21  }
0xf: {  	v35 =	vsel vm14, $0x60, v33;
	v43 =	vsel vm14, $0x800, v3;
	v48 =	vimm.s32 $0xB9F  }
0x10: {  	v56 =	vimm.s32 $0xFD7;
	v21 =	vimm.s32 $0xBCF;
	v33 =	vimm.s32 $0x1BD7  }
0x11: {  	v1 =	vsel vm13, $0x81, v1;
	v2 =	vsel vm13, $0x91, v2;
	v51 =	vsel vm13, $0x841, v50  }
0x12: {  	v59 =	vsel vm13, $0xB1, v58;
	v24 =	vsel vm13, $0x1441, v23;
	v36 =	vsel vm13, $0xE1, v35  }
0x13: {  	v0 =	vand.u32 $0xFF, v0;
	v44 =	vsel vm11, $0x102, v1;
	v1 =	vsel vm14, $0x400, v45  }
0x14: {  	v2 =	vsel vm11, $0x112, v2;
	v45 =	vimm.s32 $0x7D7;
	v0 =	vnsel vm15, $0x3C7, v0  }
0x15: {  	v1 =	vsel vm13, $0x441, v1;
	v2 =	vsel vm12, $0x193, v2;
	v0 =	vsel vm10, $0x104, v0  }
0x16: {  	v1 =	vsel vm11, $0x482, v1;
	v2 =	vsel vm10, $0x214, v2;
	v0 =	vsel vm9, $0x145, v0  }
0x17: {  	v1 =	vsel vm12, $0x4C3, v1;
	v2 =	vsel vm9, $0x295, v2;
	v0 =	vsel vm8, $0x186, v0  }
0x18: {  	v1 =	vsel vm10, $0x504, v1;
	v2 =	vsel vm8, $0x316, v2;
	v0 =	vsel vm7, $0x1C7, v0  }
0x19: {  	v1 =	vsel vm9, $0x545, v1;
	v2 =	vsel vm7, $0x397, v2;
	v0 =	vsel vm6, $0x200, v0  }
0x1a: {  	v1 =	vsel vm8, $0x586, v1;
	v2 =	vsel vm6, $0x18, v2;
	v0 =	vsel vm5, $0x241, v0  }
0x1b: {  	v1 =	vsel vm7, $0x5C7, v1;
	v2 =	vsel vm5, $0x99, v2;
	v0 =	vsel vm4, $0x282, v0  }
0x1c: {  	v1 =	vsel vm6, $0x600, v1;
	v2 =	vsel vm4, $0x11A, v2;
	v0 =	vsel vm3, $0x2C3, v0  }
0x1d: {  	v1 =	vsel vm5, $0x641, v1;
	v47 =	vsel vm3, $0x19B, v2;
	v2 =	vsel vm14, $0xC00, v53  }
0x1e: {  	v0 =	vsel vm2, $0x304, v0;
	v1 =	vsel vm4, $0x682, v1;
	v2 =	vsel vm13, $0xC41, v2  }
0x1f: {  	v0 =	vsel vm0, $0x345, v0;
	v1 =	vsel vm3, $0x6C3, v1;
	v2 =	vsel vm11, $0xC82, v2  }
0x20: {  	v0 =	vsel vm1, $0x386, v0;
	v46 =	vsel vm2, $0x704, v1;
	v1 =	vsel vm2, $0x21C, v47  }
0x21: {  	v2 =	vsel vm12, $0xCC3, v2;
	[tilespmem:$0x1FC00] =	vst v0;
	v0 =	vsel vm12, $0x183, v44;
	v49 =	vsel vm0, $0x29D, v1  }
0x22: {  	v1 =	vsel vm14, $0x20, v52;
	v2 =	vsel vm10, $0xD04, v2;
	v52 =	vimm.s32 $0xBAF  }
0x23: {  	v0 =	vsel vm10, $0x204, v0;
	v7 =	vsel vm1, $0x31E, v49;
	v1 =	vsel vm13, $0xA1, v1  }
0x24: {  	v2 =	vsel vm9, $0xD45, v2;
	v49 =	vimm.s32 $0xBD7;
	v0 =	vsel vm9, $0x285, v0  }
0x25: {  	v1 =	vsel vm11, $0x122, v1;
	v2 =	vsel vm8, $0xD86, v2;
	v0 =	vsel vm8, $0x306, v0  }
0x26: {  	v1 =	vsel vm12, $0x1A3, v1;
	v2 =	vsel vm7, $0xDC7, v2;
	v0 =	vsel vm7, $0x387, v0  }
0x27: {  	v1 =	vsel vm10, $0x224, v1;
	v2 =	vsel vm6, $0xE00, v2;
	v0 =	vsel vm6, $0x8, v0  }
0x28: {  	v1 =	vsel vm9, $0x2A5, v1;
	v2 =	vsel vm5, $0xE41, v2;
	v0 =	vsel vm5, $0x89, v0  }
0x29: {  	v1 =	vsel vm8, $0x326, v1;
	v2 =	vsel vm4, $0xE82, v2;
	v0 =	vsel vm4, $0x10A, v0  }
0x2a: {  	v1 =	vsel vm7, $0x3A7, v1;
	v55 =	vsel vm3, $0xEC3, v2;
	v2 =	vsel vm14, $0x40, v61  }
0x2b: {  	v0 =	vsel vm3, $0x18B, v0;
	v1 =	vsel vm6, $0x28, v1;
	v2 =	vsel vm13, $0xC1, v2  }
0x2c: {  	v0 =	vsel vm2, $0x20C, v0;
	v1 =	vsel vm5, $0xA9, v1;
	v2 =	vsel vm11, $0x142, v2  }
0x2d: {  	v0 =	vsel vm0, $0x28D, v0;
	v1 =	vsel vm4, $0x12A, v1;
	v2 =	vsel vm12, $0x1C3, v2  }
0x2e: {  	v0 =	vsel vm1, $0x30E, v0;
	v1 =	vsel vm3, $0x1AB, v1;
	v2 =	vsel vm10, $0x244, v2  }
0x2f: {  	[tilespmem:$0x1FC10] =	vst v0;
	v0 =	vsel vm0, $0x745, v46;
	v54 =	vsel vm2, $0x22C, v1;
	v1 =	vsel vm2, $0xF04, v55  }
0x30: {  	v2 =	vsel vm9, $0x2C5, v2;
	v6 =	vsel vm1, $0x786, v0;
	v0 =	vsel vm11, $0x882, v51  }
0x31: {  	v57 =	vsel vm0, $0xF45, v1;
	v1 =	vsel vm14, $0x1000, v60;
	v2 =	vsel vm8, $0x346, v2  }
0x32: {  	v51 =	vsel vm14, $0x810, v49;
	v60 =	vimm.s32 $0x13D7;
	v0 =	vsel vm12, $0x8C3, v0  }
0x33: {  	v10 =	vsel vm1, $0xF86, v57;
	v1 =	vsel vm13, $0x1041, v1;
	v2 =	vsel vm7, $0x3C7, v2  }
0x34: {  	v57 =	vimm.s32 $0xBBF;
	v0 =	vsel vm10, $0x904, v0;
	v1 =	vsel vm11, $0x1082, v1  }
0x35: {  	v2 =	vsel vm6, $0x48, v2;
	v0 =	vsel vm9, $0x945, v0;
	v1 =	vsel vm12, $0x10C3, v1  }
0x36: {  	v2 =	vsel vm5, $0xC9, v2;
	v0 =	vsel vm8, $0x986, v0;
	v1 =	vsel vm10, $0x1104, v1  }
0x37: {  	v2 =	vsel vm4, $0x14A, v2;
	v0 =	vsel vm7, $0x9C7, v0;
	v1 =	vsel vm9, $0x1145, v1  }
0x38: {  	v63 =	vsel vm3, $0x1CB, v2;
	v2 =	vsel vm14, $0x1800, v26;
	v0 =	vsel vm6, $0xA00, v0  }
0x39: {  	v1 =	vsel vm8, $0x1186, v1;
	v2 =	vsel vm13, $0x1841, v2;
	v0 =	vsel vm5, $0xA41, v0  }
0x3a: {  	v1 =	vsel vm7, $0x11C7, v1;
	v2 =	vsel vm11, $0x1882, v2;
	v0 =	vsel vm4, $0xA82, v0  }
0x3b: {  	v1 =	vsel vm6, $0x1200, v1;
	v2 =	vsel vm12, $0x18C3, v2;
	v0 =	vsel vm3, $0xAC3, v0  }
0x3c: {  	v1 =	vsel vm5, $0x1241, v1;
	v2 =	vsel vm10, $0x1904, v2;
	v0 =	vsel vm2, $0xB04, v0  }
0x3d: {  	v1 =	vsel vm4, $0x1282, v1;
	v2 =	vsel vm9, $0x1945, v2;
	v0 =	vsel vm0, $0xB45, v0  }
0x3e: {  	v1 =	vsel vm3, $0x12C3, v1;
	v2 =	vsel vm8, $0x1986, v2;
	v8 =	vsel vm1, $0xB86, v0  }
0x3f: {  	v0 =	vsel vm0, $0x2AD, v54;
	v62 =	vsel vm2, $0x1304, v1;
	v1 =	vsel vm2, $0x24C, v63  }
0x40: {  	v2 =	vsel vm7, $0x19C7, v2;
	v9 =	vsel vm1, $0x32E, v0;
	v0 =	vsel vm11, $0x132, v59  }
0x41: {  	v22 =	vsel vm0, $0x2CD, v1;
	v1 =	vsel vm14, $0x50, v25;
	v2 =	vsel vm6, $0x1A00, v2  }
0x42: {  	v59 =	vsel vm14, $0x830, v57;
	v25 =	vimm.s32 $0xBDF;
	v0 =	vsel vm12, $0x1B3, v0  }
0x43: {  	v13 =	vsel vm1, $0x34E, v22;
	v1 =	vsel vm13, $0xD1, v1;
	v2 =	vsel vm5, $0x1A41, v2  }
0x44: {  	v22 =	vimm.s32 $0x17D7;
	v0 =	vsel vm10, $0x234, v0;
	v1 =	vsel vm11, $0x152, v1  }
0x45: {  	v2 =	vsel vm4, $0x1A82, v2;
	v0 =	vsel vm9, $0x2B5, v0;
	v1 =	vsel vm12, $0x1D3, v1  }
0x46: {  	v32 =	vsel vm3, $0x1AC3, v2;
	v2 =	vsel vm14, $0x70, v38;
	v0 =	vsel vm8, $0x336, v0  }
0x47: {  	v1 =	vsel vm10, $0x254, v1;
	v2 =	vsel vm13, $0xF1, v2;
	v0 =	vsel vm7, $0x3B7, v0  }
0x48: {  	v1 =	vsel vm9, $0x2D5, v1;
	v2 =	vsel vm11, $0x172, v2;
	v0 =	vsel vm6, $0x38, v0  }
0x49: {  	v1 =	vsel vm8, $0x356, v1;
	v2 =	vsel vm12, $0x1F3, v2;
	v0 =	vsel vm5, $0xB9, v0  }
0x4a: {  	v1 =	vsel vm7, $0x3D7, v1;
	v2 =	vsel vm10, $0x274, v2;
	v0 =	vsel vm4, $0x13A, v0  }
0x4b: {  	v1 =	vsel vm6, $0x58, v1;
	v2 =	vsel vm9, $0x2F5, v2;
	v0 =	vsel vm3, $0x1BB, v0  }
0x4c: {  	v1 =	vsel vm5, $0xD9, v1;
	v2 =	vsel vm8, $0x376, v2;
	v0 =	vsel vm2, $0x23C, v0  }
0x4d: {  	v1 =	vsel vm4, $0x15A, v1;
	v2 =	vsel vm7, $0x3F7, v2;
	v0 =	vsel vm0, $0x2BD, v0  }
0x4e: {  	v1 =	vsel vm3, $0x1DB, v1;
	v2 =	vsel vm6, $0x78, v2;
	v11 =	vsel vm1, $0x33E, v0  }
0x4f: {  	v0 =	vsel vm0, $0x1345, v62;
	v27 =	vsel vm2, $0x25C, v1;
	v1 =	vsel vm2, $0x1B04, v32  }
0x50: {  	v2 =	vsel vm5, $0xF9, v2;
	v12 =	vsel vm1, $0x1386, v0;
	v0 =	vsel vm11, $0x1482, v24  }
0x51: {  	v34 =	vsel vm0, $0x1B45, v1;
	v1 =	vsel vm14, $0x1C00, v37;
	v2 =	vsel vm4, $0x17A, v2  }
0x52: {  	v24 =	vsel vm14, $0x1410, v22;
	v37 =	vimm.s32 $0x1FD7;
	v22 =	vimm.s32 $0x13E7  }
0x53: {  	v0 =	vsel vm12, $0x14C3, v0;
	v16 =	vsel vm1, $0x1B86, v34;
	v1 =	vsel vm13, $0x1C41, v1  }
0x54: {  	v40 =	vsel vm3, $0x1FB, v2;
	v2 =	vunpack.c.0.s8.s32 v41;
	v0 =	vsel vm10, $0x1504, v0  }
0x55: {  	v34 =	vimm.s32 $0xBEF;
	v1 =	vsel vm11, $0x1C82, v1;
	v0 =	vsel vm9, $0x1545, v0  }
0x56: {  	v1 =	vsel vm12, $0x1CC3, v1;
	v44 =	vand.u32 $0xFF, v2;
	v2 =	vsel vm14, $0x410, v45  }
0x57: {  	v45 =	vimm.s32 $0xE3A26120;
	v0 =	vsel vm8, $0x1586, v0;
	v1 =	vsel vm10, $0x1D04, v1  }
0x58: {  	v2 =	vsel vm13, $0x451, v2;
	v0 =	vsel vm7, $0x15C7, v0;
	v1 =	vsel vm9, $0x1D45, v1  }
0x59: {  	v2 =	vsel vm11, $0x492, v2;
	v0 =	vsel vm6, $0x1600, v0;
	v1 =	vsel vm8, $0x1D86, v1  }
0x5a: {  	v2 =	vsel vm12, $0x4D3, v2;
	v0 =	vsel vm5, $0x1641, v0;
	v1 =	vsel vm7, $0x1DC7, v1  }
0x5b: {  	v2 =	vsel vm10, $0x514, v2;
	v0 =	vsel vm4, $0x1682, v0;
	v1 =	vsel vm6, $0x1E00, v1  }
0x5c: {  	v2 =	vsel vm9, $0x555, v2;
	v0 =	vsel vm3, $0x16C3, v0;
	v1 =	vsel vm5, $0x1E41, v1  }
0x5d: {  	v2 =	vsel vm8, $0x596, v2;
	v0 =	vsel vm2, $0x1704, v0;
	v1 =	vsel vm4, $0x1E82, v1  }
0x5e: {  	v2 =	vsel vm7, $0x5D7, v2;
	v0 =	vsel vm0, $0x1745, v0;
	v1 =	vsel vm3, $0x1EC3, v1  }
0x5f: {  	v2 =	vsel vm6, $0x610, v2;
	v14 =	vsel vm1, $0x1786, v0;
	v0 =	vsel vm0, $0x2DD, v27  }
0x60: {  	v39 =	vsel vm2, $0x1F04, v1;
	v1 =	vsel vm2, $0x27C, v40;
	v2 =	vsel vm5, $0x651, v2  }
0x61: {  	v15 =	vsel vm1, $0x35E, v0;
	v0 =	vsel vm11, $0x162, v36;
	v1 =	vsel vm0, $0x2FD, v1  }
0x62: {  	v2 =	vsel vm4, $0x692, v2;
	v36 =	vsel vm14, $0x860, v34;
	v0 =	vsel vm12, $0x1E3, v0  }
0x63: {  	v42 =	vsel vm1, $0x37E, v1;
	v1 =	vnsel vm15, $0x3D7, v44;
	v46 =	vsel vm3, $0x6D3, v2  }
0x64: {  	v2 =	vsel vm14, $0x820, v52;
	v44 =	vimm.s32 $0xBFF;
	v0 =	vsel vm10, $0x264, v0  }
0x65: {  	v1 =	vsel vm10, $0x114, v1;
	v47 =	vsel vm2, $0x714, v46;
	v2 =	vsel vm13, $0x8A1, v2  }
0x66: {  	v46 =	vimm.s32 $0x138F;
	v0 =	vsel vm9, $0x2E5, v0;
	v1 =	vsel vm9, $0x155, v1  }
0x67: {  	v2 =	vsel vm11, $0x922, v2;
	v0 =	vsel vm8, $0x366, v0;
	v1 =	vsel vm8, $0x196, v1  }
0x68: {  	v2 =	vsel vm12, $0x9A3, v2;
	v0 =	vsel vm7, $0x3E7, v0;
	v1 =	vsel vm7, $0x1D7, v1  }
0x69: {  	v2 =	vsel vm10, $0xA24, v2;
	v0 =	vsel vm6, $0x68, v0;
	v1 =	vsel vm6, $0x210, v1  }
0x6a: {  	v2 =	vsel vm9, $0xAA5, v2;
	v0 =	vsel vm5, $0xE9, v0;
	v1 =	vsel vm5, $0x251, v1  }
0x6b: {  	v2 =	vsel vm8, $0xB26, v2;
	v0 =	vsel vm4, $0x16A, v0;
	v1 =	vsel vm4, $0x292, v1  }
0x6c: {  	v2 =	vsel vm7, $0xBA7, v2;
	v0 =	vsel vm3, $0x1EB, v0;
	v1 =	vsel vm3, $0x2D3, v1  }
0x6d: {  	v2 =	vsel vm6, $0x828, v2;
	v0 =	vsel vm2, $0x26C, v0;
	v1 =	vsel vm2, $0x314, v1  }
0x6e: {  	v2 =	vsel vm5, $0x8A9, v2;
	v0 =	vsel vm0, $0x2ED, v0;
	v1 =	vsel vm0, $0x355, v1  }
0x6f: {  	v2 =	vsel vm4, $0x92A, v2;
	v18 =	vsel vm1, $0x36E, v0;
	v0 =	vsel vm0, $0x1F45, v39  }
0x70: {  	v1 =	vsel vm1, $0x396, v1;
	v54 =	vsel vm3, $0x9AB, v2;
	v2 =	vsel vm14, $0x1010, v60  }
0x71: {  	v60 =	vimm.s32 $0xFE7;
	v19 =	vsel vm1, $0x1F86, v0;
	v0 =	vsel vm13, $0x881, v43  }
0x72: {  	[tilespmem:$0x1FC30] =	vst v1;
	v1 =	vsel vm14, $0x810, v48;
	v55 =	vsel vm2, $0xA2C, v54;
	v2 =	vsel vm13, $0x1051, v2  }
0x73: {  	v48 =	vsel vm14, $0x1000, v46;
	v54 =	vimm.s32 $0xBE7;
	v0 =	vsel vm11, $0x902, v0  }
0x74: {  	v50 =	vsel vm13, $0x891, v1;
	v1 =	vsel vm13, $0x851, v51;
	v2 =	vsel vm11, $0x1092, v2  }
0x75: {  	v51 =	vimm.s32 $0x7E7;
	v0 =	vsel vm12, $0x983, v0;
	v1 =	vsel vm11, $0x892, v1  }
0x76: {  	v2 =	vsel vm12, $0x10D3, v2;
	v52 =	vsel vm14, $0x420, v51;
	v51 =	vimm.s32 $0x1FE7  }
0x77: {  	v0 =	vsel vm10, $0xA04, v0;
	v1 =	vsel vm12, $0x8D3, v1;
	v2 =	vsel vm10, $0x1114, v2  }
0x78: {  	v0 =	vsel vm9, $0xA85, v0;
	v1 =	vsel vm10, $0x914, v1;
	v2 =	vsel vm9, $0x1155, v2  }
0x79: {  	v0 =	vsel vm8, $0xB06, v0;
	v1 =	vsel vm9, $0x955, v1;
	v2 =	vsel vm8, $0x1196, v2  }
0x7a: {  	v0 =	vsel vm7, $0xB87, v0;
	v1 =	vsel vm8, $0x996, v1;
	v2 =	vsel vm7, $0x11D7, v2  }
0x7b: {  	v0 =	vsel vm6, $0x808, v0;
	v1 =	vsel vm7, $0x9D7, v1;
	v2 =	vsel vm6, $0x1210, v2  }
0x7c: {  	v0 =	vsel vm5, $0x889, v0;
	v1 =	vsel vm6, $0xA10, v1;
	v2 =	vsel vm5, $0x1251, v2  }
0x7d: {  	v0 =	vsel vm4, $0x90A, v0;
	v1 =	vsel vm5, $0xA51, v1;
	v2 =	vsel vm4, $0x1292, v2  }
0x7e: {  	v0 =	vsel vm3, $0x98B, v0;
	v1 =	vsel vm4, $0xA92, v1;
	v62 =	vsel vm3, $0x12D3, v2  }
0x7f: {  	v2 =	vsel vm14, $0x850, v25;
	v25 =	vimm.s32 $0x17E7;
	v0 =	vsel vm2, $0xA0C, v0  }
0x80: {  	v1 =	vsel vm3, $0xAD3, v1;
	v63 =	vsel vm2, $0x1314, v62;
	v0 =	vsel vm0, $0xA8D, v0  }
0x81: {  	v2 =	vsel vm13, $0x8D1, v2;
	v1 =	vsel vm2, $0xB14, v1;
	v0 =	vsel vm1, $0xB0E, v0  }
0x82: {  	v2 =	vsel vm11, $0x952, v2;
	v53 =	vsel vm0, $0xB55, v1;
	[tilespmem:$0x1FC40] =	vst v0;
	v0 =	vsel vm0, $0x755, v47  }
0x83: {  	v1 =	vsel vm14, $0xC10, v56;
	v2 =	vsel vm12, $0x9D3, v2;
	v0 =	vsel vm1, $0x796, v0  }
0x84: {  	v58 =	vsel vm13, $0xC51, v1;
	v1 =	vsel vm13, $0x8B1, v59;
	[tilespmem:$0x1FC50] =	vst v0;
	v0 =	vsel vm11, $0x912, v50  }
0x85: {  	v2 =	vsel vm10, $0xA54, v2;
	v1 =	vsel vm11, $0x932, v1;
	v0 =	vsel vm12, $0x993, v0  }
0x86: {  	v2 =	vsel vm9, $0xAD5, v2;
	v1 =	vsel vm12, $0x9B3, v1;
	v0 =	vsel vm10, $0xA14, v0  }
0x87: {  	v2 =	vsel vm8, $0xB56, v2;
	v1 =	vsel vm10, $0xA34, v1;
	v0 =	vsel vm9, $0xA95, v0  }
0x88: {  	v2 =	vsel vm7, $0xBD7, v2;
	v1 =	vsel vm9, $0xAB5, v1;
	v0 =	vsel vm8, $0xB16, v0  }
0x89: {  	v2 =	vsel vm6, $0x858, v2;
	v1 =	vsel vm8, $0xB36, v1;
	v0 =	vsel vm7, $0xB97, v0  }
0x8a: {  	v2 =	vsel vm5, $0x8D9, v2;
	v1 =	vsel vm7, $0xBB7, v1;
	v0 =	vsel vm6, $0x818, v0  }
0x8b: {  	v2 =	vsel vm4, $0x95A, v2;
	v1 =	vsel vm6, $0x838, v1;
	v0 =	vsel vm5, $0x899, v0  }
0x8c: {  	v27 =	vsel vm3, $0x9DB, v2;
	v2 =	vsel vm14, $0x1C10, v37;
	v0 =	vsel vm4, $0x91A, v0  }
0x8d: {  	v1 =	vsel vm5, $0x8B9, v1;
	v32 =	vsel vm2, $0xA5C, v27;
	v0 =	vsel vm3, $0x99B, v0  }
0x8e: {  	v2 =	vsel vm13, $0x1C51, v2;
	v1 =	vsel vm4, $0x93A, v1;
	v0 =	vsel vm2, $0xA1C, v0  }
0x8f: {  	v2 =	vsel vm11, $0x1C92, v2;
	v1 =	vsel vm3, $0x9BB, v1;
	v0 =	vsel vm0, $0xA9D, v0  }
0x90: {  	v2 =	vsel vm12, $0x1CD3, v2;
	v1 =	vsel vm2, $0xA3C, v1;
	v0 =	vsel vm1, $0xB1E, v0  }
0x91: {  	v2 =	vsel vm10, $0x1D14, v2;
	v61 =	vsel vm0, $0xABD, v1;
	[tilespmem:$0x1FC60] =	vst v0;
	v0 =	vsel vm1, $0xB96, v53  }
0x92: {  	v1 =	vsel vm14, $0x840, v21;
	v2 =	vsel vm9, $0x1D55, v2;
	[tilespmem:$0x1FC70] =	vst v0;
	v0 =	vsel vm0, $0xAAD, v55  }
0x93: {  	v31 =	vsel vm1, $0xB3E, v61;
	v23 =	vsel vm13, $0x8C1, v1;
	v0 =	vsel vm1, $0xB2E, v0  }
0x94: {  	v1 =	vsel vm13, $0x1451, v24;
	v2 =	vsel vm8, $0x1D96, v2;
	[tilespmem:$0x1FC80] =	vst v0;
	v0 =	vsel vm11, $0xC92, v58  }
0x95: {  	v61 =	vimm.s32 $0x13BF;
	v24 =	vimm.s32 $0x13CF;
	v0 =	vsel vm12, $0xCD3, v0  }
0x96: {  	v1 =	vsel vm11, $0x1492, v1;
	v2 =	vsel vm7, $0x1DD7, v2;
	v0 =	vsel vm10, $0xD14, v0  }
0x97: {  	v1 =	vsel vm12, $0x14D3, v1;
	v2 =	vsel vm6, $0x1E10, v2;
	v0 =	vsel vm9, $0xD55, v0  }
0x98: {  	v53 =	vimm.s32 $0x139F;
	v1 =	vsel vm10, $0x1514, v1;
	v0 =	vsel vm8, $0xD96, v0  }
0x99: {  	v2 =	vsel vm5, $0x1E51, v2;
	v1 =	vsel vm9, $0x1555, v1;
	v0 =	vsel vm7, $0xDD7, v0  }
0x9a: {  	v2 =	vsel vm4, $0x1E92, v2;
	v1 =	vsel vm8, $0x1596, v1;
	v0 =	vsel vm6, $0xE10, v0  }
0x9b: {  	v39 =	vsel vm3, $0x1ED3, v2;
	v2 =	vunpack.c.0.s8.s32 v45;
	v0 =	vsel vm5, $0xE51, v0  }
0x9c: {  	v58 =	vimm.s32 $0x13AF;
	v45 =	vimm.s32 $0x13EF;
	v0 =	vsel vm4, $0xE92, v0  }
0x9d: {  	v1 =	vsel vm7, $0x15D7, v1;
	v43 =	vsel vm2, $0x1F14, v39;
	v0 =	vsel vm3, $0xED3, v0  }
0x9e: {  	v59 =	vsel vm14, $0x1020, v58;
	v1 =	vsel vm6, $0x1610, v1;
	v0 =	vsel vm2, $0xF14, v0  }
0x9f: {  	v2 =	vand.u32 $0xFF, v2;
	v1 =	vsel vm5, $0x1651, v1;
	v0 =	vsel vm0, $0xF55, v0  }
0xa0: {  	v2 =	vnsel vm15, $0x3E7, v2;
	v1 =	vsel vm4, $0x1692, v1;
	v0 =	vsel vm1, $0xF96, v0  }
0xa1: {  	v2 =	vsel vm10, $0x124, v2;
	v1 =	vsel vm3, $0x16D3, v1;
	[tilespmem:$0x1FC90] =	vst v0;
	v0 =	vsel vm0, $0x1355, v63  }
0xa2: {  	v2 =	vsel vm9, $0x165, v2;
	v1 =	vsel vm2, $0x1714, v1;
	v0 =	vsel vm1, $0x1396, v0  }
0xa3: {  	v2 =	vsel vm8, $0x1A6, v2;
	v26 =	vsel vm0, $0x1755, v1;
	[tilespmem:$0x1FCA0] =	vst v0;
	v0 =	vsel vm11, $0x942, v23  }
0xa4: {  	v1 =	vsel vm14, $0x1810, v33;
	v2 =	vsel vm7, $0x1E7, v2;
	v0 =	vsel vm12, $0x9C3, v0  }
0xa5: {  	v35 =	vsel vm13, $0x1851, v1;
	v1 =	vsel vm13, $0x8E1, v36;
	v0 =	vsel vm10, $0xA44, v0  }
0xa6: {  	v2 =	vsel vm6, $0x220, v2;
	v36 =	vimm.s32 $0x13DF;
	v0 =	vsel vm9, $0xAC5, v0  }
0xa7: {  	v1 =	vsel vm11, $0x962, v1;
	v2 =	vsel vm5, $0x261, v2;
	v0 =	vsel vm8, $0xB46, v0  }
0xa8: {  	v1 =	vsel vm12, $0x9E3, v1;
	v2 =	vsel vm4, $0x2A2, v2;
	v0 =	vsel vm7, $0xBC7, v0  }
0xa9: {  	v1 =	vsel vm10, $0xA64, v1;
	v2 =	vsel vm3, $0x2E3, v2;
	v0 =	vsel vm6, $0x848, v0  }
0xaa: {  	v1 =	vsel vm9, $0xAE5, v1;
	v2 =	vsel vm2, $0x324, v2;
	v0 =	vsel vm5, $0x8C9, v0  }
0xab: {  	v1 =	vsel vm8, $0xB66, v1;
	v49 =	vsel vm0, $0x365, v2;
	v0 =	vsel vm4, $0x94A, v0  }
0xac: {  	v2 =	vsel vm14, $0x820, v54;
	v1 =	vsel vm7, $0xBE7, v1;
	v0 =	vsel vm3, $0x9CB, v0  }
0xad: {  	v2 =	vsel vm13, $0x861, v2;
	v1 =	vsel vm6, $0x868, v1;
	v0 =	vsel vm2, $0xA4C, v0  }
0xae: {  	v2 =	vsel vm11, $0x8A2, v2;
	v23 =	vsel vm14, $0x1020, v22;
	v0 =	vsel vm0, $0xACD, v0  }
0xaf: {  	v22 =	vimm.s32 $0xBF7;
	v30 =	vsel vm1, $0xB4E, v0;
	v0 =	vsel vm1, $0x1796, v26  }
0xb0: {  	v1 =	vsel vm5, $0x8E9, v1;
	v2 =	vsel vm12, $0x8E3, v2;
	[tilespmem:$0x1FCB0] =	vst v0;
	v0 =	vsel vm0, $0xADD, v32  }
0xb1: {  	v1 =	vsel vm4, $0x96A, v1;
	v2 =	vsel vm10, $0x924, v2;
	v0 =	vsel vm1, $0xB5E, v0  }
0xb2: {  	v1 =	vsel vm3, $0x9EB, v1;
	v2 =	vsel vm9, $0x965, v2;
	[tilespmem:$0x1FCC0] =	vst v0;
	v0 =	vsel vm11, $0x1892, v35  }
0xb3: {  	v1 =	vsel vm2, $0xA6C, v1;
	v2 =	vsel vm8, $0x9A6, v2;
	v0 =	vsel vm12, $0x18D3, v0  }
0xb4: {  	v38 =	vsel vm0, $0xAED, v1;
	v1 =	vsel vm14, $0x870, v44;
	v0 =	vsel vm10, $0x1914, v0  }
0xb5: {  	v2 =	vsel vm7, $0x9E7, v2;
	v44 =	vimm.s32 $0x1BE7;
	v0 =	vsel vm9, $0x1955, v0  }
0xb6: {  	[tilespmem:$0x1FC20] =	vst v42;
	v42 =	vsel vm1, $0xB6E, v38;
	v1 =	vsel vm13, $0x8F1, v1;
	v0 =	vsel vm8, $0x1996, v0  }
0xb7: {  	v2 =	vsel vm6, $0xA20, v2;
	v47 =	vsel vm11, $0x972, v1;
	v0 =	vsel vm7, $0x19D7, v0  }
0xb8: {  	v1 =	vsel vm13, $0x1081, v48;
	v2 =	vsel vm5, $0xA61, v2;
	v0 =	vsel vm6, $0x1A10, v0  }
0xb9: {  	v1 =	vsel vm11, $0x1102, v1;
	v2 =	vsel vm4, $0xAA2, v2;
	v0 =	vsel vm5, $0x1A51, v0  }
0xba: {  	v1 =	vsel vm12, $0x1183, v1;
	v2 =	vsel vm3, $0xAE3, v2;
	v0 =	vsel vm4, $0x1A92, v0  }
0xbb: {  	v1 =	vsel vm10, $0x1204, v1;
	v56 =	vsel vm2, $0xB24, v2;
	v0 =	vsel vm3, $0x1AD3, v0  }
0xbc: {  	v2 =	vsel vm14, $0x1030, v61;
	v61 =	vimm.s32 $0x7F7;
	v0 =	vsel vm2, $0x1B14, v0  }
0xbd: {  	v1 =	vsel vm9, $0x1285, v1;
	v57 =	vsel vm0, $0xB65, v56;
	v0 =	vsel vm0, $0x1B55, v0  }
0xbe: {  	v2 =	vsel vm13, $0x10B1, v2;
	v1 =	vsel vm8, $0x1306, v1;
	v0 =	vsel vm1, $0x1B96, v0  }
0xbf: {  	v2 =	vsel vm11, $0x1132, v2;
	v1 =	vsel vm7, $0x1387, v1;
	[tilespmem:$0x1FCD0] =	vst v0;
	v0 =	vsel vm0, $0x1F55, v43  }
0xc0: {  	v2 =	vsel vm12, $0x11B3, v2;
	v33 =	vsel vm1, $0x1F96, v0;
	v0 =	vsel vm12, $0x9F3, v47  }
0xc1: {  	v1 =	vsel vm6, $0x1008, v1;
	v2 =	vsel vm10, $0x1234, v2;
	v0 =	vsel vm10, $0xA74, v0  }
0xc2: {  	v1 =	vsel vm5, $0x1089, v1;
	v2 =	vsel vm9, $0x12B5, v2;
	v0 =	vsel vm9, $0xAF5, v0  }
0xc3: {  	v1 =	vsel vm4, $0x110A, v1;
	v2 =	vsel vm8, $0x1336, v2;
	v0 =	vsel vm8, $0xB76, v0  }
0xc4: {  	v1 =	vsel vm3, $0x118B, v1;
	v2 =	vsel vm7, $0x13B7, v2;
	v0 =	vsel vm7, $0xBF7, v0  }
0xc5: {  	v1 =	vsel vm2, $0x120C, v1;
	v2 =	vsel vm6, $0x1038, v2;
	v0 =	vsel vm6, $0x878, v0  }
0xc6: {  	v50 =	vsel vm0, $0x128D, v1;
	v1 =	vsel vm14, $0x1010, v53;
	v0 =	vsel vm5, $0x8F9, v0  }
0xc7: {  	v2 =	vsel vm5, $0x10B9, v2;
	v53 =	vimm.s32 $0xF3B27130;
	v0 =	vsel vm4, $0x97A, v0  }
0xc8: {  	v1 =	vsel vm13, $0x1091, v1;
	v2 =	vsel vm4, $0x113A, v2;
	v0 =	vsel vm3, $0x9FB, v0  }
0xc9: {  	v3 =	vunpack.c.0.s8.s32 v53;
	v53 =	vimm.s32 $0x1BDF;
	v0 =	vsel vm2, $0xA7C, v0  }
0xca: {  	v1 =	vsel vm11, $0x1112, v1;
	v2 =	vsel vm3, $0x11BB, v2;
	v0 =	vsel vm0, $0xAFD, v0  }
0xcb: {  	v1 =	vsel vm12, $0x1193, v1;
	v38 =	vsel vm1, $0xB7E, v0;
	v0 =	vsel vm1, $0x3A6, v49  }
0xcc: {  	v63 =	vsel vm2, $0x123C, v2;
	v2 =	vsel vm14, $0x1420, v25;
	[tilespmem:$0x1FCE0] =	vst v0;
	v0 =	vsel vm1, $0x130E, v50  }
0xcd: {  	v56 =	vand.u32 $0xFF, v3;
	v1 =	vsel vm10, $0x1214, v1;
	[tilespmem:$0x1FCF0] =	vst v0;
	v0 =	vsel vm13, $0x461, v52  }
0xce: {  	v21 =	vsel vm0, $0x12BD, v63;
	v2 =	vsel vm13, $0x1461, v2;
	v0 =	vsel vm11, $0x4A2, v0  }
0xcf: {  	v1 =	vsel vm9, $0x1295, v1;
	v2 =	vsel vm11, $0x14A2, v2;
	v0 =	vsel vm12, $0x4E3, v0  }
0xd0: {  	v1 =	vsel vm8, $0x1316, v1;
	v2 =	vsel vm12, $0x14E3, v2;
	v0 =	vsel vm10, $0x524, v0  }
0xd1: {  	v1 =	vsel vm7, $0x1397, v1;
	v2 =	vsel vm10, $0x1524, v2;
	v0 =	vsel vm9, $0x565, v0  }
0xd2: {  	v1 =	vsel vm6, $0x1018, v1;
	v2 =	vsel vm9, $0x1565, v2;
	v0 =	vsel vm8, $0x5A6, v0  }
0xd3: {  	v1 =	vsel vm5, $0x1099, v1;
	v2 =	vsel vm8, $0x15A6, v2;
	v0 =	vsel vm7, $0x5E7, v0  }
0xd4: {  	v43 =	vsel vm14, $0x1050, v36;
	v1 =	vsel vm4, $0x111A, v1;
	v0 =	vsel vm6, $0x620, v0  }
0xd5: {  	v2 =	vsel vm7, $0x15E7, v2;
	v1 =	vsel vm3, $0x119B, v1;
	v0 =	vsel vm5, $0x661, v0  }
0xd6: {  	v2 =	vsel vm6, $0x1620, v2;
	v1 =	vsel vm2, $0x121C, v1;
	v0 =	vsel vm4, $0x6A2, v0  }
0xd7: {  	v2 =	vsel vm5, $0x1661, v2;
	v55 =	vsel vm0, $0x129D, v1;
	v0 =	vsel vm3, $0x6E3, v0  }
0xd8: {  	v1 =	vsel vm14, $0xC20, v60;
	v2 =	vsel vm4, $0x16A2, v2;
	v0 =	vsel vm2, $0x724, v0  }
0xd9: {  	v60 =	vimm.s32 $0x1B8F;
	v40 =	vsel vm1, $0x131E, v55;
	v0 =	vsel vm0, $0x765, v0  }
0xda: {  	v1 =	vsel vm13, $0xC61, v1;
	v37 =	vsel vm1, $0x7A6, v0;
	v0 =	vsel vm1, $0xBA6, v57  }
0xdb: {  	v2 =	vsel vm3, $0x16E3, v2;
	v1 =	vsel vm11, $0xCA2, v1;
	[tilespmem:$0x1FD00] =	vst v0;
	v0 =	vsel vm13, $0x10A1, v59  }
0xdc: {  	v27 =	vsel vm2, $0x1724, v2;
	v2 =	vsel vm14, $0x1060, v45;
	v0 =	vsel vm11, $0x1122, v0  }
0xdd: {  	v1 =	vsel vm12, $0xCE3, v1;
	v35 =	vsel vm0, $0x1765, v27;
	v0 =	vsel vm12, $0x11A3, v0  }
0xde: {  	v2 =	vsel vm13, $0x10E1, v2;
	v1 =	vsel vm10, $0xD24, v1;
	v0 =	vsel vm10, $0x1224, v0  }
0xdf: {  	v47 =	vsel vm1, $0x17A6, v35;
	v1 =	vsel vm9, $0xD65, v1;
	v0 =	vsel vm9, $0x12A5, v0  }
0xe0: {  	v2 =	vsel vm11, $0x1162, v2;
	v1 =	vsel vm8, $0xDA6, v1;
	v0 =	vsel vm8, $0x1326, v0  }
0xe1: {  	v35 =	vimm.s32 $0x1BBF;
	v1 =	vsel vm7, $0xDE7, v1;
	v0 =	vsel vm7, $0x13A7, v0  }
0xe2: {  	v2 =	vsel vm12, $0x11E3, v2;
	v1 =	vsel vm6, $0xE20, v1;
	v0 =	vsel vm6, $0x1028, v0  }
0xe3: {  	v2 =	vsel vm10, $0x1264, v2;
	v1 =	vsel vm5, $0xE61, v1;
	v0 =	vsel vm5, $0x10A9, v0  }
0xe4: {  	v2 =	vsel vm9, $0x12E5, v2;
	v1 =	vsel vm4, $0xEA2, v1;
	v0 =	vsel vm4, $0x112A, v0  }
0xe5: {  	v2 =	vsel vm8, $0x1366, v2;
	v1 =	vsel vm3, $0xEE3, v1;
	v0 =	vsel vm3, $0x11AB, v0  }
0xe6: {  	v2 =	vsel vm7, $0x13E7, v2;
	v1 =	vsel vm2, $0xF24, v1;
	v0 =	vsel vm2, $0x122C, v0  }
0xe7: {  	v62 =	vsel vm0, $0xF65, v1;
	v1 =	vsel vm14, $0x1040, v24;
	v0 =	vsel vm0, $0x12AD, v0  }
0xe8: {  	v1 =	vsel vm13, $0x10C1, v1;
	v41 =	vsel vm1, $0x132E, v0;
	v0 =	vsel vm1, $0xFA6, v62  }
0xe9: {  	v2 =	vsel vm6, $0x1068, v2;
	v1 =	vsel vm11, $0x1142, v1;
	[tilespmem:$0x1FD10] =	vst v0;
	v0 =	vsel vm1, $0x133E, v21  }
0xea: {  	v52 =	vimm.s32 $0x13FF;
	v1 =	vsel vm12, $0x11C3, v1;
	[tilespmem:$0x1FD20] =	vst v0;
	v0 =	vsel vm13, $0x1061, v23  }
0xeb: {  	v2 =	vsel vm5, $0x10E9, v2;
	v1 =	vsel vm10, $0x1244, v1;
	v0 =	vsel vm11, $0x10A2, v0  }
0xec: {  	v2 =	vsel vm4, $0x116A, v2;
	v1 =	vsel vm9, $0x12C5, v1;
	v0 =	vsel vm12, $0x10E3, v0  }
0xed: {  	v2 =	vsel vm3, $0x11EB, v2;
	v1 =	vsel vm8, $0x1346, v1;
	v0 =	vsel vm10, $0x1124, v0  }
0xee: {  	v24 =	vimm.s32 $0xFF7;
	v1 =	vsel vm7, $0x13C7, v1;
	v0 =	vsel vm9, $0x1165, v0  }
0xef: {  	v49 =	vsel vm2, $0x126C, v2;
	v1 =	vsel vm6, $0x1048, v1;
	v0 =	vsel vm8, $0x11A6, v0  }
0xf0: {  	v2 =	vsel vm14, $0x1070, v52;
	v1 =	vsel vm5, $0x10C9, v1;
	v0 =	vsel vm7, $0x11E7, v0  }
0xf1: {  	v52 =	vimm.s32 $0x17F7;
	v1 =	vsel vm4, $0x114A, v1;
	v0 =	vsel vm6, $0x1220, v0  }
0xf2: {  	v50 =	vsel vm0, $0x12ED, v49;
	v1 =	vsel vm3, $0x11CB, v1;
	v0 =	vsel vm5, $0x1261, v0  }
0xf3: {  	v55 =	vsel vm13, $0x10F1, v2;
	v1 =	vsel vm2, $0x124C, v1;
	v0 =	vsel vm4, $0x12A2, v0  }
0xf4: {  	v26 =	vsel vm0, $0x12CD, v1;
	v1 =	vsel vm14, $0x1820, v44;
	v0 =	vsel vm3, $0x12E3, v0  }
0xf5: {  	v2 =	vnsel vm15, $0x3F7, v56;
	v1 =	vsel vm13, $0x1861, v1;
	v0 =	vsel vm2, $0x1324, v0  }
0xf6: {  	v36 =	vsel vm1, $0x136E, v50;
	v1 =	vsel vm11, $0x18A2, v1;
	v0 =	vsel vm0, $0x1365, v0  }
0xf7: {  	v1 =	vsel vm12, $0x18E3, v1;
	v39 =	vsel vm1, $0x13A6, v0;
	v0 =	vsel vm13, $0x10D1, v43  }
0xf8: {  	v2 =	vsel vm10, $0x134, v2;
	v1 =	vsel vm10, $0x1924, v1;
	v0 =	vsel vm11, $0x1152, v0  }
0xf9: {  	v2 =	vsel vm9, $0x175, v2;
	v1 =	vsel vm9, $0x1965, v1;
	v0 =	vsel vm12, $0x11D3, v0  }
0xfa: {  	v2 =	vsel vm8, $0x1B6, v2;
	v1 =	vsel vm8, $0x19A6, v1;
	v0 =	vsel vm10, $0x1254, v0  }
0xfb: {  	v2 =	vsel vm7, $0x1F7, v2;
	v1 =	vsel vm7, $0x19E7, v1;
	v0 =	vsel vm9, $0x12D5, v0  }
0xfc: {  	v2 =	vsel vm6, $0x230, v2;
	v1 =	vsel vm6, $0x1A20, v1;
	v0 =	vsel vm8, $0x1356, v0  }
0xfd: {  	v2 =	vsel vm5, $0x271, v2;
	v1 =	vsel vm5, $0x1A61, v1;
	v0 =	vsel vm7, $0x13D7, v0  }
0xfe: {  	v2 =	vsel vm4, $0x2B2, v2;
	v1 =	vsel vm4, $0x1AA2, v1;
	v0 =	vsel vm6, $0x1058, v0  }
0xff: {  	v2 =	vsel vm3, $0x2F3, v2;
	v1 =	vsel vm3, $0x1AE3, v1;
	v0 =	vsel vm5, $0x10D9, v0  }
0x100: {  	v2 =	vsel vm2, $0x334, v2;
	v1 =	vsel vm2, $0x1B24, v1;
	v0 =	vsel vm4, $0x115A, v0  }
0x101: {  	v46 =	vsel vm0, $0x1B65, v1;
	v1 =	vsel vm14, $0x1C20, v51;
	v0 =	vsel vm3, $0x11DB, v0  }
0x102: {  	v58 =	vsel vm0, $0x375, v2;
	v1 =	vsel vm13, $0x1C61, v1;
	v0 =	vsel vm2, $0x125C, v0  }
0x103: {  	v59 =	vsel vm1, $0x3B6, v58;
	v54 =	vsel vm11, $0x1CA2, v1;
	v0 =	vsel vm0, $0x12DD, v0  }
0x104: {  	v1 =	vsel vm11, $0x1172, v55;
	v48 =	vsel vm1, $0x135E, v0;
	v0 =	vsel vm12, $0x1CE3, v54  }
0x105: {  	v62 =	vimm.s32 $0x1B9F;
	v1 =	vsel vm12, $0x11F3, v1;
	v0 =	vsel vm10, $0x1D24, v0  }
0x106: {  	v2 =	vsel vm14, $0x1810, v62;
	v1 =	vsel vm10, $0x1274, v1;
	v0 =	vsel vm9, $0x1D65, v0  }
0x107: {  	v2 =	vsel vm13, $0x1891, v2;
	v1 =	vsel vm9, $0x12F5, v1;
	v0 =	vsel vm8, $0x1DA6, v0  }
0x108: {  	v2 =	vsel vm11, $0x1912, v2;
	v1 =	vsel vm8, $0x1376, v1;
	v0 =	vsel vm7, $0x1DE7, v0  }
0x109: {  	v2 =	vsel vm12, $0x1993, v2;
	v1 =	vsel vm7, $0x13F7, v1;
	v0 =	vsel vm6, $0x1E20, v0  }
0x10a: {  	v2 =	vsel vm10, $0x1A14, v2;
	v1 =	vsel vm6, $0x1078, v1;
	v0 =	vsel vm5, $0x1E61, v0  }
0x10b: {  	v2 =	vsel vm9, $0x1A95, v2;
	v1 =	vsel vm5, $0x10F9, v1;
	v0 =	vsel vm4, $0x1EA2, v0  }
0x10c: {  	v2 =	vsel vm8, $0x1B16, v2;
	v1 =	vsel vm4, $0x117A, v1;
	v0 =	vsel vm3, $0x1EE3, v0  }
0x10d: {  	v2 =	vsel vm7, $0x1B97, v2;
	v1 =	vsel vm3, $0x11FB, v1;
	v0 =	vsel vm2, $0x1F24, v0  }
0x10e: {  	v2 =	vsel vm6, $0x1818, v2;
	v1 =	vsel vm2, $0x127C, v1;
	v0 =	vsel vm0, $0x1F65, v0  }
0x10f: {  	v2 =	vsel vm5, $0x1899, v2;
	v57 =	vsel vm0, $0x12FD, v1;
	v0 =	vsel vm1, $0x1FA6, v0  }
0x110: {  	v44 =	vimm.s32 $0x1BCF;
	v2 =	vsel vm4, $0x191A, v2;
	[tilespmem:$0x1FD30] =	vst v0;
	v0 =	vsel vm1, $0x137E, v57  }
0x111: {  	v23 =	vimm.s32 $0x1BAF;
	v2 =	vsel vm3, $0x199B, v2;
	[tilespmem:$0x1FD40] =	vst v0;
	v0 =	vsel vm14, $0x1800, v60  }
0x112: {  	v27 =	vsel vm1, $0x1BA6, v46;
	v2 =	vsel vm2, $0x1A1C, v2;
	v0 =	vsel vm13, $0x1881, v0  }
0x113: {  	v21 =	vsel vm0, $0x1A9D, v2;
	v1 =	vsel vm14, $0x430, v61;
	v0 =	vsel vm11, $0x1902, v0  }
0x114: {  	v2 =	vsel vm14, $0xC30, v24;
	v1 =	vsel vm13, $0x471, v1;
	v0 =	vsel vm12, $0x1983, v0  }
0x115: {  	v2 =	vsel vm13, $0xC71, v2;
	v1 =	vsel vm11, $0x4B2, v1;
	v0 =	vsel vm10, $0x1A04, v0  }
0x116: {  	v43 =	vimm.s32 $0x13F7;
	v1 =	vsel vm12, $0x4F3, v1;
	v0 =	vsel vm9, $0x1A85, v0  }
0x117: {  	v2 =	vsel vm11, $0xCB2, v2;
	v1 =	vsel vm10, $0x534, v1;
	v0 =	vsel vm8, $0x1B06, v0  }
0x118: {  	v2 =	vsel vm12, $0xCF3, v2;
	v1 =	vsel vm9, $0x575, v1;
	v0 =	vsel vm7, $0x1B87, v0  }
0x119: {  	v2 =	vsel vm10, $0xD34, v2;
	v1 =	vsel vm8, $0x5B6, v1;
	v0 =	vsel vm6, $0x1808, v0  }
0x11a: {  	v2 =	vsel vm9, $0xD75, v2;
	v1 =	vsel vm7, $0x5F7, v1;
	v0 =	vsel vm5, $0x1889, v0  }
0x11b: {  	v2 =	vsel vm8, $0xDB6, v2;
	v1 =	vsel vm6, $0x630, v1;
	v0 =	vsel vm4, $0x190A, v0  }
0x11c: {  	v2 =	vsel vm7, $0xDF7, v2;
	v1 =	vsel vm5, $0x671, v1;
	v0 =	vsel vm3, $0x198B, v0  }
0x11d: {  	v2 =	vsel vm6, $0xE30, v2;
	v1 =	vsel vm4, $0x6B2, v1;
	v0 =	vsel vm2, $0x1A0C, v0  }
0x11e: {  	v2 =	vsel vm5, $0xE71, v2;
	v1 =	vsel vm3, $0x6F3, v1;
	v0 =	vsel vm0, $0x1A8D, v0  }
0x11f: {  	v2 =	vsel vm4, $0xEB2, v2;
	v1 =	vsel vm2, $0x734, v1;
	v0 =	vsel vm1, $0x1B0E, v0  }
0x120: {  	v63 =	vsel vm0, $0x775, v1;
	v1 =	vsel vm14, $0x1820, v23;
	[tilespmem:$0x1FD60] =	vst v0;
	v0 =	vsel vm14, $0x830, v22  }
0x121: {  	v2 =	vsel vm3, $0xEF3, v2;
	v1 =	vsel vm13, $0x18A1, v1;
	v0 =	vsel vm13, $0x871, v0  }
0x122: {  	v2 =	vsel vm2, $0xF34, v2;
	v1 =	vsel vm11, $0x1922, v1;
	v0 =	vsel vm11, $0x8B2, v0  }
0x123: {  	v34 =	vsel vm0, $0xF75, v2;
	v1 =	vsel vm12, $0x19A3, v1;
	v0 =	vsel vm12, $0x8F3, v0  }
0x124: {  	v2 =	vsel vm14, $0x1840, v44;
	v1 =	vsel vm10, $0x1A24, v1;
	v0 =	vsel vm10, $0x934, v0  }
0x125: {  	v2 =	vsel vm13, $0x18C1, v2;
	v1 =	vsel vm9, $0x1AA5, v1;
	v0 =	vsel vm9, $0x975, v0  }
0x126: {  	v2 =	vsel vm11, $0x1942, v2;
	v1 =	vsel vm8, $0x1B26, v1;
	v0 =	vsel vm8, $0x9B6, v0  }
0x127: {  	v2 =	vsel vm12, $0x19C3, v2;
	v1 =	vsel vm7, $0x1BA7, v1;
	v0 =	vsel vm7, $0x9F7, v0  }
0x128: {  	v2 =	vsel vm10, $0x1A44, v2;
	v1 =	vsel vm6, $0x1828, v1;
	v0 =	vsel vm6, $0xA30, v0  }
0x129: {  	v2 =	vsel vm9, $0x1AC5, v2;
	v1 =	vsel vm5, $0x18A9, v1;
	v0 =	vsel vm5, $0xA71, v0  }
0x12a: {  	v2 =	vsel vm8, $0x1B46, v2;
	v1 =	vsel vm4, $0x192A, v1;
	v0 =	vsel vm4, $0xAB2, v0  }
0x12b: {  	v2 =	vsel vm7, $0x1BC7, v2;
	v1 =	vsel vm3, $0x19AB, v1;
	v0 =	vsel vm3, $0xAF3, v0  }
0x12c: {  	v2 =	vsel vm6, $0x1848, v2;
	v1 =	vsel vm2, $0x1A2C, v1;
	v0 =	vsel vm2, $0xB34, v0  }
0x12d: {  	v2 =	vsel vm5, $0x18C9, v2;
	v25 =	vsel vm0, $0x1AAD, v1;
	v0 =	vsel vm0, $0xB75, v0  }
0x12e: {  	v2 =	vsel vm4, $0x194A, v2;
	v51 =	vsel vm1, $0xBB6, v0;
	v0 =	vsel vm1, $0x1B2E, v25  }
0x12f: {  	v54 =	vimm.s32 $0x1BF7;
	v2 =	vsel vm3, $0x19CB, v2;
	[tilespmem:$0x1FD70] =	vst v0;
	v0 =	vsel vm14, $0x1830, v35  }
0x130: {  	v2 =	vsel vm2, $0x1A4C, v2;
	v1 =	vsel vm14, $0x1030, v43;
	v0 =	vsel vm13, $0x18B1, v0  }
0x131: {  	v49 =	vsel vm0, $0x1ACD, v2;
	v1 =	vsel vm13, $0x1071, v1;
	v0 =	vsel vm11, $0x1932, v0  }
0x132: {  	v2 =	vsel vm14, $0x1830, v54;
	v1 =	vsel vm11, $0x10B2, v1;
	v0 =	vsel vm12, $0x19B3, v0  }
0x133: {  	v2 =	vsel vm13, $0x1871, v2;
	v1 =	vsel vm12, $0x10F3, v1;
	v0 =	vsel vm10, $0x1A34, v0  }
0x134: {  	v2 =	vsel vm11, $0x18B2, v2;
	v1 =	vsel vm10, $0x1134, v1;
	v0 =	vsel vm9, $0x1AB5, v0  }
0x135: {  	v2 =	vsel vm12, $0x18F3, v2;
	v1 =	vsel vm9, $0x1175, v1;
	v0 =	vsel vm8, $0x1B36, v0  }
0x136: {  	v2 =	vsel vm10, $0x1934, v2;
	v1 =	vsel vm8, $0x11B6, v1;
	v0 =	vsel vm7, $0x1BB7, v0  }
0x137: {  	v2 =	vsel vm9, $0x1975, v2;
	v1 =	vsel vm7, $0x11F7, v1;
	v0 =	vsel vm6, $0x1838, v0  }
0x138: {  	v2 =	vsel vm8, $0x19B6, v2;
	v1 =	vsel vm6, $0x1230, v1;
	v0 =	vsel vm5, $0x18B9, v0  }
0x139: {  	v2 =	vsel vm7, $0x19F7, v2;
	v1 =	vsel vm5, $0x1271, v1;
	v0 =	vsel vm4, $0x193A, v0  }
0x13a: {  	v2 =	vsel vm6, $0x1A30, v2;
	v1 =	vsel vm4, $0x12B2, v1;
	v0 =	vsel vm3, $0x19BB, v0  }
0x13b: {  	v2 =	vsel vm5, $0x1A71, v2;
	v1 =	vsel vm3, $0x12F3, v1;
	v0 =	vsel vm2, $0x1A3C, v0  }
0x13c: {  	v2 =	vsel vm4, $0x1AB2, v2;
	v1 =	vsel vm2, $0x1334, v1;
	v0 =	vsel vm0, $0x1ABD, v0  }
0x13d: {  	v2 =	vsel vm3, $0x1AF3, v2;
	v46 =	vsel vm0, $0x1375, v1;
	v0 =	vsel vm1, $0x1B3E, v0  }
0x13e: {  	v50 =	vsel vm1, $0x1B4E, v49;
	v2 =	vsel vm2, $0x1B34, v2;
	[tilespmem:$0x1FD80] =	vst v0;
	v0 =	vsel vm1, $0x13B6, v46  }
0x13f: {  	v60 =	vimm.s32 $0x1BFF;
	v56 =	vsel vm0, $0x1B75, v2;
	[tilespmem:$0x1FD90] =	vst v0;
	v0 =	vsel vm14, $0x1430, v52  }
0x140: {  	v2 =	vsel vm14, $0x1870, v60;
	v1 =	vsel vm14, $0x1850, v53;
	v0 =	vsel vm13, $0x1471, v0  }
0x141: {  	v57 =	vsel vm1, $0x1BB6, v56;
	v1 =	vsel vm13, $0x18D1, v1;
	v0 =	vsel vm11, $0x14B2, v0  }
0x142: {  	v2 =	vsel vm13, $0x18F1, v2;
	v1 =	vsel vm11, $0x1952, v1;
	v0 =	vsel vm12, $0x14F3, v0  }
0x143: {  	v2 =	vsel vm11, $0x1972, v2;
	v1 =	vsel vm12, $0x19D3, v1;
	v0 =	vsel vm10, $0x1534, v0  }
0x144: {  	v2 =	vsel vm12, $0x19F3, v2;
	v1 =	vsel vm10, $0x1A54, v1;
	v0 =	vsel vm9, $0x1575, v0  }
0x145: {  	v2 =	vsel vm10, $0x1A74, v2;
	v1 =	vsel vm9, $0x1AD5, v1;
	v0 =	vsel vm8, $0x15B6, v0  }
0x146: {  	v2 =	vsel vm9, $0x1AF5, v2;
	v1 =	vsel vm8, $0x1B56, v1;
	v0 =	vsel vm7, $0x15F7, v0  }
0x147: {  	v2 =	vsel vm8, $0x1B76, v2;
	v1 =	vsel vm7, $0x1BD7, v1;
	v0 =	vsel vm6, $0x1630, v0  }
0x148: {  	v2 =	vsel vm7, $0x1BF7, v2;
	v1 =	vsel vm6, $0x1858, v1;
	v0 =	vsel vm5, $0x1671, v0  }
0x149: {  	v2 =	vsel vm6, $0x1878, v2;
	v1 =	vsel vm5, $0x18D9, v1;
	v0 =	vsel vm4, $0x16B2, v0  }
0x14a: {  	v2 =	vsel vm5, $0x18F9, v2;
	v1 =	vsel vm4, $0x195A, v1;
	v0 =	vsel vm3, $0x16F3, v0  }
0x14b: {  	[tilespmem:$0x1FD50] =	vst v59;
	v2 =	vsel vm4, $0x197A, v2;
	v1 =	vsel vm3, $0x19DB, v1;
	v0 =	vsel vm2, $0x1734, v0  }
0x14c: {  	[tilespmem:$0x1FDA0] =	vst v50;
	v2 =	vsel vm3, $0x19FB, v2;
	v1 =	vsel vm2, $0x1A5C, v1;
	v0 =	vsel vm0, $0x1775, v0  }
0x14d: {  	s5 =	rddreg [dreg:$0x0];
	[tilespmem:$0x1FDD0] =	vst v57;
	v2 =	vsel vm2, $0x1A7C, v2;
	v55 =	vsel vm0, $0x1ADD, v1;
	v0 =	vsel vm1, $0x17B6, v0  }
0x14e: {  	s1 =	rddreg [dreg:$0x1];
	s3 =	simm.s32 $0x0;
	v62 =	vsel vm0, $0x1AFD, v2;
	[tilespmem:$0x1FDB0] =	vst v0;
	v0 =	vsel vm1, $0x1B5E, v55  }
0x14f: {  	[smem:$0x7FF] =	sst s3;
	v32 =	vsel vm1, $0x134E, v26;
	v26 =	vsel vm1, $0x7B6, v63;
	v63 =	vsel vm1, $0x1B7E, v62;
	[tilespmem:$0x1FDC0] =	vst v0  }
0x150: {  	s0 =	rddreg [dreg:$0x2];
	_ =	strace $0x80000047;
	[tilespmem:$0x1FE00] =	vst v63  }
0x151: {  	[tilespmem:$0x1FE10] =	vst v6  }
0x152: {  	[tilespmem:$0x1FE20] =	vst v7  }
0x153: {  	[tilespmem:$0x1FE30] =	vst v8  }
0x154: {  	[tilespmem:$0x1FE40] =	vst v9  }
0x155: {  	[tilespmem:$0x1FE50] =	vst v10  }
0x156: {  	[tilespmem:$0x1FE60] =	vst v11  }
0x157: {  	[tilespmem:$0x1FE70] =	vst v12  }
0x158: {  	[tilespmem:$0x1FE80] =	vst v13  }
0x159: {  	[tilespmem:$0x1FE90] =	vst v14  }
0x15a: {  	[tilespmem:$0x1FEA0] =	vst v15  }
0x15b: {  	[tilespmem:$0x1FEB0] =	vst v16  }
0x15c: {  	[tilespmem:$0x1FEC0] =	vst v18  }
0x15d: {  	[tilespmem:$0x1FED0] =	vst v19  }
0x15e: {  	[tilespmem:$0x1FEE0] =	vst v31  }
0x15f: {  	[tilespmem:$0x1FEF0] =	vst v30  }
0x160: {  	v58 =	vimm.s32 $0x1BEF;
	[tilespmem:$0x1FF00] =	vst v42  }
0x161: {  	v59 =	vimm.s32 $0x1FF7;
	v0 =	vsel vm14, $0x1860, v58;
	[tilespmem:$0x1FF10] =	vst v33  }
0x162: {  	v1 =	vsel vm14, $0x1C30, v59;
	v0 =	vsel vm13, $0x18E1, v0;
	[tilespmem:$0x1FF20] =	vst v38  }
0x163: {  	v1 =	vsel vm13, $0x1C71, v1;
	[tilespmem:$0x1FF30] =	vst v37;
	v0 =	vsel vm11, $0x1962, v0  }
0x164: {  	v1 =	vsel vm11, $0x1CB2, v1;
	[tilespmem:$0x1FF40] =	vst v40;
	v0 =	vsel vm12, $0x19E3, v0  }
0x165: {  	v1 =	vsel vm12, $0x1CF3, v1;
	[tilespmem:$0x1FF50] =	vst v41;
	v0 =	vsel vm10, $0x1A64, v0  }
0x166: {  	v1 =	vsel vm10, $0x1D34, v1;
	[tilespmem:$0x1FF60] =	vst v39;
	v0 =	vsel vm9, $0x1AE5, v0  }
0x167: {  	v1 =	vsel vm9, $0x1D75, v1;
	[tilespmem:$0x1FF70] =	vst v32;
	v0 =	vsel vm8, $0x1B66, v0  }
0x168: {  	s4 =	srdreg.scid;
	s2 =	stileid.u32;
	s10 =	simm.s32 $0x1000;
	v1 =	vsel vm8, $0x1DB6, v1;
	[tilespmem:$0x1FF80] =	vst v47;
	v0 =	vsel vm7, $0x1BE7, v0  }
0x169: {  	s11 =	simm.s32 $0x5;
	s12 =	simm.s32 $0x1900;
	s13 =	simm.s32 $0x3900;
	v1 =	vsel vm7, $0x1DF7, v1;
	[tilespmem:$0x1FF90] =	vst v48;
	v0 =	vsel vm6, $0x1868, v0  }
0x16a: {  	s14 =	simm.s32 $0x1;
	s15 =	simm.s32 $0x5900;
	s16 =	simm.s32 $0x400;
	v1 =	vsel vm6, $0x1E30, v1;
	[tilespmem:$0x1FFA0] =	vst v27;
	v0 =	vsel vm5, $0x18E9, v0  }
0x16b: {  	s17 =	simm.s32 $0x8000;
	s18 =	simm.s32 $0x2;
	s19 =	simm.s32 $0x4;
	v1 =	vsel vm5, $0x1E71, v1;
	[tilespmem:$0x1FFB0] =	vst v36;
	v0 =	vsel vm4, $0x196A, v0  }
0x16c: {  	s20 =	simm.s32 $0x7900;
	s21 =	simm.s32 $0x3;
	s22 =	simm.s32 $0x0;
	v45 =	vsel vm1, $0x1B1E, v21;
	v1 =	vsel vm4, $0x1EB2, v1;
	[tilespmem:$0x1FFC0] =	vst v26;
	v0 =	vsel vm3, $0x19EB, v0  }
.Ltmp0:
0x16d: {  	s4 =	sand.u32 $0x1, s4;
	s6 =	sshll.u32 s2, $0x1;
	v1 =	vsel vm3, $0x1EF3, v1;
	[tilespmem:$0x1FFD0] =	vst v45;
	v0 =	vsel vm2, $0x1A6C, v0;
	(pc) =	sbr.rel .LBB2_1-.Ltmp0, $4  }
0x16e: {  	s6 =	sor.u32 s4, s6;
	s7 =	ssub.s32 $0x2, s4;
	s4 =	sadd.s32 $0x6800, s5;
	v21 =	vsel vm1, $0xFB6, v34;
	v1 =	vsel vm2, $0x1F34, v1;
	[tilespmem:$0x1FFE0] =	vst v51;
	v0 =	vsel vm0, $0x1AED, v0  }
0x16f: {  	s8 =	sshll.u32 s6, $0x4;
	s9 =	sshrl.u32 s7, $0x1;
	s6 =	sshll.u32 s6, $0x7;
	v61 =	vsel vm0, $0x1F75, v1;
	[tilespmem:$0x1FFF0] =	vst v21;
	v0 =	vsel vm1, $0x1B6E, v0  }
0x170: {  	s5 =	sadd.s32 s8, s5;
	s31 =	ssub.s32 s7, s9;
	s7 =	sadd.s32 $0x8000, s1;
	[tilespmem:$0x1FDE0] =	vst v0;
	v0 =	vsel vm1, $0x1FB6, v61  }
0x171: {  	s9 =	simm.s32 $0x80;
	s5 =	sadd.s32 $0x400, s5;
	s8 =	smax.u32 s31, $0x1;
	[tilespmem:$0x1FDF0] =	vst v0  }
.LBB2_12:
0x172: {  	s22 =	sadd.s32 $0x1, s22  }
0x173: {  	_ =	swait.ge [sflag:s21], $0x2000;
	p0 =	sne.s32 s22, s8  }
.Ltmp1:
0x174: {  	[sflag:s21] =	ssyncset.done $0x0;
	(pc) =	sbr.rel @!p0 .LBB2_13-.Ltmp1, $4  }
0x175: {  	[sflag:s21] =	ssyncadd.s32 $0xFFFFE000  }
0x176: {  	_ =	swait.ge [sflag:s19], $0x2000  }
0x177: {  	[sflag:s19] =	ssyncset.done $0x0  }
0x178: {  	[sflag:s19] =	ssyncadd.s32 $0xFFFFE000  }
.LBB2_1:
0x179: {  	[tilespmem:s3], [sflag:$0x5] =	stream.strided.gather [hbm4b:s5+s9], $0x1900, s10, s9, $0x38;
	[tilespmem:$0x9900] =	vst v63  }
0x17a: {  	_ =	swait.ge [sflag:s11], $0x1900  }
0x17b: {  	[sflag:s11] =	ssyncset.done $0x0  }
0x17c: {  	[sflag:s11] =	ssyncadd.s32 $0xFFFFE700  }
0x17d: {  	[tilespmem:s12], [sflag:$0x1] =	stream.indirect.gather [hbm4b:s4+s9], $0x40, s3, s9, $0xb8;
	[tilespmem:$0x9900] =	vst v63  }
0x17e: {  	s23 =	simm.s32 $0x0  }
0x17f: {  	[tilespmem:s13], [sflag:$0x2] =	stream.indirect.gather [hbm4b:s4+s9], $0x40, s9, s9, $0xb8;
	[tilespmem:$0x9900] =	vst v63  }
.LBB2_2:
0x180: {  	_ =	swait.ge [sflag:s14], $0x2000  }
0x181: {  	p0 =	seq.s32 s23, $0x0;
	[sflag:s14] =	ssyncset.done $0x0  }
0x182: {  	s24 =	simm.s32 @!p0 $0x3;
	[sflag:s14] =	ssyncadd.s32 $0xFFFFE000  }
0x183: {  	_ =	swait.ge @!p0 [sflag:s24], $0x2000  }
0x184: {  	[sflag:s24] =	ssyncset.done @!p0 $0x0  }
0x185: {  	p1 =	por $0x1, $0x1;
	[sflag:s24] =	ssyncadd.s32 @!p0 $0xFFFFE000;
	s24 =	simm.s32 $0x0  }
.LBB2_3:
0x186: {  	v1 =	vld [tilespmem:$0x1FC00];
	_ =	sdelay $0x1  }
0x187: {  	v59 =	vlaneseq.u32  }
0x188: {  	v0 =	vadd.s32 s24, v59  }
0x189: {  	v4 =	vand.u32 $0x8, v0  }
0x18a: {  	v1 =	vor.u32 v1, v4;
	_ =	sdelay $0x3  }
0x18b: {  	v0 =	vshll.u32 v0, $0x7  }
0x18c: {  	v2 =	vand.u32 $0x400, v0;
	v0 =	vld.idx.msk [tilespmem:v1+s12+$0x0], $0xffff  }
0x18d: {  	v1 =	vld [tilespmem:$0x1FC10];
	_ =	sdelay $0x4  }
0x18e: {  	v1 =	vor.u32 v1, v2  }
0x18f: {  	v3 =	vor.u32 v6, v4;
	_ =	sdelay $0x3  }
0x190: {  	[tilespmem:v1+s15+$0x0] =	vst.idx.msk $0xffff, v0  }
0x191: {  	v1 =	vor.u32 v7, v2;
	v0 =	vld.idx.msk [tilespmem:v3+s12+$0x0], $0xffff  }
0x192: {  	v3 =	vor.u32 v8, v4;
	_ =	sdelay $0x3  }
0x193: {  	[tilespmem:v1+s15+$0x0] =	vst.idx.msk $0xffff, v0  }
0x194: {  	v1 =	vor.u32 v9, v2;
	v0 =	vld.idx.msk [tilespmem:v3+s12+$0x0], $0xffff  }
0x195: {  	v3 =	vor.u32 v10, v4;
	_ =	sdelay $0x3  }
0x196: {  	[tilespmem:v1+s15+$0x0] =	vst.idx.msk $0xffff, v0  }
0x197: {  	v1 =	vor.u32 v11, v2;
	v0 =	vld.idx.msk [tilespmem:v3+s12+$0x0], $0xffff  }
0x198: {  	v3 =	vor.u32 v12, v4;
	_ =	sdelay $0x3  }
0x199: {  	[tilespmem:v1+s15+$0x0] =	vst.idx.msk $0xffff, v0  }
0x19a: {  	v1 =	vor.u32 v13, v2;
	v0 =	vld.idx.msk [tilespmem:v3+s12+$0x0], $0xffff  }
0x19b: {  	v3 =	vor.u32 v14, v4;
	_ =	sdelay $0x3  }
0x19c: {  	s25 =	sor.u32 $0x1, s24;
	[tilespmem:v1+s15+$0x0] =	vst.idx.msk $0xffff, v0  }
0x19d: {  	v58 =	vmul.u32 $0x40, v59;
	v5 =	vor.u32 v15, v2;
	v6 =	vadd.s32 s25, v59;
	v3 =	vld.idx.msk [tilespmem:v3+s12+$0x0], $0xffff  }
0x19e: {  	v7 =	vor.u32 v16, v4;
	v0 =	vand.u32 $0xF, v6  }
0x19f: {  	v9 =	vor.u32 v58, v0  }
0x1a0: {  	v8 =	vshrl.u32 v59, $0x3  }
0x1a1: {  	v62 =	vmovc v47;
	v47 =	vmov v40;
	v40 =	vmul.u32 $0x8, v8;
	v14 =	vshll.u32 v6, $0x7  }
0x1a2: {  	v60 =	vand.u32 $0x7, v59;
	v8 =	vand.u32 $0x400, v14;
	[tilespmem:v5+s15+$0x0] =	vst.idx.msk $0xffff, v3;
	v5 =	vand.u32 $0x380, v14  }
0x1a3: {  	v15 =	vor.u32 v60, v8;
	v6 =	vld.idx.msk [tilespmem:v7+s12+$0x0], $0xffff;
	v11 =	vor.u32 v40, v5  }
0x1a4: {  	v1 =	vor.u32 $0x400, v58;
	v5 =	vld.idx.msk [tilespmem:v9+s12+$0x0], $0xffff;
	v7 =	vor.u32 v11, v15  }
0x1a5: {  	v9 =	vor.u32 v1, v0;
	_ =	sdelay $0x1  }
0x1a6: {  	v27 =	vor.u32 $0x10, v59  }
0x1a7: {  	v10 =	vor.u32 v27, v14  }
0x1a8: {  	v12 =	vand.u32 $0x398, v10;
	[tilespmem:v7+s15+$0x0] =	vst.idx.msk $0xffff, v5  }
0x1a9: {  	v22 =	vmov v33;
	v33 =	vor.u32 $0x800, v58;
	v7 =	vor.u32 v12, v15;
	v5 =	vld.idx.msk [tilespmem:v9+s12+$0x0], $0xffff  }
0x1aa: {  	v9 =	vor.u32 v33, v0;
	_ =	sdelay $0x1  }
0x1ab: {  	v34 =	vor.u32 $0x20, v59  }
0x1ac: {  	v10 =	vor.u32 v34, v14  }
0x1ad: {  	v10 =	vand.u32 $0x3A8, v10;
	[tilespmem:v7+s15+$0x0] =	vst.idx.msk $0xffff, v5  }
0x1ae: {  	v35 =	vor.u32 $0xC00, v58;
	v7 =	vor.u32 v10, v15;
	v5 =	vld.idx.msk [tilespmem:v9+s12+$0x0], $0xffff  }
0x1af: {  	v9 =	vor.u32 v35, v0;
	_ =	sdelay $0x1  }
0x1b0: {  	v36 =	vor.u32 $0x30, v59  }
0x1b1: {  	v13 =	vor.u32 v36, v14  }
0x1b2: {  	[tilespmem:v7+s15+$0x0] =	vst.idx.msk $0xffff, v5;
	v7 =	vand.u32 $0x3B8, v13  }
0x1b3: {  	v46 =	vmov v37;
	v37 =	vor.u32 $0x1000, v58;
	v5 =	vld.idx.msk [tilespmem:v9+s12+$0x0], $0xffff;
	v9 =	vor.u32 v7, v15  }
0x1b4: {  	v16 =	vor.u32 v37, v0;
	_ =	sdelay $0x1  }
0x1b5: {  	v23 =	vmov v38;
	v38 =	vor.u32 $0x40, v59  }
0x1b6: {  	v17 =	vor.u32 v18, v2;
	v13 =	vor.u32 v38, v14  }
0x1b7: {  	v28 =	vld [tilespmem:$0x1FC20];
	v18 =	vor.u32 v19, v4;
	v13 =	vand.u32 $0x3C8, v13;
	[tilespmem:v9+s15+$0x0] =	vst.idx.msk $0xffff, v5  }
0x1b8: {  	v49 =	vmov v41;
	v41 =	vor.u32 $0x1400, v58;
	v9 =	vor.u32 v13, v15;
	v5 =	vld.idx.msk [tilespmem:v16+s12+$0x0], $0xffff  }
0x1b9: {  	v53 =	vld [tilespmem:$0x1FC30];
	v16 =	vor.u32 v41, v0;
	_ =	sdelay $0x1  }
0x1ba: {  	v43 =	vor.u32 $0x50, v59;
	[tilespmem:v17+s15+$0x0] =	vst.idx.msk $0xffff, v6  }
0x1bb: {  	v6 =	vld.idx.msk [tilespmem:v18+s12+$0x0], $0xffff;
	v18 =	vor.u32 v43, v14  }
0x1bc: {  	v20 =	vld [tilespmem:$0x1FC40];
	v17 =	vor.u32 v28, v2;
	[tilespmem:v9+s15+$0x0] =	vst.idx.msk $0xffff, v5;
	v9 =	vand.u32 $0x3D8, v18  }
0x1bd: {  	v19 =	vor.u32 v53, v4;
	v53 =	vor.u32 $0x1800, v58;
	v5 =	vld.idx.msk [tilespmem:v16+s12+$0x0], $0xffff;
	v16 =	vor.u32 v9, v15  }
0x1be: {  	v52 =	vmov v30;
	v30 =	vld [tilespmem:$0x1FC50];
	v18 =	vor.u32 v53, v0;
	_ =	sdelay $0x1  }
0x1bf: {  	v28 =	vor.u32 $0x60, v59  }
0x1c0: {  	v26 =	vmov v31;
	v31 =	vld [tilespmem:$0x1FC60];
	[tilespmem:v17+s15+$0x0] =	vst.idx.msk $0xffff, v6;
	v6 =	vor.u32 v28, v14  }
0x1c1: {  	v17 =	vld.idx.msk [tilespmem:v19+s12+$0x0], $0xffff;
	v19 =	vor.u32 v20, v2;
	v6 =	vand.u32 $0x3E8, v6;
	[tilespmem:v16+s15+$0x0] =	vst.idx.msk $0xffff, v5  }
0x1c2: {  	v44 =	vor.u32 $0x1C00, v58;
	v20 =	vor.u32 v30, v4;
	v16 =	vor.u32 v6, v15;
	v5 =	vld.idx.msk [tilespmem:v18+s12+$0x0], $0xffff  }
0x1c3: {  	v50 =	vld [tilespmem:$0x1FC70];
	v18 =	vor.u32 v44, v0;
	_ =	sdelay $0x1  }
0x1c4: {  	v3 =	vor.u32 $0x70, v59  }
0x1c5: {  	v24 =	vld [tilespmem:$0x1FC80];
	[tilespmem:v19+s15+$0x0] =	vst.idx.msk $0xffff, v17;
	v14 =	vor.u32 v3, v14  }
0x1c6: {  	v19 =	vor.u32 v31, v2;
	v17 =	vld.idx.msk [tilespmem:v20+s12+$0x0], $0xffff;
	[tilespmem:v16+s15+$0x0] =	vst.idx.msk $0xffff, v5;
	v5 =	vand.u32 $0x3F8, v14  }
0x1c7: {  	[tilespmem:$0x1F6D0] =	vst v3;
	v20 =	vor.u32 v50, v4;
	v3 =	vor.u32 $0x10, v58;
	v14 =	vld.idx.msk [tilespmem:v18+s12+$0x0], $0xffff;
	v15 =	vor.u32 v5, v15  }
0x1c8: {  	v56 =	vmov v39;
	v39 =	vld [tilespmem:$0x1FC90];
	v16 =	vor.u32 v3, v0;
	_ =	sdelay $0x2  }
0x1c9: {  	[tilespmem:v19+s15+$0x0] =	vst.idx.msk $0xffff, v17;
	v18 =	vor.u32 v24, v2;
	v24 =	vor.u32 $0x800, v60  }
0x1ca: {  	v17 =	vld.idx.msk [tilespmem:v20+s12+$0x0], $0xffff;
	[tilespmem:v15+s15+$0x0] =	vst.idx.msk $0xffff, v14;
	v14 =	vor.u32 v24, v8  }
0x1cb: {  	[tilespmem:$0x1F700] =	vst v3;
	v19 =	vor.u32 v39, v4;
	v3 =	vor.u32 $0x410, v58;
	v15 =	vld.idx.msk [tilespmem:v16+s12+$0x0], $0xffff;
	v16 =	vor.u32 v11, v14  }
0x1cc: {  	v29 =	vld [tilespmem:$0x1FCA0];
	v20 =	vor.u32 v3, v0;
	_ =	sdelay $0x2  }
0x1cd: {  	[tilespmem:v18+s15+$0x0] =	vst.idx.msk $0xffff, v17  }
0x1ce: {  	v18 =	vor.u32 v26, v2;
	v17 =	vld.idx.msk [tilespmem:v19+s12+$0x0], $0xffff;
	[tilespmem:v16+s15+$0x0] =	vst.idx.msk $0xffff, v15  }
0x1cf: {  	[tilespmem:$0x1F710] =	vst v3;
	v3 =	vor.u32 $0x810, v58;
	v19 =	vor.u32 v29, v4;
	v16 =	vor.u32 v12, v14;
	v15 =	vld.idx.msk [tilespmem:v20+s12+$0x0], $0xffff  }
0x1d0: {  	v54 =	vld [tilespmem:$0x1FCB0];
	v20 =	vor.u32 v3, v0;
	_ =	sdelay $0x2  }
0x1d1: {  	v63 =	vld [tilespmem:$0x1FCC0];
	[tilespmem:v18+s15+$0x0] =	vst.idx.msk $0xffff, v17  }
0x1d2: {  	v18 =	vor.u32 v52, v2;
	v17 =	vld.idx.msk [tilespmem:v19+s12+$0x0], $0xffff;
	[tilespmem:v16+s15+$0x0] =	vst.idx.msk $0xffff, v15  }
0x1d3: {  	v52 =	vor.u32 $0xC10, v58;
	v19 =	vor.u32 v54, v4;
	v16 =	vor.u32 v10, v14;
	v15 =	vld.idx.msk [tilespmem:v20+s12+$0x0], $0xffff  }
0x1d4: {  	v21 =	vld [tilespmem:$0x1FCD0];
	v20 =	vor.u32 v52, v0;
	_ =	sdelay $0x2  }
0x1d5: {  	[tilespmem:v18+s15+$0x0] =	vst.idx.msk $0xffff, v17  }
0x1d6: {  	v18 =	vor.u32 v63, v2;
	v17 =	vld.idx.msk [tilespmem:v19+s12+$0x0], $0xffff;
	[tilespmem:v16+s15+$0x0] =	vst.idx.msk $0xffff, v15  }
0x1d7: {  	[tilespmem:$0x1F750] =	vst v3;
	v3 =	vor.u32 $0x1010, v58;
	v19 =	vor.u32 v21, v4;
	v16 =	vor.u32 v7, v14;
	v15 =	vld.idx.msk [tilespmem:v20+s12+$0x0], $0xffff  }
0x1d8: {  	v20 =	vor.u32 v3, v0;
	_ =	sdelay $0x2  }
0x1d9: {  	[tilespmem:v18+s15+$0x0] =	vst.idx.msk $0xffff, v17  }
0x1da: {  	v18 =	vor.u32 v42, v2;
	v17 =	vld.idx.msk [tilespmem:v19+s12+$0x0], $0xffff;
	[tilespmem:v16+s15+$0x0] =	vst.idx.msk $0xffff, v15  }
0x1db: {  	[tilespmem:$0x1F790] =	vst v3;
	v19 =	vor.u32 v22, v4;
	v3 =	vor.u32 $0x1410, v58;
	v16 =	vor.u32 v13, v14;
	v15 =	vld.idx.msk [tilespmem:v20+s12+$0x0], $0xffff  }
0x1dc: {  	v25 =	vld [tilespmem:$0x1FCE0];
	v20 =	vor.u32 v3, v0;
	_ =	sdelay $0x2  }
0x1dd: {  	v45 =	vld [tilespmem:$0x1FCF0];
	[tilespmem:v18+s15+$0x0] =	vst.idx.msk $0xffff, v17  }
0x1de: {  	v18 =	vor.u32 v23, v2;
	v17 =	vld.idx.msk [tilespmem:v19+s12+$0x0], $0xffff;
	[tilespmem:v16+s15+$0x0] =	vst.idx.msk $0xffff, v15  }
0x1df: {  	[tilespmem:$0x1F7B0] =	vst v3;
	v19 =	vor.u32 v25, v4;
	v3 =	vor.u32 $0x1810, v58;
	v16 =	vor.u32 v9, v14;
	v15 =	vld.idx.msk [tilespmem:v20+s12+$0x0], $0xffff  }
0x1e0: {  	v20 =	vor.u32 v3, v0;
	_ =	sdelay $0x2  }
0x1e1: {  	[tilespmem:v18+s15+$0x0] =	vst.idx.msk $0xffff, v17  }
0x1e2: {  	v18 =	vor.u32 v45, v2;
	v17 =	vld.idx.msk [tilespmem:v19+s12+$0x0], $0xffff;
	[tilespmem:v16+s15+$0x0] =	vst.idx.msk $0xffff, v15  }
0x1e3: {  	[tilespmem:$0x1F7D0] =	vst v3;
	v19 =	vor.u32 v46, v4;
	v3 =	vor.u32 $0x1C10, v58;
	v16 =	vor.u32 v6, v14;
	v15 =	vld.idx.msk [tilespmem:v20+s12+$0x0], $0xffff  }
0x1e4: {  	v48 =	vld [tilespmem:$0x1FD00];
	v20 =	vor.u32 v3, v0;
	_ =	sdelay $0x2  }
0x1e5: {  	[tilespmem:v18+s15+$0x0] =	vst.idx.msk $0xffff, v17  }
0x1e6: {  	v18 =	vor.u32 v47, v2;
	v17 =	vld.idx.msk [tilespmem:v19+s12+$0x0], $0xffff;
	[tilespmem:v16+s15+$0x0] =	vst.idx.msk $0xffff, v15  }
0x1e7: {  	[tilespmem:$0x1F7E0] =	vst v3;
	v14 =	vor.u32 v5, v14;
	v19 =	vor.u32 v48, v4;
	v3 =	vor.u32 $0x20, v58;
	v15 =	vld.idx.msk [tilespmem:v20+s12+$0x0], $0xffff  }
0x1e8: {  	v51 =	vld [tilespmem:$0x1FD10];
	v16 =	vor.u32 v3, v0;
	_ =	sdelay $0x1  }
0x1e9: {  	[tilespmem:$0x1F7F0] =	vst v3  }
0x1ea: {  	v55 =	vld [tilespmem:$0x1FD20];
	[tilespmem:v18+s15+$0x0] =	vst.idx.msk $0xffff, v17;
	v3 =	vor.u32 $0x1000, v60  }
0x1eb: {  	v18 =	vor.u32 v49, v2;
	v17 =	vld.idx.msk [tilespmem:v19+s12+$0x0], $0xffff;
	[tilespmem:v14+s15+$0x0] =	vst.idx.msk $0xffff, v15;
	v14 =	vor.u32 v3, v8  }
0x1ec: {  	[tilespmem:$0x1F800] =	vst v3;
	v19 =	vor.u32 v51, v4;
	v3 =	vor.u32 $0x420, v58;
	v15 =	vld.idx.msk [tilespmem:v16+s12+$0x0], $0xffff;
	v16 =	vor.u32 v11, v14  }
0x1ed: {  	v20 =	vor.u32 v3, v0;
	_ =	sdelay $0x2  }
0x1ee: {  	[tilespmem:v18+s15+$0x0] =	vst.idx.msk $0xffff, v17  }
0x1ef: {  	v18 =	vor.u32 v55, v2;
	v17 =	vld.idx.msk [tilespmem:v19+s12+$0x0], $0xffff;
	[tilespmem:v16+s15+$0x0] =	vst.idx.msk $0xffff, v15  }
0x1f0: {  	[tilespmem:$0x1F810] =	vst v3;
	v19 =	vor.u32 v56, v4;
	v3 =	vor.u32 $0x820, v58;
	v16 =	vor.u32 v12, v14;
	v15 =	vld.idx.msk [tilespmem:v20+s12+$0x0], $0xffff  }
0x1f1: {  	v20 =	vor.u32 v3, v0;
	_ =	sdelay $0x2  }
0x1f2: {  	[tilespmem:v18+s15+$0x0] =	vst.idx.msk $0xffff, v17  }
0x1f3: {  	v17 =	vld.idx.msk [tilespmem:v19+s12+$0x0], $0xffff;
	[tilespmem:v16+s15+$0x0] =	vst.idx.msk $0xffff, v15  }
0x1f4: {  	v61 =	vmov v32;
	[tilespmem:$0x1F840] =	vst v3;
	v3 =	vor.u32 $0xC20, v58;
	v15 =	vld.idx.msk [tilespmem:v20+s12+$0x0], $0xffff  }
0x1f5: {  	v18 =	vor.u32 v61, v2;
	[tilespmem:$0x1F860] =	vst v3;
	v20 =	vor.u32 v3, v0;
	v3 =	vld [tilespmem:$0x1FF90];
	_ =	sdelay $0x3  }
0x1f6: {  	v19 =	vor.u32 v62, v4;
	v16 =	vor.u32 v10, v14  }
0x1f7: {  	[tilespmem:v18+s15+$0x0] =	vst.idx.msk $0xffff, v17;
	v18 =	vor.u32 v3, v2;
	v3 =	vld [tilespmem:$0x1FFA0];
	_ =	sdelay $0x3  }
0x1f8: {  	v17 =	vld.idx.msk [tilespmem:v19+s12+$0x0], $0xffff;
	[tilespmem:v16+s15+$0x0] =	vst.idx.msk $0xffff, v15  }
0x1f9: {  	v15 =	vld.idx.msk [tilespmem:v20+s12+$0x0], $0xffff;
	v19 =	vor.u32 v3, v4;
	v3 =	vor.u32 $0x1020, v58  }
0x1fa: {  	[tilespmem:$0x1F880] =	vst v3;
	v20 =	vor.u32 v3, v0;
	v3 =	vld [tilespmem:$0x1FFB0];
	_ =	sdelay $0x3  }
0x1fb: {  	v16 =	vor.u32 v7, v14  }
0x1fc: {  	[tilespmem:v18+s15+$0x0] =	vst.idx.msk $0xffff, v17;
	v18 =	vor.u32 v3, v2;
	v3 =	vld [tilespmem:$0x1FD30];
	_ =	sdelay $0x3  }
0x1fd: {  	[tilespmem:v16+s15+$0x0] =	vst.idx.msk $0xffff, v15;
	v17 =	vld.idx.msk [tilespmem:v19+s12+$0x0], $0xffff  }
0x1fe: {  	v15 =	vld.idx.msk [tilespmem:v20+s12+$0x0], $0xffff;
	v19 =	vor.u32 v3, v4;
	v3 =	vor.u32 $0x1420, v58  }
0x1ff: {  	[tilespmem:$0x1F8B0] =	vst v3;
	v20 =	vor.u32 v3, v0;
	v3 =	vld [tilespmem:$0x1FD40];
	_ =	sdelay $0x3  }
0x200: {  	v16 =	vor.u32 v13, v14  }
0x201: {  	[tilespmem:v18+s15+$0x0] =	vst.idx.msk $0xffff, v17;
	v18 =	vor.u32 v3, v2;
	v3 =	vld [tilespmem:$0x1FD50];
	_ =	sdelay $0x3  }
0x202: {  	[tilespmem:v16+s15+$0x0] =	vst.idx.msk $0xffff, v15;
	v17 =	vld.idx.msk [tilespmem:v19+s12+$0x0], $0xffff  }
0x203: {  	v15 =	vld.idx.msk [tilespmem:v20+s12+$0x0], $0xffff;
	v19 =	vor.u32 v3, v4;
	v3 =	vor.u32 $0x1820, v58  }
0x204: {  	[tilespmem:$0x1F8F0] =	vst v3;
	v20 =	vor.u32 v3, v0;
	v3 =	vld [tilespmem:$0x1FD60];
	_ =	sdelay $0x3  }
0x205: {  	v16 =	vor.u32 v9, v14  }
0x206: {  	[tilespmem:v18+s15+$0x0] =	vst.idx.msk $0xffff, v17;
	v18 =	vor.u32 v3, v2;
	v3 =	vld [tilespmem:$0x1FFC0];
	_ =	sdelay $0x3  }
0x207: {  	[tilespmem:v16+s15+$0x0] =	vst.idx.msk $0xffff, v15;
	v17 =	vld.idx.msk [tilespmem:v19+s12+$0x0], $0xffff  }
0x208: {  	v15 =	vld.idx.msk [tilespmem:v20+s12+$0x0], $0xffff;
	v19 =	vor.u32 v3, v4;
	v3 =	vor.u32 $0x1C20, v58  }
0x209: {  	[tilespmem:$0x1F920] =	vst v3;
	v20 =	vor.u32 v3, v0;
	v3 =	vld [tilespmem:$0x1FFD0];
	_ =	sdelay $0x4  }
0x20a: {  	v16 =	vor.u32 v6, v14;
	[tilespmem:v18+s15+$0x0] =	vst.idx.msk $0xffff, v17;
	v18 =	vor.u32 v3, v2;
	v3 =	vld [tilespmem:$0x1FFE0];
	_ =	sdelay $0x3  }
0x20b: {  	v17 =	vld.idx.msk [tilespmem:v19+s12+$0x0], $0xffff  }
0x20c: {  	[tilespmem:v16+s15+$0x0] =	vst.idx.msk $0xffff, v15;
	v19 =	vor.u32 v3, v4  }
0x20d: {  	v15 =	vld.idx.msk [tilespmem:v20+s12+$0x0], $0xffff;
	v3 =	vor.u32 $0x30, v58  }
0x20e: {  	v14 =	vor.u32 v5, v14;
	[tilespmem:$0x1F990] =	vst v3;
	v16 =	vor.u32 v3, v0;
	v3 =	vld [tilespmem:$0x1FD70];
	_ =	sdelay $0x1  }
0x20f: {  	[tilespmem:v18+s15+$0x0] =	vst.idx.msk $0xffff, v17  }
0x210: {  	v17 =	vld.idx.msk [tilespmem:v19+s12+$0x0], $0xffff  }
0x211: {  	v19 =	vld [tilespmem:$0x1FFF0]  }
0x212: {  	[tilespmem:v14+s15+$0x0] =	vst.idx.msk $0xffff, v15;
	v18 =	vor.u32 v3, v2;
	v3 =	vor.u32 $0x1800, v60  }
0x213: {  	[tilespmem:$0x1F980] =	vst v3;
	v14 =	vor.u32 v3, v8;
	v8 =	vld.idx.msk [tilespmem:v16+s12+$0x0], $0xffff;
	v3 =	vor.u32 $0x430, v58  }
0x214: {  	v11 =	vor.u32 v11, v14;
	[tilespmem:$0x1FA20] =	vst v3;
	v15 =	vor.u32 v3, v0;
	v3 =	vld [tilespmem:$0x1FD80];
	_ =	sdelay $0x1  }
0x215: {  	v19 =	vor.u32 v19, v4  }
0x216: {  	v57 =	vld [tilespmem:$0x1FD90]  }
0x217: {  	[tilespmem:v18+s15+$0x0] =	vst.idx.msk $0xffff, v17  }
0x218: {  	v17 =	vor.u32 v3, v2;
	[tilespmem:v11+s15+$0x0] =	vst.idx.msk $0xffff, v8;
	v3 =	vor.u32 $0x830, v58  }
0x219: {  	v11 =	vor.u32 v12, v14;
	[tilespmem:$0x1FA70] =	vst v3;
	v12 =	vor.u32 v3, v0;
	v3 =	vld [tilespmem:$0x1FDA0]  }
0x21a: {  	v16 =	vld.idx.msk [tilespmem:v19+s12+$0x0], $0xffff  }
0x21b: {  	v18 =	vor.u32 v57, v4;
	_ =	sdelay $0x2  }
0x21c: {  	v8 =	vld.idx.msk [tilespmem:v15+s12+$0x0], $0xffff  }
0x21d: {  	[tilespmem:v17+s15+$0x0] =	vst.idx.msk $0xffff, v16;
	v16 =	vor.u32 v3, v2;
	v3 =	vld [tilespmem:$0x1FDB0]  }
0x21e: {  	v15 =	vld.idx.msk [tilespmem:v18+s12+$0x0], $0xffff;
	_ =	sdelay $0x2  }
0x21f: {  	[tilespmem:v11+s15+$0x0] =	vst.idx.msk $0xffff, v8  }
0x220: {  	v10 =	vor.u32 v10, v14;
	v8 =	vld.idx.msk [tilespmem:v12+s12+$0x0], $0xffff;
	v17 =	vor.u32 v3, v4  }
0x221: {  	v3 =	vor.u32 $0xC30, v58;
	[tilespmem:v16+s15+$0x0] =	vst.idx.msk $0xffff, v15;
	v15 =	vld [tilespmem:$0x1FDC0]  }
0x222: {  	v11 =	vor.u32 v3, v0;
	v16 =	vld [tilespmem:$0x1FDD0];
	_ =	sdelay $0x2  }
0x223: {  	[tilespmem:v10+s15+$0x0] =	vst.idx.msk $0xffff, v8;
	v12 =	vld.idx.msk [tilespmem:v17+s12+$0x0], $0xffff  }
0x224: {  	s31 =	sor.u32 $0x2, s24;
	v7 =	vor.u32 v7, v14;
	[tilespmem:$0x1FAD0] =	vst v3;
	v3 =	vor.u32 $0x1030, v58;
	v17 =	vld [tilespmem:$0x1FDE0];
	v15 =	vor.u32 v15, v2  }
0x225: {  	s26 =	sor.u32 $0x3, s24;
	[tilespmem:$0x1F610] =	vst v60;
	v16 =	vor.u32 v16, v4;
	v8 =	vld.idx.msk [tilespmem:v11+s12+$0x0], $0xffff;
	v11 =	vor.u32 v13, v14;
	v13 =	vadd.s32 s31, v59  }
0x226: {  	[tilespmem:$0x1F630] =	vst v27;
	v22 =	vshll.u32 v13, $0x7;
	v45 =	vand.u32 $0xF, v13;
	v13 =	vadd.s32 s26, v59  }
0x227: {  	s28 =	sor.u32 $0x4, s24;
	[tilespmem:$0x1F650] =	vst v34;
	v10 =	vor.u32 v3, v0;
	v18 =	vand.u32 $0x380, v22;
	v46 =	vand.u32 $0xF, v13  }
0x228: {  	v20 =	vadd.s32 s28, v59;
	[tilespmem:$0x1FB30] =	vst v3;
	v3 =	vor.u32 v40, v18;
	v18 =	vor.u32 v58, v46  }
0x229: {  	v47 =	vand.u32 $0xF, v20;
	v23 =	vshll.u32 v13, $0x7;
	[tilespmem:$0x1F9F0] =	vst v3  }
0x22a: {  	v19 =	vor.u32 v58, v45;
	v13 =	vand.u32 $0x400, v23;
	v17 =	vor.u32 v17, v2;
	[tilespmem:v15+s15+$0x0] =	vst.idx.msk $0xffff, v12  }
0x22b: {  	v15 =	vand.u32 $0x400, v22;
	[tilespmem:v7+s15+$0x0] =	vst.idx.msk $0xffff, v8;
	v7 =	vand.u32 $0x380, v23;
	v8 =	vor.u32 v58, v47;
	v12 =	vld.idx.msk [tilespmem:v16+s12+$0x0], $0xffff  }
0x22c: {  	v61 =	vshll.u32 v20, $0x7;
	v25 =	vor.u32 v60, v13;
	[tilespmem:$0x1F9E0] =	vst v15;
	v10 =	vld.idx.msk [tilespmem:v10+s12+$0x0], $0xffff;
	v16 =	vor.u32 v40, v7  }
0x22d: {  	v56 =	vor.u32 v60, v15;
	[tilespmem:$0x1FA10] =	vst v16;
	v15 =	vor.u32 v16, v25;
	v16 =	vld.idx.msk [tilespmem:v18+s12+$0x0], $0xffff;
	v18 =	vand.u32 $0x380, v61  }
0x22e: {  	v20 =	vand.u32 $0x400, v61;
	[tilespmem:$0x1FA00] =	vst v13;
	v13 =	vor.u32 v3, v56;
	v3 =	vor.u32 v40, v18  }
0x22f: {  	v29 =	vor.u32 v60, v20;
	v7 =	vld.idx.msk [tilespmem:v19+s12+$0x0], $0xffff;
	[tilespmem:$0x1F730] =	vst v3  }
0x230: {  	s29 =	sor.u32 $0x5, s24;
	[tilespmem:v17+s15+$0x0] =	vst.idx.msk $0xffff, v12;
	v12 =	vld.idx.msk [tilespmem:v8+s12+$0x0], $0xffff;
	v17 =	vor.u32 v3, v29;
	v3 =	vor.u32 $0x1430, v58  }
0x231: {  	v19 =	vadd.s32 s29, v59;
	[tilespmem:v11+s15+$0x0] =	vst.idx.msk $0xffff, v10;
	v8 =	vld [tilespmem:$0x1FDF0];
	v10 =	vor.u32 v3, v0  }
0x232: {  	[tilespmem:$0x1F660] =	vst v35;
	v48 =	vand.u32 $0xF, v19  }
0x233: {  	[tilespmem:$0x1F640] =	vst v33;
	v18 =	vor.u32 v58, v48  }
0x234: {  	[tilespmem:v13+s15+$0x0] =	vst.idx.msk $0xffff, v7  }
0x235: {  	v9 =	vor.u32 v9, v14;
	v7 =	vshll.u32 v19, $0x7;
	[tilespmem:v17+s15+$0x0] =	vst.idx.msk $0xffff, v12;
	v17 =	vld [tilespmem:$0x1FE00]  }
0x236: {  	[tilespmem:$0x1F600] =	vst v40;
	v57 =	vand.u32 $0x400, v7;
	v4 =	vor.u32 v8, v4;
	v8 =	vand.u32 $0x380, v7;
	v10 =	vld.idx.msk [tilespmem:v10+s12+$0x0], $0xffff  }
0x237: {  	[tilespmem:$0x1F620] =	vst v1;
	v11 =	vor.u32 v1, v45;
	v42 =	vor.u32 v40, v8;
	v8 =	vor.u32 v60, v57  }
0x238: {  	[tilespmem:v15+s15+$0x0] =	vst.idx.msk $0xffff, v16;
	v12 =	vld.idx.msk [tilespmem:v18+s12+$0x0], $0xffff;
	v16 =	vor.u32 v42, v8  }
0x239: {  	[tilespmem:$0x1F720] =	vst v20;
	v13 =	vor.u32 v1, v46  }
0x23a: {  	[tilespmem:$0x1FB60] =	vst v3;
	v15 =	vor.u32 v1, v47;
	v2 =	vor.u32 v17, v2;
	v17 =	vor.u32 v27, v22  }
0x23b: {  	v18 =	vor.u32 v1, v48;
	v4 =	vld.idx.msk [tilespmem:v4+s12+$0x0], $0xffff;
	v19 =	vand.u32 $0x398, v17;
	[tilespmem:v9+s15+$0x0] =	vst.idx.msk $0xffff, v10  }
0x23c: {  	v11 =	vld.idx.msk [tilespmem:v11+s12+$0x0], $0xffff;
	v17 =	vor.u32 v27, v23;
	[tilespmem:$0x1FA60] =	vst v19  }
0x23d: {  	v3 =	vand.u32 $0x398, v17;
	v17 =	vor.u32 v19, v56;
	v19 =	vor.u32 v27, v61;
	[tilespmem:v16+s15+$0x0] =	vst.idx.msk $0xffff, v12  }
0x23e: {  	v20 =	vor.u32 v27, v7;
	v13 =	vld.idx.msk [tilespmem:v13+s12+$0x0], $0xffff;
	[tilespmem:$0x1F760] =	vst v3;
	v21 =	vand.u32 $0x398, v19;
	v19 =	vor.u32 v3, v25  }
0x23f: {  	v12 =	vld.idx.msk [tilespmem:v15+s12+$0x0], $0xffff;
	v3 =	vand.u32 $0x398, v20;
	[tilespmem:$0x1FA80] =	vst v21;
	v15 =	vor.u32 v21, v29  }
0x240: {  	s30 =	sor.u32 $0x6, s24;
	[tilespmem:v2+s15+$0x0] =	vst.idx.msk $0xffff, v4;
	v2 =	vld.idx.msk [tilespmem:v18+s12+$0x0], $0xffff;
	v4 =	vor.u32 v3, v8  }
0x241: {  	v16 =	vadd.s32 s30, v59;
	[tilespmem:$0x1FA90] =	vst v3  }
0x242: {  	v6 =	vor.u32 v6, v14;
	v49 =	vand.u32 $0xF, v16;
	v30 =	vshll.u32 v16, $0x7;
	[tilespmem:v17+s15+$0x0] =	vst.idx.msk $0xffff, v11  }
0x243: {  	v20 =	vor.u32 v34, v7;
	v9 =	vor.u32 v58, v49;
	v3 =	vor.u32 $0x1830, v58;
	[tilespmem:v19+s15+$0x0] =	vst.idx.msk $0xffff, v13  }
0x244: {  	v54 =	vand.u32 $0x400, v30;
	v21 =	vor.u32 v27, v30;
	v11 =	vor.u32 v3, v0;
	[tilespmem:v15+s15+$0x0] =	vst.idx.msk $0xffff, v12  }
0x245: {  	v10 =	vor.u32 v60, v54;
	v12 =	vor.u32 v33, v45;
	[tilespmem:v4+s15+$0x0] =	vst.idx.msk $0xffff, v2;
	v4 =	vand.u32 $0x380, v30  }
0x246: {  	[tilespmem:$0x1FAB0] =	vst v3;
	v13 =	vor.u32 v34, v22;
	v2 =	vor.u32 v33, v46;
	v3 =	vor.u32 v40, v4  }
0x247: {  	[tilespmem:$0x1FA50] =	vst v3;
	v16 =	vor.u32 v3, v10;
	v3 =	vand.u32 $0x3A8, v13;
	v13 =	vor.u32 v34, v23  }
0x248: {  	v19 =	vor.u32 v34, v61;
	v9 =	vld.idx.msk [tilespmem:v9+s12+$0x0], $0xffff;
	v4 =	vor.u32 v33, v47;
	[tilespmem:$0x1F770] =	vst v3;
	v18 =	vand.u32 $0x3A8, v13  }
0x249: {  	v15 =	vor.u32 v33, v48;
	v11 =	vld.idx.msk [tilespmem:v11+s12+$0x0], $0xffff;
	v13 =	vor.u32 v3, v56;
	v3 =	vand.u32 $0x3A8, v19;
	[tilespmem:$0x1FAC0] =	vst v18  }
0x24a: {  	v17 =	vor.u32 v1, v49;
	v12 =	vld.idx.msk [tilespmem:v12+s12+$0x0], $0xffff;
	[tilespmem:$0x1FAE0] =	vst v3;
	v19 =	vor.u32 v18, v25;
	v18 =	vand.u32 $0x3A8, v20  }
0x24b: {  	v20 =	vor.u32 v3, v29;
	v3 =	vand.u32 $0x398, v21;
	[tilespmem:$0x1FAF0] =	vst v18  }
0x24c: {  	v2 =	vld.idx.msk [tilespmem:v2+s12+$0x0], $0xffff;
	[tilespmem:$0x1FAA0] =	vst v3  }
0x24d: {  	v4 =	vld.idx.msk [tilespmem:v4+s12+$0x0], $0xffff;
	[tilespmem:v16+s15+$0x0] =	vst.idx.msk $0xffff, v9  }
0x24e: {  	v9 =	vld.idx.msk [tilespmem:v15+s12+$0x0], $0xffff;
	v15 =	vor.u32 v18, v8;
	[tilespmem:v6+s15+$0x0] =	vst.idx.msk $0xffff, v11  }
0x24f: {  	v11 =	vor.u32 v3, v10;
	v6 =	vld.idx.msk [tilespmem:v17+s12+$0x0], $0xffff;
	[tilespmem:v13+s15+$0x0] =	vst.idx.msk $0xffff, v12;
	v13 =	vor.u32 $0x1C30, v58  }
0x250: {  	v5 =	vor.u32 v5, v14;
	[tilespmem:$0x1FBD0] =	vst v13  }
0x251: {  	v12 =	vor.u32 v33, v49;
	[tilespmem:v19+s15+$0x0] =	vst.idx.msk $0xffff, v2;
	v0 =	vor.u32 v13, v0  }
0x252: {  	v2 =	vor.u32 v35, v45;
	[tilespmem:v20+s15+$0x0] =	vst.idx.msk $0xffff, v4;
	v4 =	vor.u32 v35, v46  }
0x253: {  	[tilespmem:v15+s15+$0x0] =	vst.idx.msk $0xffff, v9;
	v9 =	vor.u32 v34, v30;
	v15 =	vor.u32 v36, v61  }
0x254: {  	[tilespmem:v11+s15+$0x0] =	vst.idx.msk $0xffff, v6;
	v3 =	vand.u32 $0x3A8, v9;
	v6 =	vor.u32 v35, v47;
	v11 =	vor.u32 v36, v22  }
0x255: {  	[tilespmem:$0x1FB00] =	vst v3;
	v13 =	vor.u32 v3, v10;
	v3 =	vand.u32 $0x3B8, v11;
	v11 =	vor.u32 v36, v23  }
0x256: {  	v9 =	vld.idx.msk [tilespmem:v12+s12+$0x0], $0xffff;
	v12 =	vor.u32 v35, v48;
	[tilespmem:$0x1FB10] =	vst v3;
	v16 =	vand.u32 $0x3B8, v11;
	v11 =	vor.u32 v3, v56  }
0x257: {  	v0 =	vld.idx.msk [tilespmem:v0+s12+$0x0], $0xffff;
	v3 =	vand.u32 $0x3B8, v15;
	[tilespmem:$0x1FB20] =	vst v16;
	v15 =	vor.u32 v16, v25;
	v16 =	vor.u32 v36, v7  }
0x258: {  	v14 =	vor.u32 v35, v49;
	v17 =	vor.u32 v36, v30;
	v2 =	vld.idx.msk [tilespmem:v2+s12+$0x0], $0xffff;
	[tilespmem:$0x1FB40] =	vst v3;
	v18 =	vand.u32 $0x3B8, v16  }
0x259: {  	v4 =	vld.idx.msk [tilespmem:v4+s12+$0x0], $0xffff;
	v16 =	vor.u32 v3, v29;
	v3 =	vand.u32 $0x3B8, v17;
	[tilespmem:$0x1F7A0] =	vst v18  }
0x25a: {  	[tilespmem:$0x1FB50] =	vst v3  }
0x25b: {  	s31 =	sor.u32 $0x7, s24;
	v6 =	vld.idx.msk [tilespmem:v6+s12+$0x0], $0xffff;
	[tilespmem:v13+s15+$0x0] =	vst.idx.msk $0xffff, v9  }
0x25c: {  	v9 =	vld.idx.msk [tilespmem:v12+s12+$0x0], $0xffff;
	v12 =	vor.u32 v18, v8;
	v13 =	vadd.s32 s31, v59;
	[tilespmem:v5+s15+$0x0] =	vst.idx.msk $0xffff, v0  }
0x25d: {  	v0 =	vld.idx.msk [tilespmem:v14+s12+$0x0], $0xffff;
	v5 =	vor.u32 v3, v10;
	[tilespmem:v11+s15+$0x0] =	vst.idx.msk $0xffff, v2;
	v31 =	vshll.u32 v13, $0x7  }
0x25e: {  	v50 =	vand.u32 $0xF, v13;
	v11 =	vor.u32 v37, v48;
	[tilespmem:v15+s15+$0x0] =	vst.idx.msk $0xffff, v4;
	v18 =	vand.u32 $0x400, v31  }
0x25f: {  	v13 =	vor.u32 v37, v49;
	v2 =	vor.u32 v58, v50;
	v4 =	vor.u32 v37, v45;
	[tilespmem:$0x1F820] =	vst v18  }
0x260: {  	v17 =	vor.u32 v1, v50;
	v27 =	vor.u32 v27, v31;
	[tilespmem:v16+s15+$0x0] =	vst.idx.msk $0xffff, v6  }
0x261: {  	v32 =	vor.u32 v60, v18;
	v6 =	vor.u32 v38, v22;
	[tilespmem:v12+s15+$0x0] =	vst.idx.msk $0xffff, v9  }
0x262: {  	v3 =	vand.u32 $0x3C8, v6;
	v6 =	vor.u32 v37, v46;
	v9 =	vand.u32 $0x380, v31;
	[tilespmem:v5+s15+$0x0] =	vst.idx.msk $0xffff, v0  }
0x263: {  	v15 =	vor.u32 v40, v9;
	v0 =	vor.u32 v37, v47;
	v9 =	vor.u32 v38, v23;
	[tilespmem:$0x1F8A0] =	vst v3  }
0x264: {  	v16 =	vor.u32 v3, v56;
	v5 =	vand.u32 $0x3C8, v9;
	v12 =	vld.idx.msk [tilespmem:v2+s12+$0x0], $0xffff;
	[tilespmem:$0x1F830] =	vst v15;
	v2 =	vor.u32 v38, v61  }
0x265: {  	v14 =	vor.u32 v15, v32;
	[tilespmem:$0x1F8C0] =	vst v5;
	v1 =	vand.u32 $0x3C8, v2;
	v2 =	vor.u32 v38, v7  }
0x266: {  	v60 =	vmov v15;
	v15 =	vld.idx.msk [tilespmem:v4+s12+$0x0], $0xffff;
	v4 =	vor.u32 v38, v30;
	[tilespmem:$0x1FB70] =	vst v1;
	v2 =	vand.u32 $0x3C8, v2  }
0x267: {  	v20 =	vor.u32 v5, v25;
	v21 =	vor.u32 v1, v29;
	v1 =	vand.u32 $0x3C8, v4;
	v19 =	vld.idx.msk [tilespmem:v6+s12+$0x0], $0xffff;
	[tilespmem:$0x1F7C0] =	vst v2  }
0x268: {  	v11 =	vld.idx.msk [tilespmem:v11+s12+$0x0], $0xffff;
	v4 =	vand.u32 $0x398, v27;
	[tilespmem:$0x1F8D0] =	vst v1;
	v26 =	vor.u32 v2, v8  }
0x269: {  	[tilespmem:$0x1F850] =	vst v4;
	v0 =	vld.idx.msk [tilespmem:v0+s12+$0x0], $0xffff  }
0x26a: {  	[tilespmem:v14+s15+$0x0] =	vst.idx.msk $0xffff, v12;
	v12 =	vld.idx.msk [tilespmem:v13+s12+$0x0], $0xffff;
	v13 =	vor.u32 v1, v10  }
0x26b: {  	[tilespmem:v16+s15+$0x0] =	vst.idx.msk $0xffff, v15  }
0x26c: {  	v15 =	vor.u32 v4, v32;
	v14 =	vld.idx.msk [tilespmem:v17+s12+$0x0], $0xffff;
	[tilespmem:v20+s15+$0x0] =	vst.idx.msk $0xffff, v19  }
0x26d: {  	v17 =	vor.u32 v41, v46;
	[tilespmem:v26+s15+$0x0] =	vst.idx.msk $0xffff, v11  }
0x26e: {  	v16 =	vor.u32 v33, v50;
	v11 =	vor.u32 v43, v22;
	[tilespmem:v21+s15+$0x0] =	vst.idx.msk $0xffff, v0  }
0x26f: {  	v19 =	vor.u32 v41, v47;
	v1 =	vand.u32 $0x3D8, v11;
	[tilespmem:v13+s15+$0x0] =	vst.idx.msk $0xffff, v12  }
0x270: {  	v0 =	vor.u32 v41, v45;
	[tilespmem:$0x1FB80] =	vst v1;
	v12 =	vor.u32 v34, v31  }
0x271: {  	v13 =	vor.u32 v43, v61;
	[tilespmem:v15+s15+$0x0] =	vst.idx.msk $0xffff, v14;
	v11 =	vand.u32 $0x3A8, v12;
	v15 =	vor.u32 v41, v48  }
0x272: {  	v33 =	vor.u32 v1, v56;
	v12 =	vor.u32 v43, v23;
	v17 =	vld.idx.msk [tilespmem:v17+s12+$0x0], $0xffff;
	v1 =	vand.u32 $0x3D8, v13;
	[tilespmem:$0x1F870] =	vst v11  }
0x273: {  	v20 =	vor.u32 v41, v49;
	v14 =	vor.u32 v43, v7;
	v2 =	vand.u32 $0x3D8, v12;
	v16 =	vld.idx.msk [tilespmem:v16+s12+$0x0], $0xffff;
	[tilespmem:$0x1FB90] =	vst v1  }
0x274: {  	v26 =	vor.u32 v43, v30;
	[tilespmem:$0x1F900] =	vst v2;
	v39 =	vor.u32 v2, v25;
	v19 =	vld.idx.msk [tilespmem:v19+s12+$0x0], $0xffff;
	v2 =	vand.u32 $0x3D8, v14  }
0x275: {  	v21 =	vor.u32 v11, v32;
	v62 =	vor.u32 v1, v29;
	v1 =	vand.u32 $0x3D8, v26;
	v0 =	vld.idx.msk [tilespmem:v0+s12+$0x0], $0xffff;
	[tilespmem:$0x1FBA0] =	vst v2  }
0x276: {  	v40 =	vld.idx.msk [tilespmem:v15+s12+$0x0], $0xffff;
	[tilespmem:$0x1FBB0] =	vst v1  }
0x277: {  	[tilespmem:$0x1F670] =	vst v36  }
0x278: {  	[tilespmem:$0x1F680] =	vst v37  }
0x279: {  	v51 =	vor.u32 v35, v50;
	[tilespmem:$0x1F690] =	vst v38  }
0x27a: {  	[tilespmem:v21+s15+$0x0] =	vst.idx.msk $0xffff, v16;
	v16 =	vld.idx.msk [tilespmem:v20+s12+$0x0], $0xffff  }
0x27b: {  	v9 =	vmov v3;
	v26 =	vor.u32 v36, v31;
	[tilespmem:$0x1F6A0] =	vst v41;
	v3 =	vld [tilespmem:$0x1F6D0]  }
0x27c: {  	v6 =	vand.u32 $0x3B8, v26;
	v59 =	vor.u32 v2, v8;
	[tilespmem:$0x1F6B0] =	vst v43;
	v26 =	vld [tilespmem:$0x1FA10]  }
0x27d: {  	[tilespmem:$0x1F6C0] =	vst v53;
	v20 =	vor.u32 v1, v10;
	v5 =	vld [tilespmem:$0x1FAF0]  }
0x27e: {  	v21 =	vor.u32 v6, v32;
	[tilespmem:v33+s15+$0x0] =	vst.idx.msk $0xffff, v0;
	v0 =	vld.idx.msk [tilespmem:v51+s12+$0x0], $0xffff  }
0x27f: {  	v13 =	vld [tilespmem:$0x1FB00];
	[tilespmem:v39+s15+$0x0] =	vst.idx.msk $0xffff, v17;
	v39 =	vor.u32 v37, v50  }
0x280: {  	v12 =	vld [tilespmem:$0x1FB40];
	[tilespmem:v62+s15+$0x0] =	vst.idx.msk $0xffff, v19;
	v19 =	vor.u32 v53, v45  }
0x281: {  	v15 =	vld [tilespmem:$0x1F7A0];
	v17 =	vor.u32 v28, v22;
	[tilespmem:v59+s15+$0x0] =	vst.idx.msk $0xffff, v40  }
0x282: {  	v14 =	vld [tilespmem:$0x1FB50];
	v1 =	vand.u32 $0x3E8, v17;
	v17 =	vor.u32 v38, v31;
	v40 =	vor.u32 v53, v46;
	[tilespmem:v20+s15+$0x0] =	vst.idx.msk $0xffff, v16  }
0x283: {  	v27 =	vand.u32 $0x3C8, v17;
	v17 =	vld [tilespmem:$0x1FA50];
	v20 =	vor.u32 v53, v47;
	[tilespmem:v21+s15+$0x0] =	vst.idx.msk $0xffff, v0;
	v0 =	vor.u32 v28, v23  }
0x284: {  	[tilespmem:$0x1F6E0] =	vst v28;
	v33 =	vor.u32 v53, v49;
	v51 =	vor.u32 v27, v32;
	v2 =	vand.u32 $0x3E8, v0;
	v0 =	vld.idx.msk [tilespmem:v39+s12+$0x0], $0xffff  }
0x285: {  	v36 =	vor.u32 v41, v50;
	[tilespmem:$0x1F6F0] =	vst v44;
	v55 =	vld.idx.msk [tilespmem:v19+s12+$0x0], $0xffff;
	v19 =	vor.u32 v28, v61  }
0x286: {  	[tilespmem:$0x1FBC0] =	vst v1;
	v35 =	vor.u32 v1, v56;
	v16 =	vld [tilespmem:$0x1FAA0];
	v21 =	vor.u32 v53, v48;
	v1 =	vand.u32 $0x3E8, v19  }
0x287: {  	v41 =	vor.u32 v28, v7;
	v59 =	vor.u32 v28, v30;
	[tilespmem:$0x1F930] =	vst v1;
	v34 =	vld.idx.msk [tilespmem:v40+s12+$0x0], $0xffff  }
0x288: {  	v39 =	vor.u32 v1, v29;
	v1 =	vand.u32 $0x3E8, v59;
	[tilespmem:$0x1FBE0] =	vst v2;
	v37 =	vor.u32 v2, v25;
	v38 =	vld.idx.msk [tilespmem:v20+s12+$0x0], $0xffff  }
0x289: {  	v59 =	vor.u32 v43, v31;
	[tilespmem:v51+s15+$0x0] =	vst.idx.msk $0xffff, v0;
	v0 =	vld.idx.msk [tilespmem:v33+s12+$0x0], $0xffff;
	v33 =	vor.u32 v1, v10  }
0x28a: {  	v43 =	vor.u32 v53, v50;
	v53 =	vor.u32 v44, v46;
	v2 =	vand.u32 $0x3E8, v41;
	[tilespmem:$0x1F940] =	vst v1;
	v20 =	vld [tilespmem:$0x1F7C0]  }
0x28b: {  	v59 =	vand.u32 $0x3D8, v59;
	[tilespmem:$0x1FBF0] =	vst v2;
	v40 =	vld.idx.msk [tilespmem:v21+s12+$0x0], $0xffff;
	v51 =	vor.u32 v44, v45  }
0x28c: {  	v63 =	vor.u32 v59, v32;
	[tilespmem:v35+s15+$0x0] =	vst.idx.msk $0xffff, v55;
	v62 =	vld.idx.msk [tilespmem:v36+s12+$0x0], $0xffff  }
0x28d: {  	v22 =	vor.u32 v3, v22;
	v41 =	vor.u32 v2, v8;
	v21 =	vld [tilespmem:$0x1FB80];
	[tilespmem:v37+s15+$0x0] =	vst.idx.msk $0xffff, v34  }
0x28e: {  	v1 =	vand.u32 $0x3F8, v22;
	v22 =	vor.u32 v28, v31;
	v28 =	vld [tilespmem:$0x1FBB0];
	[tilespmem:v33+s15+$0x0] =	vst.idx.msk $0xffff, v0;
	v0 =	vor.u32 v44, v47  }
0x28f: {  	[tilespmem:v39+s15+$0x0] =	vst.idx.msk $0xffff, v38;
	v38 =	vld.idx.msk [tilespmem:v53+s12+$0x0], $0xffff  }
0x290: {  	[tilespmem:$0x1F960] =	vst v1;
	v33 =	vor.u32 v1, v56;
	v1 =	vand.u32 $0x3E8, v22;
	v22 =	vor.u32 v3, v23;
	v37 =	vld.idx.msk [tilespmem:v51+s12+$0x0], $0xffff  }
0x291: {  	v35 =	vor.u32 v44, v48;
	[tilespmem:v63+s15+$0x0] =	vst.idx.msk $0xffff, v62;
	v2 =	vand.u32 $0x3F8, v22;
	v22 =	vld [tilespmem:$0x1F9E0]  }
0x292: {  	v55 =	vor.u32 v44, v49;
	[tilespmem:v41+s15+$0x0] =	vst.idx.msk $0xffff, v40;
	v23 =	vor.u32 v3, v61;
	v34 =	vld.idx.msk [tilespmem:v43+s12+$0x0], $0xffff  }
0x293: {  	v56 =	vor.u32 v1, v32;
	v62 =	vor.u32 v44, v50;
	v43 =	vld.idx.msk [tilespmem:v0+s12+$0x0], $0xffff;
	v0 =	vor.u32 v3, v30  }
0x294: {  	[tilespmem:$0x1F970] =	vst v2;
	v63 =	vor.u32 v2, v25;
	v2 =	vand.u32 $0x3F8, v23;
	v23 =	vld [tilespmem:$0x1F9F0];
	v0 =	vand.u32 $0x3F8, v0  }
0x295: {  	v7 =	vor.u32 v3, v7;
	[tilespmem:$0x1F9C0] =	vst v0;
	v10 =	vor.u32 v0, v10;
	v0 =	vld [tilespmem:$0x1F700]  }
0x296: {  	v25 =	vor.u32 v3, v31;
	[tilespmem:$0x1F9A0] =	vst v2;
	v29 =	vor.u32 v2, v29;
	v2 =	vand.u32 $0x3F8, v7;
	v7 =	vld.idx.msk [tilespmem:v35+s12+$0x0], $0xffff  }
0x297: {  	[tilespmem:$0x1F950] =	vst v1;
	v1 =	vand.u32 $0x3F8, v25;
	v25 =	vld [tilespmem:$0x1FB10];
	v8 =	vor.u32 v2, v8  }
0x298: {  	v30 =	vld.idx.msk [tilespmem:v55+s12+$0x0], $0xffff;
	[tilespmem:v56+s15+$0x0] =	vst.idx.msk $0xffff, v34  }
0x299: {  	[tilespmem:$0x1F9D0] =	vst v1;
	v32 =	vor.u32 v1, v32;
	v31 =	vld.idx.msk [tilespmem:v62+s12+$0x0], $0xffff  }
0x29a: {  	v1 =	vld [tilespmem:$0x1FA00];
	[tilespmem:v33+s15+$0x0] =	vst.idx.msk $0xffff, v37;
	v44 =	vor.u32 v0, v45  }
0x29b: {  	v55 =	vld [tilespmem:$0x1F720];
	[tilespmem:v29+s15+$0x0] =	vst.idx.msk $0xffff, v43;
	v29 =	vor.u32 v0, v46  }
0x29c: {  	v3 =	vld [tilespmem:$0x1F770];
	[tilespmem:v8+s15+$0x0] =	vst.idx.msk $0xffff, v7;
	v51 =	vor.u32 v0, v47  }
0x29d: {  	v56 =	vld [tilespmem:$0x1F730];
	v7 =	vor.u32 v24, v22;
	[tilespmem:v10+s15+$0x0] =	vst.idx.msk $0xffff, v30;
	v30 =	vor.u32 v0, v48  }
0x29e: {  	v35 =	vor.u32 v0, v50;
	[tilespmem:v32+s15+$0x0] =	vst.idx.msk $0xffff, v31;
	v31 =	vor.u32 v0, v49;
	v0 =	vld [tilespmem:$0x1F710]  }
0x29f: {  	[tilespmem:v63+s15+$0x0] =	vst.idx.msk $0xffff, v38;
	v8 =	vor.u32 v24, v1;
	v33 =	vor.u32 v23, v7;
	v32 =	vld.idx.msk [tilespmem:v44+s12+$0x0], $0xffff  }
0x2a0: {  	v63 =	vor.u32 v26, v8;
	v61 =	vld.idx.msk [tilespmem:v29+s12+$0x0], $0xffff  }
0x2a1: {  	v34 =	vld.idx.msk [tilespmem:v51+s12+$0x0], $0xffff  }
0x2a2: {  	v10 =	vor.u32 v24, v55;
	v41 =	vld.idx.msk [tilespmem:v30+s12+$0x0], $0xffff  }
0x2a3: {  	v40 =	vor.u32 v56, v10;
	v29 =	vor.u32 v24, v57;
	v30 =	vor.u32 v24, v54;
	v53 =	vld.idx.msk [tilespmem:v31+s12+$0x0], $0xffff  }
0x2a4: {  	v62 =	vor.u32 v0, v45;
	v39 =	vor.u32 v0, v46;
	[tilespmem:v33+s15+$0x0] =	vst.idx.msk $0xffff, v32;
	v32 =	vld.idx.msk [tilespmem:v35+s12+$0x0], $0xffff  }
0x2a5: {  	v19 =	vmov v54;
	v51 =	vor.u32 v0, v47;
	v54 =	vor.u32 v0, v48;
	[tilespmem:v63+s15+$0x0] =	vst.idx.msk $0xffff, v61;
	v61 =	vld [tilespmem:$0x1FA60]  }
0x2a6: {  	[tilespmem:$0x1FA40] =	vst v42;
	v31 =	vor.u32 v24, v18;
	v38 =	vor.u32 v0, v50;
	v33 =	vor.u32 v0, v49;
	v0 =	vld [tilespmem:$0x1F750]  }
0x2a7: {  	[tilespmem:$0x1F9B0] =	vst v2;
	v2 =	vmov v42;
	v42 =	vor.u32 v42, v29;
	v35 =	vor.u32 v60, v31;
	v60 =	vld [tilespmem:$0x1F760]  }
0x2a8: {  	v43 =	vor.u32 v17, v30;
	v63 =	vld [tilespmem:$0x1FA80]  }
0x2a9: {  	v36 =	vld.idx.msk [tilespmem:v62+s12+$0x0], $0xffff  }
0x2aa: {  	v62 =	vld [tilespmem:$0x1FA90];
	v37 =	vor.u32 v61, v7  }
0x2ab: {  	v44 =	vld [tilespmem:$0x1FAE0];
	[tilespmem:v40+s15+$0x0] =	vst.idx.msk $0xffff, v34  }
0x2ac: {  	v34 =	vld.idx.msk [tilespmem:v39+s12+$0x0], $0xffff;
	[tilespmem:v42+s15+$0x0] =	vst.idx.msk $0xffff, v41;
	v39 =	vor.u32 v0, v45;
	v40 =	vor.u32 v60, v8  }
0x2ad: {  	v41 =	vld.idx.msk [tilespmem:v51+s12+$0x0], $0xffff;
	[tilespmem:v43+s15+$0x0] =	vst.idx.msk $0xffff, v53  }
0x2ae: {  	v43 =	vld.idx.msk [tilespmem:v54+s12+$0x0], $0xffff;
	v51 =	vor.u32 v63, v10;
	[tilespmem:v35+s15+$0x0] =	vst.idx.msk $0xffff, v32  }
0x2af: {  	v42 =	vor.u32 v0, v46;
	v54 =	vor.u32 v62, v29;
	[tilespmem:v37+s15+$0x0] =	vst.idx.msk $0xffff, v36;
	v36 =	vld.idx.msk [tilespmem:v38+s12+$0x0], $0xffff  }
0x2b0: {  	v53 =	vor.u32 v0, v47;
	v38 =	vor.u32 v4, v31;
	v4 =	vld [tilespmem:$0x1FAC0]  }
0x2b1: {  	[tilespmem:v40+s15+$0x0] =	vst.idx.msk $0xffff, v34;
	v40 =	vor.u32 v0, v50;
	v34 =	vld.idx.msk [tilespmem:v39+s12+$0x0], $0xffff;
	v39 =	vor.u32 v3, v7  }
0x2b2: {  	v32 =	vld.idx.msk [tilespmem:v33+s12+$0x0], $0xffff;
	v33 =	vor.u32 v0, v48  }
0x2b3: {  	v35 =	vor.u32 v16, v30;
	v37 =	vor.u32 v0, v49;
	[tilespmem:v51+s15+$0x0] =	vst.idx.msk $0xffff, v41;
	v0 =	vld [tilespmem:$0x1F790]  }
0x2b4: {  	v41 =	vld.idx.msk [tilespmem:v42+s12+$0x0], $0xffff;
	[tilespmem:v54+s15+$0x0] =	vst.idx.msk $0xffff, v43  }
0x2b5: {  	v43 =	vld.idx.msk [tilespmem:v53+s12+$0x0], $0xffff;
	[tilespmem:v38+s15+$0x0] =	vst.idx.msk $0xffff, v36  }
0x2b6: {  	v42 =	vor.u32 v52, v45;
	v51 =	vor.u32 v4, v8;
	[tilespmem:v39+s15+$0x0] =	vst.idx.msk $0xffff, v34;
	v34 =	vld.idx.msk [tilespmem:v40+s12+$0x0], $0xffff  }
0x2b7: {  	v53 =	vor.u32 v52, v46;
	v54 =	vor.u32 v44, v10;
	v40 =	vor.u32 v11, v31;
	v11 =	vld [tilespmem:$0x1FB20]  }
0x2b8: {  	[tilespmem:v35+s15+$0x0] =	vst.idx.msk $0xffff, v32;
	v35 =	vor.u32 v5, v29;
	v32 =	vld.idx.msk [tilespmem:v33+s12+$0x0], $0xffff  }
0x2b9: {  	v33 =	vor.u32 v52, v47;
	v36 =	vld.idx.msk [tilespmem:v37+s12+$0x0], $0xffff;
	v38 =	vor.u32 v13, v30  }
0x2ba: {  	[tilespmem:$0x1F740] =	vst v24;
	v18 =	vld [tilespmem:$0x1FB70];
	v37 =	vor.u32 v52, v48  }
0x2bb: {  	v39 =	vor.u32 v52, v49;
	[tilespmem:v51+s15+$0x0] =	vst.idx.msk $0xffff, v41;
	v41 =	vld.idx.msk [tilespmem:v42+s12+$0x0], $0xffff;
	v42 =	vor.u32 v25, v7  }
0x2bc: {  	[tilespmem:v54+s15+$0x0] =	vst.idx.msk $0xffff, v43;
	v43 =	vld.idx.msk [tilespmem:v53+s12+$0x0], $0xffff;
	v53 =	vor.u32 v0, v45;
	v54 =	vor.u32 v11, v8  }
0x2bd: {  	v24 =	vld [tilespmem:$0x1FBA0];
	[tilespmem:v35+s15+$0x0] =	vst.idx.msk $0xffff, v32  }
0x2be: {  	v32 =	vld.idx.msk [tilespmem:v33+s12+$0x0], $0xffff;
	[tilespmem:v38+s15+$0x0] =	vst.idx.msk $0xffff, v36  }
0x2bf: {  	v35 =	vor.u32 v12, v10;
	v51 =	vor.u32 v52, v50;
	v36 =	vld.idx.msk [tilespmem:v37+s12+$0x0], $0xffff;
	[tilespmem:v40+s15+$0x0] =	vst.idx.msk $0xffff, v34  }
0x2c0: {  	v37 =	vor.u32 v0, v47;
	v38 =	vor.u32 v15, v29;
	v34 =	vld.idx.msk [tilespmem:v39+s12+$0x0], $0xffff;
	[tilespmem:v42+s15+$0x0] =	vst.idx.msk $0xffff, v41  }
0x2c1: {  	v33 =	vor.u32 v0, v46;
	[tilespmem:v54+s15+$0x0] =	vst.idx.msk $0xffff, v43;
	v43 =	vld.idx.msk [tilespmem:v53+s12+$0x0], $0xffff  }
0x2c2: {  	v39 =	vor.u32 v0, v48;
	v42 =	vor.u32 v0, v49;
	v54 =	vor.u32 v0, v50;
	v0 =	vld [tilespmem:$0x1F8C0]  }
0x2c3: {  	v53 =	vor.u32 v9, v7;
	v9 =	vld [tilespmem:$0x1F7B0]  }
0x2c4: {  	v40 =	vor.u32 v14, v30;
	[tilespmem:v35+s15+$0x0] =	vst.idx.msk $0xffff, v32;
	v41 =	vld.idx.msk [tilespmem:v51+s12+$0x0], $0xffff  }
0x2c5: {  	v51 =	vor.u32 v6, v31;
	[tilespmem:v38+s15+$0x0] =	vst.idx.msk $0xffff, v36;
	v36 =	vld.idx.msk [tilespmem:v37+s12+$0x0], $0xffff  }
0x2c6: {  	[tilespmem:$0x1F890] =	vst v6;
	v6 =	vld [tilespmem:$0x1F7D0]  }
0x2c7: {  	v35 =	vor.u32 v0, v8;
	v0 =	vld [tilespmem:$0x1F8D0]  }
0x2c8: {  	v32 =	vld.idx.msk [tilespmem:v33+s12+$0x0], $0xffff;
	v33 =	vor.u32 v9, v45  }
0x2c9: {  	v38 =	vor.u32 v18, v10;
	[tilespmem:v40+s15+$0x0] =	vst.idx.msk $0xffff, v34;
	v34 =	vld.idx.msk [tilespmem:v39+s12+$0x0], $0xffff  }
0x2ca: {  	v40 =	vor.u32 v20, v29;
	[tilespmem:v51+s15+$0x0] =	vst.idx.msk $0xffff, v41;
	v41 =	vld.idx.msk [tilespmem:v42+s12+$0x0], $0xffff;
	v39 =	vor.u32 v9, v47  }
0x2cb: {  	v37 =	vor.u32 v9, v46;
	[tilespmem:v53+s15+$0x0] =	vst.idx.msk $0xffff, v43;
	v43 =	vld.idx.msk [tilespmem:v54+s12+$0x0], $0xffff;
	v54 =	vor.u32 v27, v31  }
0x2cc: {  	[tilespmem:$0x1F8E0] =	vst v27;
	v42 =	vor.u32 v9, v48;
	v51 =	vor.u32 v0, v30;
	v0 =	vld [tilespmem:$0x1F900]  }
0x2cd: {  	[tilespmem:v35+s15+$0x0] =	vst.idx.msk $0xffff, v32;
	v32 =	vld.idx.msk [tilespmem:v33+s12+$0x0], $0xffff;
	v33 =	vor.u32 v21, v7;
	v35 =	vor.u32 v9, v50  }
0x2ce: {  	[tilespmem:v38+s15+$0x0] =	vst.idx.msk $0xffff, v36;
	v27 =	vld [tilespmem:$0x1FB90]  }
0x2cf: {  	[tilespmem:v40+s15+$0x0] =	vst.idx.msk $0xffff, v34;
	v34 =	vld.idx.msk [tilespmem:v39+s12+$0x0], $0xffff  }
0x2d0: {  	v53 =	vor.u32 v9, v49;
	[tilespmem:v54+s15+$0x0] =	vst.idx.msk $0xffff, v43;
	v36 =	vld.idx.msk [tilespmem:v37+s12+$0x0], $0xffff  }
0x2d1: {  	v38 =	vor.u32 v0, v8;
	[tilespmem:v51+s15+$0x0] =	vst.idx.msk $0xffff, v41;
	v41 =	vld.idx.msk [tilespmem:v42+s12+$0x0], $0xffff  }
0x2d2: {  	[tilespmem:v33+s15+$0x0] =	vst.idx.msk $0xffff, v32;
	v32 =	vld.idx.msk [tilespmem:v35+s12+$0x0], $0xffff  }
0x2d3: {  	v0 =	vld [tilespmem:$0x1FBC0]  }
0x2d4: {  	[tilespmem:$0x1F910] =	vst v59;
	v39 =	vor.u32 v6, v46;
	v40 =	vor.u32 v27, v10;
	v35 =	vor.u32 v59, v31;
	v59 =	vld [tilespmem:$0x1FBE0]  }
0x2d5: {  	v37 =	vor.u32 v6, v45;
	v42 =	vor.u32 v6, v47;
	v33 =	vor.u32 v6, v49;
	v43 =	vld.idx.msk [tilespmem:v53+s12+$0x0], $0xffff  }
0x2d6: {  	v53 =	vor.u32 v6, v48;
	[tilespmem:v38+s15+$0x0] =	vst.idx.msk $0xffff, v36;
	v38 =	vor.u32 v6, v50;
	v6 =	vld [tilespmem:$0x1F7E0]  }
0x2d7: {  	v51 =	vor.u32 v24, v29;
	_ =	sdelay $0x1  }
0x2d8: {  	v54 =	vor.u32 v28, v30  }
0x2d9: {  	v36 =	vld.idx.msk [tilespmem:v37+s12+$0x0], $0xffff;
	v37 =	vor.u32 v0, v7  }
0x2da: {  	[tilespmem:v40+s15+$0x0] =	vst.idx.msk $0xffff, v34;
	v40 =	vor.u32 v59, v8;
	v34 =	vld.idx.msk [tilespmem:v39+s12+$0x0], $0xffff;
	v39 =	vor.u32 v6, v45  }
0x2db: {  	[tilespmem:v51+s15+$0x0] =	vst.idx.msk $0xffff, v41  }
0x2dc: {  	v41 =	vld.idx.msk [tilespmem:v42+s12+$0x0], $0xffff;
	[tilespmem:v35+s15+$0x0] =	vst.idx.msk $0xffff, v32  }
0x2dd: {  	[tilespmem:v54+s15+$0x0] =	vst.idx.msk $0xffff, v43;
	v43 =	vld.idx.msk [tilespmem:v53+s12+$0x0], $0xffff  }
0x2de: {  	v32 =	vld.idx.msk [tilespmem:v33+s12+$0x0], $0xffff;
	[tilespmem:v37+s15+$0x0] =	vst.idx.msk $0xffff, v36  }
0x2df: {  	v42 =	vor.u32 v6, v46;
	v53 =	vor.u32 v6, v47;
	[tilespmem:v40+s15+$0x0] =	vst.idx.msk $0xffff, v34;
	v34 =	vld.idx.msk [tilespmem:v39+s12+$0x0], $0xffff  }
0x2e0: {  	v33 =	vor.u32 v6, v48;
	v37 =	vor.u32 v6, v49;
	v39 =	vor.u32 v6, v50;
	v6 =	vld [tilespmem:$0x1F970];
	_ =	sdelay $0x3  }
0x2e1: {  	v9 =	vld [tilespmem:$0x1F930]  }
0x2e2: {  	v8 =	vor.u32 v6, v8;
	v6 =	vld [tilespmem:$0x1F9A0];
	_ =	sdelay $0x3  }
0x2e3: {  	[tilespmem:$0x1F780] =	vst v52;
	v52 =	vld [tilespmem:$0x1FBF0]  }
0x2e4: {  	v51 =	vor.u32 v9, v10;
	v10 =	vor.u32 v6, v10;
	v6 =	vld [tilespmem:$0x1F9B0];
	_ =	sdelay $0x1  }
0x2e5: {  	v9 =	vld [tilespmem:$0x1F940];
	_ =	sdelay $0x2  }
0x2e6: {  	v54 =	vor.u32 v52, v29;
	v29 =	vor.u32 v6, v29;
	v6 =	vld [tilespmem:$0x1F9C0];
	_ =	sdelay $0x1  }
0x2e7: {  	v35 =	vor.u32 v9, v30;
	v9 =	vld [tilespmem:$0x1F950];
	_ =	sdelay $0x2  }
0x2e8: {  	v30 =	vor.u32 v6, v30;
	v6 =	vld [tilespmem:$0x1F9D0]  }
0x2e9: {  	v36 =	vld.idx.msk [tilespmem:v38+s12+$0x0], $0xffff  }
0x2ea: {  	v38 =	vor.u32 v9, v31;
	v9 =	vld [tilespmem:$0x1F960];
	_ =	sdelay $0x1  }
0x2eb: {  	v40 =	vld.idx.msk [tilespmem:v42+s12+$0x0], $0xffff  }
0x2ec: {  	[tilespmem:v51+s15+$0x0] =	vst.idx.msk $0xffff, v41;
	v31 =	vor.u32 v6, v31;
	v6 =	vld [tilespmem:$0x1F7F0]  }
0x2ed: {  	v41 =	vld.idx.msk [tilespmem:v53+s12+$0x0], $0xffff  }
0x2ee: {  	[tilespmem:v54+s15+$0x0] =	vst.idx.msk $0xffff, v43;
	v7 =	vor.u32 v9, v7  }
0x2ef: {  	[tilespmem:v35+s15+$0x0] =	vst.idx.msk $0xffff, v32;
	v53 =	vld.idx.msk [tilespmem:v33+s12+$0x0], $0xffff  }
0x2f0: {  	v54 =	vld.idx.msk [tilespmem:v37+s12+$0x0], $0xffff;
	[tilespmem:v38+s15+$0x0] =	vst.idx.msk $0xffff, v36  }
0x2f1: {  	[tilespmem:v8+s15+$0x0] =	vst.idx.msk $0xffff, v40;
	v8 =	vor.u32 v6, v45  }
0x2f2: {  	v9 =	vld [tilespmem:$0x1F800];
	[tilespmem:v10+s15+$0x0] =	vst.idx.msk $0xffff, v41;
	v10 =	vor.u32 v6, v46  }
0x2f3: {  	[tilespmem:v7+s15+$0x0] =	vst.idx.msk $0xffff, v34;
	v7 =	vld.idx.msk [tilespmem:v39+s12+$0x0], $0xffff  }
0x2f4: {  	[tilespmem:v29+s15+$0x0] =	vst.idx.msk $0xffff, v53;
	v29 =	vor.u32 v6, v47  }
0x2f5: {  	[tilespmem:v30+s15+$0x0] =	vst.idx.msk $0xffff, v54;
	v30 =	vor.u32 v6, v48  }
0x2f6: {  	v32 =	vld.idx.msk [tilespmem:v8+s12+$0x0], $0xffff  }
0x2f7: {  	v35 =	vld.idx.msk [tilespmem:v10+s12+$0x0], $0xffff  }
0x2f8: {  	[tilespmem:v31+s15+$0x0] =	vst.idx.msk $0xffff, v7;
	v7 =	vor.u32 v9, v22;
	v8 =	vor.u32 v9, v1;
	v1 =	vld [tilespmem:$0x1F810]  }
0x2f9: {  	v33 =	vor.u32 v23, v7;
	v38 =	vld.idx.msk [tilespmem:v29+s12+$0x0], $0xffff  }
0x2fa: {  	v29 =	vor.u32 v9, v57;
	v41 =	vld.idx.msk [tilespmem:v30+s12+$0x0], $0xffff;
	v37 =	vor.u32 v26, v8  }
0x2fb: {  	v31 =	vor.u32 v6, v49;
	v30 =	vor.u32 v9, v19;
	v43 =	vor.u32 v2, v29;
	v2 =	vld [tilespmem:$0x1F820]  }
0x2fc: {  	v34 =	vor.u32 v6, v50;
	v10 =	vor.u32 v9, v55;
	v54 =	vor.u32 v17, v30;
	v17 =	vld [tilespmem:$0x1F830]  }
0x2fd: {  	v40 =	vor.u32 v56, v10;
	v36 =	vor.u32 v1, v45;
	v39 =	vor.u32 v1, v46  }
0x2fe: {  	v6 =	vld [tilespmem:$0x1F890];
	v42 =	vor.u32 v1, v47;
	v53 =	vor.u32 v1, v48;
	[tilespmem:v33+s15+$0x0] =	vst.idx.msk $0xffff, v32  }
0x2ff: {  	v33 =	vor.u32 v1, v49;
	[tilespmem:v37+s15+$0x0] =	vst.idx.msk $0xffff, v35;
	v37 =	vor.u32 v1, v50;
	v1 =	vld [tilespmem:$0x1F840]  }
0x300: {  	v51 =	vld.idx.msk [tilespmem:v31+s12+$0x0], $0xffff;
	v31 =	vor.u32 v9, v2  }
0x301: {  	[tilespmem:$0x1FA30] =	vst v57;
	v32 =	vld.idx.msk [tilespmem:v34+s12+$0x0], $0xffff;
	v57 =	vor.u32 v17, v31  }
0x302: {  	v35 =	vld.idx.msk [tilespmem:v36+s12+$0x0], $0xffff;
	v36 =	vor.u32 v61, v7  }
0x303: {  	[tilespmem:v40+s15+$0x0] =	vst.idx.msk $0xffff, v38;
	v40 =	vor.u32 v60, v8;
	v38 =	vld.idx.msk [tilespmem:v39+s12+$0x0], $0xffff  }
0x304: {  	[tilespmem:v43+s15+$0x0] =	vst.idx.msk $0xffff, v41;
	v41 =	vld.idx.msk [tilespmem:v42+s12+$0x0], $0xffff;
	v39 =	vor.u32 v1, v45  }
0x305: {  	v63 =	vor.u32 v63, v10;
	[tilespmem:v54+s15+$0x0] =	vst.idx.msk $0xffff, v51;
	v51 =	vld.idx.msk [tilespmem:v53+s12+$0x0], $0xffff;
	v61 =	vor.u32 v1, v46  }
0x306: {  	v54 =	vor.u32 v62, v29;
	v53 =	vor.u32 v1, v47;
	[tilespmem:v57+s15+$0x0] =	vst.idx.msk $0xffff, v32;
	v32 =	vld.idx.msk [tilespmem:v33+s12+$0x0], $0xffff  }
0x307: {  	v33 =	vor.u32 v1, v48;
	v57 =	vor.u32 v16, v30;
	v16 =	vld [tilespmem:$0x1F850];
	[tilespmem:v36+s15+$0x0] =	vst.idx.msk $0xffff, v35  }
0x308: {  	v36 =	vor.u32 v1, v49;
	[tilespmem:v40+s15+$0x0] =	vst.idx.msk $0xffff, v38;
	v40 =	vor.u32 v1, v50;
	v1 =	vld [tilespmem:$0x1F860]  }
0x309: {  	v38 =	vld.idx.msk [tilespmem:v39+s12+$0x0], $0xffff;
	v39 =	vor.u32 v3, v7  }
0x30a: {  	[tilespmem:v63+s15+$0x0] =	vst.idx.msk $0xffff, v41;
	v63 =	vor.u32 v4, v8;
	v61 =	vld.idx.msk [tilespmem:v61+s12+$0x0], $0xffff  }
0x30b: {  	[tilespmem:v54+s15+$0x0] =	vst.idx.msk $0xffff, v51;
	v54 =	vor.u32 v44, v10;
	v51 =	vld.idx.msk [tilespmem:v53+s12+$0x0], $0xffff  }
0x30c: {  	v35 =	vld.idx.msk [tilespmem:v37+s12+$0x0], $0xffff;
	v37 =	vor.u32 v16, v31  }
0x30d: {  	v9 =	vld [tilespmem:$0x1F870];
	[tilespmem:v57+s15+$0x0] =	vst.idx.msk $0xffff, v32  }
0x30e: {  	v4 =	vld [tilespmem:$0x1F8C0];
	[tilespmem:v39+s15+$0x0] =	vst.idx.msk $0xffff, v38  }
0x30f: {  	v32 =	vld.idx.msk [tilespmem:v33+s12+$0x0], $0xffff;
	v57 =	vor.u32 v5, v29;
	v62 =	vor.u32 v1, v45;
	[tilespmem:v63+s15+$0x0] =	vst.idx.msk $0xffff, v61  }
0x310: {  	v53 =	vor.u32 v1, v46;
	[tilespmem:v54+s15+$0x0] =	vst.idx.msk $0xffff, v51;
	v54 =	vor.u32 v11, v8;
	v11 =	vld [tilespmem:$0x1F8E0]  }
0x311: {  	v33 =	vor.u32 v1, v47;
	v39 =	vor.u32 v1, v49;
	[tilespmem:v37+s15+$0x0] =	vst.idx.msk $0xffff, v35;
	v35 =	vld.idx.msk [tilespmem:v36+s12+$0x0], $0xffff  }
0x312: {  	v63 =	vor.u32 v1, v50;
	v36 =	vor.u32 v1, v48;
	v37 =	vor.u32 v13, v30;
	v1 =	vld [tilespmem:$0x1F880]  }
0x313: {  	v38 =	vld.idx.msk [tilespmem:v40+s12+$0x0], $0xffff;
	v40 =	vor.u32 v9, v31  }
0x314: {  	v61 =	vld.idx.msk [tilespmem:v62+s12+$0x0], $0xffff;
	v62 =	vor.u32 v25, v7  }
0x315: {  	v51 =	vld.idx.msk [tilespmem:v53+s12+$0x0], $0xffff  }
0x316: {  	[tilespmem:v57+s15+$0x0] =	vst.idx.msk $0xffff, v32;
	v32 =	vld.idx.msk [tilespmem:v33+s12+$0x0], $0xffff  }
0x317: {  	v57 =	vor.u32 v12, v10;
	v53 =	vor.u32 v1, v45;
	[tilespmem:v37+s15+$0x0] =	vst.idx.msk $0xffff, v35;
	v35 =	vld.idx.msk [tilespmem:v36+s12+$0x0], $0xffff  }
0x318: {  	v33 =	vor.u32 v1, v46;
	v36 =	vor.u32 v1, v47;
	[tilespmem:v40+s15+$0x0] =	vst.idx.msk $0xffff, v38;
	v38 =	vld.idx.msk [tilespmem:v39+s12+$0x0], $0xffff  }
0x319: {  	v39 =	vor.u32 v1, v48;
	v40 =	vor.u32 v14, v30;
	v14 =	vld [tilespmem:$0x1F8A0];
	[tilespmem:v62+s15+$0x0] =	vst.idx.msk $0xffff, v61  }
0x31a: {  	v62 =	vor.u32 v1, v49;
	[tilespmem:v54+s15+$0x0] =	vst.idx.msk $0xffff, v51;
	v54 =	vor.u32 v1, v50;
	v1 =	vld [tilespmem:$0x1F8B0]  }
0x31b: {  	v12 =	vld [tilespmem:$0x1F8D0];
	v37 =	vor.u32 v15, v29  }
0x31c: {  	v13 =	vld [tilespmem:$0x1F900]  }
0x31d: {  	v61 =	vld.idx.msk [tilespmem:v63+s12+$0x0], $0xffff;
	v63 =	vor.u32 v6, v31  }
0x31e: {  	v51 =	vld.idx.msk [tilespmem:v53+s12+$0x0], $0xffff;
	v53 =	vor.u32 v14, v7  }
0x31f: {  	[tilespmem:v57+s15+$0x0] =	vst.idx.msk $0xffff, v32;
	v57 =	vor.u32 v4, v8;
	v32 =	vld.idx.msk [tilespmem:v33+s12+$0x0], $0xffff;
	v33 =	vor.u32 v1, v45  }
0x320: {  	[tilespmem:v37+s15+$0x0] =	vst.idx.msk $0xffff, v35;
	v35 =	vld.idx.msk [tilespmem:v36+s12+$0x0], $0xffff;
	v37 =	vor.u32 v18, v10  }
0x321: {  	[tilespmem:v40+s15+$0x0] =	vst.idx.msk $0xffff, v38;
	v38 =	vld.idx.msk [tilespmem:v39+s12+$0x0], $0xffff;
	v40 =	vor.u32 v20, v29;
	v36 =	vor.u32 v1, v46  }
0x322: {  	v39 =	vor.u32 v1, v47;
	[tilespmem:v63+s15+$0x0] =	vst.idx.msk $0xffff, v61;
	v61 =	vld.idx.msk [tilespmem:v62+s12+$0x0], $0xffff;
	v63 =	vor.u32 v12, v30  }
0x323: {  	v62 =	vor.u32 v1, v48;
	[tilespmem:v53+s15+$0x0] =	vst.idx.msk $0xffff, v51;
	v51 =	vld.idx.msk [tilespmem:v54+s12+$0x0], $0xffff;
	v54 =	vor.u32 v11, v31  }
0x324: {  	[tilespmem:v57+s15+$0x0] =	vst.idx.msk $0xffff, v32;
	v57 =	vor.u32 v1, v50;
	v32 =	vld.idx.msk [tilespmem:v33+s12+$0x0], $0xffff;
	v33 =	vor.u32 v21, v7  }
0x325: {  	[tilespmem:v37+s15+$0x0] =	vst.idx.msk $0xffff, v35;
	v53 =	vor.u32 v1, v49;
	v1 =	vld [tilespmem:$0x1F8F0]  }
0x326: {  	[tilespmem:v40+s15+$0x0] =	vst.idx.msk $0xffff, v38;
	v35 =	vld.idx.msk [tilespmem:v36+s12+$0x0], $0xffff  }
0x327: {  	v37 =	vor.u32 v13, v8;
	v38 =	vld.idx.msk [tilespmem:v39+s12+$0x0], $0xffff;
	[tilespmem:v63+s15+$0x0] =	vst.idx.msk $0xffff, v61  }
0x328: {  	v61 =	vld.idx.msk [tilespmem:v62+s12+$0x0], $0xffff;
	[tilespmem:v54+s15+$0x0] =	vst.idx.msk $0xffff, v51  }
0x329: {  	[tilespmem:v33+s15+$0x0] =	vst.idx.msk $0xffff, v32;
	v32 =	vld.idx.msk [tilespmem:v57+s12+$0x0], $0xffff  }
0x32a: {  	v40 =	vor.u32 v27, v10;
	v36 =	vor.u32 v1, v45;
	v57 =	vld [tilespmem:$0x1F910]  }
0x32b: {  	v39 =	vor.u32 v1, v46;
	v62 =	vor.u32 v1, v47;
	v51 =	vld.idx.msk [tilespmem:v53+s12+$0x0], $0xffff;
	v53 =	vor.u32 v1, v48  }
0x32c: {  	v33 =	vor.u32 v1, v49;
	[tilespmem:v37+s15+$0x0] =	vst.idx.msk $0xffff, v35;
	v37 =	vor.u32 v1, v50;
	v1 =	vld [tilespmem:$0x1F920]  }
0x32d: {  	v63 =	vor.u32 v24, v29  }
0x32e: {  	v22 =	vmov v55;
	v55 =	vld [tilespmem:$0x1F960];
	v54 =	vor.u32 v28, v30  }
0x32f: {  	v44 =	vld [tilespmem:$0x1F950];
	v34 =	vor.u32 v57, v31  }
0x330: {  	v35 =	vld.idx.msk [tilespmem:v36+s12+$0x0], $0xffff;
	v36 =	vor.u32 v0, v7  }
0x331: {  	v59 =	vor.u32 v59, v8;
	[tilespmem:v40+s15+$0x0] =	vst.idx.msk $0xffff, v38;
	v38 =	vld.idx.msk [tilespmem:v39+s12+$0x0], $0xffff;
	v39 =	vor.u32 v1, v45  }
0x332: {  	[tilespmem:v63+s15+$0x0] =	vst.idx.msk $0xffff, v61  }
0x333: {  	v26 =	vmov v56;
	v56 =	vld [tilespmem:$0x1F9D0];
	[tilespmem:v54+s15+$0x0] =	vst.idx.msk $0xffff, v51  }
0x334: {  	v51 =	vld.idx.msk [tilespmem:v53+s12+$0x0], $0xffff;
	v54 =	vor.u32 v52, v29;
	[tilespmem:v34+s15+$0x0] =	vst.idx.msk $0xffff, v32  }
0x335: {  	[tilespmem:v36+s15+$0x0] =	vst.idx.msk $0xffff, v35;
	v35 =	vld.idx.msk [tilespmem:v37+s12+$0x0], $0xffff;
	v37 =	vor.u32 v44, v31  }
0x336: {  	v7 =	vor.u32 v55, v7;
	[tilespmem:v59+s15+$0x0] =	vst.idx.msk $0xffff, v38;
	v59 =	vor.u32 v1, v50;
	v38 =	vld.idx.msk [tilespmem:v39+s12+$0x0], $0xffff  }
0x337: {  	v23 =	vld [tilespmem:$0x1F970]  }
0x338: {  	v63 =	vld [tilespmem:$0x1F930]  }
0x339: {  	v0 =	vld [tilespmem:$0x1F9E0];
	v42 =	vor.u32 v1, v46;
	[tilespmem:v54+s15+$0x0] =	vst.idx.msk $0xffff, v51  }
0x33a: {  	v54 =	vld [tilespmem:$0x1F980];
	[tilespmem:v37+s15+$0x0] =	vst.idx.msk $0xffff, v35  }
0x33b: {  	v31 =	vor.u32 v56, v31;
	[tilespmem:v7+s15+$0x0] =	vst.idx.msk $0xffff, v38;
	v7 =	vld.idx.msk [tilespmem:v59+s12+$0x0], $0xffff  }
0x33c: {  	v25 =	vld [tilespmem:$0x1F940]  }
0x33d: {  	v41 =	vld.idx.msk [tilespmem:v62+s12+$0x0], $0xffff  }
0x33e: {  	v43 =	vor.u32 v63, v10;
	v61 =	vor.u32 v1, v48;
	v40 =	vld.idx.msk [tilespmem:v42+s12+$0x0], $0xffff  }
0x33f: {  	v8 =	vor.u32 v23, v8;
	v42 =	vld [tilespmem:$0x1F990]  }
0x340: {  	[tilespmem:v31+s15+$0x0] =	vst.idx.msk $0xffff, v7;
	v7 =	vor.u32 v54, v0;
	v0 =	vld [tilespmem:$0x1F9F0];
	_ =	sdelay $0x1  }
0x341: {  	v32 =	vld.idx.msk [tilespmem:v33+s12+$0x0], $0xffff  }
0x342: {  	[tilespmem:v43+s15+$0x0] =	vst.idx.msk $0xffff, v41;
	v43 =	vld.idx.msk [tilespmem:v61+s12+$0x0], $0xffff  }
0x343: {  	v62 =	vor.u32 v25, v30;
	v61 =	vld [tilespmem:$0x1F9B0];
	[tilespmem:v8+s15+$0x0] =	vst.idx.msk $0xffff, v40;
	v8 =	vor.u32 v42, v45  }
0x344: {  	v33 =	vor.u32 v0, v7;
	v0 =	vld [tilespmem:$0x1FA00];
	_ =	sdelay $0x2  }
0x345: {  	v21 =	vld [tilespmem:$0x1F9A0];
	v53 =	vor.u32 v1, v47  }
0x346: {  	v36 =	vor.u32 v1, v49;
	[tilespmem:v62+s15+$0x0] =	vst.idx.msk $0xffff, v32;
	v29 =	vor.u32 v61, v29;
	v32 =	vld.idx.msk [tilespmem:v8+s12+$0x0], $0xffff  }
0x347: {  	v8 =	vor.u32 v54, v0;
	v0 =	vld [tilespmem:$0x1FA10];
	_ =	sdelay $0x2  }
0x348: {  	v10 =	vor.u32 v21, v10;
	v41 =	vld.idx.msk [tilespmem:v53+s12+$0x0], $0xffff  }
0x349: {  	v51 =	vld.idx.msk [tilespmem:v36+s12+$0x0], $0xffff;
	[tilespmem:v29+s15+$0x0] =	vst.idx.msk $0xffff, v43;
	v29 =	vor.u32 v42, v47  }
0x34a: {  	v36 =	vor.u32 v0, v8;
	v0 =	vld [tilespmem:$0x1FA30];
	_ =	sdelay $0x2  }
0x34b: {  	[tilespmem:v10+s15+$0x0] =	vst.idx.msk $0xffff, v41  }
0x34c: {  	v38 =	vld.idx.msk [tilespmem:v29+s12+$0x0], $0xffff  }
0x34d: {  	v29 =	vor.u32 v54, v0;
	v0 =	vld [tilespmem:$0x1FA40];
	_ =	sdelay $0x2  }
0x34e: {  	v62 =	vld [tilespmem:$0x1F9C0]  }
0x34f: {  	v10 =	vor.u32 v42, v46  }
0x350: {  	v41 =	vor.u32 v0, v29;
	v0 =	vld [tilespmem:$0x1FA50];
	_ =	sdelay $0x2  }
0x351: {  	v59 =	vld [tilespmem:$0x1FA20];
	v30 =	vor.u32 v62, v30  }
0x352: {  	v18 =	vor.u32 v54, v19;
	v35 =	vld.idx.msk [tilespmem:v10+s12+$0x0], $0xffff  }
0x353: {  	v43 =	vor.u32 v0, v18;
	v0 =	vld [tilespmem:$0x1FA60];
	_ =	sdelay $0x2  }
0x354: {  	[tilespmem:v30+s15+$0x0] =	vst.idx.msk $0xffff, v51;
	v30 =	vor.u32 v42, v48  }
0x355: {  	v40 =	vor.u32 v59, v46  }
0x356: {  	[tilespmem:v36+s15+$0x0] =	vst.idx.msk $0xffff, v35;
	v35 =	vor.u32 v0, v7;
	v0 =	vld [tilespmem:$0x1FA80]  }
0x357: {  	v10 =	vor.u32 v54, v22  }
0x358: {  	v39 =	vor.u32 v26, v10  }
0x359: {  	v34 =	vor.u32 v42, v50;
	v30 =	vld.idx.msk [tilespmem:v30+s12+$0x0], $0xffff  }
0x35a: {  	v31 =	vor.u32 v42, v49;
	v42 =	vor.u32 v59, v47;
	v52 =	vld.idx.msk [tilespmem:v40+s12+$0x0], $0xffff  }
0x35b: {  	v40 =	vor.u32 v0, v10;
	v0 =	vld [tilespmem:$0x1FA90];
	_ =	sdelay $0x1  }
0x35c: {  	[tilespmem:v39+s15+$0x0] =	vst.idx.msk $0xffff, v38  }
0x35d: {  	[tilespmem:v33+s15+$0x0] =	vst.idx.msk $0xffff, v32;
	v32 =	vld.idx.msk [tilespmem:v34+s12+$0x0], $0xffff  }
0x35e: {  	v28 =	vor.u32 v54, v2;
	[tilespmem:v41+s15+$0x0] =	vst.idx.msk $0xffff, v30;
	v30 =	vld.idx.msk [tilespmem:v42+s12+$0x0], $0xffff  }
0x35f: {  	v5 =	vor.u32 v17, v28;
	v42 =	vor.u32 v0, v29;
	v0 =	vld [tilespmem:$0x1FAA0];
	_ =	sdelay $0x4  }
0x360: {  	[tilespmem:v5+s15+$0x0] =	vst.idx.msk $0xffff, v32;
	v32 =	vor.u32 v0, v18;
	v0 =	vld [tilespmem:$0x1FAC0];
	_ =	sdelay $0x2  }
0x361: {  	v37 =	vor.u32 v59, v45;
	v31 =	vld.idx.msk [tilespmem:v31+s12+$0x0], $0xffff  }
0x362: {  	v33 =	vor.u32 v59, v49  }
0x363: {  	v39 =	vor.u32 v0, v8;
	v0 =	vld [tilespmem:$0x1FAE0]  }
0x364: {  	v1 =	vld [tilespmem:$0x1FA70]  }
0x365: {  	v22 =	vld [tilespmem:$0x1FB30];
	v53 =	vor.u32 v60, v8  }
0x366: {  	v51 =	vor.u32 v59, v48;
	v34 =	vld.idx.msk [tilespmem:v37+s12+$0x0], $0xffff;
	[tilespmem:v43+s15+$0x0] =	vst.idx.msk $0xffff, v31  }
0x367: {  	v36 =	vor.u32 v59, v50;
	v5 =	vld.idx.msk [tilespmem:v33+s12+$0x0], $0xffff  }
0x368: {  	v41 =	vor.u32 v0, v10;
	v0 =	vld [tilespmem:$0x1FAF0]  }
0x369: {  	v38 =	vld [tilespmem:$0x1FF20];
	v54 =	vor.u32 v1, v45  }
0x36a: {  	[tilespmem:v53+s15+$0x0] =	vst.idx.msk $0xffff, v52;
	v53 =	vor.u32 v3, v7;
	v3 =	vld [tilespmem:$0x1FAB0]  }
0x36b: {  	v59 =	vor.u32 v1, v46;
	v31 =	vld.idx.msk [tilespmem:v51+s12+$0x0], $0xffff  }
0x36c: {  	[tilespmem:v35+s15+$0x0] =	vst.idx.msk $0xffff, v34;
	v34 =	vld.idx.msk [tilespmem:v36+s12+$0x0], $0xffff  }
0x36d: {  	v27 =	vor.u32 v16, v28;
	[tilespmem:v32+s15+$0x0] =	vst.idx.msk $0xffff, v5;
	v32 =	vor.u32 v0, v29;
	v0 =	vld [tilespmem:$0x1FB00]  }
0x36e: {  	v52 =	vld.idx.msk [tilespmem:v54+s12+$0x0], $0xffff;
	v54 =	vor.u32 v1, v50  }
0x36f: {  	v60 =	vor.u32 v1, v47;
	v51 =	vor.u32 v1, v49;
	v33 =	vor.u32 v1, v48;
	v1 =	vld [tilespmem:$0x1FAD0]  }
0x370: {  	[tilespmem:v40+s15+$0x0] =	vst.idx.msk $0xffff, v30;
	v30 =	vld.idx.msk [tilespmem:v59+s12+$0x0], $0xffff  }
0x371: {  	v40 =	vld [tilespmem:$0x1FF40]  }
0x372: {  	[tilespmem:v27+s15+$0x0] =	vst.idx.msk $0xffff, v34;
	v34 =	vor.u32 v0, v18;
	v0 =	vld [tilespmem:$0x1FB10]  }
0x373: {  	[tilespmem:v53+s15+$0x0] =	vst.idx.msk $0xffff, v52;
	v52 =	vld.idx.msk [tilespmem:v54+s12+$0x0], $0xffff  }
0x374: {  	v59 =	vor.u32 v1, v45;
	[tilespmem:v42+s15+$0x0] =	vst.idx.msk $0xffff, v31;
	v31 =	vld.idx.msk [tilespmem:v60+s12+$0x0], $0xffff  }
0x375: {  	v60 =	vor.u32 v1, v46;
	v42 =	vld [tilespmem:$0x1FF00]  }
0x376: {  	v5 =	vld.idx.msk [tilespmem:v33+s12+$0x0], $0xffff;
	v33 =	vor.u32 v1, v47  }
0x377: {  	[tilespmem:v39+s15+$0x0] =	vst.idx.msk $0xffff, v30;
	v39 =	vor.u32 v0, v7;
	v0 =	vld [tilespmem:$0x1FB20]  }
0x378: {  	v27 =	vld.idx.msk [tilespmem:v51+s12+$0x0], $0xffff;
	v51 =	vor.u32 v1, v48  }
0x379: {  	v54 =	vor.u32 v1, v49;
	v30 =	vld.idx.msk [tilespmem:v59+s12+$0x0], $0xffff  }
0x37a: {  	v53 =	vor.u32 v9, v28;
	[tilespmem:v41+s15+$0x0] =	vst.idx.msk $0xffff, v31;
	v31 =	vld.idx.msk [tilespmem:v60+s12+$0x0], $0xffff  }
0x37b: {  	v59 =	vor.u32 v1, v50;
	[tilespmem:v32+s15+$0x0] =	vst.idx.msk $0xffff, v5;
	v5 =	vld.idx.msk [tilespmem:v33+s12+$0x0], $0xffff  }
0x37c: {  	v41 =	vor.u32 v0, v8;
	v0 =	vld [tilespmem:$0x1FB40]  }
0x37d: {  	[tilespmem:v34+s15+$0x0] =	vst.idx.msk $0xffff, v27;
	v27 =	vld.idx.msk [tilespmem:v51+s12+$0x0], $0xffff;
	v34 =	vor.u32 v15, v29  }
0x37e: {  	v36 =	vld.idx.msk [tilespmem:v54+s12+$0x0], $0xffff;
	v54 =	vor.u32 v22, v48  }
0x37f: {  	[tilespmem:v53+s15+$0x0] =	vst.idx.msk $0xffff, v52;
	v60 =	vor.u32 v22, v45;
	v51 =	vld [tilespmem:$0x1FFE0]  }
0x380: {  	[tilespmem:v39+s15+$0x0] =	vst.idx.msk $0xffff, v30;
	v30 =	vld.idx.msk [tilespmem:v59+s12+$0x0], $0xffff  }
0x381: {  	v32 =	vor.u32 v0, v10;
	v0 =	vld [tilespmem:$0x1FB50]  }
0x382: {  	v26 =	vor.u32 v6, v28;
	[tilespmem:v34+s15+$0x0] =	vst.idx.msk $0xffff, v27;
	v39 =	vld [tilespmem:$0x1FF60]  }
0x383: {  	v33 =	vor.u32 v22, v46;
	v34 =	vld.idx.msk [tilespmem:v54+s12+$0x0], $0xffff  }
0x384: {  	v24 =	vor.u32 v14, v7;
	[tilespmem:v41+s15+$0x0] =	vst.idx.msk $0xffff, v31;
	v31 =	vld.idx.msk [tilespmem:v60+s12+$0x0], $0xffff;
	v60 =	vor.u32 v22, v50  }
0x385: {  	v35 =	vor.u32 v22, v47;
	v59 =	vor.u32 v22, v49;
	v22 =	vld [tilespmem:$0x1FB60]  }
0x386: {  	v37 =	vor.u32 v0, v18;
	v0 =	vld [tilespmem:$0x1FB70]  }
0x387: {  	v41 =	vld [tilespmem:$0x1FF50];
	[tilespmem:v26+s15+$0x0] =	vst.idx.msk $0xffff, v30  }
0x388: {  	[tilespmem:v32+s15+$0x0] =	vst.idx.msk $0xffff, v5;
	v5 =	vld.idx.msk [tilespmem:v33+s12+$0x0], $0xffff  }
0x389: {  	[tilespmem:v24+s15+$0x0] =	vst.idx.msk $0xffff, v31;
	v24 =	vld.idx.msk [tilespmem:v60+s12+$0x0], $0xffff  }
0x38a: {  	v9 =	vor.u32 v4, v8;
	v52 =	vor.u32 v22, v45;
	v33 =	vld [tilespmem:$0x1FF10]  }
0x38b: {  	v6 =	vor.u32 v0, v10;
	v0 =	vld [tilespmem:$0x1FB80]  }
0x38c: {  	v31 =	vor.u32 v11, v28;
	v32 =	vld [tilespmem:$0x1FF70]  }
0x38d: {  	v27 =	vld.idx.msk [tilespmem:v35+s12+$0x0], $0xffff  }
0x38e: {  	[tilespmem:v37+s15+$0x0] =	vst.idx.msk $0xffff, v36;
	v37 =	vld [tilespmem:$0x1FF30]  }
0x38f: {  	v53 =	vor.u32 v22, v46;
	[tilespmem:v9+s15+$0x0] =	vst.idx.msk $0xffff, v5;
	v5 =	vld.idx.msk [tilespmem:v52+s12+$0x0], $0xffff  }
0x390: {  	v9 =	vor.u32 v0, v7;
	v0 =	vld [tilespmem:$0x1FB90]  }
0x391: {  	v2 =	vor.u32 v20, v29;
	v54 =	vor.u32 v22, v47;
	[tilespmem:v31+s15+$0x0] =	vst.idx.msk $0xffff, v24;
	v31 =	vld [tilespmem:$0x1FBD0]  }
0x392: {  	v4 =	vor.u32 v12, v18;
	v30 =	vor.u32 v22, v48;
	v26 =	vld.idx.msk [tilespmem:v59+s12+$0x0], $0xffff  }
0x393: {  	v36 =	vld [tilespmem:$0x1FFB0];
	v59 =	vor.u32 v22, v49  }
0x394: {  	v11 =	vor.u32 v22, v50;
	[tilespmem:v6+s15+$0x0] =	vst.idx.msk $0xffff, v27;
	v6 =	vld.idx.msk [tilespmem:v53+s12+$0x0], $0xffff  }
0x395: {  	v12 =	vor.u32 v13, v8;
	v13 =	vor.u32 v0, v10;
	v0 =	vld [tilespmem:$0x1FBA0]  }
0x396: {  	[tilespmem:v2+s15+$0x0] =	vst.idx.msk $0xffff, v34;
	v2 =	vld.idx.msk [tilespmem:v54+s12+$0x0], $0xffff  }
0x397: {  	v27 =	vor.u32 v3, v45;
	[tilespmem:v4+s15+$0x0] =	vst.idx.msk $0xffff, v26;
	v4 =	vld.idx.msk [tilespmem:v30+s12+$0x0], $0xffff  }
0x398: {  	v24 =	vld.idx.msk [tilespmem:v59+s12+$0x0], $0xffff  }
0x399: {  	v60 =	vor.u32 v3, v46;
	[tilespmem:v9+s15+$0x0] =	vst.idx.msk $0xffff, v5;
	v5 =	vld.idx.msk [tilespmem:v11+s12+$0x0], $0xffff  }
0x39a: {  	v14 =	vor.u32 v0, v29;
	v0 =	vld [tilespmem:$0x1FBB0]  }
0x39b: {  	v19 =	vor.u32 v63, v10;
	v9 =	vor.u32 v57, v28;
	v10 =	vor.u32 v21, v10;
	v21 =	vld [tilespmem:$0x1FFF0]  }
0x39c: {  	[tilespmem:v12+s15+$0x0] =	vst.idx.msk $0xffff, v6;
	v6 =	vld.idx.msk [tilespmem:v27+s12+$0x0], $0xffff  }
0x39d: {  	v26 =	vor.u32 v3, v47;
	v27 =	vld [tilespmem:$0x1FFA0]  }
0x39e: {  	[tilespmem:v13+s15+$0x0] =	vst.idx.msk $0xffff, v2;
	v13 =	vld.idx.msk [tilespmem:v60+s12+$0x0], $0xffff  }
0x39f: {  	v15 =	vor.u32 v0, v18;
	v0 =	vld [tilespmem:$0x1FBC0]  }
0x3a0: {  	v30 =	vor.u32 v3, v48;
	[tilespmem:v9+s15+$0x0] =	vst.idx.msk $0xffff, v5;
	v5 =	vor.u32 v31, v48;
	v48 =	vld [tilespmem:$0x1FF90]  }
0x3a1: {  	v2 =	vor.u32 v31, v45;
	v45 =	vld [tilespmem:$0x1FFD0]  }
0x3a2: {  	[tilespmem:v14+s15+$0x0] =	vst.idx.msk $0xffff, v4;
	v14 =	vld.idx.msk [tilespmem:v26+s12+$0x0], $0xffff  }
0x3a3: {  	v26 =	vld [tilespmem:$0x1FFC0]  }
0x3a4: {  	v11 =	vor.u32 v3, v49;
	v12 =	vor.u32 v0, v7;
	v0 =	vld [tilespmem:$0x1FBE0]  }
0x3a5: {  	[tilespmem:v15+s15+$0x0] =	vst.idx.msk $0xffff, v24;
	v15 =	vor.u32 v31, v47;
	v47 =	vld [tilespmem:$0x1FF80]  }
0x3a6: {  	v16 =	vor.u32 v3, v50;
	v24 =	vld.idx.msk [tilespmem:v30+s12+$0x0], $0xffff  }
0x3a7: {  	v30 =	vld [tilespmem:$0x1FEF0]  }
0x3a8: {  	[tilespmem:v19+s15+$0x0] =	vst.idx.msk $0xffff, v14;
	v19 =	vld [tilespmem:$0x1FED0]  }
0x3a9: {  	v9 =	vld.idx.msk [tilespmem:v11+s12+$0x0], $0xffff  }
0x3aa: {  	v11 =	vor.u32 v25, v18;
	v17 =	vor.u32 v0, v8;
	v0 =	vld [tilespmem:$0x1FBF0]  }
0x3ab: {  	[tilespmem:v12+s15+$0x0] =	vst.idx.msk $0xffff, v6;
	v12 =	vld.idx.msk [tilespmem:v16+s12+$0x0], $0xffff;
	v16 =	vor.u32 v44, v28  }
0x3ac: {  	v14 =	vld.idx.msk [tilespmem:v15+s12+$0x0], $0xffff  }
0x3ad: {  	v15 =	vld [tilespmem:$0x1FEA0]  }
0x3ae: {  	v6 =	vor.u32 v31, v49;
	v2 =	vld.idx.msk [tilespmem:v2+s12+$0x0], $0xffff  }
0x3af: {  	[tilespmem:v11+s15+$0x0] =	vst.idx.msk $0xffff, v9;
	v11 =	vld [tilespmem:$0x1FE60]  }
0x3b0: {  	[tilespmem:v16+s15+$0x0] =	vst.idx.msk $0xffff, v12;
	v16 =	vld [tilespmem:$0x1FEB0]  }
0x3b1: {  	v4 =	vor.u32 v31, v46;
	v12 =	vld [tilespmem:$0x1FE70]  }
0x3b2: {  	v7 =	vor.u32 v55, v7;
	v20 =	vor.u32 v0, v29;
	v0 =	vor.u32 v62, v18;
	v18 =	vld [tilespmem:$0x1FEC0]  }
0x3b3: {  	[tilespmem:v17+s15+$0x0] =	vst.idx.msk $0xffff, v13;
	v13 =	vor.u32 v31, v50;
	v6 =	vld.idx.msk [tilespmem:v6+s12+$0x0], $0xffff  }
0x3b4: {  	v31 =	vld [tilespmem:$0x1FEE0]  }
0x3b5: {  	[tilespmem:v10+s15+$0x0] =	vst.idx.msk $0xffff, v14;
	v14 =	vld [tilespmem:$0x1FE90]  }
0x3b6: {  	v10 =	vld [tilespmem:$0x1FE50]  }
0x3b7: {  	v8 =	vor.u32 v23, v8;
	v4 =	vld.idx.msk [tilespmem:v4+s12+$0x0], $0xffff;
	[tilespmem:v7+s15+$0x0] =	vst.idx.msk $0xffff, v2  }
0x3b8: {  	v2 =	vor.u32 v56, v28;
	[tilespmem:v20+s15+$0x0] =	vst.idx.msk $0xffff, v24;
	v7 =	vld.idx.msk [tilespmem:v13+s12+$0x0], $0xffff  }
0x3b9: {  	p2 =	por p1, p1;
	v9 =	vor.u32 v61, v29;
	v5 =	vld.idx.msk [tilespmem:v5+s12+$0x0], $0xffff  }
.Ltmp2:
0x3ba: {  	v13 =	vld [tilespmem:$0x1FE80];
	(pc) =	sbr.rel @p2 .LBB2_3-.Ltmp2, $4  }
0x3bb: {  	[tilespmem:v0+s15+$0x0] =	vst.idx.msk $0xffff, v6;
	v6 =	vld [tilespmem:$0x1FE10]  }
0x3bc: {  	[tilespmem:v8+s15+$0x0] =	vst.idx.msk $0xffff, v4;
	v8 =	vld [tilespmem:$0x1FE30]  }
0x3bd: {  	[tilespmem:v2+s15+$0x0] =	vst.idx.msk $0xffff, v7;
	v7 =	vld [tilespmem:$0x1FE20]  }
0x3be: {  	p1 =	por $0x0, $0x0;
	s24 =	simm.s32 $0x8;
	v0 =	vlaneseq.u32;
	[tilespmem:v9+s15+$0x0] =	vst.idx.msk $0xffff, v5;
	v9 =	vld [tilespmem:$0x1FE40]  }
0x3bf: {  	p1 =	sne.s32 s23, $0x18  }
.Ltmp3:
0x3c0: {  	_ = 	snop;
	(pc) =	sbr.rel @p1 .LBB2_6-.Ltmp3, $4  }
0x3c1: {  	s24 =	sshll.u32 s23, $0x10  }
0x3c2: {  	s24 =	sor.u32 s6, s24  }
0x3c3: {  	s25 =	sadd.s32 s1, s24  }
0x3c4: {  	[hbm4b:s25+s16] =	stream.strided.scatter [tilespmem:s15], [sflag:$0x3], $0x2000, s17, s16, $0x38;
	[tilespmem:$0x9900] =	vst v63  }
.Ltmp4:
0x3c5: {  	(pc) =	sbr.rel .LBB2_7-.Ltmp4, $4  }
0x3c6: {  	_ = 	snop  }
0x3c7: {  	_ =	swait.ge [sflag:s18], $0x2000  }
0x3c8: {  	[sflag:s18] =	ssyncset.done $0x0  }
0x3c9: {  	[sflag:s18] =	ssyncadd.s32 $0xFFFFE000  }
.LBB2_6:
0x3ca: {  	s25 =	sshll.u32 s23, $0x8  }
0x3cb: {  	s25 =	sand.u32 $0x3FFFFF00, s25  }
.Ltmp5:
0x3cc: {  	s25 =	sadd.s32 $0x100, s25;
	(pc) =	sbr.rel @p0 .LBB2_8-.Ltmp5, $4  }
0x3cd: {  	[tilespmem:s12], [sflag:$0x1] =	stream.indirect.gather [hbm4b:s4+s9], $0x40, s25, s9, $0xb8;
	[tilespmem:$0x9900] =	vst v63  }
0x3ce: {  	_ =	swait.ge [sflag:s18], $0x2000  }
0x3cf: {  	[sflag:s18] =	ssyncset.done $0x0  }
0x3d0: {  	[sflag:s18] =	ssyncadd.s32 $0xFFFFE000  }
.LBB2_7:
0x3d1: {  	_ =	swait.ge [sflag:s19], $0x2000  }
0x3d2: {  	[sflag:s19] =	ssyncset.done $0x0  }
0x3d3: {  	[sflag:s19] =	ssyncadd.s32 $0xFFFFE000  }
.LBB2_8:
0x3d4: {  	s25 =	simm.s32 $0x0;
	p0 =	por $0x1, $0x1;
	v44 =	vld [tilespmem:$0x1FAD0];
	[tilespmem:$0x1F5F0] =	vst v58  }
.LBB2_9:
0x3d5: {  	v3 =	vld [tilespmem:$0x1FC00];
	_ =	sdelay $0x2  }
0x3d6: {  	v2 =	vadd.s32 s25, v0  }
0x3d7: {  	v0 =	vand.u32 $0x8, v2  }
0x3d8: {  	v5 =	vld [tilespmem:$0x1FC10];
	v4 =	vor.u32 v3, v0  }
0x3d9: {  	v3 =	vld [tilespmem:$0x1FE10];
	_ =	sdelay $0x1  }
0x3da: {  	v2 =	vshll.u32 v2, $0x7  }
0x3db: {  	v2 =	vand.u32 $0x400, v2  }
0x3dc: {  	v5 =	vor.u32 v5, v2;
	v4 =	vld.idx.msk [tilespmem:v4+s13+$0x0], $0xffff  }
0x3dd: {  	v6 =	vor.u32 v3, v0;
	_ =	sdelay $0x3  }
0x3de: {  	[tilespmem:v5+s20+$0x0] =	vst.idx.msk $0xffff, v4  }
0x3df: {  	v5 =	vor.u32 v7, v2;
	v4 =	vld.idx.msk [tilespmem:v6+s13+$0x0], $0xffff  }
0x3e0: {  	v6 =	vor.u32 v8, v0;
	_ =	sdelay $0x3  }
0x3e1: {  	[tilespmem:v5+s20+$0x0] =	vst.idx.msk $0xffff, v4  }
0x3e2: {  	v5 =	vor.u32 v9, v2;
	v4 =	vld.idx.msk [tilespmem:v6+s13+$0x0], $0xffff  }
0x3e3: {  	v6 =	vor.u32 v10, v0;
	_ =	sdelay $0x3  }
0x3e4: {  	[tilespmem:v5+s20+$0x0] =	vst.idx.msk $0xffff, v4  }
0x3e5: {  	v5 =	vor.u32 v11, v2;
	v4 =	vld.idx.msk [tilespmem:v6+s13+$0x0], $0xffff  }
0x3e6: {  	v6 =	vor.u32 v12, v0;
	_ =	sdelay $0x3  }
0x3e7: {  	[tilespmem:v5+s20+$0x0] =	vst.idx.msk $0xffff, v4  }
0x3e8: {  	v5 =	vor.u32 v13, v2;
	v4 =	vld.idx.msk [tilespmem:v6+s13+$0x0], $0xffff  }
0x3e9: {  	v6 =	vor.u32 v14, v0;
	_ =	sdelay $0x3  }
0x3ea: {  	v56 =	vld [tilespmem:$0x1F610];
	v52 =	vlaneseq.u32;
	s26 =	sor.u32 $0x1, s25;
	[tilespmem:v5+s20+$0x0] =	vst.idx.msk $0xffff, v4  }
0x3eb: {  	v7 =	vadd.s32 s26, v52;
	v4 =	vld.idx.msk [tilespmem:v6+s13+$0x0], $0xffff;
	v6 =	vor.u32 v15, v2  }
0x3ec: {  	v63 =	vld [tilespmem:$0x1F600];
	v5 =	vand.u32 $0xF, v7  }
0x3ed: {  	v9 =	vor.u32 v58, v5  }
0x3ee: {  	v43 =	vld [tilespmem:$0x1F620];
	v8 =	vor.u32 v16, v0  }
0x3ef: {  	v14 =	vshll.u32 v7, $0x7  }
0x3f0: {  	v13 =	vand.u32 $0x400, v14;
	[tilespmem:v6+s20+$0x0] =	vst.idx.msk $0xffff, v4;
	v4 =	vand.u32 $0x380, v14  }
0x3f1: {  	v59 =	vld [tilespmem:$0x1F630];
	v15 =	vor.u32 v56, v13;
	v12 =	vor.u32 v63, v4  }
0x3f2: {  	v4 =	vld.idx.msk [tilespmem:v9+s13+$0x0], $0xffff;
	v6 =	vor.u32 v12, v15  }
0x3f3: {  	v7 =	vld.idx.msk [tilespmem:v8+s13+$0x0], $0xffff;
	v8 =	vor.u32 v43, v5  }
0x3f4: {  	v60 =	vld [tilespmem:$0x1F640];
	_ =	sdelay $0x1  }
0x3f5: {  	v9 =	vor.u32 v59, v14  }
0x3f6: {  	v62 =	vld [tilespmem:$0x1F650];
	v11 =	vand.u32 $0x398, v9;
	[tilespmem:v6+s20+$0x0] =	vst.idx.msk $0xffff, v4  }
0x3f7: {  	v6 =	vor.u32 v11, v15;
	v4 =	vld.idx.msk [tilespmem:v8+s13+$0x0], $0xffff  }
0x3f8: {  	v8 =	vor.u32 v60, v5  }
0x3f9: {  	v53 =	vld [tilespmem:$0x1F660];
	_ =	sdelay $0x1  }
0x3fa: {  	v9 =	vor.u32 v62, v14  }
0x3fb: {  	v54 =	vld [tilespmem:$0x1F670];
	v10 =	vand.u32 $0x3A8, v9;
	[tilespmem:v6+s20+$0x0] =	vst.idx.msk $0xffff, v4  }
0x3fc: {  	v6 =	vor.u32 v10, v15;
	v4 =	vld.idx.msk [tilespmem:v8+s13+$0x0], $0xffff  }
0x3fd: {  	v8 =	vor.u32 v53, v5  }
0x3fe: {  	v55 =	vld [tilespmem:$0x1F680];
	_ =	sdelay $0x1  }
0x3ff: {  	v25 =	vld [tilespmem:$0x1F690];
	v9 =	vor.u32 v54, v14  }
0x400: {  	v3 =	vld [tilespmem:$0x1FEC0];
	v9 =	vand.u32 $0x3B8, v9;
	[tilespmem:v6+s20+$0x0] =	vst.idx.msk $0xffff, v4  }
0x401: {  	v6 =	vor.u32 v9, v15;
	v4 =	vld.idx.msk [tilespmem:v8+s13+$0x0], $0xffff  }
0x402: {  	v8 =	vor.u32 v55, v5  }
0x403: {  	v28 =	vld [tilespmem:$0x1F6A0];
	_ =	sdelay $0x1  }
0x404: {  	v29 =	vld [tilespmem:$0x1F6B0];
	v16 =	vor.u32 v25, v14  }
0x405: {  	v18 =	vor.u32 v3, v2;
	v3 =	vld [tilespmem:$0x1FC20];
	[tilespmem:v6+s20+$0x0] =	vst.idx.msk $0xffff, v4;
	v4 =	vand.u32 $0x3C8, v16  }
0x406: {  	v6 =	vld.idx.msk [tilespmem:v8+s13+$0x0], $0xffff;
	v8 =	vor.u32 v4, v15  }
0x407: {  	v16 =	vor.u32 v28, v5;
	_ =	sdelay $0x1  }
0x408: {  	v50 =	vld [tilespmem:$0x1F6C0]  }
0x409: {  	v1 =	vld [tilespmem:$0x1F6F0];
	v17 =	vor.u32 v29, v14;
	[tilespmem:v18+s20+$0x0] =	vst.idx.msk $0xffff, v7  }
0x40a: {  	v18 =	vor.u32 v3, v2;
	v3 =	vld [tilespmem:$0x1FC30];
	[tilespmem:v8+s20+$0x0] =	vst.idx.msk $0xffff, v6;
	v6 =	vand.u32 $0x3D8, v17;
	v8 =	vor.u32 v19, v0  }
0x40b: {  	v16 =	vld.idx.msk [tilespmem:v16+s13+$0x0], $0xffff;
	v17 =	vor.u32 v6, v15;
	_ =	sdelay $0x2  }
0x40c: {  	v61 =	vld [tilespmem:$0x1F6E0]  }
0x40d: {  	v19 =	vor.u32 v50, v5;
	v8 =	vld.idx.msk [tilespmem:v8+s13+$0x0], $0xffff  }
0x40e: {  	v20 =	vor.u32 v1, v5;
	v1 =	vld [tilespmem:$0x1F6D0];
	[tilespmem:v17+s20+$0x0] =	vst.idx.msk $0xffff, v16;
	v16 =	vor.u32 v3, v0  }
0x40f: {  	v3 =	vld [tilespmem:$0x1FC40];
	_ =	sdelay $0x2  }
0x410: {  	v7 =	vor.u32 v61, v14;
	v17 =	vld.idx.msk [tilespmem:v19+s13+$0x0], $0xffff;
	[tilespmem:v18+s20+$0x0] =	vst.idx.msk $0xffff, v8  }
0x411: {  	v7 =	vand.u32 $0x3E8, v7;
	v8 =	vor.u32 v1, v14;
	v14 =	vld.idx.msk [tilespmem:v16+s13+$0x0], $0xffff  }
0x412: {  	v19 =	vor.u32 v7, v15;
	v16 =	vor.u32 v3, v2;
	v3 =	vld [tilespmem:$0x1FC50];
	_ =	sdelay $0x2  }
0x413: {  	v1 =	vld [tilespmem:$0x1F700];
	_ =	sdelay $0x1  }
0x414: {  	[tilespmem:v19+s20+$0x0] =	vst.idx.msk $0xffff, v17;
	v17 =	vor.u32 v3, v0;
	v3 =	vld [tilespmem:$0x1FC60];
	_ =	sdelay $0x1  }
0x415: {  	v8 =	vand.u32 $0x3F8, v8;
	v18 =	vld.idx.msk [tilespmem:v20+s13+$0x0], $0xffff  }
0x416: {  	v15 =	vor.u32 v8, v15;
	v19 =	vor.u32 v1, v5;
	v1 =	vld [tilespmem:$0x1F740];
	_ =	sdelay $0x1  }
0x417: {  	[tilespmem:v16+s20+$0x0] =	vst.idx.msk $0xffff, v14;
	v16 =	vor.u32 v3, v2;
	v3 =	vld [tilespmem:$0x1FC70];
	_ =	sdelay $0x2  }
0x418: {  	[tilespmem:v15+s20+$0x0] =	vst.idx.msk $0xffff, v18;
	v15 =	vor.u32 v1, v13;
	v1 =	vld [tilespmem:$0x1F710]  }
0x419: {  	v14 =	vld.idx.msk [tilespmem:v17+s13+$0x0], $0xffff  }
0x41a: {  	v17 =	vor.u32 v3, v0;
	v3 =	vld [tilespmem:$0x1FC80];
	_ =	sdelay $0x1  }
0x41b: {  	v18 =	vld.idx.msk [tilespmem:v19+s13+$0x0], $0xffff;
	v19 =	vor.u32 v12, v15  }
0x41c: {  	v20 =	vor.u32 v1, v5  }
0x41d: {  	v1 =	vld [tilespmem:$0x1F750]  }
0x41e: {  	[tilespmem:v16+s20+$0x0] =	vst.idx.msk $0xffff, v14;
	v16 =	vor.u32 v3, v2;
	v3 =	vld [tilespmem:$0x1FC90];
	_ =	sdelay $0x1  }
0x41f: {  	[tilespmem:v19+s20+$0x0] =	vst.idx.msk $0xffff, v18  }
0x420: {  	v19 =	vor.u32 v11, v15;
	v18 =	vld.idx.msk [tilespmem:v20+s13+$0x0], $0xffff  }
0x421: {  	v20 =	vor.u32 v1, v5;
	v14 =	vld.idx.msk [tilespmem:v17+s13+$0x0], $0xffff  }
0x422: {  	v1 =	vld [tilespmem:$0x1F780];
	v17 =	vor.u32 v3, v0  }
0x423: {  	v3 =	vld [tilespmem:$0x1FCA0];
	_ =	sdelay $0x1  }
0x424: {  	[tilespmem:v19+s20+$0x0] =	vst.idx.msk $0xffff, v18  }
0x425: {  	v19 =	vor.u32 v10, v15;
	[tilespmem:v16+s20+$0x0] =	vst.idx.msk $0xffff, v14;
	v18 =	vld.idx.msk [tilespmem:v20+s13+$0x0], $0xffff  }
0x426: {  	v16 =	vor.u32 v31, v2;
	v20 =	vor.u32 v1, v5;
	v14 =	vld.idx.msk [tilespmem:v17+s13+$0x0], $0xffff  }
0x427: {  	v17 =	vor.u32 v3, v0  }
0x428: {  	v3 =	vld [tilespmem:$0x1FCB0]  }
0x429: {  	v1 =	vld [tilespmem:$0x1F790]  }
0x42a: {  	[tilespmem:v19+s20+$0x0] =	vst.idx.msk $0xffff, v18  }
0x42b: {  	v18 =	vld.idx.msk [tilespmem:v20+s13+$0x0], $0xffff;
	[tilespmem:v16+s20+$0x0] =	vst.idx.msk $0xffff, v14  }
0x42c: {  	v16 =	vor.u32 v30, v2;
	v14 =	vld.idx.msk [tilespmem:v17+s13+$0x0], $0xffff  }
0x42d: {  	v17 =	vor.u32 v3, v0;
	v3 =	vld [tilespmem:$0x1FCC0]  }
0x42e: {  	v20 =	vor.u32 v1, v5;
	v1 =	vld [tilespmem:$0x1FCD0];
	_ =	sdelay $0x2  }
0x42f: {  	v19 =	vor.u32 v9, v15;
	[tilespmem:v16+s20+$0x0] =	vst.idx.msk $0xffff, v14  }
0x430: {  	v16 =	vor.u32 v3, v2;
	v14 =	vld.idx.msk [tilespmem:v17+s13+$0x0], $0xffff  }
0x431: {  	v17 =	vor.u32 v1, v0;
	v1 =	vld [tilespmem:$0x1F7B0];
	_ =	sdelay $0x2  }
0x432: {  	[tilespmem:v19+s20+$0x0] =	vst.idx.msk $0xffff, v18  }
0x433: {  	v19 =	vor.u32 v4, v15;
	v18 =	vld.idx.msk [tilespmem:v20+s13+$0x0], $0xffff;
	[tilespmem:v16+s20+$0x0] =	vst.idx.msk $0xffff, v14  }
0x434: {  	v20 =	vor.u32 v1, v5;
	v16 =	vor.u32 v42, v2;
	v14 =	vld.idx.msk [tilespmem:v17+s13+$0x0], $0xffff  }
0x435: {  	v1 =	vld [tilespmem:$0x1F7D0];
	v17 =	vor.u32 v33, v0  }
0x436: {  	v3 =	vld [tilespmem:$0x1FCE0];
	_ =	sdelay $0x1  }
0x437: {  	[tilespmem:v19+s20+$0x0] =	vst.idx.msk $0xffff, v18  }
0x438: {  	v19 =	vor.u32 v6, v15;
	v18 =	vld.idx.msk [tilespmem:v20+s13+$0x0], $0xffff;
	[tilespmem:v16+s20+$0x0] =	vst.idx.msk $0xffff, v14  }
0x439: {  	v20 =	vor.u32 v1, v5;
	v14 =	vld.idx.msk [tilespmem:v17+s13+$0x0], $0xffff  }
0x43a: {  	v17 =	vor.u32 v3, v0;
	v3 =	vld [tilespmem:$0x1F7E0];
	_ =	sdelay $0x2  }
0x43b: {  	[tilespmem:v19+s20+$0x0] =	vst.idx.msk $0xffff, v18  }
0x43c: {  	v18 =	vld.idx.msk [tilespmem:v20+s13+$0x0], $0xffff  }
0x43d: {  	v16 =	vor.u32 v38, v2;
	v20 =	vor.u32 v3, v5;
	v3 =	vld [tilespmem:$0x1FCF0];
	_ =	sdelay $0x2  }
0x43e: {  	v19 =	vor.u32 v7, v15;
	_ =	sdelay $0x1  }
0x43f: {  	[tilespmem:v16+s20+$0x0] =	vst.idx.msk $0xffff, v14;
	v16 =	vor.u32 v3, v2;
	v3 =	vld [tilespmem:$0x1F7F0];
	_ =	sdelay $0x2  }
0x440: {  	[tilespmem:v19+s20+$0x0] =	vst.idx.msk $0xffff, v18  }
0x441: {  	v18 =	vld.idx.msk [tilespmem:v20+s13+$0x0], $0xffff  }
0x442: {  	v15 =	vor.u32 v8, v15;
	v19 =	vor.u32 v3, v5;
	v3 =	vld [tilespmem:$0x1F800];
	_ =	sdelay $0x2  }
0x443: {  	v14 =	vld.idx.msk [tilespmem:v17+s13+$0x0], $0xffff  }
0x444: {  	v17 =	vor.u32 v37, v0  }
0x445: {  	[tilespmem:v15+s20+$0x0] =	vst.idx.msk $0xffff, v18;
	v15 =	vor.u32 v3, v13;
	v3 =	vld [tilespmem:$0x1FD00];
	_ =	sdelay $0x2  }
0x446: {  	[tilespmem:v16+s20+$0x0] =	vst.idx.msk $0xffff, v14  }
0x447: {  	v14 =	vld.idx.msk [tilespmem:v17+s13+$0x0], $0xffff  }
0x448: {  	v17 =	vor.u32 v3, v0;
	v3 =	vld [tilespmem:$0x1F810];
	_ =	sdelay $0x2  }
0x449: {  	v16 =	vor.u32 v40, v2;
	_ =	sdelay $0x1  }
0x44a: {  	v20 =	vor.u32 v3, v5;
	v3 =	vld [tilespmem:$0x1FD10];
	_ =	sdelay $0x2  }
0x44b: {  	v18 =	vld.idx.msk [tilespmem:v19+s13+$0x0], $0xffff;
	v19 =	vor.u32 v12, v15;
	[tilespmem:v16+s20+$0x0] =	vst.idx.msk $0xffff, v14  }
0x44c: {  	v14 =	vld.idx.msk [tilespmem:v17+s13+$0x0], $0xffff  }
0x44d: {  	v17 =	vor.u32 v3, v0;
	v3 =	vld [tilespmem:$0x1F840];
	_ =	sdelay $0x2  }
0x44e: {  	[tilespmem:v19+s20+$0x0] =	vst.idx.msk $0xffff, v18  }
0x44f: {  	v18 =	vld.idx.msk [tilespmem:v20+s13+$0x0], $0xffff  }
0x450: {  	v16 =	vor.u32 v41, v2;
	v20 =	vor.u32 v3, v5;
	v3 =	vld [tilespmem:$0x1FD20];
	_ =	sdelay $0x2  }
0x451: {  	v19 =	vor.u32 v11, v15;
	_ =	sdelay $0x1  }
0x452: {  	[tilespmem:v16+s20+$0x0] =	vst.idx.msk $0xffff, v14;
	v16 =	vor.u32 v3, v2;
	v3 =	vld [tilespmem:$0x1F860];
	_ =	sdelay $0x2  }
0x453: {  	v14 =	vld.idx.msk [tilespmem:v17+s13+$0x0], $0xffff;
	[tilespmem:v19+s20+$0x0] =	vst.idx.msk $0xffff, v18  }
0x454: {  	v17 =	vor.u32 v39, v0;
	v19 =	vor.u32 v10, v15;
	v18 =	vld.idx.msk [tilespmem:v20+s13+$0x0], $0xffff  }
0x455: {  	v20 =	vor.u32 v3, v5  }
0x456: {  	v3 =	vld [tilespmem:$0x1F880];
	_ =	sdelay $0x1  }
0x457: {  	[tilespmem:v16+s20+$0x0] =	vst.idx.msk $0xffff, v14  }
0x458: {  	v16 =	vor.u32 v32, v2;
	[tilespmem:v19+s20+$0x0] =	vst.idx.msk $0xffff, v18;
	v14 =	vld.idx.msk [tilespmem:v17+s13+$0x0], $0xffff  }
0x459: {  	v19 =	vor.u32 v9, v15;
	v17 =	vor.u32 v47, v0;
	v18 =	vld.idx.msk [tilespmem:v20+s13+$0x0], $0xffff  }
0x45a: {  	v20 =	vor.u32 v3, v5  }
0x45b: {  	v3 =	vld [tilespmem:$0x1F8B0];
	_ =	sdelay $0x1  }
0x45c: {  	[tilespmem:v16+s20+$0x0] =	vst.idx.msk $0xffff, v14  }
0x45d: {  	v16 =	vor.u32 v48, v2;
	v14 =	vld.idx.msk [tilespmem:v17+s13+$0x0], $0xffff;
	[tilespmem:v19+s20+$0x0] =	vst.idx.msk $0xffff, v18  }
0x45e: {  	v17 =	vor.u32 v27, v0;
	v18 =	vld.idx.msk [tilespmem:v20+s13+$0x0], $0xffff  }
0x45f: {  	v20 =	vor.u32 v3, v5;
	v3 =	vld [tilespmem:$0x1FD30];
	_ =	sdelay $0x2  }
0x460: {  	v19 =	vor.u32 v4, v15;
	[tilespmem:v16+s20+$0x0] =	vst.idx.msk $0xffff, v14  }
0x461: {  	v14 =	vld.idx.msk [tilespmem:v17+s13+$0x0], $0xffff  }
0x462: {  	v17 =	vor.u32 v3, v0;
	v3 =	vld [tilespmem:$0x1F8F0];
	_ =	sdelay $0x2  }
0x463: {  	[tilespmem:v19+s20+$0x0] =	vst.idx.msk $0xffff, v18  }
0x464: {  	v18 =	vld.idx.msk [tilespmem:v20+s13+$0x0], $0xffff  }
0x465: {  	v16 =	vor.u32 v36, v2;
	v20 =	vor.u32 v3, v5;
	v3 =	vld [tilespmem:$0x1FD40];
	_ =	sdelay $0x4  }
0x466: {  	[tilespmem:v16+s20+$0x0] =	vst.idx.msk $0xffff, v14;
	v16 =	vor.u32 v3, v2;
	v3 =	vld [tilespmem:$0x1FD50];
	_ =	sdelay $0x2  }
0x467: {  	v19 =	vor.u32 v6, v15  }
0x468: {  	v14 =	vld.idx.msk [tilespmem:v17+s13+$0x0], $0xffff  }
0x469: {  	v17 =	vor.u32 v3, v0;
	v3 =	vld [tilespmem:$0x1F920];
	_ =	sdelay $0x2  }
0x46a: {  	[tilespmem:v19+s20+$0x0] =	vst.idx.msk $0xffff, v18  }
0x46b: {  	v18 =	vld.idx.msk [tilespmem:v20+s13+$0x0], $0xffff  }
0x46c: {  	v20 =	vor.u32 v3, v5;
	v3 =	vld [tilespmem:$0x1FD60];
	_ =	sdelay $0x4  }
0x46d: {  	v19 =	vor.u32 v7, v15;
	[tilespmem:v16+s20+$0x0] =	vst.idx.msk $0xffff, v14;
	v16 =	vor.u32 v3, v2;
	v3 =	vld [tilespmem:$0x1F990];
	_ =	sdelay $0x4  }
0x46e: {  	[tilespmem:v19+s20+$0x0] =	vst.idx.msk $0xffff, v18;
	v19 =	vor.u32 v3, v5;
	v3 =	vld [tilespmem:$0x1F980];
	_ =	sdelay $0x1  }
0x46f: {  	v14 =	vld.idx.msk [tilespmem:v17+s13+$0x0], $0xffff  }
0x470: {  	v17 =	vor.u32 v26, v0  }
0x471: {  	v15 =	vor.u32 v8, v15;
	v18 =	vld.idx.msk [tilespmem:v20+s13+$0x0], $0xffff  }
0x472: {  	v13 =	vor.u32 v3, v13;
	v3 =	vld [tilespmem:$0x1FA20];
	_ =	sdelay $0x1  }
0x473: {  	[tilespmem:v16+s20+$0x0] =	vst.idx.msk $0xffff, v14  }
0x474: {  	v16 =	vor.u32 v45, v2;
	v14 =	vld.idx.msk [tilespmem:v17+s13+$0x0], $0xffff  }
0x475: {  	[tilespmem:v15+s20+$0x0] =	vst.idx.msk $0xffff, v18;
	v15 =	vor.u32 v51, v0  }
0x476: {  	v18 =	vor.u32 v3, v5;
	v3 =	vld [tilespmem:$0x1FD70];
	_ =	sdelay $0x2  }
0x477: {  	v17 =	vld.idx.msk [tilespmem:v19+s13+$0x0], $0xffff;
	[tilespmem:v16+s20+$0x0] =	vst.idx.msk $0xffff, v14  }
0x478: {  	v14 =	vld.idx.msk [tilespmem:v15+s13+$0x0], $0xffff  }
0x479: {  	v12 =	vor.u32 v12, v13;
	v15 =	vor.u32 v3, v2;
	v3 =	vld [tilespmem:$0x1FA70];
	_ =	sdelay $0x4  }
0x47a: {  	[tilespmem:v12+s20+$0x0] =	vst.idx.msk $0xffff, v17;
	v17 =	vor.u32 v3, v5;
	v3 =	vld [tilespmem:$0x1FD80];
	_ =	sdelay $0x3  }
0x47b: {  	v12 =	vor.u32 v21, v0;
	v16 =	vld.idx.msk [tilespmem:v18+s13+$0x0], $0xffff  }
0x47c: {  	v11 =	vor.u32 v11, v13;
	[tilespmem:v15+s20+$0x0] =	vst.idx.msk $0xffff, v14;
	v14 =	vor.u32 v3, v2;
	v3 =	vld [tilespmem:$0x1FD90];
	_ =	sdelay $0x3  }
0x47d: {  	v12 =	vld.idx.msk [tilespmem:v12+s13+$0x0], $0xffff  }
0x47e: {  	[tilespmem:v11+s20+$0x0] =	vst.idx.msk $0xffff, v16;
	v11 =	vor.u32 v3, v0;
	v3 =	vld [tilespmem:$0x1FDA0];
	_ =	sdelay $0x3  }
0x47f: {  	v15 =	vld.idx.msk [tilespmem:v17+s13+$0x0], $0xffff  }
0x480: {  	v10 =	vor.u32 v10, v13;
	[tilespmem:v14+s20+$0x0] =	vst.idx.msk $0xffff, v12;
	v12 =	vor.u32 v3, v2;
	v3 =	vld [tilespmem:$0x1FDB0];
	_ =	sdelay $0x4  }
0x481: {  	[tilespmem:v10+s20+$0x0] =	vst.idx.msk $0xffff, v15;
	v10 =	vor.u32 v3, v0;
	v3 =	vld [tilespmem:$0x1FB30];
	_ =	sdelay $0x2  }
0x482: {  	v16 =	vor.u32 v44, v5  }
0x483: {  	v11 =	vld.idx.msk [tilespmem:v11+s13+$0x0], $0xffff  }
0x484: {  	v15 =	vor.u32 v3, v5;
	v3 =	vld [tilespmem:$0x1F5F0];
	_ =	sdelay $0x1  }
0x485: {  	s30 =	sor.u32 $0x2, s25  }
0x486: {  	v14 =	vld.idx.msk [tilespmem:v16+s13+$0x0], $0xffff;
	v16 =	vadd.s32 s30, v52  }
0x487: {  	v45 =	vand.u32 $0xF, v16  }
0x488: {  	[tilespmem:v12+s20+$0x0] =	vst.idx.msk $0xffff, v11;
	v11 =	vor.u32 v3, v45;
	v3 =	vld [tilespmem:$0x1FDC0];
	_ =	sdelay $0x4  }
0x489: {  	v9 =	vor.u32 v9, v13;
	v12 =	vor.u32 v3, v2;
	v3 =	vld [tilespmem:$0x1FDD0];
	_ =	sdelay $0x4  }
0x48a: {  	[tilespmem:v9+s20+$0x0] =	vst.idx.msk $0xffff, v14;
	v9 =	vor.u32 v3, v0;
	v3 =	vld [tilespmem:$0x1FB60];
	_ =	sdelay $0x3  }
0x48b: {  	v22 =	vshll.u32 v16, $0x7;
	v14 =	vld.idx.msk [tilespmem:v15+s13+$0x0], $0xffff;
	v15 =	vor.u32 v4, v13  }
0x48c: {  	v10 =	vld.idx.msk [tilespmem:v10+s13+$0x0], $0xffff;
	v4 =	vand.u32 $0x380, v22;
	v16 =	vor.u32 v3, v5;
	v3 =	vand.u32 $0x400, v22  }
0x48d: {  	v1 =	vor.u32 v63, v4;
	[tilespmem:$0x1F470] =	vst v3;
	v4 =	vor.u32 v56, v3;
	v3 =	vld [tilespmem:$0x1FDE0];
	_ =	sdelay $0x4  }
0x48e: {  	[tilespmem:v12+s20+$0x0] =	vst.idx.msk $0xffff, v10;
	v12 =	vor.u32 v3, v2;
	v3 =	vld [tilespmem:$0x1FDF0];
	_ =	sdelay $0x4  }
0x48f: {  	v0 =	vor.u32 v3, v0;
	v3 =	vld [tilespmem:$0x1FE00];
	_ =	sdelay $0x4  }
0x490: {  	[tilespmem:v15+s20+$0x0] =	vst.idx.msk $0xffff, v14;
	v14 =	vor.u32 v3, v2;
	v3 =	vld [tilespmem:$0x1FAB0];
	_ =	sdelay $0x2  }
0x491: {  	v11 =	vld.idx.msk [tilespmem:v11+s13+$0x0], $0xffff  }
0x492: {  	v2 =	vld.idx.msk [tilespmem:v16+s13+$0x0], $0xffff  }
0x493: {  	v17 =	vor.u32 v1, v4;
	v16 =	vor.u32 v3, v5;
	v3 =	vld [tilespmem:$0x1F5F0];
	_ =	sdelay $0x1  }
0x494: {  	s31 =	sor.u32 $0x3, s25  }
0x495: {  	v6 =	vor.u32 v6, v13;
	v15 =	vadd.s32 s31, v52  }
0x496: {  	v46 =	vand.u32 $0xF, v15  }
0x497: {  	v10 =	vor.u32 v43, v45;
	[tilespmem:v17+s20+$0x0] =	vst.idx.msk $0xffff, v11;
	v11 =	vor.u32 v3, v46;
	v3 =	vld [tilespmem:$0x1FBD0]  }
0x498: {  	v9 =	vld.idx.msk [tilespmem:v9+s13+$0x0], $0xffff;
	_ =	sdelay $0x1  }
0x499: {  	v7 =	vor.u32 v7, v13;
	v18 =	vor.u32 v59, v22;
	[tilespmem:v6+s20+$0x0] =	vst.idx.msk $0xffff, v2  }
0x49a: {  	v13 =	vor.u32 v8, v13;
	v8 =	vor.u32 v62, v22;
	[tilespmem:$0x1F480] =	vst v1;
	v1 =	vand.u32 $0x398, v18;
	v6 =	vld.idx.msk [tilespmem:v16+s13+$0x0], $0xffff  }
0x49b: {  	[tilespmem:$0x1F4D0] =	vst v1;
	v17 =	vor.u32 v3, v5;
	v5 =	vld.idx.msk [tilespmem:v10+s13+$0x0], $0xffff;
	v10 =	vor.u32 v1, v4  }
0x49c: {  	v23 =	vshll.u32 v15, $0x7;
	[tilespmem:v12+s20+$0x0] =	vst.idx.msk $0xffff, v9;
	v1 =	vand.u32 $0x3A8, v8  }
0x49d: {  	v2 =	vand.u32 $0x380, v23;
	v8 =	vand.u32 $0x400, v23;
	[tilespmem:$0x1F4F0] =	vst v1  }
0x49e: {  	[tilespmem:$0x1F490] =	vst v8;
	v12 =	vor.u32 v1, v4;
	v1 =	vor.u32 v63, v2;
	v8 =	vor.u32 v56, v8  }
0x49f: {  	v9 =	vor.u32 v60, v45;
	v11 =	vld.idx.msk [tilespmem:v11+s13+$0x0], $0xffff;
	[tilespmem:v7+s20+$0x0] =	vst.idx.msk $0xffff, v6;
	v16 =	vor.u32 v1, v8  }
0x4a0: {  	v2 =	vor.u32 v54, v22;
	[tilespmem:v10+s20+$0x0] =	vst.idx.msk $0xffff, v5;
	v10 =	vor.u32 v43, v46  }
0x4a1: {  	v3 =	vld [tilespmem:$0x1F5F0];
	[tilespmem:$0x1F290] =	vst v1;
	v1 =	vand.u32 $0x3B8, v2;
	v2 =	vor.u32 v25, v22  }
0x4a2: {  	[tilespmem:$0x1F540] =	vst v1;
	v18 =	vor.u32 v1, v4;
	v1 =	vand.u32 $0x3C8, v2  }
0x4a3: {  	s28 =	sor.u32 $0x4, s25;
	v19 =	vor.u32 v59, v23;
	v0 =	vld.idx.msk [tilespmem:v0+s13+$0x0], $0xffff;
	v7 =	vor.u32 v62, v23;
	[tilespmem:$0x1F580] =	vst v1  }
0x4a4: {  	v2 =	vor.u32 v1, v4;
	v1 =	vand.u32 $0x398, v19;
	v19 =	vadd.s32 s28, v52;
	v9 =	vld.idx.msk [tilespmem:v9+s13+$0x0], $0xffff;
	[tilespmem:v16+s20+$0x0] =	vst.idx.msk $0xffff, v11  }
0x4a5: {  	[tilespmem:$0x1F2D0] =	vst v1;
	v6 =	vor.u32 v1, v8;
	v1 =	vand.u32 $0x3A8, v7;
	v47 =	vand.u32 $0xF, v19;
	v7 =	vld.idx.msk [tilespmem:v10+s13+$0x0], $0xffff  }
0x4a6: {  	v10 =	vor.u32 v3, v47;
	v3 =	vld [tilespmem:$0x1F5F0]  }
0x4a7: {  	v17 =	vld.idx.msk [tilespmem:v17+s13+$0x0], $0xffff  }
0x4a8: {  	s29 =	sor.u32 $0x5, s25;
	v15 =	vor.u32 v53, v45  }
0x4a9: {  	[tilespmem:v14+s20+$0x0] =	vst.idx.msk $0xffff, v0;
	v16 =	vadd.s32 s29, v52  }
0x4aa: {  	v24 =	vshll.u32 v19, $0x7;
	[tilespmem:$0x1F500] =	vst v1;
	v48 =	vand.u32 $0xF, v16  }
0x4ab: {  	v11 =	vor.u32 v60, v46;
	[tilespmem:v12+s20+$0x0] =	vst.idx.msk $0xffff, v9;
	v12 =	vand.u32 $0x380, v24;
	v19 =	vor.u32 v3, v48;
	v3 =	vld [tilespmem:$0x1F5F0]  }
0x4ac: {  	s30 =	sor.u32 $0x6, s25;
	[tilespmem:v13+s20+$0x0] =	vst.idx.msk $0xffff, v17;
	v9 =	vor.u32 v1, v8;
	v1 =	vand.u32 $0x400, v24;
	v0 =	vor.u32 v63, v12  }
0x4ad: {  	v20 =	vadd.s32 s30, v52;
	v15 =	vld.idx.msk [tilespmem:v15+s13+$0x0], $0xffff;
	v30 =	vor.u32 v56, v1;
	[tilespmem:$0x1F2B0] =	vst v0  }
0x4ae: {  	v51 =	vshll.u32 v20, $0x7;
	v57 =	vshll.u32 v16, $0x7;
	v0 =	vor.u32 v0, v30;
	[tilespmem:v6+s20+$0x0] =	vst.idx.msk $0xffff, v7;
	v6 =	vld.idx.msk [tilespmem:v10+s13+$0x0], $0xffff  }
0x4af: {  	v49 =	vand.u32 $0xF, v20;
	[tilespmem:$0x1F2A0] =	vst v1;
	v1 =	vand.u32 $0x400, v57;
	v12 =	vand.u32 $0x380, v51  }
0x4b0: {  	[tilespmem:$0x1F4A0] =	vst v1;
	v58 =	vor.u32 v56, v1;
	v1 =	vor.u32 v63, v12;
	v13 =	vor.u32 v3, v49  }
0x4b1: {  	v44 =	vand.u32 $0x400, v51;
	[tilespmem:$0x1F4C0] =	vst v1;
	v7 =	vor.u32 v43, v47;
	v11 =	vld.idx.msk [tilespmem:v11+s13+$0x0], $0xffff  }
0x4b2: {  	v21 =	vor.u32 v59, v51;
	v31 =	vor.u32 v56, v44;
	v10 =	vand.u32 $0x380, v57;
	[tilespmem:v18+s20+$0x0] =	vst.idx.msk $0xffff, v15  }
0x4b3: {  	v18 =	vor.u32 v59, v24;
	v3 =	vor.u32 v63, v10;
	[tilespmem:v0+s20+$0x0] =	vst.idx.msk $0xffff, v6  }
0x4b4: {  	v10 =	vld.idx.msk [tilespmem:v19+s13+$0x0], $0xffff;
	v19 =	vor.u32 v1, v31;
	v1 =	vand.u32 $0x398, v18;
	[tilespmem:$0x1F2C0] =	vst v3;
	v15 =	vor.u32 v3, v58  }
0x4b5: {  	v16 =	vor.u32 v43, v48;
	v0 =	vor.u32 v43, v49;
	[tilespmem:$0x1F2E0] =	vst v1;
	v13 =	vld.idx.msk [tilespmem:v13+s13+$0x0], $0xffff  }
0x4b6: {  	[tilespmem:v9+s20+$0x0] =	vst.idx.msk $0xffff, v11;
	v6 =	vld.idx.msk [tilespmem:v7+s13+$0x0], $0xffff;
	v7 =	vor.u32 v59, v57;
	v3 =	vand.u32 $0x398, v21  }
0x4b7: {  	s31 =	sor.u32 $0x7, s25;
	v9 =	vor.u32 v1, v30;
	v1 =	vand.u32 $0x398, v7;
	[tilespmem:$0x1F4E0] =	vst v3  }
0x4b8: {  	v41 =	vadd.s32 s31, v52;
	[tilespmem:$0x1F2F0] =	vst v1  }
0x4b9: {  	v32 =	vshll.u32 v41, $0x7;
	v18 =	vor.u32 v60, v47;
	v11 =	vor.u32 v53, v46;
	[tilespmem:v15+s20+$0x0] =	vst.idx.msk $0xffff, v10  }
0x4ba: {  	v7 =	vand.u32 $0x400, v32;
	v15 =	vld.idx.msk [tilespmem:v16+s13+$0x0], $0xffff;
	v16 =	vor.u32 v1, v58;
	[tilespmem:v19+s20+$0x0] =	vst.idx.msk $0xffff, v13  }
0x4bb: {  	v21 =	vor.u32 v3, v31;
	[tilespmem:$0x1F340] =	vst v7;
	v10 =	vor.u32 v54, v23;
	v0 =	vld.idx.msk [tilespmem:v0+s13+$0x0], $0xffff  }
0x4bc: {  	[tilespmem:v9+s20+$0x0] =	vst.idx.msk $0xffff, v6;
	v1 =	vand.u32 $0x3B8, v10;
	v19 =	vor.u32 v62, v24  }
0x4bd: {  	v10 =	vor.u32 v60, v48;
	[tilespmem:$0x1F550] =	vst v1;
	v13 =	vor.u32 v1, v8;
	v1 =	vand.u32 $0x3A8, v19  }
0x4be: {  	v5 =	vor.u32 v55, v45;
	v27 =	vor.u32 v53, v47;
	v40 =	vor.u32 v54, v24;
	[tilespmem:$0x1F510] =	vst v1  }
0x4bf: {  	v9 =	vor.u32 v60, v49;
	v38 =	vld.idx.msk [tilespmem:v11+s13+$0x0], $0xffff;
	[tilespmem:v16+s20+$0x0] =	vst.idx.msk $0xffff, v15;
	v16 =	vor.u32 v62, v51  }
0x4c0: {  	v6 =	vor.u32 v62, v57;
	v18 =	vld.idx.msk [tilespmem:v18+s13+$0x0], $0xffff;
	[tilespmem:v21+s20+$0x0] =	vst.idx.msk $0xffff, v0;
	v0 =	vand.u32 $0x3A8, v16  }
0x4c1: {  	v26 =	vor.u32 v1, v30;
	v1 =	vand.u32 $0x3A8, v6;
	[tilespmem:$0x1F530] =	vst v0;
	v16 =	vor.u32 v0, v31;
	v0 =	vld [tilespmem:$0x1F5F0]  }
0x4c2: {  	v11 =	vor.u32 v54, v51;
	[tilespmem:$0x1F520] =	vst v1;
	v10 =	vld.idx.msk [tilespmem:v10+s13+$0x0], $0xffff;
	v15 =	vor.u32 v1, v58;
	v1 =	vand.u32 $0x3B8, v40  }
0x4c3: {  	v34 =	vor.u32 v55, v46;
	[tilespmem:$0x1F560] =	vst v1;
	v36 =	vor.u32 v1, v30;
	v1 =	vand.u32 $0x3B8, v11  }
0x4c4: {  	v42 =	vor.u32 v53, v49;
	[tilespmem:$0x1F570] =	vst v1  }
0x4c5: {  	v52 =	vand.u32 $0xF, v41;
	v35 =	vor.u32 v53, v48;
	v40 =	vld.idx.msk [tilespmem:v5+s13+$0x0], $0xffff;
	[tilespmem:v13+s20+$0x0] =	vst.idx.msk $0xffff, v38  }
0x4c6: {  	v19 =	vor.u32 v25, v23;
	v9 =	vld.idx.msk [tilespmem:v9+s13+$0x0], $0xffff;
	[tilespmem:v26+s20+$0x0] =	vst.idx.msk $0xffff, v18;
	v21 =	vor.u32 v0, v52  }
0x4c7: {  	v26 =	vand.u32 $0x3C8, v19;
	v39 =	vld.idx.msk [tilespmem:v27+s13+$0x0], $0xffff;
	[tilespmem:v15+s20+$0x0] =	vst.idx.msk $0xffff, v10;
	v0 =	vor.u32 v54, v57  }
0x4c8: {  	v34 =	vld.idx.msk [tilespmem:v34+s13+$0x0], $0xffff;
	v38 =	vor.u32 v26, v8;
	[tilespmem:$0x1F390] =	vst v26;
	v0 =	vand.u32 $0x3B8, v0  }
0x4c9: {  	[tilespmem:$0x1F300] =	vst v0;
	v10 =	vor.u32 v0, v58;
	v0 =	vand.u32 $0x380, v32  }
0x4ca: {  	v33 =	vor.u32 v56, v7;
	[tilespmem:v2+s20+$0x0] =	vst.idx.msk $0xffff, v40;
	v15 =	vld.idx.msk [tilespmem:v35+s13+$0x0], $0xffff;
	v6 =	vor.u32 v63, v0  }
0x4cb: {  	v18 =	vor.u32 v55, v47;
	[tilespmem:v16+s20+$0x0] =	vst.idx.msk $0xffff, v9;
	v16 =	vld.idx.msk [tilespmem:v21+s13+$0x0], $0xffff;
	v21 =	vor.u32 v6, v33  }
0x4cc: {  	v37 =	vor.u32 v43, v52;
	v35 =	vor.u32 v1, v31;
	v19 =	vld.idx.msk [tilespmem:v42+s13+$0x0], $0xffff;
	[tilespmem:v36+s20+$0x0] =	vst.idx.msk $0xffff, v39  }
0x4cd: {  	[tilespmem:v38+s20+$0x0] =	vst.idx.msk $0xffff, v34;
	v63 =	vor.u32 v55, v48  }
0x4ce: {  	v20 =	vor.u32 v29, v22;
	v56 =	vor.u32 v55, v49;
	v5 =	vor.u32 v25, v24;
	[tilespmem:$0x1F350] =	vst v6  }
0x4cf: {  	v12 =	vand.u32 $0x3C8, v5;
	v5 =	vor.u32 v25, v57;
	[tilespmem:v10+s20+$0x0] =	vst.idx.msk $0xffff, v15;
	v10 =	vor.u32 v59, v32  }
0x4d0: {  	v18 =	vld.idx.msk [tilespmem:v18+s13+$0x0], $0xffff;
	v11 =	vand.u32 $0x398, v10;
	[tilespmem:v21+s20+$0x0] =	vst.idx.msk $0xffff, v16;
	v16 =	vor.u32 v12, v30  }
0x4d1: {  	v0 =	vand.u32 $0x3C8, v5;
	[tilespmem:v35+s20+$0x0] =	vst.idx.msk $0xffff, v19;
	v21 =	vor.u32 v11, v33;
	v19 =	vld.idx.msk [tilespmem:v37+s13+$0x0], $0xffff  }
0x4d2: {  	v17 =	vor.u32 v28, v45;
	[tilespmem:$0x1F310] =	vst v0;
	v35 =	vld.idx.msk [tilespmem:v63+s13+$0x0], $0xffff;
	v37 =	vor.u32 v0, v58  }
0x4d3: {  	v10 =	vor.u32 v25, v51;
	v63 =	vor.u32 v60, v52;
	[tilespmem:$0x1F360] =	vst v11;
	v0 =	vand.u32 $0x3D8, v20  }
0x4d4: {  	v59 =	vor.u32 v28, v46;
	v14 =	vand.u32 $0x3C8, v10;
	[tilespmem:$0x1F5B0] =	vst v0  }
0x4d5: {  	v20 =	vld.idx.msk [tilespmem:v56+s13+$0x0], $0xffff;
	v56 =	vor.u32 v14, v31;
	[tilespmem:v16+s20+$0x0] =	vst.idx.msk $0xffff, v18  }
0x4d6: {  	v2 =	vor.u32 v62, v32;
	[tilespmem:v21+s20+$0x0] =	vst.idx.msk $0xffff, v19  }
0x4d7: {  	v40 =	vld.idx.msk [tilespmem:v17+s13+$0x0], $0xffff;
	v5 =	vand.u32 $0x3A8, v2;
	[tilespmem:v37+s20+$0x0] =	vst.idx.msk $0xffff, v35  }
0x4d8: {  	v3 =	vor.u32 v29, v32;
	v60 =	vld.idx.msk [tilespmem:v63+s13+$0x0], $0xffff;
	[tilespmem:$0x1F370] =	vst v5  }
0x4d9: {  	v17 =	vor.u32 v29, v24;
	v34 =	vor.u32 v0, v4;
	v18 =	vor.u32 v28, v47;
	v36 =	vld.idx.msk [tilespmem:v59+s13+$0x0], $0xffff  }
0x4da: {  	v16 =	vor.u32 v29, v23;
	v19 =	vor.u32 v28, v48;
	[tilespmem:v56+s20+$0x0] =	vst.idx.msk $0xffff, v20;
	v9 =	vld [tilespmem:$0x1F6F0]  }
0x4db: {  	v20 =	vor.u32 v53, v52;
	v63 =	vor.u32 v29, v57;
	v53 =	vor.u32 v29, v51;
	v29 =	vld [tilespmem:$0x1F490]  }
0x4dc: {  	v62 =	vor.u32 v5, v33;
	v21 =	vor.u32 v28, v49;
	v10 =	vld [tilespmem:$0x1F2B0]  }
0x4dd: {  	v1 =	vand.u32 $0x3D8, v17;
	v27 =	vand.u32 $0x3D8, v16;
	v15 =	vld [tilespmem:$0x1F4A0]  }
0x4de: {  	v39 =	vor.u32 v1, v30;
	[tilespmem:$0x1F5D0] =	vst v1;
	v38 =	vor.u32 v27, v8;
	v13 =	vld [tilespmem:$0x1F2E0]  }
0x4df: {  	[tilespmem:v34+s20+$0x0] =	vst.idx.msk $0xffff, v40;
	v0 =	vand.u32 $0x3D8, v63;
	v59 =	vor.u32 v54, v32;
	v41 =	vld.idx.msk [tilespmem:v18+s13+$0x0], $0xffff  }
0x4e0: {  	v1 =	vand.u32 $0x3D8, v53;
	v54 =	vor.u32 v55, v52;
	[tilespmem:$0x1F5E0] =	vst v0;
	v56 =	vor.u32 v0, v58;
	v43 =	vld.idx.msk [tilespmem:v19+s13+$0x0], $0xffff  }
0x4e1: {  	v55 =	vor.u32 v50, v45;
	v21 =	vld.idx.msk [tilespmem:v21+s13+$0x0], $0xffff;
	[tilespmem:v62+s20+$0x0] =	vst.idx.msk $0xffff, v60;
	v60 =	vor.u32 v1, v31  }
0x4e2: {  	v17 =	vld [tilespmem:$0x1F2F0];
	[tilespmem:$0x1F320] =	vst v1;
	v62 =	vand.u32 $0x3B8, v59  }
0x4e3: {  	v63 =	vld.idx.msk [tilespmem:v20+s13+$0x0], $0xffff;
	v53 =	vor.u32 v62, v33;
	[tilespmem:v38+s20+$0x0] =	vst.idx.msk $0xffff, v36;
	v20 =	vor.u32 v61, v22  }
0x4e4: {  	v40 =	vor.u32 v50, v49;
	v16 =	vld [tilespmem:$0x1F520];
	v0 =	vand.u32 $0x3E8, v20;
	[tilespmem:v39+s20+$0x0] =	vst.idx.msk $0xffff, v41  }
0x4e5: {  	v35 =	vor.u32 v61, v51;
	v18 =	vld [tilespmem:$0x1F2C0];
	v42 =	vor.u32 v0, v4;
	[tilespmem:v56+s20+$0x0] =	vst.idx.msk $0xffff, v43  }
0x4e6: {  	v38 =	vld.idx.msk [tilespmem:v55+s13+$0x0], $0xffff;
	v56 =	vor.u32 v50, v46;
	[tilespmem:v60+s20+$0x0] =	vst.idx.msk $0xffff, v21;
	v21 =	vor.u32 v25, v32  }
0x4e7: {  	v19 =	vld [tilespmem:$0x1F4E0];
	v59 =	vor.u32 v50, v47;
	[tilespmem:$0x1F3C0] =	vst v0;
	v1 =	vand.u32 $0x3C8, v21;
	v21 =	vor.u32 v61, v23  }
0x4e8: {  	v43 =	vor.u32 v28, v52;
	v28 =	vld [tilespmem:$0x1F470];
	[tilespmem:v53+s20+$0x0] =	vst.idx.msk $0xffff, v63;
	v63 =	vor.u32 v61, v24;
	v2 =	vand.u32 $0x3E8, v21  }
0x4e9: {  	v34 =	vor.u32 v61, v57;
	v60 =	vor.u32 v50, v48;
	v40 =	vld.idx.msk [tilespmem:v40+s13+$0x0], $0xffff;
	v0 =	vand.u32 $0x3E8, v63;
	[tilespmem:$0x1F330] =	vst v2  }
0x4ea: {  	v36 =	vld.idx.msk [tilespmem:v54+s13+$0x0], $0xffff;
	v41 =	vor.u32 v1, v33;
	[tilespmem:$0x1F3D0] =	vst v0;
	v53 =	vor.u32 v2, v8  }
0x4eb: {  	v2 =	vand.u32 $0x3E8, v34;
	v54 =	vor.u32 v0, v30;
	[tilespmem:v42+s20+$0x0] =	vst.idx.msk $0xffff, v38;
	v39 =	vld.idx.msk [tilespmem:v56+s13+$0x0], $0xffff  }
0x4ec: {  	v0 =	vand.u32 $0x3E8, v35;
	v56 =	vld.idx.msk [tilespmem:v59+s13+$0x0], $0xffff;
	[tilespmem:$0x1F3E0] =	vst v2;
	v59 =	vor.u32 v2, v58;
	v2 =	vand.u32 $0x3D8, v3  }
0x4ed: {  	v55 =	vor.u32 v9, v45;
	v3 =	vor.u32 v0, v31;
	[tilespmem:$0x1F3B0] =	vst v2;
	v35 =	vor.u32 v2, v33;
	v2 =	vld [tilespmem:$0x1F6D0]  }
0x4ee: {  	[tilespmem:$0x1F3F0] =	vst v0;
	v37 =	vld.idx.msk [tilespmem:v60+s13+$0x0], $0xffff  }
0x4ef: {  	v25 =	vld [tilespmem:$0x1F480];
	[tilespmem:v41+s20+$0x0] =	vst.idx.msk $0xffff, v36  }
0x4f0: {  	v21 =	vld [tilespmem:$0x1F580];
	[tilespmem:v53+s20+$0x0] =	vst.idx.msk $0xffff, v39  }
0x4f1: {  	v63 =	vor.u32 v9, v52;
	v60 =	vor.u32 v9, v49;
	v34 =	vld.idx.msk [tilespmem:v43+s13+$0x0], $0xffff;
	[tilespmem:v54+s20+$0x0] =	vst.idx.msk $0xffff, v56  }
0x4f2: {  	v42 =	vld.idx.msk [tilespmem:v55+s13+$0x0], $0xffff;
	v53 =	vor.u32 v50, v52;
	[tilespmem:v3+s20+$0x0] =	vst.idx.msk $0xffff, v40;
	v22 =	vor.u32 v2, v22  }
0x4f3: {  	v55 =	vld [tilespmem:$0x1F5E0];
	v56 =	vor.u32 v9, v46;
	v3 =	vor.u32 v9, v47;
	[tilespmem:v59+s20+$0x0] =	vst.idx.msk $0xffff, v37;
	v0 =	vand.u32 $0x3F8, v22  }
0x4f4: {  	v22 =	vor.u32 v61, v32;
	v59 =	vor.u32 v0, v4;
	v4 =	vor.u32 v9, v48;
	v9 =	vld [tilespmem:$0x1F2A0]  }
0x4f5: {  	[tilespmem:$0x1F410] =	vst v0;
	v0 =	vand.u32 $0x3E8, v22;
	v22 =	vld [tilespmem:$0x1F540]  }
0x4f6: {  	v23 =	vor.u32 v2, v23;
	[tilespmem:v35+s20+$0x0] =	vst.idx.msk $0xffff, v34;
	v35 =	vld [tilespmem:$0x1F4C0]  }
0x4f7: {  	v24 =	vor.u32 v2, v24;
	[tilespmem:$0x1F400] =	vst v0;
	v61 =	vor.u32 v0, v33;
	v0 =	vand.u32 $0x3F8, v23;
	v39 =	vld.idx.msk [tilespmem:v53+s13+$0x0], $0xffff  }
0x4f8: {  	v36 =	vor.u32 v2, v57;
	[tilespmem:$0x1F420] =	vst v0;
	v8 =	vor.u32 v0, v8;
	v0 =	vand.u32 $0x3F8, v24;
	v3 =	vld.idx.msk [tilespmem:v3+s13+$0x0], $0xffff  }
0x4f9: {  	v51 =	vor.u32 v2, v51;
	[tilespmem:$0x1F430] =	vst v0;
	v30 =	vor.u32 v0, v30;
	v0 =	vand.u32 $0x3F8, v36;
	v50 =	vld.idx.msk [tilespmem:v4+s13+$0x0], $0xffff  }
0x4fa: {  	[tilespmem:$0x1F440] =	vst v0;
	v57 =	vor.u32 v0, v58;
	v0 =	vand.u32 $0x3F8, v51;
	v4 =	vor.u32 v2, v32;
	v2 =	vld [tilespmem:$0x1F700]  }
0x4fb: {  	v58 =	vld.idx.msk [tilespmem:v60+s13+$0x0], $0xffff;
	[tilespmem:$0x1F450] =	vst v0;
	v31 =	vor.u32 v0, v31  }
0x4fc: {  	v37 =	vld.idx.msk [tilespmem:v56+s13+$0x0], $0xffff;
	v0 =	vand.u32 $0x3F8, v4;
	[tilespmem:v61+s20+$0x0] =	vst.idx.msk $0xffff, v39  }
0x4fd: {  	[tilespmem:v59+s20+$0x0] =	vst.idx.msk $0xffff, v42;
	v33 =	vor.u32 v0, v33;
	v59 =	vld.idx.msk [tilespmem:v63+s13+$0x0], $0xffff  }
0x4fe: {  	v4 =	vld [tilespmem:$0x1F740]  }
0x4ff: {  	v23 =	vld [tilespmem:$0x1F4F0];
	[tilespmem:v30+s20+$0x0] =	vst.idx.msk $0xffff, v3;
	v60 =	vor.u32 v2, v45  }
0x500: {  	v3 =	vor.u32 v2, v46;
	[tilespmem:v31+s20+$0x0] =	vst.idx.msk $0xffff, v58;
	v58 =	vld [tilespmem:$0x1F290]  }
0x501: {  	v24 =	vld [tilespmem:$0x1F4D0];
	[tilespmem:v8+s20+$0x0] =	vst.idx.msk $0xffff, v37;
	v61 =	vor.u32 v2, v47;
	v63 =	vor.u32 v2, v48  }
0x502: {  	v40 =	vor.u32 v2, v52;
	[tilespmem:v33+s20+$0x0] =	vst.idx.msk $0xffff, v59;
	v33 =	vor.u32 v2, v49;
	v2 =	vld [tilespmem:$0x1F710]  }
0x503: {  	[tilespmem:v57+s20+$0x0] =	vst.idx.msk $0xffff, v50;
	v57 =	vld [tilespmem:$0x1F2D0];
	v8 =	vor.u32 v4, v28  }
0x504: {  	[tilespmem:$0x1F4B0] =	vst v44;
	v30 =	vor.u32 v4, v29;
	v38 =	vor.u32 v25, v8;
	v37 =	vld.idx.msk [tilespmem:v60+s13+$0x0], $0xffff  }
0x505: {  	[tilespmem:$0x1F460] =	vst v0;
	v3 =	vld.idx.msk [tilespmem:v3+s13+$0x0], $0xffff;
	v42 =	vor.u32 v58, v30  }
0x506: {  	v31 =	vor.u32 v4, v9;
	v51 =	vor.u32 v4, v15;
	v32 =	vor.u32 v4, v44;
	v39 =	vld.idx.msk [tilespmem:v61+s13+$0x0], $0xffff  }
0x507: {  	v53 =	vor.u32 v10, v31;
	v50 =	vor.u32 v18, v51;
	v54 =	vld.idx.msk [tilespmem:v63+s13+$0x0], $0xffff;
	v41 =	vor.u32 v2, v45  }
0x508: {  	v60 =	vor.u32 v35, v32;
	v43 =	vor.u32 v2, v46;
	v63 =	vor.u32 v2, v47;
	v0 =	vld.idx.msk [tilespmem:v33+s13+$0x0], $0xffff  }
0x509: {  	v20 =	vmov v44;
	v44 =	vor.u32 v2, v48;
	v33 =	vor.u32 v4, v7;
	v4 =	vld [tilespmem:$0x1F790];
	[tilespmem:v38+s20+$0x0] =	vst.idx.msk $0xffff, v37  }
0x50a: {  	v38 =	vor.u32 v2, v49;
	[tilespmem:v42+s20+$0x0] =	vst.idx.msk $0xffff, v3;
	v42 =	vor.u32 v2, v52;
	v2 =	vld [tilespmem:$0x1F750]  }
0x50b: {  	v37 =	vld.idx.msk [tilespmem:v40+s13+$0x0], $0xffff;
	v40 =	vor.u32 v6, v33  }
0x50c: {  	v3 =	vld.idx.msk [tilespmem:v41+s13+$0x0], $0xffff;
	v41 =	vor.u32 v24, v8  }
0x50d: {  	v34 =	vor.u32 v57, v30;
	[tilespmem:v53+s20+$0x0] =	vst.idx.msk $0xffff, v39;
	v39 =	vld.idx.msk [tilespmem:v43+s13+$0x0], $0xffff  }
0x50e: {  	[tilespmem:v50+s20+$0x0] =	vst.idx.msk $0xffff, v54;
	v54 =	vld.idx.msk [tilespmem:v63+s13+$0x0], $0xffff  }
0x50f: {  	v56 =	vor.u32 v13, v31;
	[tilespmem:v60+s20+$0x0] =	vst.idx.msk $0xffff, v0;
	v0 =	vld.idx.msk [tilespmem:v44+s13+$0x0], $0xffff;
	v50 =	vor.u32 v2, v46  }
0x510: {  	v43 =	vor.u32 v2, v45;
	[tilespmem:v40+s20+$0x0] =	vst.idx.msk $0xffff, v37;
	v37 =	vld.idx.msk [tilespmem:v38+s13+$0x0], $0xffff  }
0x511: {  	v44 =	vor.u32 v2, v47;
	v38 =	vor.u32 v2, v48;
	[tilespmem:v41+s20+$0x0] =	vst.idx.msk $0xffff, v3;
	v3 =	vld.idx.msk [tilespmem:v42+s13+$0x0], $0xffff  }
0x512: {  	v41 =	vor.u32 v2, v49;
	[tilespmem:v34+s20+$0x0] =	vst.idx.msk $0xffff, v39;
	v34 =	vor.u32 v2, v52;
	v2 =	vld [tilespmem:$0x1F780]  }
0x513: {  	v60 =	vor.u32 v17, v51;
	v42 =	vor.u32 v11, v33;
	v11 =	vld [tilespmem:$0x1F510]  }
0x514: {  	v40 =	vor.u32 v19, v32;
	[tilespmem:v56+s20+$0x0] =	vst.idx.msk $0xffff, v54;
	v54 =	vld.idx.msk [tilespmem:v50+s13+$0x0], $0xffff  }
0x515: {  	v50 =	vld [tilespmem:$0x1F500]  }
0x516: {  	v6 =	vld [tilespmem:$0x1F530]  }
0x517: {  	v39 =	vld.idx.msk [tilespmem:v43+s13+$0x0], $0xffff;
	v43 =	vor.u32 v23, v8  }
0x518: {  	[tilespmem:v60+s20+$0x0] =	vst.idx.msk $0xffff, v0;
	v0 =	vld.idx.msk [tilespmem:v44+s13+$0x0], $0xffff;
	v60 =	vor.u32 v11, v31  }
0x519: {  	[tilespmem:v40+s20+$0x0] =	vst.idx.msk $0xffff, v37;
	v37 =	vld.idx.msk [tilespmem:v38+s13+$0x0], $0xffff;
	v40 =	vor.u32 v16, v51;
	v38 =	vor.u32 v2, v47  }
0x51a: {  	v7 =	vld [tilespmem:$0x1F560];
	v56 =	vor.u32 v50, v30  }
0x51b: {  	v59 =	vor.u32 v2, v45;
	[tilespmem:v42+s20+$0x0] =	vst.idx.msk $0xffff, v3;
	v3 =	vld.idx.msk [tilespmem:v41+s13+$0x0], $0xffff  }
0x51c: {  	[tilespmem:v43+s20+$0x0] =	vst.idx.msk $0xffff, v39;
	v39 =	vld.idx.msk [tilespmem:v34+s13+$0x0], $0xffff;
	v34 =	vor.u32 v5, v33  }
0x51d: {  	v41 =	vor.u32 v2, v48;
	v42 =	vor.u32 v6, v32;
	v5 =	vld [tilespmem:$0x1F300];
	[tilespmem:v60+s20+$0x0] =	vst.idx.msk $0xffff, v0  }
0x51e: {  	v44 =	vor.u32 v2, v46;
	[tilespmem:v40+s20+$0x0] =	vst.idx.msk $0xffff, v37;
	v37 =	vld.idx.msk [tilespmem:v38+s13+$0x0], $0xffff  }
0x51f: {  	v43 =	vor.u32 v2, v49;
	[tilespmem:v56+s20+$0x0] =	vst.idx.msk $0xffff, v54;
	v56 =	vor.u32 v2, v52;
	v2 =	vld [tilespmem:$0x1F550]  }
0x520: {  	v40 =	vor.u32 v7, v31;
	v54 =	vld.idx.msk [tilespmem:v59+s13+$0x0], $0xffff  }
0x521: {  	v59 =	vor.u32 v22, v8;
	[tilespmem:v34+s20+$0x0] =	vst.idx.msk $0xffff, v39;
	v34 =	vld [tilespmem:$0x1F570]  }
0x522: {  	[tilespmem:v42+s20+$0x0] =	vst.idx.msk $0xffff, v3;
	v3 =	vld.idx.msk [tilespmem:v41+s13+$0x0], $0xffff;
	v41 =	vor.u32 v4, v47;
	v42 =	vor.u32 v5, v51  }
0x523: {  	v61 =	vld [tilespmem:$0x1F330]  }
0x524: {  	v0 =	vld.idx.msk [tilespmem:v44+s13+$0x0], $0xffff;
	v44 =	vor.u32 v4, v45;
	v60 =	vor.u32 v2, v30  }
0x525: {  	v39 =	vld.idx.msk [tilespmem:v43+s13+$0x0], $0xffff;
	[tilespmem:v40+s20+$0x0] =	vst.idx.msk $0xffff, v37  }
0x526: {  	v43 =	vor.u32 v4, v48;
	v53 =	vor.u32 v34, v32;
	[tilespmem:v59+s20+$0x0] =	vst.idx.msk $0xffff, v54;
	v54 =	vld.idx.msk [tilespmem:v56+s13+$0x0], $0xffff  }
0x527: {  	v56 =	vor.u32 v62, v33;
	[tilespmem:v42+s20+$0x0] =	vst.idx.msk $0xffff, v3;
	v3 =	vld.idx.msk [tilespmem:v41+s13+$0x0], $0xffff  }
0x528: {  	[tilespmem:$0x1F380] =	vst v62;
	v59 =	vor.u32 v4, v49;
	v62 =	vld [tilespmem:$0x1F310]  }
0x529: {  	v38 =	vor.u32 v4, v46;
	[tilespmem:v60+s20+$0x0] =	vst.idx.msk $0xffff, v0;
	v0 =	vld.idx.msk [tilespmem:v44+s13+$0x0], $0xffff  }
0x52a: {  	[tilespmem:$0x1F5A0] =	vst v14;
	v42 =	vor.u32 v12, v31;
	v60 =	vor.u32 v4, v52;
	v4 =	vld [tilespmem:$0x1F7B0]  }
0x52b: {  	v44 =	vor.u32 v21, v8;
	[tilespmem:v53+s20+$0x0] =	vst.idx.msk $0xffff, v39;
	v39 =	vld.idx.msk [tilespmem:v43+s13+$0x0], $0xffff  }
0x52c: {  	v40 =	vor.u32 v26, v30;
	v26 =	vmov v14;
	[tilespmem:v56+s20+$0x0] =	vst.idx.msk $0xffff, v54;
	v56 =	vor.u32 v14, v32;
	v14 =	vld [tilespmem:$0x1F5B0]  }
0x52d: {  	v54 =	vld.idx.msk [tilespmem:v59+s13+$0x0], $0xffff  }
0x52e: {  	[tilespmem:$0x1F5C0] =	vst v27;
	v37 =	vld.idx.msk [tilespmem:v38+s13+$0x0], $0xffff  }
0x52f: {  	v36 =	vmov v27;
	[tilespmem:v42+s20+$0x0] =	vst.idx.msk $0xffff, v3;
	v42 =	vor.u32 v27, v30;
	v27 =	vld [tilespmem:$0x1F5D0];
	v38 =	vor.u32 v4, v45  }
0x530: {  	v41 =	vor.u32 v4, v46;
	[tilespmem:v44+s20+$0x0] =	vst.idx.msk $0xffff, v0;
	v0 =	vld.idx.msk [tilespmem:v60+s13+$0x0], $0xffff  }
0x531: {  	[tilespmem:$0x1F3A0] =	vst v1;
	v53 =	vor.u32 v62, v51;
	v43 =	vor.u32 v4, v47;
	v60 =	vor.u32 v1, v33;
	v1 =	vld [tilespmem:$0x1F7D0]  }
0x532: {  	v59 =	vor.u32 v4, v48;
	[tilespmem:v56+s20+$0x0] =	vst.idx.msk $0xffff, v54;
	v56 =	vld [tilespmem:$0x1F320]  }
0x533: {  	v44 =	vor.u32 v4, v49;
	[tilespmem:v40+s20+$0x0] =	vst.idx.msk $0xffff, v37;
	v40 =	vor.u32 v4, v52;
	v4 =	vld [tilespmem:$0x1F3B0]  }
0x534: {  	v37 =	vld.idx.msk [tilespmem:v38+s13+$0x0], $0xffff;
	v38 =	vor.u32 v14, v8  }
0x535: {  	v3 =	vld.idx.msk [tilespmem:v41+s13+$0x0], $0xffff  }
0x536: {  	[tilespmem:v53+s20+$0x0] =	vst.idx.msk $0xffff, v39;
	v39 =	vld.idx.msk [tilespmem:v43+s13+$0x0], $0xffff  }
0x537: {  	v54 =	vld.idx.msk [tilespmem:v59+s13+$0x0], $0xffff  }
0x538: {  	v53 =	vor.u32 v27, v31;
	[tilespmem:v60+s20+$0x0] =	vst.idx.msk $0xffff, v0;
	v0 =	vld.idx.msk [tilespmem:v44+s13+$0x0], $0xffff  }
0x539: {  	v41 =	vor.u32 v1, v45;
	v43 =	vor.u32 v1, v46;
	[tilespmem:v38+s20+$0x0] =	vst.idx.msk $0xffff, v37;
	v37 =	vld.idx.msk [tilespmem:v40+s13+$0x0], $0xffff  }
0x53a: {  	v59 =	vor.u32 v1, v47;
	v44 =	vor.u32 v1, v48;
	v40 =	vor.u32 v4, v33;
	v4 =	vld [tilespmem:$0x1F3C0]  }
0x53b: {  	v38 =	vor.u32 v1, v49;
	[tilespmem:v42+s20+$0x0] =	vst.idx.msk $0xffff, v3;
	v42 =	vor.u32 v1, v52;
	v1 =	vld [tilespmem:$0x1F7E0]  }
0x53c: {  	v63 =	vor.u32 v55, v51  }
0x53d: {  	v60 =	vor.u32 v56, v32;
	_ =	sdelay $0x1  }
0x53e: {  	v3 =	vld.idx.msk [tilespmem:v41+s13+$0x0], $0xffff;
	v41 =	vor.u32 v4, v8  }
0x53f: {  	[tilespmem:v53+s20+$0x0] =	vst.idx.msk $0xffff, v39;
	v53 =	vor.u32 v61, v30;
	v39 =	vld.idx.msk [tilespmem:v43+s13+$0x0], $0xffff;
	v43 =	vor.u32 v1, v45  }
0x540: {  	[tilespmem:v63+s20+$0x0] =	vst.idx.msk $0xffff, v54;
	v54 =	vld.idx.msk [tilespmem:v59+s13+$0x0], $0xffff  }
0x541: {  	[tilespmem:v60+s20+$0x0] =	vst.idx.msk $0xffff, v0;
	v4 =	vld [tilespmem:$0x1F3D0]  }
0x542: {  	v0 =	vld.idx.msk [tilespmem:v44+s13+$0x0], $0xffff;
	[tilespmem:v40+s20+$0x0] =	vst.idx.msk $0xffff, v37  }
0x543: {  	v37 =	vld.idx.msk [tilespmem:v38+s13+$0x0], $0xffff;
	[tilespmem:v41+s20+$0x0] =	vst.idx.msk $0xffff, v3  }
0x544: {  	v59 =	vor.u32 v1, v46;
	v44 =	vor.u32 v1, v47;
	[tilespmem:v53+s20+$0x0] =	vst.idx.msk $0xffff, v39;
	v39 =	vld.idx.msk [tilespmem:v43+s13+$0x0], $0xffff  }
0x545: {  	v38 =	vor.u32 v1, v48;
	v41 =	vor.u32 v1, v49;
	v43 =	vor.u32 v1, v52;
	v1 =	vld [tilespmem:$0x1F420]  }
0x546: {  	v63 =	vor.u32 v4, v31;
	v4 =	vld [tilespmem:$0x1F3E0];
	_ =	sdelay $0x3  }
0x547: {  	v30 =	vor.u32 v1, v30;
	v1 =	vld [tilespmem:$0x1F430]  }
0x548: {  	v60 =	vor.u32 v4, v51;
	v4 =	vld [tilespmem:$0x1F3F0];
	_ =	sdelay $0x3  }
0x549: {  	v31 =	vor.u32 v1, v31;
	v1 =	vld [tilespmem:$0x1F440]  }
0x54a: {  	v40 =	vor.u32 v4, v32;
	v4 =	vld [tilespmem:$0x1F400];
	_ =	sdelay $0x1  }
0x54b: {  	v3 =	vld.idx.msk [tilespmem:v42+s13+$0x0], $0xffff  }
0x54c: {  	v53 =	vld.idx.msk [tilespmem:v59+s13+$0x0], $0xffff  }
0x54d: {  	v59 =	vor.u32 v1, v51;
	v1 =	vld [tilespmem:$0x1F450]  }
0x54e: {  	v42 =	vor.u32 v4, v33;
	v4 =	vld [tilespmem:$0x1F410];
	_ =	sdelay $0x3  }
0x54f: {  	[tilespmem:v63+s20+$0x0] =	vst.idx.msk $0xffff, v54;
	v32 =	vor.u32 v1, v32;
	v1 =	vld [tilespmem:$0x1F460]  }
0x550: {  	[tilespmem:v60+s20+$0x0] =	vst.idx.msk $0xffff, v0;
	v8 =	vor.u32 v4, v8  }
0x551: {  	v0 =	vld.idx.msk [tilespmem:v44+s13+$0x0], $0xffff;
	[tilespmem:v40+s20+$0x0] =	vst.idx.msk $0xffff, v37  }
0x552: {  	[tilespmem:v42+s20+$0x0] =	vst.idx.msk $0xffff, v3;
	v3 =	vld.idx.msk [tilespmem:v41+s13+$0x0], $0xffff  }
0x553: {  	v4 =	vld [tilespmem:$0x1F800]  }
0x554: {  	v33 =	vor.u32 v1, v33;
	v1 =	vld [tilespmem:$0x1F7F0]  }
0x555: {  	[tilespmem:v8+s20+$0x0] =	vst.idx.msk $0xffff, v39;
	v8 =	vld.idx.msk [tilespmem:v43+s13+$0x0], $0xffff;
	_ =	sdelay $0x1  }
0x556: {  	[tilespmem:v30+s20+$0x0] =	vst.idx.msk $0xffff, v53  }
0x557: {  	[tilespmem:v31+s20+$0x0] =	vst.idx.msk $0xffff, v0;
	v51 =	vor.u32 v4, v15  }
0x558: {  	v54 =	vld.idx.msk [tilespmem:v38+s13+$0x0], $0xffff;
	[tilespmem:v32+s20+$0x0] =	vst.idx.msk $0xffff, v3;
	v30 =	vor.u32 v1, v45;
	v0 =	vor.u32 v1, v46  }
0x559: {  	v15 =	vld [tilespmem:$0x1F390];
	v60 =	vor.u32 v1, v47;
	v3 =	vor.u32 v1, v48;
	[tilespmem:v33+s20+$0x0] =	vst.idx.msk $0xffff, v8  }
0x55a: {  	v8 =	vor.u32 v4, v28;
	v63 =	vor.u32 v1, v49;
	v40 =	vor.u32 v1, v52;
	v1 =	vld [tilespmem:$0x1F810]  }
0x55b: {  	v31 =	vor.u32 v4, v9;
	v39 =	vor.u32 v25, v8;
	v25 =	vmov v9;
	v9 =	vld [tilespmem:$0x1F340]  }
0x55c: {  	v44 =	vor.u32 v10, v31;
	v28 =	vmov v10;
	v10 =	vld [tilespmem:$0x1F3A0]  }
0x55d: {  	v38 =	vld.idx.msk [tilespmem:v30+s13+$0x0], $0xffff  }
0x55e: {  	[tilespmem:v59+s20+$0x0] =	vst.idx.msk $0xffff, v54;
	v30 =	vor.u32 v4, v29;
	v0 =	vld.idx.msk [tilespmem:v0+s13+$0x0], $0xffff  }
0x55f: {  	v3 =	vld.idx.msk [tilespmem:v3+s13+$0x0], $0xffff;
	v42 =	vor.u32 v58, v30  }
0x560: {  	v54 =	vor.u32 v18, v51;
	v32 =	vor.u32 v4, v20;
	v33 =	vor.u32 v4, v9;
	v4 =	vld [tilespmem:$0x1F350]  }
0x561: {  	v41 =	vor.u32 v1, v45;
	v37 =	vld.idx.msk [tilespmem:v60+s13+$0x0], $0xffff  }
0x562: {  	v43 =	vor.u32 v1, v46;
	v53 =	vor.u32 v1, v47;
	v59 =	vld.idx.msk [tilespmem:v63+s13+$0x0], $0xffff  }
0x563: {  	v60 =	vor.u32 v1, v48;
	v63 =	vor.u32 v35, v32;
	[tilespmem:v39+s20+$0x0] =	vst.idx.msk $0xffff, v38;
	v38 =	vld.idx.msk [tilespmem:v40+s13+$0x0], $0xffff  }
0x564: {  	v39 =	vor.u32 v1, v49;
	[tilespmem:v42+s20+$0x0] =	vst.idx.msk $0xffff, v0;
	v42 =	vor.u32 v1, v52;
	v1 =	vld [tilespmem:$0x1F840]  }
0x565: {  	v29 =	vmov v13;
	[tilespmem:v54+s20+$0x0] =	vst.idx.msk $0xffff, v3;
	v54 =	vor.u32 v13, v31;
	v13 =	vld [tilespmem:$0x1F360];
	v35 =	vor.u32 v4, v33  }
0x566: {  	v0 =	vld.idx.msk [tilespmem:v41+s13+$0x0], $0xffff;
	v41 =	vor.u32 v24, v8  }
0x567: {  	[tilespmem:v44+s20+$0x0] =	vst.idx.msk $0xffff, v37;
	v44 =	vor.u32 v57, v30;
	v37 =	vld.idx.msk [tilespmem:v43+s13+$0x0], $0xffff  }
0x568: {  	v3 =	vld.idx.msk [tilespmem:v53+s13+$0x0], $0xffff  }
0x569: {  	[tilespmem:v63+s20+$0x0] =	vst.idx.msk $0xffff, v59;
	v63 =	vor.u32 v17, v51;
	v59 =	vld.idx.msk [tilespmem:v60+s13+$0x0], $0xffff;
	v43 =	vor.u32 v1, v45  }
0x56a: {  	v24 =	vld [tilespmem:$0x1F3C0];
	v53 =	vor.u32 v1, v46;
	v60 =	vor.u32 v1, v47;
	[tilespmem:v35+s20+$0x0] =	vst.idx.msk $0xffff, v38  }
0x56b: {  	v38 =	vld.idx.msk [tilespmem:v39+s13+$0x0], $0xffff;
	v39 =	vor.u32 v1, v48;
	v35 =	vor.u32 v19, v32;
	[tilespmem:v41+s20+$0x0] =	vst.idx.msk $0xffff, v0  }
0x56c: {  	v41 =	vor.u32 v1, v49;
	[tilespmem:v44+s20+$0x0] =	vst.idx.msk $0xffff, v37;
	v44 =	vor.u32 v1, v52;
	v1 =	vld [tilespmem:$0x1F860]  }
0x56d: {  	v0 =	vld.idx.msk [tilespmem:v42+s13+$0x0], $0xffff;
	v42 =	vor.u32 v13, v33  }
0x56e: {  	v37 =	vld.idx.msk [tilespmem:v43+s13+$0x0], $0xffff;
	v43 =	vor.u32 v23, v8  }
0x56f: {  	[tilespmem:v54+s20+$0x0] =	vst.idx.msk $0xffff, v3;
	v54 =	vor.u32 v50, v30;
	v3 =	vld.idx.msk [tilespmem:v53+s13+$0x0], $0xffff  }
0x570: {  	[tilespmem:v63+s20+$0x0] =	vst.idx.msk $0xffff, v59;
	v63 =	vor.u32 v11, v31;
	v11 =	vld [tilespmem:$0x1F370]  }
0x571: {  	v59 =	vld.idx.msk [tilespmem:v60+s13+$0x0], $0xffff;
	[tilespmem:v35+s20+$0x0] =	vst.idx.msk $0xffff, v38;
	v35 =	vor.u32 v16, v51;
	v53 =	vor.u32 v1, v45  }
0x572: {  	v38 =	vld.idx.msk [tilespmem:v39+s13+$0x0], $0xffff;
	v60 =	vor.u32 v1, v46;
	v50 =	vor.u32 v1, v47;
	[tilespmem:v42+s20+$0x0] =	vst.idx.msk $0xffff, v0  }
0x573: {  	v0 =	vld.idx.msk [tilespmem:v41+s13+$0x0], $0xffff;
	v41 =	vor.u32 v1, v48;
	v42 =	vor.u32 v6, v32;
	[tilespmem:v43+s20+$0x0] =	vst.idx.msk $0xffff, v37  }
0x574: {  	v43 =	vor.u32 v1, v49;
	[tilespmem:v54+s20+$0x0] =	vst.idx.msk $0xffff, v3;
	v54 =	vor.u32 v1, v52;
	v1 =	vld [tilespmem:$0x1F880]  }
0x575: {  	v37 =	vld.idx.msk [tilespmem:v44+s13+$0x0], $0xffff;
	v44 =	vor.u32 v11, v33  }
0x576: {  	v3 =	vld.idx.msk [tilespmem:v53+s13+$0x0], $0xffff;
	v53 =	vor.u32 v22, v8  }
0x577: {  	[tilespmem:v63+s20+$0x0] =	vst.idx.msk $0xffff, v59;
	v63 =	vor.u32 v2, v30;
	v59 =	vld.idx.msk [tilespmem:v60+s13+$0x0], $0xffff  }
0x578: {  	[tilespmem:v35+s20+$0x0] =	vst.idx.msk $0xffff, v38;
	v35 =	vor.u32 v7, v31;
	v7 =	vld [tilespmem:$0x1F380]  }
0x579: {  	v38 =	vld.idx.msk [tilespmem:v50+s13+$0x0], $0xffff;
	[tilespmem:v42+s20+$0x0] =	vst.idx.msk $0xffff, v0;
	v42 =	vor.u32 v5, v51;
	v60 =	vor.u32 v1, v45  }
0x57a: {  	v0 =	vld.idx.msk [tilespmem:v41+s13+$0x0], $0xffff;
	v50 =	vor.u32 v1, v46;
	v41 =	vor.u32 v1, v47;
	[tilespmem:v44+s20+$0x0] =	vst.idx.msk $0xffff, v37  }
0x57b: {  	v37 =	vld.idx.msk [tilespmem:v43+s13+$0x0], $0xffff;
	v43 =	vor.u32 v1, v48;
	v44 =	vor.u32 v34, v32;
	[tilespmem:v53+s20+$0x0] =	vst.idx.msk $0xffff, v3  }
0x57c: {  	v53 =	vor.u32 v1, v49;
	[tilespmem:v63+s20+$0x0] =	vst.idx.msk $0xffff, v59;
	v63 =	vor.u32 v1, v52;
	v1 =	vld [tilespmem:$0x1F8B0]  }
0x57d: {  	v3 =	vld.idx.msk [tilespmem:v54+s13+$0x0], $0xffff;
	v54 =	vor.u32 v7, v33  }
0x57e: {  	v59 =	vld.idx.msk [tilespmem:v60+s13+$0x0], $0xffff;
	v60 =	vor.u32 v21, v8  }
0x57f: {  	[tilespmem:v35+s20+$0x0] =	vst.idx.msk $0xffff, v38;
	v35 =	vor.u32 v15, v30;
	v50 =	vld.idx.msk [tilespmem:v50+s13+$0x0], $0xffff  }
0x580: {  	v19 =	vld [tilespmem:$0x1F3B0];
	[tilespmem:v42+s20+$0x0] =	vst.idx.msk $0xffff, v0;
	v42 =	vor.u32 v12, v31  }
0x581: {  	v0 =	vld.idx.msk [tilespmem:v41+s13+$0x0], $0xffff;
	[tilespmem:v44+s20+$0x0] =	vst.idx.msk $0xffff, v37;
	v44 =	vor.u32 v62, v51;
	v34 =	vor.u32 v1, v45  }
0x582: {  	v37 =	vld.idx.msk [tilespmem:v43+s13+$0x0], $0xffff;
	v41 =	vor.u32 v1, v46;
	v43 =	vor.u32 v1, v47;
	[tilespmem:v54+s20+$0x0] =	vst.idx.msk $0xffff, v3  }
0x583: {  	v3 =	vld.idx.msk [tilespmem:v53+s13+$0x0], $0xffff;
	v53 =	vor.u32 v1, v48;
	v54 =	vor.u32 v26, v32;
	[tilespmem:v60+s20+$0x0] =	vst.idx.msk $0xffff, v59  }
0x584: {  	v60 =	vor.u32 v1, v49;
	[tilespmem:v35+s20+$0x0] =	vst.idx.msk $0xffff, v50;
	v35 =	vor.u32 v1, v52;
	v1 =	vld [tilespmem:$0x1F8F0]  }
0x585: {  	v59 =	vld.idx.msk [tilespmem:v63+s13+$0x0], $0xffff;
	v63 =	vor.u32 v10, v33  }
0x586: {  	v50 =	vld.idx.msk [tilespmem:v34+s13+$0x0], $0xffff;
	v34 =	vor.u32 v14, v8  }
0x587: {  	[tilespmem:v42+s20+$0x0] =	vst.idx.msk $0xffff, v0;
	v42 =	vor.u32 v36, v30;
	v0 =	vld.idx.msk [tilespmem:v41+s13+$0x0], $0xffff  }
0x588: {  	[tilespmem:v44+s20+$0x0] =	vst.idx.msk $0xffff, v37;
	v37 =	vld.idx.msk [tilespmem:v43+s13+$0x0], $0xffff  }
0x589: {  	v44 =	vor.u32 v27, v31;
	[tilespmem:v54+s20+$0x0] =	vst.idx.msk $0xffff, v3;
	v3 =	vld.idx.msk [tilespmem:v53+s13+$0x0], $0xffff;
	v41 =	vor.u32 v1, v45  }
0x58a: {  	v43 =	vor.u32 v1, v46;
	v53 =	vor.u32 v1, v47;
	[tilespmem:v63+s20+$0x0] =	vst.idx.msk $0xffff, v59;
	v59 =	vld.idx.msk [tilespmem:v60+s13+$0x0], $0xffff  }
0x58b: {  	v60 =	vor.u32 v1, v48;
	[tilespmem:v34+s20+$0x0] =	vst.idx.msk $0xffff, v50;
	v50 =	vld.idx.msk [tilespmem:v35+s13+$0x0], $0xffff;
	v34 =	vor.u32 v1, v49  }
0x58c: {  	v35 =	vor.u32 v19, v33;
	[tilespmem:v42+s20+$0x0] =	vst.idx.msk $0xffff, v0;
	v42 =	vor.u32 v1, v52;
	v1 =	vld [tilespmem:$0x1F920];
	_ =	sdelay $0x1  }
0x58d: {  	v23 =	vld [tilespmem:$0x1F400]  }
0x58e: {  	v0 =	vld.idx.msk [tilespmem:v41+s13+$0x0], $0xffff  }
0x58f: {  	[tilespmem:v44+s20+$0x0] =	vst.idx.msk $0xffff, v37;
	v41 =	vor.u32 v24, v8;
	v37 =	vld.idx.msk [tilespmem:v43+s13+$0x0], $0xffff  }
0x590: {  	v44 =	vor.u32 v61, v30;
	v43 =	vor.u32 v1, v45;
	[tilespmem:v35+s20+$0x0] =	vst.idx.msk $0xffff, v50;
	v35 =	vld [tilespmem:$0x1F410]  }
0x591: {  	v20 =	vld [tilespmem:$0x1F460]  }
0x592: {  	v22 =	vld [tilespmem:$0x1F3E0];
	v54 =	vor.u32 v55, v51  }
0x593: {  	v55 =	vld [tilespmem:$0x1F3D0];
	v63 =	vor.u32 v56, v32  }
0x594: {  	[tilespmem:v41+s20+$0x0] =	vst.idx.msk $0xffff, v0;
	v0 =	vld.idx.msk [tilespmem:v42+s13+$0x0], $0xffff;
	v42 =	vor.u32 v23, v33  }
0x595: {  	[tilespmem:v44+s20+$0x0] =	vst.idx.msk $0xffff, v37;
	v37 =	vld.idx.msk [tilespmem:v43+s13+$0x0], $0xffff;
	v8 =	vor.u32 v35, v8;
	v43 =	vor.u32 v1, v52  }
0x596: {  	v2 =	vld [tilespmem:$0x1F470]  }
0x597: {  	v21 =	vld [tilespmem:$0x1F980];
	[tilespmem:v54+s20+$0x0] =	vst.idx.msk $0xffff, v3  }
0x598: {  	v54 =	vor.u32 v55, v31;
	v3 =	vld.idx.msk [tilespmem:v53+s13+$0x0], $0xffff;
	[tilespmem:v63+s20+$0x0] =	vst.idx.msk $0xffff, v59  }
0x599: {  	v59 =	vld.idx.msk [tilespmem:v60+s13+$0x0], $0xffff;
	v63 =	vor.u32 v22, v51;
	[tilespmem:v42+s20+$0x0] =	vst.idx.msk $0xffff, v0  }
0x59a: {  	v33 =	vor.u32 v20, v33;
	[tilespmem:v8+s20+$0x0] =	vst.idx.msk $0xffff, v37;
	v8 =	vld.idx.msk [tilespmem:v43+s13+$0x0], $0xffff  }
0x59b: {  	v38 =	vld.idx.msk [tilespmem:v34+s13+$0x0], $0xffff  }
0x59c: {  	v53 =	vor.u32 v1, v46;
	v34 =	vld [tilespmem:$0x1F3F0]  }
0x59d: {  	v60 =	vor.u32 v1, v47;
	[tilespmem:v54+s20+$0x0] =	vst.idx.msk $0xffff, v3;
	v54 =	vld [tilespmem:$0x1F420]  }
0x59e: {  	[tilespmem:v63+s20+$0x0] =	vst.idx.msk $0xffff, v59;
	v59 =	vld [tilespmem:$0x1F430]  }
0x59f: {  	[tilespmem:v33+s20+$0x0] =	vst.idx.msk $0xffff, v8;
	v8 =	vor.u32 v21, v2;
	v2 =	vld [tilespmem:$0x1F480]  }
0x5a0: {  	v63 =	vld [tilespmem:$0x1F450]  }
0x5a1: {  	v50 =	vor.u32 v34, v32;
	v3 =	vld.idx.msk [tilespmem:v53+s13+$0x0], $0xffff  }
0x5a2: {  	v41 =	vor.u32 v1, v49;
	v53 =	vld.idx.msk [tilespmem:v60+s13+$0x0], $0xffff  }
0x5a3: {  	v39 =	vor.u32 v1, v48;
	v1 =	vld [tilespmem:$0x1F990];
	v31 =	vor.u32 v59, v31  }
0x5a4: {  	v30 =	vor.u32 v54, v30;
	v33 =	vor.u32 v2, v8;
	v2 =	vld [tilespmem:$0x1F490];
	_ =	sdelay $0x1  }
0x5a5: {  	[tilespmem:v50+s20+$0x0] =	vst.idx.msk $0xffff, v38  }
0x5a6: {  	v32 =	vor.u32 v63, v32;
	v0 =	vld.idx.msk [tilespmem:v41+s13+$0x0], $0xffff  }
0x5a7: {  	v60 =	vld [tilespmem:$0x1F440];
	[tilespmem:v31+s20+$0x0] =	vst.idx.msk $0xffff, v53;
	v31 =	vor.u32 v1, v46  }
0x5a8: {  	[tilespmem:v30+s20+$0x0] =	vst.idx.msk $0xffff, v3;
	v30 =	vor.u32 v21, v2;
	v2 =	vld [tilespmem:$0x1F4A0];
	_ =	sdelay $0x1  }
0x5a9: {  	v50 =	vld.idx.msk [tilespmem:v39+s13+$0x0], $0xffff;
	v38 =	vor.u32 v1, v52;
	v3 =	vor.u32 v1, v45;
	v53 =	vor.u32 v1, v47  }
0x5aa: {  	[tilespmem:v32+s20+$0x0] =	vst.idx.msk $0xffff, v0;
	v0 =	vor.u32 v1, v48;
	v32 =	vor.u32 v1, v49;
	v1 =	vld [tilespmem:$0x1FA20]  }
0x5ab: {  	v39 =	vld.idx.msk [tilespmem:v31+s13+$0x0], $0xffff;
	v31 =	vor.u32 v21, v25  }
0x5ac: {  	v51 =	vor.u32 v60, v51;
	v42 =	vor.u32 v28, v31;
	v28 =	vor.u32 v21, v2;
	v2 =	vld [tilespmem:$0x1F4B0]  }
0x5ad: {  	v36 =	vld [tilespmem:$0x1FFB0]  }
0x5ae: {  	[tilespmem:$0x1F590] =	vst v12;
	v12 =	vor.u32 v21, v9;
	v3 =	vld.idx.msk [tilespmem:v3+s13+$0x0], $0xffff  }
0x5af: {  	v6 =	vor.u32 v4, v12;
	v4 =	vld [tilespmem:$0x1F550]  }
0x5b0: {  	v37 =	vld.idx.msk [tilespmem:v53+s13+$0x0], $0xffff;
	v41 =	vor.u32 v1, v45;
	v40 =	vor.u32 v58, v30  }
0x5b1: {  	[tilespmem:v51+s20+$0x0] =	vst.idx.msk $0xffff, v50;
	v14 =	vor.u32 v21, v2;
	v2 =	vld [tilespmem:$0x1F4C0]  }
0x5b2: {  	v43 =	vor.u32 v1, v46;
	v0 =	vld.idx.msk [tilespmem:v0+s13+$0x0], $0xffff  }
0x5b3: {  	[tilespmem:v33+s20+$0x0] =	vst.idx.msk $0xffff, v3;
	v3 =	vld.idx.msk [tilespmem:v38+s13+$0x0], $0xffff  }
0x5b4: {  	v32 =	vld.idx.msk [tilespmem:v32+s13+$0x0], $0xffff;
	v58 =	vor.u32 v1, v47;
	v44 =	vor.u32 v18, v28  }
0x5b5: {  	v38 =	vld.idx.msk [tilespmem:v41+s13+$0x0], $0xffff;
	[tilespmem:v40+s20+$0x0] =	vst.idx.msk $0xffff, v39;
	v40 =	vor.u32 v1, v52  }
0x5b6: {  	v27 =	vor.u32 v1, v48;
	v33 =	vor.u32 v1, v49;
	v1 =	vld [tilespmem:$0x1FA70];
	v50 =	vor.u32 v2, v14  }
0x5b7: {  	[tilespmem:v42+s20+$0x0] =	vst.idx.msk $0xffff, v37;
	v37 =	vld.idx.msk [tilespmem:v43+s13+$0x0], $0xffff  }
0x5b8: {  	[tilespmem:v6+s20+$0x0] =	vst.idx.msk $0xffff, v3;
	v21 =	vld [tilespmem:$0x1FFF0]  }
0x5b9: {  	[tilespmem:v44+s20+$0x0] =	vst.idx.msk $0xffff, v0;
	v0 =	vld.idx.msk [tilespmem:v58+s13+$0x0], $0xffff  }
0x5ba: {  	v41 =	vor.u32 v57, v30;
	v51 =	vld.idx.msk [tilespmem:v40+s13+$0x0], $0xffff  }
0x5bb: {  	v57 =	vor.u32 v1, v46;
	v2 =	vld [tilespmem:$0x1F4D0];
	[tilespmem:v50+s20+$0x0] =	vst.idx.msk $0xffff, v32  }
0x5bc: {  	v42 =	vor.u32 v1, v45;
	v58 =	vor.u32 v1, v47;
	v6 =	vld.idx.msk [tilespmem:v33+s13+$0x0], $0xffff  }
0x5bd: {  	v3 =	vor.u32 v1, v48;
	v53 =	vor.u32 v1, v52;
	v33 =	vor.u32 v1, v49;
	v1 =	vld [tilespmem:$0x1F500]  }
0x5be: {  	v44 =	vld [tilespmem:$0x1FAD0]  }
0x5bf: {  	v43 =	vor.u32 v29, v31;
	v40 =	vld [tilespmem:$0x1FF40];
	[tilespmem:v41+s20+$0x0] =	vst.idx.msk $0xffff, v37  }
0x5c0: {  	v41 =	vld.idx.msk [tilespmem:v57+s13+$0x0], $0xffff  }
0x5c1: {  	v39 =	vor.u32 v2, v8;
	v2 =	vld [tilespmem:$0x1F4E0]  }
0x5c2: {  	v57 =	vor.u32 v1, v30;
	v1 =	vld [tilespmem:$0x1F510]  }
0x5c3: {  	v27 =	vld.idx.msk [tilespmem:v27+s13+$0x0], $0xffff  }
0x5c4: {  	[tilespmem:v43+s20+$0x0] =	vst.idx.msk $0xffff, v0;
	v0 =	vld [tilespmem:$0x1FAD0];
	v32 =	vor.u32 v17, v28  }
0x5c5: {  	v58 =	vld.idx.msk [tilespmem:v58+s13+$0x0], $0xffff  }
0x5c6: {  	v29 =	vor.u32 v2, v14;
	v2 =	vld [tilespmem:$0x1F4F0]  }
0x5c7: {  	v50 =	vor.u32 v1, v31;
	v1 =	vld [tilespmem:$0x1F520]  }
0x5c8: {  	[tilespmem:v39+s20+$0x0] =	vst.idx.msk $0xffff, v38;
	v38 =	vld [tilespmem:$0x1FF20]  }
0x5c9: {  	[tilespmem:v32+s20+$0x0] =	vst.idx.msk $0xffff, v27;
	v32 =	vld [tilespmem:$0x1FF70]  }
0x5ca: {  	v37 =	vld.idx.msk [tilespmem:v42+s13+$0x0], $0xffff  }
0x5cb: {  	v3 =	vld.idx.msk [tilespmem:v3+s13+$0x0], $0xffff  }
0x5cc: {  	v16 =	vmov v5;
	v5 =	vor.u32 v13, v12;
	[tilespmem:v29+s20+$0x0] =	vst.idx.msk $0xffff, v6;
	v29 =	vor.u32 v1, v28;
	v1 =	vld [tilespmem:$0x1F530]  }
0x5cd: {  	v42 =	vld [tilespmem:$0x1FF00];
	v39 =	vor.u32 v2, v8  }
0x5ce: {  	[tilespmem:v50+s20+$0x0] =	vst.idx.msk $0xffff, v58;
	v50 =	vor.u32 v4, v30;
	v4 =	vld [tilespmem:$0x1F560]  }
0x5cf: {  	v27 =	vor.u32 v44, v46;
	v33 =	vld.idx.msk [tilespmem:v33+s13+$0x0], $0xffff  }
0x5d0: {  	v0 =	vor.u32 v0, v45;
	[tilespmem:v57+s20+$0x0] =	vst.idx.msk $0xffff, v41;
	v41 =	vld [tilespmem:$0x1FF50]  }
0x5d1: {  	[tilespmem:v5+s20+$0x0] =	vst.idx.msk $0xffff, v51;
	v51 =	vor.u32 v1, v14;
	v1 =	vld [tilespmem:$0x1F540]  }
0x5d2: {  	v6 =	vor.u32 v44, v47;
	[tilespmem:v39+s20+$0x0] =	vst.idx.msk $0xffff, v37;
	v39 =	vld.idx.msk [tilespmem:v53+s13+$0x0], $0xffff  }
0x5d3: {  	v2 =	vor.u32 v11, v12;
	[tilespmem:v29+s20+$0x0] =	vst.idx.msk $0xffff, v3;
	v29 =	vor.u32 v4, v31;
	v4 =	vld [tilespmem:$0x1F570]  }
0x5d4: {  	v27 =	vld.idx.msk [tilespmem:v27+s13+$0x0], $0xffff  }
0x5d5: {  	v37 =	vor.u32 v44, v49;
	v0 =	vld.idx.msk [tilespmem:v0+s13+$0x0], $0xffff  }
0x5d6: {  	v5 =	vor.u32 v44, v48;
	v53 =	vor.u32 v1, v8;
	v1 =	vld [tilespmem:$0x1FB30]  }
0x5d7: {  	v57 =	vor.u32 v44, v52;
	v6 =	vld.idx.msk [tilespmem:v6+s13+$0x0], $0xffff  }
0x5d8: {  	[tilespmem:v2+s20+$0x0] =	vst.idx.msk $0xffff, v39;
	v11 =	vor.u32 v4, v14;
	v4 =	vld [tilespmem:$0x1F580]  }
0x5d9: {  	v39 =	vld [tilespmem:$0x1FF60];
	[tilespmem:v51+s20+$0x0] =	vst.idx.msk $0xffff, v33  }
0x5da: {  	v37 =	vld.idx.msk [tilespmem:v37+s13+$0x0], $0xffff  }
0x5db: {  	v5 =	vld.idx.msk [tilespmem:v5+s13+$0x0], $0xffff;
	v58 =	vor.u32 v1, v45  }
0x5dc: {  	[tilespmem:v53+s20+$0x0] =	vst.idx.msk $0xffff, v0;
	v53 =	vld.idx.msk [tilespmem:v57+s13+$0x0], $0xffff  }
0x5dd: {  	v57 =	vor.u32 v4, v8;
	v4 =	vld [tilespmem:$0x1F590]  }
0x5de: {  	v33 =	vld [tilespmem:$0x1FF10];
	v3 =	vor.u32 v1, v46  }
0x5df: {  	v26 =	vor.u32 v16, v28;
	v51 =	vor.u32 v1, v47;
	[tilespmem:v11+s20+$0x0] =	vst.idx.msk $0xffff, v37;
	v37 =	vld [tilespmem:$0x1FF30]  }
0x5e0: {  	[tilespmem:v50+s20+$0x0] =	vst.idx.msk $0xffff, v27;
	v2 =	vor.u32 v1, v48;
	v27 =	vld.idx.msk [tilespmem:v58+s13+$0x0], $0xffff  }
0x5e1: {  	v0 =	vor.u32 v1, v49;
	v58 =	vor.u32 v1, v52;
	v1 =	vld [tilespmem:$0x1FB60]  }
0x5e2: {  	v25 =	vor.u32 v4, v31;
	v4 =	vld [tilespmem:$0x1F5A0]  }
0x5e3: {  	v7 =	vor.u32 v7, v12;
	[tilespmem:v29+s20+$0x0] =	vst.idx.msk $0xffff, v6;
	v3 =	vld.idx.msk [tilespmem:v3+s13+$0x0], $0xffff  }
0x5e4: {  	[tilespmem:v26+s20+$0x0] =	vst.idx.msk $0xffff, v5;
	v26 =	vld.idx.msk [tilespmem:v51+s13+$0x0], $0xffff  }
0x5e5: {  	v2 =	vld.idx.msk [tilespmem:v2+s13+$0x0], $0xffff  }
0x5e6: {  	v29 =	vor.u32 v15, v30;
	v0 =	vld.idx.msk [tilespmem:v0+s13+$0x0], $0xffff;
	v6 =	vor.u32 v1, v45  }
0x5e7: {  	v15 =	vor.u32 v4, v14;
	v4 =	vld [tilespmem:$0x1F5B0]  }
0x5e8: {  	v9 =	vor.u32 v10, v12;
	v13 =	vor.u32 v62, v28;
	[tilespmem:v7+s20+$0x0] =	vst.idx.msk $0xffff, v53;
	v51 =	vld [tilespmem:$0x1FFE0]  }
0x5e9: {  	v5 =	vor.u32 v1, v46;
	v11 =	vor.u32 v1, v47;
	v7 =	vor.u32 v1, v48;
	v62 =	vld.idx.msk [tilespmem:v58+s13+$0x0], $0xffff  }
0x5ea: {  	[tilespmem:v57+s20+$0x0] =	vst.idx.msk $0xffff, v27;
	v27 =	vor.u32 v1, v49;
	v10 =	vor.u32 v1, v52;
	v1 =	vld [tilespmem:$0x1FAB0]  }
0x5eb: {  	[tilespmem:v29+s20+$0x0] =	vst.idx.msk $0xffff, v3;
	v3 =	vld.idx.msk [tilespmem:v6+s13+$0x0], $0xffff  }
0x5ec: {  	v6 =	vor.u32 v4, v8;
	v4 =	vld [tilespmem:$0x1F5C0]  }
0x5ed: {  	[tilespmem:v25+s20+$0x0] =	vst.idx.msk $0xffff, v26;
	v26 =	vld [tilespmem:$0x1FFC0]  }
0x5ee: {  	v58 =	vld [tilespmem:$0x1F5F0]  }
0x5ef: {  	v5 =	vld.idx.msk [tilespmem:v5+s13+$0x0], $0xffff  }
0x5f0: {  	[tilespmem:v13+s20+$0x0] =	vst.idx.msk $0xffff, v2;
	v11 =	vld.idx.msk [tilespmem:v11+s13+$0x0], $0xffff  }
0x5f1: {  	v18 =	vor.u32 v56, v14;
	[tilespmem:v15+s20+$0x0] =	vst.idx.msk $0xffff, v0;
	v16 =	vor.u32 v4, v30;
	v4 =	vld [tilespmem:$0x1F5D0]  }
0x5f2: {  	v25 =	vor.u32 v1, v45;
	v2 =	vor.u32 v1, v46;
	[tilespmem:v9+s20+$0x0] =	vst.idx.msk $0xffff, v62;
	v17 =	vld.idx.msk [tilespmem:v27+s13+$0x0], $0xffff  }
0x5f3: {  	v0 =	vor.u32 v1, v47;
	v9 =	vor.u32 v1, v48;
	[tilespmem:v6+s20+$0x0] =	vst.idx.msk $0xffff, v3;
	v6 =	vld.idx.msk [tilespmem:v10+s13+$0x0], $0xffff  }
0x5f4: {  	v3 =	vor.u32 v1, v49;
	v10 =	vor.u32 v19, v12;
	v19 =	vor.u32 v1, v52;
	v1 =	vld [tilespmem:$0x1FBD0]  }
0x5f5: {  	v7 =	vld.idx.msk [tilespmem:v7+s13+$0x0], $0xffff  }
0x5f6: {  	v13 =	vor.u32 v4, v31;
	v4 =	vld [tilespmem:$0x1F5E0]  }
0x5f7: {  	v27 =	vld [tilespmem:$0x1FFA0]  }
0x5f8: {  	[tilespmem:v16+s20+$0x0] =	vst.idx.msk $0xffff, v5;
	v5 =	vld.idx.msk [tilespmem:v25+s13+$0x0], $0xffff;
	v16 =	vor.u32 v24, v8  }
0x5f9: {  	[tilespmem:v18+s20+$0x0] =	vst.idx.msk $0xffff, v17;
	v17 =	vor.u32 v1, v47;
	v47 =	vld [tilespmem:$0x1FF80]  }
0x5fa: {  	[tilespmem:v10+s20+$0x0] =	vst.idx.msk $0xffff, v6;
	v3 =	vld.idx.msk [tilespmem:v3+s13+$0x0], $0xffff;
	v10 =	vor.u32 v34, v14  }
0x5fb: {  	v6 =	vor.u32 v1, v48;
	v48 =	vld [tilespmem:$0x1FF90];
	v15 =	vor.u32 v4, v28  }
0x5fc: {  	v2 =	vld.idx.msk [tilespmem:v2+s13+$0x0], $0xffff;
	[tilespmem:v13+s20+$0x0] =	vst.idx.msk $0xffff, v11;
	v11 =	vor.u32 v1, v45;
	v13 =	vor.u32 v61, v30  }
0x5fd: {  	[tilespmem:v16+s20+$0x0] =	vst.idx.msk $0xffff, v5;
	v16 =	vld.idx.msk [tilespmem:v19+s13+$0x0], $0xffff;
	v19 =	vor.u32 v23, v12  }
0x5fe: {  	v45 =	vld [tilespmem:$0x1FFD0]  }
0x5ff: {  	v5 =	vor.u32 v1, v49;
	[tilespmem:v10+s20+$0x0] =	vst.idx.msk $0xffff, v3;
	v10 =	vor.u32 v63, v14;
	v14 =	vld [tilespmem:$0x1FE90]  }
0x600: {  	v0 =	vld.idx.msk [tilespmem:v0+s13+$0x0], $0xffff;
	[tilespmem:v15+s20+$0x0] =	vst.idx.msk $0xffff, v7  }
0x601: {  	v15 =	vor.u32 v55, v31;
	[tilespmem:v13+s20+$0x0] =	vst.idx.msk $0xffff, v2;
	v2 =	vor.u32 v35, v8;
	v8 =	vld.idx.msk [tilespmem:v11+s13+$0x0], $0xffff  }
0x602: {  	[tilespmem:v19+s20+$0x0] =	vst.idx.msk $0xffff, v16;
	v19 =	vld [tilespmem:$0x1FED0]  }
0x603: {  	v7 =	vor.u32 v1, v46;
	v16 =	vld [tilespmem:$0x1FEB0]  }
0x604: {  	v5 =	vld.idx.msk [tilespmem:v5+s13+$0x0], $0xffff  }
0x605: {  	v9 =	vld.idx.msk [tilespmem:v9+s13+$0x0], $0xffff  }
0x606: {  	v11 =	vor.u32 v1, v52;
	[tilespmem:v15+s20+$0x0] =	vst.idx.msk $0xffff, v0;
	v15 =	vld [tilespmem:$0x1FEA0]  }
0x607: {  	v0 =	vor.u32 v54, v30;
	v30 =	vld [tilespmem:$0x1FEF0]  }
0x608: {  	v7 =	vld.idx.msk [tilespmem:v7+s13+$0x0], $0xffff  }
0x609: {  	v18 =	vor.u32 v22, v28;
	[tilespmem:v2+s20+$0x0] =	vst.idx.msk $0xffff, v8;
	v8 =	vld [tilespmem:$0x1FE30]  }
0x60a: {  	v2 =	vor.u32 v20, v12;
	v12 =	vld [tilespmem:$0x1FE70]  }
0x60b: {  	v4 =	vld.idx.msk [tilespmem:v11+s13+$0x0], $0xffff  }
0x60c: {  	v11 =	vld [tilespmem:$0x1FE60]  }
0x60d: {  	[tilespmem:v10+s20+$0x0] =	vst.idx.msk $0xffff, v5;
	v10 =	vld [tilespmem:$0x1FE50]  }
0x60e: {  	[tilespmem:v18+s20+$0x0] =	vst.idx.msk $0xffff, v9;
	v9 =	vor.u32 v59, v31;
	v13 =	vld.idx.msk [tilespmem:v17+s13+$0x0], $0xffff  }
0x60f: {  	v18 =	vld [tilespmem:$0x1FEC0]  }
0x610: {  	p1 =	por p0, p0;
	v3 =	vor.u32 v60, v28;
	v6 =	vld.idx.msk [tilespmem:v6+s13+$0x0], $0xffff  }
.Ltmp6:
0x611: {  	v31 =	vld [tilespmem:$0x1FEE0];
	(pc) =	sbr.rel @p1 .LBB2_9-.Ltmp6, $4  }
0x612: {  	[tilespmem:v0+s20+$0x0] =	vst.idx.msk $0xffff, v7;
	v7 =	vld [tilespmem:$0x1FE20]  }
0x613: {  	[tilespmem:v9+s20+$0x0] =	vst.idx.msk $0xffff, v13;
	v13 =	vld [tilespmem:$0x1FE80]  }
0x614: {  	[tilespmem:v2+s20+$0x0] =	vst.idx.msk $0xffff, v4;
	v9 =	vld [tilespmem:$0x1FE40]  }
0x615: {  	p0 =	por $0x0, $0x0;
	s25 =	simm.s32 $0x8;
	v0 =	vlaneseq.u32;
	[tilespmem:v3+s20+$0x0] =	vst.idx.msk $0xffff, v6;
	v6 =	vld [tilespmem:$0x1FE10]  }
0x616: {  	p0 =	seq.s32 s23, $0x18  }
.Ltmp7:
0x617: {  	_ = 	snop;
	(pc) =	sbr.rel @p0 .LBB2_12-.Ltmp7, $3  }
0x618: {  	_ =	sdelay $0x1  }
0x619: {  	s24 =	sadd.s32 s24, s7  }
0x61a: {  	[hbm4b:s24+s16] =	stream.strided.scatter [tilespmem:s20], [sflag:$0x4], $0x2000, s17, s16, $0x38;
	[tilespmem:$0x9900] =	vst v63  }
.Ltmp8:
0x61b: {  	(pc) =	sbr.rel .LBB2_2-.Ltmp8, $4  }
0x61c: {  	s24 =	sshll.u32 s23, $0x8  }
0x61d: {  	s24 =	sand.u32 $0x3FFFFF00, s24  }
0x61e: {  	s23 =	sadd.s32 $0x1, s23;
	s24 =	sadd.s32 $0x180, s24  }
0x61f: {  	[tilespmem:s13], [sflag:$0x2] =	stream.indirect.gather [hbm4b:s4+s9], $0x40, s24, s9, $0xb8;
	[tilespmem:$0x9900] =	vst v63  }
.LBB2_13:
0x620: {  	_ =	sfence.sel $0x180000  }
0x621: {  	[bflag:$0x0] =	sbarrier.arrive $0xFFFF  }
0x622: {  	p0 =	sne.s32 s2, $0x0;
	_ =	strace $0x90000047  }
0x623: {  	s0 =	sadd.s32 @!p0 $0x100000, s0;
	[bflag:$0x2] =	sbarrier.arrive $0xFFFF  }
0x624: {  	[sflag:s0] =	ssyncadd.tile.s32 @!p0 $0x1;
	_ =	shalt  }
.Lfunc_end2:
_tile_overlayer_lowered:
.L_overlay_start_2:
0x625: {  	(tag) =	ssettag $0x2  }
0x626: {  	s0 =	rddreg [dreg:$0x0];
	s2 =	stileid.u32  }
0x627: {  	s1 =	rddreg [dreg:$0x1];
	p0 =	sne.s32 s2, $0x0  }
0x628: {  	s3 =	rddreg [dreg:$0x2];
	[bflag:$0x3] =	sbarrier.arrive $0xFFFF;
	s2 =	simm.s32 @!p0 $0x1C05  }
0x629: {  	[timem:s3], [sflag:s2] =	dma.local @!p0 [hbm:s0], s1  }
0x62a: {  	s0 =	simm.s32 @!p0 $0x5  }
0x62b: {  	_ =	swait.ge @!p0 [sflag:s0], s1  }
0x62c: {  	s1 =	ssub.s32 @!p0 $0x0, s1;
	[sflag:s0] =	ssyncset.done @!p0 $0x0  }
0x62d: {  	[sflag:s0] =	ssyncadd.s32 @!p0 s1  }
0x62e: {  	[bflag:$0x3] =	sbarrier.arrive $0xFFFF  }
0x62f: {  	_ =	shalt  }

</sc_bundles>
